<compile_context>
chip_gen: v7x
topology: tpu7x:2x2x1
jax: 0.10.2.dev20260603
libtpu: 0.0.44.dev20260713+nightly
codegen_flags: <defaults>
</compile_context>

<pallas_src>
import functools

import jax
import jax.numpy as jnp
from jax import lax
from jax.experimental import pallas as pl
from jax.experimental.pallas import tpu as pltpu
from jax.experimental.pallas import tpu_sc as plsc

N = 10000
D = 128
NUM_EXPERTS = 64
TOP_K = 8

NW = 32
NPAD = 10240
RPW = NPAD // NW
GROUPS = RPW // 16
LAST_W = N // RPW
TAIL = N - LAST_W * RPW
TSUB = 1
TROWS = RPW // TSUB
TCW = 32


def _scores_block(x_ref, ev_ref, bias_ref, alpha_ref, out_ref):
    alpha = alpha_ref[0, 0]
    s = lax.dot_general(
        ev_ref[...], x_ref[...],
        dimension_numbers=(((1,), (1,)), ((), ())),
        preferred_element_type=jnp.float32,
    )
    s = jax.nn.sigmoid(alpha * (s + bias_ref[...]))
    for t in range(TCW):
        out_ref[t] = s[:, t * RPW:(t + 1) * RPW]


def _tc_scores(x, expert_vector, bias_col, alpha2):
    return pl.pallas_call(
        _scores_block,
        grid=(NW // TCW,),
        in_specs=[
            pl.BlockSpec((TCW * RPW, D), lambda i: (i, 0)),
            pl.BlockSpec((NUM_EXPERTS, D), lambda i: (0, 0)),
            pl.BlockSpec((NUM_EXPERTS, 1), lambda i: (0, 0)),
            pl.BlockSpec((1, 1), lambda i: (0, 0)),
        ],
        out_specs=pl.BlockSpec((TCW, NUM_EXPERTS, RPW), lambda i: (i, 0, 0)),
        out_shape=jax.ShapeDtypeStruct((NW, NUM_EXPERTS, RPW), jnp.float32),
    )(x, expert_vector, bias_col, alpha2)


def _sc_body(scores_hbm, out_w_hbm, out_i_hbm, s_v, w_v, i_v, sem):
    wid = lax.axis_index("s") * 2 + lax.axis_index("c")
    copies = [
        pltpu.async_copy(scores_hbm.at[wid * TSUB + t], s_v.at[t], sem)
        for t in range(TSUB)
    ]

    zeros16 = jnp.zeros((16,), jnp.float32)

    def zero_body(i, c):
        for rr in range(4):
            for u in range(NUM_EXPERTS // 16):
                w_v[i * 4 + rr, pl.ds(u * 16, 16)] = zeros16
        return c

    lax.fori_loop(0, RPW // 4, zero_body, 0)
    for cp in copies:
        cp.wait()

    riota = lax.iota(jnp.int32, 16)

    def group_body(g, c):
        t = g // (GROUPS // TSUB)
        base = (g % (GROUPS // TSUB)) * 16
        vals = [jnp.full((16,), -1.0, jnp.float32) for _ in range(TOP_K)]
        idxs = [jnp.zeros((16,), jnp.int32) for _ in range(TOP_K)]
        for e in range(NUM_EXPERTS):
            v = s_v[t, e, pl.ds(base, 16)]
            i = jnp.full((16,), e, jnp.int32)
            for j in range(TOP_K):
                m = v > vals[j]
                nv = jnp.where(m, v, vals[j])
                ni = jnp.where(m, i, idxs[j])
                if j + 1 < TOP_K:
                    v = jnp.where(m, vals[j], v)
                    i = jnp.where(m, idxs[j], i)
                vals[j] = nv
                idxs[j] = ni
        total = vals[0]
        for j in range(1, TOP_K):
            total = total + vals[j]
        inv = 1.0 / (total + 1e-6)
        lrow = riota + g * 16
        for j in range(TOP_K):
            plsc.store_scatter(w_v, [lrow, idxs[j]], vals[j] * inv)
            plsc.store_scatter(i_v, [lrow, jnp.full((16,), j, jnp.int32)],
                               idxs[j])
        return c

    lax.fori_loop(0, GROUPS, group_body, 0)

    @pl.when(wid < LAST_W)
    def _full():
        pltpu.sync_copy(w_v, out_w_hbm.at[pl.ds(wid * RPW, RPW)])
        pltpu.sync_copy(i_v, out_i_hbm.at[pl.ds(wid * RPW, RPW)])

    @pl.when(wid == LAST_W)
    def _tail():
        pltpu.sync_copy(w_v.at[pl.ds(0, TAIL)],
                        out_w_hbm.at[pl.ds(LAST_W * RPW, TAIL)])
        pltpu.sync_copy(i_v.at[pl.ds(0, TAIL)],
                        out_i_hbm.at[pl.ds(LAST_W * RPW, TAIL)])


_sc_topk = functools.partial(
    pl.kernel,
    mesh=plsc.VectorSubcoreMesh(core_axis_name="c", subcore_axis_name="s"),
    compiler_params=pltpu.CompilerParams(needs_layout_passes=False),
    out_type=[
        jax.ShapeDtypeStruct((N, NUM_EXPERTS), jnp.float32),
        jax.ShapeDtypeStruct((N, TOP_K), jnp.int32),
    ],
    scratch_types=[
        pltpu.VMEM((TSUB, NUM_EXPERTS, TROWS), jnp.float32),
        pltpu.VMEM((RPW, NUM_EXPERTS), jnp.float32),
        pltpu.VMEM((RPW, TOP_K), jnp.int32),
        pltpu.SemaphoreType.DMA,
    ],
)(_sc_body)


def kernel(x, edge_index, expert_vector, bias, alpha, gcn_W, gcn_b, fc_W, fc_b):
    del edge_index, gcn_W, gcn_b, fc_W, fc_b
    bias_col = bias.reshape(NUM_EXPERTS, 1)
    alpha2 = jnp.asarray(alpha, jnp.float32).reshape(1, 1)
    scores3 = _tc_scores(x, expert_vector, bias_col, alpha2)
    sparse_weights, top_k_indices = _sc_topk(scores3)
    return sparse_weights, top_k_indices

# --- scband reference (transcript-rebuilt; emitter-appended) ---
"""Pipeline reference for scband-sparse-gating-network-32384053412170 (READ-ONLY COPY).

The authoritative reference and input builder live on the scoring server;
editing this copy changes nothing except your own understanding.
"""

import jax, jax.numpy as jnp
import numpy as np

N = 10000
E = 320000
D = 128
H = 64
NUM_EXPERTS = 64
TOP_K = 8
ROUTE_SCALE = 1.0


def setup_inputs(seed: int = 0) -> dict:
    key = jax.random.key(seed)
    ks = jax.random.split(key, 8)
    x = jax.random.normal(ks[0], (N, D), dtype=jnp.float32)
    edge_index = jax.random.randint(ks[1], (2, E), 0, N, dtype=jnp.int32)
    # expert_vector: kaiming_uniform_ (linear) over (num_experts, input_dim)
    bound = float(np.sqrt(3.0) * (1.0 / np.sqrt(D)))
    expert_vector = jax.random.uniform(ks[2], (NUM_EXPERTS, D), minval=-bound, maxval=bound, dtype=jnp.float32)
    bias = jnp.zeros((NUM_EXPERTS,), dtype=jnp.float32)
    alpha = jnp.float32(0.5)
    # GCNConv(in=D, out=H): weight [D, H], bias [H]
    gb = float(np.sqrt(6.0 / (D + H)))
    gcn_W = jax.random.uniform(ks[3], (D, H), minval=-gb, maxval=gb, dtype=jnp.float32)
    gcn_b = jnp.zeros((H,), dtype=jnp.float32)
    # nn.Linear(H, D): weight [D, H], bias [D]
    lb = float(1.0 / np.sqrt(H))
    fc_W = jax.random.uniform(ks[4], (D, H), minval=-lb, maxval=lb, dtype=jnp.float32)
    fc_b = jax.random.uniform(ks[5], (D,), minval=-lb, maxval=lb, dtype=jnp.float32)
    return {"x": x, "edge_index": edge_index, "expert_vector": expert_vector, "bias": bias,
            "alpha": alpha, "gcn_W": gcn_W, "gcn_b": gcn_b, "fc_W": fc_W, "fc_b": fc_b}


def _gcn_conv(x, edge_index, W, b):
    # torch_geometric GCNConv with add_self_loops=True, normalize=True
    loops = jnp.arange(N, dtype=edge_index.dtype)
    src = jnp.concatenate([edge_index[0], loops])
    dst = jnp.concatenate([edge_index[1], loops])
    xw = x @ W
    deg = jnp.zeros((N,), dtype=x.dtype).at[dst].add(1.0)
    dinv = jnp.where(deg > 0, jax.lax.rsqrt(deg), 0.0)
    norm = dinv[src] * dinv[dst]
    msg = xw[src] * norm[:, None]
    out = jnp.zeros((N, W.shape[1]), dtype=x.dtype).at[dst].add(msg)
    return out + b


def reference(x, edge_index, expert_vector, bias, alpha, gcn_W, gcn_b, fc_W, fc_b):
    semantic_scores = x @ expert_vector.T + bias
    # use_gnn branch (computed in original forward, result later overwritten since ppr_values is None)
    structure_features = _gcn_conv(x, edge_index, gcn_W, gcn_b)
    structure_features = structure_features @ fc_W.T + fc_b
    _structure_scores_gnn = structure_features @ expert_vector.T  # dead value, kept for fidelity
    # ppr_values is None -> structure_scores = zeros
    structure_scores = jnp.zeros_like(semantic_scores)
    final_scores = alpha * semantic_scores + (1.0 - alpha) * structure_scores
    original_scores = jax.nn.sigmoid(final_scores)
    top_k_weights, top_k_indices = jax.lax.top_k(original_scores, TOP_K)
    top_k_weights = top_k_weights / (jnp.sum(top_k_weights, axis=-1, keepdims=True) + 1e-06)
    top_k_weights = top_k_weights * ROUTE_SCALE
    rows = jnp.arange(original_scores.shape[0])[:, None]
    sparse_weights = jnp.zeros_like(original_scores).at[rows, top_k_indices].set(top_k_weights)
    return sparse_weights, top_k_indices

if __name__ == "__main__":
    import jax
    _d = setup_inputs()
    print(jax.jit(kernel)(*tuple(_d.values())))

</pallas_src>

<mosaic_0001>
#map = affine_map<(d0, d1) -> (0, 0, 0)>
#map1 = affine_map<(d0, d1) -> (0, 0)>
module attributes {stable_mosaic.version = 14 : i64} {
  func.func @_sc_body(%arg0: i32, %arg1: i32, %arg2: memref<32x64x320xf32, #tpu.memory_space<hbm>>, %arg3: memref<10000x64xf32, #tpu.memory_space<hbm>>, %arg4: memref<10000x8xi32, #tpu.memory_space<hbm>>, %arg5: memref<1x64x320xf32, #tpu.memory_space<vmem>>, %arg6: memref<320x64xf32, #tpu.memory_space<vmem>>, %arg7: memref<320x8xi32, #tpu.memory_space<vmem>>, %arg8: memref<!tpu.dma_semaphore, #tpu.memory_space<semaphore_mem>>) attributes {dimension_semantics = [#tpu.dimension_semantics<core_parallel>, #tpu.dimension_semantics<subcore_parallel>], iteration_bounds = array<i64: 2, 16>, scalar_prefetch = 0 : i64, scratch_operands = 4 : i64, tpu.core_type = #tpu.core_type<sc_vector_subcore>, window_params = [{transform_indices = #map}, {transform_indices = #map1}, {transform_indices = #map1}]} {
    %mul3A = arith.constant 2 : i32
    %mul3A_0 = arith.muli %arg1, %mul3A : i32
    %add3A = arith.addi %mul3A_0, %arg0 : i32
    %mul3A_1 = arith.constant 1 : i32
    %mul3A_2 = arith.muli %add3A, %mul3A_1 : i32
    %add3A_3 = arith.constant 0 : i32
    %add3A_4 = arith.addi %mul3A_2, %add3A_3 : i32
    %dma_start3A = arith.constant 0 : i32
    %dma_start3A_5 = arith.constant 0 : i32
    %dma_start3A_6 = arith.constant 0 : i32
    %dma_start3A_7 = tpu.memref_slice %arg5[%dma_start3A, %dma_start3A_5, %dma_start3A_6] : memref<1x64x320xf32, #tpu.memory_space<vmem>> -> memref<1x64x320xf32, #tpu.memory_space<vmem>>
    %dma_start3A_8 = tpu.memref_squeeze %dma_start3A_7 : memref<1x64x320xf32, #tpu.memory_space<vmem>> -> memref<64x320xf32, #tpu.memory_space<vmem>>
    %dma_start3A_9 = arith.constant 0 : i32
    %dma_start3A_10 = arith.constant 0 : i32
    %dma_start3A_11 = tpu.memref_slice %arg2[%add3A_4, %dma_start3A_9, %dma_start3A_10] : memref<32x64x320xf32, #tpu.memory_space<hbm>> -> memref<1x64x320xf32, #tpu.memory_space<hbm>>
    %dma_start3A_12 = tpu.memref_squeeze %dma_start3A_11 : memref<1x64x320xf32, #tpu.memory_space<hbm>> -> memref<64x320xf32, #tpu.memory_space<hbm>>
    %dma_start3A_13 = arith.constant 0 : i32
    %dma_start3A_14 = arith.constant 0 : i32
    %dma_start3A_15 = tpu.memref_slice %arg5[%dma_start3A, %dma_start3A_13, %dma_start3A_14] : memref<1x64x320xf32, #tpu.memory_space<vmem>> -> memref<1x64x320xf32, #tpu.memory_space<vmem>>
    %dma_start3A_16 = tpu.memref_squeeze %dma_start3A_15 : memref<1x64x320xf32, #tpu.memory_space<vmem>> -> memref<64x320xf32, #tpu.memory_space<vmem>>
    %dma_start3A_17 = arith.constant 0 : i32
    %dma_start3A_18 = arith.constant 0 : i32
    %dma_start3A_19 = tpu.memref_slice %arg2[%add3A_4, %dma_start3A_17, %dma_start3A_18] : memref<32x64x320xf32, #tpu.memory_space<hbm>> -> memref<1x64x320xf32, #tpu.memory_space<hbm>>
    %dma_start3A_20 = tpu.memref_squeeze %dma_start3A_19 : memref<1x64x320xf32, #tpu.memory_space<hbm>> -> memref<64x320xf32, #tpu.memory_space<hbm>>
    tpu.enqueue_dma source(%dma_start3A_20 : memref<64x320xf32, #tpu.memory_space<hbm>>) target(%dma_start3A_16 : memref<64x320xf32, #tpu.memory_space<vmem>>) target_semaphore(%arg8 : memref<!tpu.dma_semaphore, #tpu.memory_space<semaphore_mem>>)
    %broadcast_in_dim3A = arith.constant 0.000000e+00 : f32
    %broadcast_in_dim3A_21 = vector.broadcast %broadcast_in_dim3A : f32 to vector<16xf32>
    %scan3A = arith.constant 0 : i32
    %scan3A_22 = arith.constant 0 : i32
    %scan3A_23 = arith.constant 80 : i32
    %scan3A_24 = arith.addi %scan3A_22, %scan3A_23 : i32
    %scan3A_25 = arith.constant 1 : i32
    scf.for %scan3A_55 = %scan3A_22 to %scan3A_24 step %scan3A_25  : i32 {
      %mul3A_56 = arith.constant 4 : i32
      %mul3A_57 = arith.muli %scan3A_55, %mul3A_56 : i32
      %add3A_58 = arith.constant 0 : i32
      %add3A_59 = arith.addi %mul3A_57, %add3A_58 : i32
      %swap3A = arith.index_cast %add3A_59 : i32 to index
      %swap3A_60 = arith.constant 0 : index
      %swap3A_61 = tpu.vector_load %arg6[%swap3A, %swap3A_60] {strides = array<i32>} : memref<320x64xf32, #tpu.memory_space<vmem>>, vector<16xf32>,
      tpu.vector_store %arg6[%swap3A, %swap3A_60], %broadcast_in_dim3A_21 {strides = array<i32>} : memref<320x64xf32, #tpu.memory_space<vmem>>, vector<16xf32>,
      %mul3A_62 = arith.constant 4 : i32
      %mul3A_63 = arith.muli %scan3A_55, %mul3A_62 : i32
      %add3A_64 = arith.constant 0 : i32
      %add3A_65 = arith.addi %mul3A_63, %add3A_64 : i32
      %swap3A_66 = arith.index_cast %add3A_65 : i32 to index
      %swap3A_67 = arith.constant 16 : index
      %swap3A_68 = tpu.vector_load %arg6[%swap3A_66, %swap3A_67] {strides = array<i32>} : memref<320x64xf32, #tpu.memory_space<vmem>>, vector<16xf32>,
      tpu.vector_store %arg6[%swap3A_66, %swap3A_67], %broadcast_in_dim3A_21 {strides = array<i32>} : memref<320x64xf32, #tpu.memory_space<vmem>>, vector<16xf32>,
      %mul3A_69 = arith.constant 4 : i32
      %mul3A_70 = arith.muli %scan3A_55, %mul3A_69 : i32
      %add3A_71 = arith.constant 0 : i32
      %add3A_72 = arith.addi %mul3A_70, %add3A_71 : i32
      %swap3A_73 = arith.index_cast %add3A_72 : i32 to index
      %swap3A_74 = arith.constant 32 : index
      %swap3A_75 = tpu.vector_load %arg6[%swap3A_73, %swap3A_74] {strides = array<i32>} : memref<320x64xf32, #tpu.memory_space<vmem>>, vector<16xf32>,
      tpu.vector_store %arg6[%swap3A_73, %swap3A_74], %broadcast_in_dim3A_21 {strides = array<i32>} : memref<320x64xf32, #tpu.memory_space<vmem>>, vector<16xf32>,
      %mul3A_76 = arith.constant 4 : i32
      %mul3A_77 = arith.muli %scan3A_55, %mul3A_76 : i32
      %add3A_78 = arith.constant 0 : i32
      %add3A_79 = arith.addi %mul3A_77, %add3A_78 : i32
      %swap3A_80 = arith.index_cast %add3A_79 : i32 to index
      %swap3A_81 = arith.constant 48 : index
      %swap3A_82 = tpu.vector_load %arg6[%swap3A_80, %swap3A_81] {strides = array<i32>} : memref<320x64xf32, #tpu.memory_space<vmem>>, vector<16xf32>,
      tpu.vector_store %arg6[%swap3A_80, %swap3A_81], %broadcast_in_dim3A_21 {strides = array<i32>} : memref<320x64xf32, #tpu.memory_space<vmem>>, vector<16xf32>,
      %mul3A_83 = arith.constant 4 : i32
      %mul3A_84 = arith.muli %scan3A_55, %mul3A_83 : i32
      %add3A_85 = arith.constant 1 : i32
      %add3A_86 = arith.addi %mul3A_84, %add3A_85 : i32
      %swap3A_87 = arith.index_cast %add3A_86 : i32 to index
      %swap3A_88 = arith.constant 0 : index
      %swap3A_89 = tpu.vector_load %arg6[%swap3A_87, %swap3A_88] {strides = array<i32>} : memref<320x64xf32, #tpu.memory_space<vmem>>, vector<16xf32>,
      tpu.vector_store %arg6[%swap3A_87, %swap3A_88], %broadcast_in_dim3A_21 {strides = array<i32>} : memref<320x64xf32, #tpu.memory_space<vmem>>, vector<16xf32>,
      %mul3A_90 = arith.constant 4 : i32
      %mul3A_91 = arith.muli %scan3A_55, %mul3A_90 : i32
      %add3A_92 = arith.constant 1 : i32
      %add3A_93 = arith.addi %mul3A_91, %add3A_92 : i32
      %swap3A_94 = arith.index_cast %add3A_93 : i32 to index
      %swap3A_95 = arith.constant 16 : index
      %swap3A_96 = tpu.vector_load %arg6[%swap3A_94, %swap3A_95] {strides = array<i32>} : memref<320x64xf32, #tpu.memory_space<vmem>>, vector<16xf32>,
      tpu.vector_store %arg6[%swap3A_94, %swap3A_95], %broadcast_in_dim3A_21 {strides = array<i32>} : memref<320x64xf32, #tpu.memory_space<vmem>>, vector<16xf32>,
      %mul3A_97 = arith.constant 4 : i32
      %mul3A_98 = arith.muli %scan3A_55, %mul3A_97 : i32
      %add3A_99 = arith.constant 1 : i32
      %add3A_100 = arith.addi %mul3A_98, %add3A_99 : i32
      %swap3A_101 = arith.index_cast %add3A_100 : i32 to index
      %swap3A_102 = arith.constant 32 : index
      %swap3A_103 = tpu.vector_load %arg6[%swap3A_101, %swap3A_102] {strides = array<i32>} : memref<320x64xf32, #tpu.memory_space<vmem>>, vector<16xf32>,
      tpu.vector_store %arg6[%swap3A_101, %swap3A_102], %broadcast_in_dim3A_21 {strides = array<i32>} : memref<320x64xf32, #tpu.memory_space<vmem>>, vector<16xf32>,
      %mul3A_104 = arith.constant 4 : i32
      %mul3A_105 = arith.muli %scan3A_55, %mul3A_104 : i32
      %add3A_106 = arith.constant 1 : i32
      %add3A_107 = arith.addi %mul3A_105, %add3A_106 : i32
      %swap3A_108 = arith.index_cast %add3A_107 : i32 to index
      %swap3A_109 = arith.constant 48 : index
      %swap3A_110 = tpu.vector_load %arg6[%swap3A_108, %swap3A_109] {strides = array<i32>} : memref<320x64xf32, #tpu.memory_space<vmem>>, vector<16xf32>,
      tpu.vector_store %arg6[%swap3A_108, %swap3A_109], %broadcast_in_dim3A_21 {strides = array<i32>} : memref<320x64xf32, #tpu.memory_space<vmem>>, vector<16xf32>,
      %mul3A_111 = arith.constant 4 : i32
      %mul3A_112 = arith.muli %scan3A_55, %mul3A_111 : i32
      %add3A_113 = arith.constant 2 : i32
      %add3A_114 = arith.addi %mul3A_112, %add3A_113 : i32
      %swap3A_115 = arith.index_cast %add3A_114 : i32 to index
      %swap3A_116 = arith.constant 0 : index
      %swap3A_117 = tpu.vector_load %arg6[%swap3A_115, %swap3A_116] {strides = array<i32>} : memref<320x64xf32, #tpu.memory_space<vmem>>, vector<16xf32>,
      tpu.vector_store %arg6[%swap3A_115, %swap3A_116], %broadcast_in_dim3A_21 {strides = array<i32>} : memref<320x64xf32, #tpu.memory_space<vmem>>, vector<16xf32>,
      %mul3A_118 = arith.constant 4 : i32
      %mul3A_119 = arith.muli %scan3A_55, %mul3A_118 : i32
      %add3A_120 = arith.constant 2 : i32
      %add3A_121 = arith.addi %mul3A_119, %add3A_120 : i32
      %swap3A_122 = arith.index_cast %add3A_121 : i32 to index
      %swap3A_123 = arith.constant 16 : index
      %swap3A_124 = tpu.vector_load %arg6[%swap3A_122, %swap3A_123] {strides = array<i32>} : memref<320x64xf32, #tpu.memory_space<vmem>>, vector<16xf32>,
      tpu.vector_store %arg6[%swap3A_122, %swap3A_123], %broadcast_in_dim3A_21 {strides = array<i32>} : memref<320x64xf32, #tpu.memory_space<vmem>>, vector<16xf32>,
      %mul3A_125 = arith.constant 4 : i32
      %mul3A_126 = arith.muli %scan3A_55, %mul3A_125 : i32
      %add3A_127 = arith.constant 2 : i32
      %add3A_128 = arith.addi %mul3A_126, %add3A_127 : i32
      %swap3A_129 = arith.index_cast %add3A_128 : i32 to index
      %swap3A_130 = arith.constant 32 : index
      %swap3A_131 = tpu.vector_load %arg6[%swap3A_129, %swap3A_130] {strides = array<i32>} : memref<320x64xf32, #tpu.memory_space<vmem>>, vector<16xf32>,
      tpu.vector_store %arg6[%swap3A_129, %swap3A_130], %broadcast_in_dim3A_21 {strides = array<i32>} : memref<320x64xf32, #tpu.memory_space<vmem>>, vector<16xf32>,
      %mul3A_132 = arith.constant 4 : i32
      %mul3A_133 = arith.muli %scan3A_55, %mul3A_132 : i32
      %add3A_134 = arith.constant 2 : i32
      %add3A_135 = arith.addi %mul3A_133, %add3A_134 : i32
      %swap3A_136 = arith.index_cast %add3A_135 : i32 to index
      %swap3A_137 = arith.constant 48 : index
      %swap3A_138 = tpu.vector_load %arg6[%swap3A_136, %swap3A_137] {strides = array<i32>} : memref<320x64xf32, #tpu.memory_space<vmem>>, vector<16xf32>,
      tpu.vector_store %arg6[%swap3A_136, %swap3A_137], %broadcast_in_dim3A_21 {strides = array<i32>} : memref<320x64xf32, #tpu.memory_space<vmem>>, vector<16xf32>,
      %mul3A_139 = arith.constant 4 : i32
      %mul3A_140 = arith.muli %scan3A_55, %mul3A_139 : i32
      %add3A_141 = arith.constant 3 : i32
      %add3A_142 = arith.addi %mul3A_140, %add3A_141 : i32
      %swap3A_143 = arith.index_cast %add3A_142 : i32 to index
      %swap3A_144 = arith.constant 0 : index
      %swap3A_145 = tpu.vector_load %arg6[%swap3A_143, %swap3A_144] {strides = array<i32>} : memref<320x64xf32, #tpu.memory_space<vmem>>, vector<16xf32>,
      tpu.vector_store %arg6[%swap3A_143, %swap3A_144], %broadcast_in_dim3A_21 {strides = array<i32>} : memref<320x64xf32, #tpu.memory_space<vmem>>, vector<16xf32>,
      %mul3A_146 = arith.constant 4 : i32
      %mul3A_147 = arith.muli %scan3A_55, %mul3A_146 : i32
      %add3A_148 = arith.constant 3 : i32
      %add3A_149 = arith.addi %mul3A_147, %add3A_148 : i32
      %swap3A_150 = arith.index_cast %add3A_149 : i32 to index
      %swap3A_151 = arith.constant 16 : index
      %swap3A_152 = tpu.vector_load %arg6[%swap3A_150, %swap3A_151] {strides = array<i32>} : memref<320x64xf32, #tpu.memory_space<vmem>>, vector<16xf32>,
      tpu.vector_store %arg6[%swap3A_150, %swap3A_151], %broadcast_in_dim3A_21 {strides = array<i32>} : memref<320x64xf32, #tpu.memory_space<vmem>>, vector<16xf32>,
      %mul3A_153 = arith.constant 4 : i32
      %mul3A_154 = arith.muli %scan3A_55, %mul3A_153 : i32
      %add3A_155 = arith.constant 3 : i32
      %add3A_156 = arith.addi %mul3A_154, %add3A_155 : i32
      %swap3A_157 = arith.index_cast %add3A_156 : i32 to index
      %swap3A_158 = arith.constant 32 : index
      %swap3A_159 = tpu.vector_load %arg6[%swap3A_157, %swap3A_158] {strides = array<i32>} : memref<320x64xf32, #tpu.memory_space<vmem>>, vector<16xf32>,
      tpu.vector_store %arg6[%swap3A_157, %swap3A_158], %broadcast_in_dim3A_21 {strides = array<i32>} : memref<320x64xf32, #tpu.memory_space<vmem>>, vector<16xf32>,
      %mul3A_160 = arith.constant 4 : i32
      %mul3A_161 = arith.muli %scan3A_55, %mul3A_160 : i32
      %add3A_162 = arith.constant 3 : i32
      %add3A_163 = arith.addi %mul3A_161, %add3A_162 : i32
      %swap3A_164 = arith.index_cast %add3A_163 : i32 to index
      %swap3A_165 = arith.constant 48 : index
      %swap3A_166 = tpu.vector_load %arg6[%swap3A_164, %swap3A_165] {strides = array<i32>} : memref<320x64xf32, #tpu.memory_space<vmem>>, vector<16xf32>,
      tpu.vector_store %arg6[%swap3A_164, %swap3A_165], %broadcast_in_dim3A_21 {strides = array<i32>} : memref<320x64xf32, #tpu.memory_space<vmem>>, vector<16xf32>,
    }
    %scan3A_26 = arith.constant 80 : i32
    %dma_wait3A = arith.constant 0 : i32
    %dma_wait3A_27 = arith.constant 0 : i32
    %dma_wait3A_28 = arith.constant 0 : i32
    %dma_wait3A_29 = tpu.memref_slice %arg5[%dma_wait3A, %dma_wait3A_27, %dma_wait3A_28] : memref<1x64x320xf32, #tpu.memory_space<vmem>> -> memref<1x64x320xf32, #tpu.memory_space<vmem>>
    %dma_wait3A_30 = tpu.memref_squeeze %dma_wait3A_29 : memref<1x64x320xf32, #tpu.memory_space<vmem>> -> memref<64x320xf32, #tpu.memory_space<vmem>>
    %dma_wait3A_31 = arith.constant 0 : i32
    %dma_wait3A_32 = arith.constant 0 : i32
    %dma_wait3A_33 = tpu.memref_slice %arg2[%add3A_4, %dma_wait3A_31, %dma_wait3A_32] : memref<32x64x320xf32, #tpu.memory_space<hbm>> -> memref<1x64x320xf32, #tpu.memory_space<hbm>>
    %dma_wait3A_34 = tpu.memref_squeeze %dma_wait3A_33 : memref<1x64x320xf32, #tpu.memory_space<hbm>> -> memref<64x320xf32, #tpu.memory_space<hbm>>
    %dma_wait3A_35 = arith.constant 0 : i32
    %dma_wait3A_36 = arith.constant 0 : i32
    %dma_wait3A_37 = tpu.memref_slice %arg5[%dma_wait3A, %dma_wait3A_35, %dma_wait3A_36] : memref<1x64x320xf32, #tpu.memory_space<vmem>> -> memref<1x64x320xf32, #tpu.memory_space<vmem>>
    %dma_wait3A_38 = tpu.memref_squeeze %dma_wait3A_37 : memref<1x64x320xf32, #tpu.memory_space<vmem>> -> memref<64x320xf32, #tpu.memory_space<vmem>>
    %dma_wait3A_39 = arith.constant 0 : i32
    %dma_wait3A_40 = arith.constant 0 : i32
    %dma_wait3A_41 = tpu.memref_slice %arg2[%add3A_4, %dma_wait3A_39, %dma_wait3A_40] : memref<32x64x320xf32, #tpu.memory_space<hbm>> -> memref<1x64x320xf32, #tpu.memory_space<hbm>>
    %dma_wait3A_42 = tpu.memref_squeeze %dma_wait3A_41 : memref<1x64x320xf32, #tpu.memory_space<hbm>> -> memref<64x320xf32, #tpu.memory_space<hbm>>
    tpu.wait_dma2 semaphore(%arg8 : memref<!tpu.dma_semaphore, #tpu.memory_space<semaphore_mem>>) src(%dma_wait3A_42 : memref<64x320xf32, #tpu.memory_space<hbm>>) dst(%dma_wait3A_38 : memref<64x320xf32, #tpu.memory_space<vmem>>)
    %iota3A = tpu.iota {dimensions = array<i32: 0>} : vector<16xi32>
    %scan3A_43 = arith.constant 0 : i32
    %scan3A_44 = arith.constant 0 : i32
    %scan3A_45 = arith.constant 20 : i32
    %scan3A_46 = arith.addi %scan3A_44, %scan3A_45 : i32
    %scan3A_47 = arith.constant 1 : i32
    scf.for %scan3A_55 = %scan3A_44 to %scan3A_46 step %scan3A_47  : i32 {
      %jit3A = arith.constant 20 : i32
      %div3A = arith.divsi %scan3A_55, %jit3A : i32
      %sign3A = arith.constant 0 : i32
      %sign3A_56 = arith.cmpi sgt, %scan3A_55, %sign3A : i32
      %sign3A_57 = arith.extui %sign3A_56 : i1 to i32
      %sign3A_58 = arith.constant 0 : i32
      %sign3A_59 = arith.cmpi slt, %scan3A_55, %sign3A_58 : i32
      %sign3A_60 = arith.extui %sign3A_59 : i1 to i32
      %sign3A_61 = arith.subi %sign3A_57, %sign3A_60 : i32
      %sign3A_62 = arith.constant 0 : i32
      %sign3A_63 = arith.cmpi sgt, %jit3A, %sign3A_62 : i32
      %sign3A_64 = arith.extui %sign3A_63 : i1 to i32
      %sign3A_65 = arith.constant 0 : i32
      %sign3A_66 = arith.cmpi slt, %jit3A, %sign3A_65 : i32
      %sign3A_67 = arith.extui %sign3A_66 : i1 to i32
      %sign3A_68 = arith.subi %sign3A_64, %sign3A_67 : i32
      %ne3A = arith.cmpi ne, %sign3A_61, %sign3A_68 : i32
      %rem3A = arith.remsi %scan3A_55, %jit3A : i32
      %ne3A_69 = arith.constant 0 : i32
      %ne3A_70 = arith.cmpi ne, %rem3A, %ne3A_69 : i32
      %and3A = arith.andi %ne3A, %ne3A_70 : i1
      %sub3A = arith.constant 1 : i32
      %sub3A_71 = arith.subi %div3A, %sub3A : i32
      %select_n3A = arith.select %and3A, %sub3A_71, %div3A : i32
      %jit3A_72 = arith.constant 20 : i32
      %eq3A_73 = arith.constant 0 : i32
      %eq3A_74 = arith.cmpi eq, %jit3A_72, %eq3A_73 : i32
      %jit3A_75 = arith.constant 1 : i32
      %select_n3A_76 = arith.select %eq3A_74, %jit3A_75, %jit3A_72 : i32
      %rem3A_77 = arith.remsi %scan3A_55, %select_n3A_76 : i32
      %ne3A_78 = arith.constant 0 : i32
      %ne3A_79 = arith.cmpi ne, %rem3A_77, %ne3A_78 : i32
      %lt3A_80 = arith.constant 0 : i32
      %lt3A_81 = arith.cmpi slt, %rem3A_77, %lt3A_80 : i32
      %lt3A_82 = arith.constant 0 : i32
      %lt3A_83 = arith.cmpi slt, %select_n3A_76, %lt3A_82 : i32
      %ne3A_84 = arith.xori %lt3A_81, %lt3A_83 : i1
      %and3A_85 = arith.andi %ne3A_84, %ne3A_79 : i1
      %add3A_86 = arith.addi %rem3A_77, %select_n3A_76 : i32
      %select_n3A_87 = arith.select %and3A_85, %add3A_86, %rem3A_77 : i32
      %mul3A_88 = arith.constant 16 : i32
      %mul3A_89 = arith.muli %select_n3A_87, %mul3A_88 : i32
      %broadcast_in_dim3A_90 = arith.constant -1.000000e+00 : f32
      %broadcast_in_dim3A_91 = vector.broadcast %broadcast_in_dim3A_90 : f32 to vector<16xf32>
      %broadcast_in_dim3A_92 = arith.constant -1.000000e+00 : f32
      %broadcast_in_dim3A_93 = vector.broadcast %broadcast_in_dim3A_92 : f32 to vector<16xf32>
      %broadcast_in_dim3A_94 = arith.constant -1.000000e+00 : f32
      %broadcast_in_dim3A_95 = vector.broadcast %broadcast_in_dim3A_94 : f32 to vector<16xf32>
      %broadcast_in_dim3A_96 = arith.constant -1.000000e+00 : f32
      %broadcast_in_dim3A_97 = vector.broadcast %broadcast_in_dim3A_96 : f32 to vector<16xf32>
      %broadcast_in_dim3A_98 = arith.constant -1.000000e+00 : f32
      %broadcast_in_dim3A_99 = vector.broadcast %broadcast_in_dim3A_98 : f32 to vector<16xf32>
      %broadcast_in_dim3A_100 = arith.constant -1.000000e+00 : f32
      %broadcast_in_dim3A_101 = vector.broadcast %broadcast_in_dim3A_100 : f32 to vector<16xf32>
      %broadcast_in_dim3A_102 = arith.constant -1.000000e+00 : f32
      %broadcast_in_dim3A_103 = vector.broadcast %broadcast_in_dim3A_102 : f32 to vector<16xf32>
      %broadcast_in_dim3A_104 = arith.constant -1.000000e+00 : f32
      %broadcast_in_dim3A_105 = vector.broadcast %broadcast_in_dim3A_104 : f32 to vector<16xf32>
      %broadcast_in_dim3A_106 = arith.constant 0 : i32
      %broadcast_in_dim3A_107 = vector.broadcast %broadcast_in_dim3A_106 : i32 to vector<16xi32>
      %broadcast_in_dim3A_108 = arith.constant 0 : i32
      %broadcast_in_dim3A_109 = vector.broadcast %broadcast_in_dim3A_108 : i32 to vector<16xi32>
      %broadcast_in_dim3A_110 = arith.constant 0 : i32
      %broadcast_in_dim3A_111 = vector.broadcast %broadcast_in_dim3A_110 : i32 to vector<16xi32>
      %broadcast_in_dim3A_112 = arith.constant 0 : i32
      %broadcast_in_dim3A_113 = vector.broadcast %broadcast_in_dim3A_112 : i32 to vector<16xi32>
      %broadcast_in_dim3A_114 = arith.constant 0 : i32
      %broadcast_in_dim3A_115 = vector.broadcast %broadcast_in_dim3A_114 : i32 to vector<16xi32>
      %broadcast_in_dim3A_116 = arith.constant 0 : i32
      %broadcast_in_dim3A_117 = vector.broadcast %broadcast_in_dim3A_116 : i32 to vector<16xi32>
      %broadcast_in_dim3A_118 = arith.constant 0 : i32
      %broadcast_in_dim3A_119 = vector.broadcast %broadcast_in_dim3A_118 : i32 to vector<16xi32>
      %broadcast_in_dim3A_120 = arith.constant 0 : i32
      %broadcast_in_dim3A_121 = vector.broadcast %broadcast_in_dim3A_120 : i32 to vector<16xi32>
      %get3A = arith.constant 0 : i32
      %get3A_122 = arith.index_cast %select_n3A : i32 to index
      %get3A_123 = arith.index_cast %get3A : i32 to index
      %get3A_124 = arith.index_cast %mul3A_89 : i32 to index
      %get3A_125 = tpu.vector_load %arg5[%get3A_122, %get3A_123, %get3A_124] {strides = array<i32>} : memref<1x64x320xf32, #tpu.memory_space<vmem>>, vector<16xf32>,
      %broadcast_in_dim3A_126 = arith.constant 0 : i32
      %broadcast_in_dim3A_127 = vector.broadcast %broadcast_in_dim3A_126 : i32 to vector<16xi32>
      %gt3A = arith.cmpf ogt, %get3A_125, %broadcast_in_dim3A_91 : vector<16xf32>
      %select_n3A_128 = arith.select %gt3A, %get3A_125, %broadcast_in_dim3A_91 : vector<16xi1>, vector<16xf32>
      %select_n3A_129 = arith.select %gt3A, %broadcast_in_dim3A_127, %broadcast_in_dim3A_107 : vector<16xi1>, vector<16xi32>
      %select_n3A_130 = arith.select %gt3A, %broadcast_in_dim3A_91, %get3A_125 : vector<16xi1>, vector<16xf32>
      %select_n3A_131 = arith.select %gt3A, %broadcast_in_dim3A_107, %broadcast_in_dim3A_127 : vector<16xi1>, vector<16xi32>
      %gt3A_132 = arith.cmpf ogt, %select_n3A_130, %broadcast_in_dim3A_93 : vector<16xf32>
      %select_n3A_133 = arith.select %gt3A_132, %select_n3A_130, %broadcast_in_dim3A_93 : vector<16xi1>, vector<16xf32>
      %select_n3A_134 = arith.select %gt3A_132, %select_n3A_131, %broadcast_in_dim3A_109 : vector<16xi1>, vector<16xi32>
      %select_n3A_135 = arith.select %gt3A_132, %broadcast_in_dim3A_93, %select_n3A_130 : vector<16xi1>, vector<16xf32>
      %select_n3A_136 = arith.select %gt3A_132, %broadcast_in_dim3A_109, %select_n3A_131 : vector<16xi1>, vector<16xi32>
      %gt3A_137 = arith.cmpf ogt, %select_n3A_135, %broadcast_in_dim3A_95 : vector<16xf32>
      %select_n3A_138 = arith.select %gt3A_137, %select_n3A_135, %broadcast_in_dim3A_95 : vector<16xi1>, vector<16xf32>
      %select_n3A_139 = arith.select %gt3A_137, %select_n3A_136, %broadcast_in_dim3A_111 : vector<16xi1>, vector<16xi32>
      %select_n3A_140 = arith.select %gt3A_137, %broadcast_in_dim3A_95, %select_n3A_135 : vector<16xi1>, vector<16xf32>
      %select_n3A_141 = arith.select %gt3A_137, %broadcast_in_dim3A_111, %select_n3A_136 : vector<16xi1>, vector<16xi32>
      %gt3A_142 = arith.cmpf ogt, %select_n3A_140, %broadcast_in_dim3A_97 : vector<16xf32>
      %select_n3A_143 = arith.select %gt3A_142, %select_n3A_140, %broadcast_in_dim3A_97 : vector<16xi1>, vector<16xf32>
      %select_n3A_144 = arith.select %gt3A_142, %select_n3A_141, %broadcast_in_dim3A_113 : vector<16xi1>, vector<16xi32>
      %select_n3A_145 = arith.select %gt3A_142, %broadcast_in_dim3A_97, %select_n3A_140 : vector<16xi1>, vector<16xf32>
      %select_n3A_146 = arith.select %gt3A_142, %broadcast_in_dim3A_113, %select_n3A_141 : vector<16xi1>, vector<16xi32>
      %gt3A_147 = arith.cmpf ogt, %select_n3A_145, %broadcast_in_dim3A_99 : vector<16xf32>
      %select_n3A_148 = arith.select %gt3A_147, %select_n3A_145, %broadcast_in_dim3A_99 : vector<16xi1>, vector<16xf32>
      %select_n3A_149 = arith.select %gt3A_147, %select_n3A_146, %broadcast_in_dim3A_115 : vector<16xi1>, vector<16xi32>
      %select_n3A_150 = arith.select %gt3A_147, %broadcast_in_dim3A_99, %select_n3A_145 : vector<16xi1>, vector<16xf32>
      %select_n3A_151 = arith.select %gt3A_147, %broadcast_in_dim3A_115, %select_n3A_146 : vector<16xi1>, vector<16xi32>
      %gt3A_152 = arith.cmpf ogt, %select_n3A_150, %broadcast_in_dim3A_101 : vector<16xf32>
      %select_n3A_153 = arith.select %gt3A_152, %select_n3A_150, %broadcast_in_dim3A_101 : vector<16xi1>, vector<16xf32>
      %select_n3A_154 = arith.select %gt3A_152, %select_n3A_151, %broadcast_in_dim3A_117 : vector<16xi1>, vector<16xi32>
      %select_n3A_155 = arith.select %gt3A_152, %broadcast_in_dim3A_101, %select_n3A_150 : vector<16xi1>, vector<16xf32>
      %select_n3A_156 = arith.select %gt3A_152, %broadcast_in_dim3A_117, %select_n3A_151 : vector<16xi1>, vector<16xi32>
      %gt3A_157 = arith.cmpf ogt, %select_n3A_155, %broadcast_in_dim3A_103 : vector<16xf32>
      %select_n3A_158 = arith.select %gt3A_157, %select_n3A_155, %broadcast_in_dim3A_103 : vector<16xi1>, vector<16xf32>
      %select_n3A_159 = arith.select %gt3A_157, %select_n3A_156, %broadcast_in_dim3A_119 : vector<16xi1>, vector<16xi32>
      %select_n3A_160 = arith.select %gt3A_157, %broadcast_in_dim3A_103, %select_n3A_155 : vector<16xi1>, vector<16xf32>
      %select_n3A_161 = arith.select %gt3A_157, %broadcast_in_dim3A_119, %select_n3A_156 : vector<16xi1>, vector<16xi32>
      %gt3A_162 = arith.cmpf ogt, %select_n3A_160, %broadcast_in_dim3A_105 : vector<16xf32>
      %select_n3A_163 = arith.select %gt3A_162, %select_n3A_160, %broadcast_in_dim3A_105 : vector<16xi1>, vector<16xf32>
      %select_n3A_164 = arith.select %gt3A_162, %select_n3A_161, %broadcast_in_dim3A_121 : vector<16xi1>, vector<16xi32>
      %get3A_165 = arith.constant 1 : i32
      %get3A_166 = arith.index_cast %select_n3A : i32 to index
      %get3A_167 = arith.index_cast %get3A_165 : i32 to index
      %get3A_168 = arith.index_cast %mul3A_89 : i32 to index
      %get3A_169 = tpu.vector_load %arg5[%get3A_166, %get3A_167, %get3A_168] {strides = array<i32>} : memref<1x64x320xf32, #tpu.memory_space<vmem>>, vector<16xf32>,
      %broadcast_in_dim3A_170 = arith.constant 1 : i32
      %broadcast_in_dim3A_171 = vector.broadcast %broadcast_in_dim3A_170 : i32 to vector<16xi32>
      %gt3A_172 = arith.cmpf ogt, %get3A_169, %select_n3A_128 : vector<16xf32>
      %select_n3A_173 = arith.select %gt3A_172, %get3A_169, %select_n3A_128 : vector<16xi1>, vector<16xf32>
      %select_n3A_174 = arith.select %gt3A_172, %broadcast_in_dim3A_171, %select_n3A_129 : vector<16xi1>, vector<16xi32>
      %select_n3A_175 = arith.select %gt3A_172, %select_n3A_128, %get3A_169 : vector<16xi1>, vector<16xf32>
      %select_n3A_176 = arith.select %gt3A_172, %select_n3A_129, %broadcast_in_dim3A_171 : vector<16xi1>, vector<16xi32>
      %gt3A_177 = arith.cmpf ogt, %select_n3A_175, %select_n3A_133 : vector<16xf32>
      %select_n3A_178 = arith.select %gt3A_177, %select_n3A_175, %select_n3A_133 : vector<16xi1>, vector<16xf32>
      %select_n3A_179 = arith.select %gt3A_177, %select_n3A_176, %select_n3A_134 : vector<16xi1>, vector<16xi32>
      %select_n3A_180 = arith.select %gt3A_177, %select_n3A_133, %select_n3A_175 : vector<16xi1>, vector<16xf32>
      %select_n3A_181 = arith.select %gt3A_177, %select_n3A_134, %select_n3A_176 : vector<16xi1>, vector<16xi32>
      %gt3A_182 = arith.cmpf ogt, %select_n3A_180, %select_n3A_138 : vector<16xf32>
      %select_n3A_183 = arith.select %gt3A_182, %select_n3A_180, %select_n3A_138 : vector<16xi1>, vector<16xf32>
      %select_n3A_184 = arith.select %gt3A_182, %select_n3A_181, %select_n3A_139 : vector<16xi1>, vector<16xi32>
      %select_n3A_185 = arith.select %gt3A_182, %select_n3A_138, %select_n3A_180 : vector<16xi1>, vector<16xf32>
      %select_n3A_186 = arith.select %gt3A_182, %select_n3A_139, %select_n3A_181 : vector<16xi1>, vector<16xi32>
      %gt3A_187 = arith.cmpf ogt, %select_n3A_185, %select_n3A_143 : vector<16xf32>
      %select_n3A_188 = arith.select %gt3A_187, %select_n3A_185, %select_n3A_143 : vector<16xi1>, vector<16xf32>
      %select_n3A_189 = arith.select %gt3A_187, %select_n3A_186, %select_n3A_144 : vector<16xi1>, vector<16xi32>
      %select_n3A_190 = arith.select %gt3A_187, %select_n3A_143, %select_n3A_185 : vector<16xi1>, vector<16xf32>
      %select_n3A_191 = arith.select %gt3A_187, %select_n3A_144, %select_n3A_186 : vector<16xi1>, vector<16xi32>
      %gt3A_192 = arith.cmpf ogt, %select_n3A_190, %select_n3A_148 : vector<16xf32>
      %select_n3A_193 = arith.select %gt3A_192, %select_n3A_190, %select_n3A_148 : vector<16xi1>, vector<16xf32>
      %select_n3A_194 = arith.select %gt3A_192, %select_n3A_191, %select_n3A_149 : vector<16xi1>, vector<16xi32>
      %select_n3A_195 = arith.select %gt3A_192, %select_n3A_148, %select_n3A_190 : vector<16xi1>, vector<16xf32>
      %select_n3A_196 = arith.select %gt3A_192, %select_n3A_149, %select_n3A_191 : vector<16xi1>, vector<16xi32>
      %gt3A_197 = arith.cmpf ogt, %select_n3A_195, %select_n3A_153 : vector<16xf32>
      %select_n3A_198 = arith.select %gt3A_197, %select_n3A_195, %select_n3A_153 : vector<16xi1>, vector<16xf32>
      %select_n3A_199 = arith.select %gt3A_197, %select_n3A_196, %select_n3A_154 : vector<16xi1>, vector<16xi32>
      %select_n3A_200 = arith.select %gt3A_197, %select_n3A_153, %select_n3A_195 : vector<16xi1>, vector<16xf32>
      %select_n3A_201 = arith.select %gt3A_197, %select_n3A_154, %select_n3A_196 : vector<16xi1>, vector<16xi32>
      %gt3A_202 = arith.cmpf ogt, %select_n3A_200, %select_n3A_158 : vector<16xf32>
      %select_n3A_203 = arith.select %gt3A_202, %select_n3A_200, %select_n3A_158 : vector<16xi1>, vector<16xf32>
      %select_n3A_204 = arith.select %gt3A_202, %select_n3A_201, %select_n3A_159 : vector<16xi1>, vector<16xi32>
      %select_n3A_205 = arith.select %gt3A_202, %select_n3A_158, %select_n3A_200 : vector<16xi1>, vector<16xf32>
      %select_n3A_206 = arith.select %gt3A_202, %select_n3A_159, %select_n3A_201 : vector<16xi1>, vector<16xi32>
      %gt3A_207 = arith.cmpf ogt, %select_n3A_205, %select_n3A_163 : vector<16xf32>
      %select_n3A_208 = arith.select %gt3A_207, %select_n3A_205, %select_n3A_163 : vector<16xi1>, vector<16xf32>
      %select_n3A_209 = arith.select %gt3A_207, %select_n3A_206, %select_n3A_164 : vector<16xi1>, vector<16xi32>
      %get3A_210 = arith.constant 2 : i32
      %get3A_211 = arith.index_cast %select_n3A : i32 to index
      %get3A_212 = arith.index_cast %get3A_210 : i32 to index
      %get3A_213 = arith.index_cast %mul3A_89 : i32 to index
      %get3A_214 = tpu.vector_load %arg5[%get3A_211, %get3A_212, %get3A_213] {strides = array<i32>} : memref<1x64x320xf32, #tpu.memory_space<vmem>>, vector<16xf32>,
      %broadcast_in_dim3A_215 = arith.constant 2 : i32
      %broadcast_in_dim3A_216 = vector.broadcast %broadcast_in_dim3A_215 : i32 to vector<16xi32>
      %gt3A_217 = arith.cmpf ogt, %get3A_214, %select_n3A_173 : vector<16xf32>
      %select_n3A_218 = arith.select %gt3A_217, %get3A_214, %select_n3A_173 : vector<16xi1>, vector<16xf32>
      %select_n3A_219 = arith.select %gt3A_217, %broadcast_in_dim3A_216, %select_n3A_174 : vector<16xi1>, vector<16xi32>
      %select_n3A_220 = arith.select %gt3A_217, %select_n3A_173, %get3A_214 : vector<16xi1>, vector<16xf32>
      %select_n3A_221 = arith.select %gt3A_217, %select_n3A_174, %broadcast_in_dim3A_216 : vector<16xi1>, vector<16xi32>
      %gt3A_222 = arith.cmpf ogt, %select_n3A_220, %select_n3A_178 : vector<16xf32>
      %select_n3A_223 = arith.select %gt3A_222, %select_n3A_220, %select_n3A_178 : vector<16xi1>, vector<16xf32>
      %select_n3A_224 = arith.select %gt3A_222, %select_n3A_221, %select_n3A_179 : vector<16xi1>, vector<16xi32>
      %select_n3A_225 = arith.select %gt3A_222, %select_n3A_178, %select_n3A_220 : vector<16xi1>, vector<16xf32>
      %select_n3A_226 = arith.select %gt3A_222, %select_n3A_179, %select_n3A_221 : vector<16xi1>, vector<16xi32>
      %gt3A_227 = arith.cmpf ogt, %select_n3A_225, %select_n3A_183 : vector<16xf32>
      %select_n3A_228 = arith.select %gt3A_227, %select_n3A_225, %select_n3A_183 : vector<16xi1>, vector<16xf32>
      %select_n3A_229 = arith.select %gt3A_227, %select_n3A_226, %select_n3A_184 : vector<16xi1>, vector<16xi32>
      %select_n3A_230 = arith.select %gt3A_227, %select_n3A_183, %select_n3A_225 : vector<16xi1>, vector<16xf32>
      %select_n3A_231 = arith.select %gt3A_227, %select_n3A_184, %select_n3A_226 : vector<16xi1>, vector<16xi32>
      %gt3A_232 = arith.cmpf ogt, %select_n3A_230, %select_n3A_188 : vector<16xf32>
      %select_n3A_233 = arith.select %gt3A_232, %select_n3A_230, %select_n3A_188 : vector<16xi1>, vector<16xf32>
      %select_n3A_234 = arith.select %gt3A_232, %select_n3A_231, %select_n3A_189 : vector<16xi1>, vector<16xi32>
      %select_n3A_235 = arith.select %gt3A_232, %select_n3A_188, %select_n3A_230 : vector<16xi1>, vector<16xf32>
      %select_n3A_236 = arith.select %gt3A_232, %select_n3A_189, %select_n3A_231 : vector<16xi1>, vector<16xi32>
      %gt3A_237 = arith.cmpf ogt, %select_n3A_235, %select_n3A_193 : vector<16xf32>
      %select_n3A_238 = arith.select %gt3A_237, %select_n3A_235, %select_n3A_193 : vector<16xi1>, vector<16xf32>
      %select_n3A_239 = arith.select %gt3A_237, %select_n3A_236, %select_n3A_194 : vector<16xi1>, vector<16xi32>
      %select_n3A_240 = arith.select %gt3A_237, %select_n3A_193, %select_n3A_235 : vector<16xi1>, vector<16xf32>
      %select_n3A_241 = arith.select %gt3A_237, %select_n3A_194, %select_n3A_236 : vector<16xi1>, vector<16xi32>
      %gt3A_242 = arith.cmpf ogt, %select_n3A_240, %select_n3A_198 : vector<16xf32>
      %select_n3A_243 = arith.select %gt3A_242, %select_n3A_240, %select_n3A_198 : vector<16xi1>, vector<16xf32>
      %select_n3A_244 = arith.select %gt3A_242, %select_n3A_241, %select_n3A_199 : vector<16xi1>, vector<16xi32>
      %select_n3A_245 = arith.select %gt3A_242, %select_n3A_198, %select_n3A_240 : vector<16xi1>, vector<16xf32>
      %select_n3A_246 = arith.select %gt3A_242, %select_n3A_199, %select_n3A_241 : vector<16xi1>, vector<16xi32>
      %gt3A_247 = arith.cmpf ogt, %select_n3A_245, %select_n3A_203 : vector<16xf32>
      %select_n3A_248 = arith.select %gt3A_247, %select_n3A_245, %select_n3A_203 : vector<16xi1>, vector<16xf32>
      %select_n3A_249 = arith.select %gt3A_247, %select_n3A_246, %select_n3A_204 : vector<16xi1>, vector<16xi32>
      %select_n3A_250 = arith.select %gt3A_247, %select_n3A_203, %select_n3A_245 : vector<16xi1>, vector<16xf32>
      %select_n3A_251 = arith.select %gt3A_247, %select_n3A_204, %select_n3A_246 : vector<16xi1>, vector<16xi32>
      %gt3A_252 = arith.cmpf ogt, %select_n3A_250, %select_n3A_208 : vector<16xf32>
      %select_n3A_253 = arith.select %gt3A_252, %select_n3A_250, %select_n3A_208 : vector<16xi1>, vector<16xf32>
      %select_n3A_254 = arith.select %gt3A_252, %select_n3A_251, %select_n3A_209 : vector<16xi1>, vector<16xi32>
      %get3A_255 = arith.constant 3 : i32
      %get3A_256 = arith.index_cast %select_n3A : i32 to index
      %get3A_257 = arith.index_cast %get3A_255 : i32 to index
      %get3A_258 = arith.index_cast %mul3A_89 : i32 to index
      %get3A_259 = tpu.vector_load %arg5[%get3A_256, %get3A_257, %get3A_258] {strides = array<i32>} : memref<1x64x320xf32, #tpu.memory_space<vmem>>, vector<16xf32>,
      %broadcast_in_dim3A_260 = arith.constant 3 : i32
      %broadcast_in_dim3A_261 = vector.broadcast %broadcast_in_dim3A_260 : i32 to vector<16xi32>
      %gt3A_262 = arith.cmpf ogt, %get3A_259, %select_n3A_218 : vector<16xf32>
      %select_n3A_263 = arith.select %gt3A_262, %get3A_259, %select_n3A_218 : vector<16xi1>, vector<16xf32>
      %select_n3A_264 = arith.select %gt3A_262, %broadcast_in_dim3A_261, %select_n3A_219 : vector<16xi1>, vector<16xi32>
      %select_n3A_265 = arith.select %gt3A_262, %select_n3A_218, %get3A_259 : vector<16xi1>, vector<16xf32>
      %select_n3A_266 = arith.select %gt3A_262, %select_n3A_219, %broadcast_in_dim3A_261 : vector<16xi1>, vector<16xi32>
      %gt3A_267 = arith.cmpf ogt, %select_n3A_265, %select_n3A_223 : vector<16xf32>
      %select_n3A_268 = arith.select %gt3A_267, %select_n3A_265, %select_n3A_223 : vector<16xi1>, vector<16xf32>
      %select_n3A_269 = arith.select %gt3A_267, %select_n3A_266, %select_n3A_224 : vector<16xi1>, vector<16xi32>
      %select_n3A_270 = arith.select %gt3A_267, %select_n3A_223, %select_n3A_265 : vector<16xi1>, vector<16xf32>
      %select_n3A_271 = arith.select %gt3A_267, %select_n3A_224, %select_n3A_266 : vector<16xi1>, vector<16xi32>
      %gt3A_272 = arith.cmpf ogt, %select_n3A_270, %select_n3A_228 : vector<16xf32>
      %select_n3A_273 = arith.select %gt3A_272, %select_n3A_270, %select_n3A_228 : vector<16xi1>, vector<16xf32>
      %select_n3A_274 = arith.select %gt3A_272, %select_n3A_271, %select_n3A_229 : vector<16xi1>, vector<16xi32>
      %select_n3A_275 = arith.select %gt3A_272, %select_n3A_228, %select_n3A_270 : vector<16xi1>, vector<16xf32>
      %select_n3A_276 = arith.select %gt3A_272, %select_n3A_229, %select_n3A_271 : vector<16xi1>, vector<16xi32>
      %gt3A_277 = arith.cmpf ogt, %select_n3A_275, %select_n3A_233 : vector<16xf32>
      %select_n3A_278 = arith.select %gt3A_277, %select_n3A_275, %select_n3A_233 : vector<16xi1>, vector<16xf32>
      %select_n3A_279 = arith.select %gt3A_277, %select_n3A_276, %select_n3A_234 : vector<16xi1>, vector<16xi32>
      %select_n3A_280 = arith.select %gt3A_277, %select_n3A_233, %select_n3A_275 : vector<16xi1>, vector<16xf32>
      %select_n3A_281 = arith.select %gt3A_277, %select_n3A_234, %select_n3A_276 : vector<16xi1>, vector<16xi32>
      %gt3A_282 = arith.cmpf ogt, %select_n3A_280, %select_n3A_238 : vector<16xf32>
      %select_n3A_283 = arith.select %gt3A_282, %select_n3A_280, %select_n3A_238 : vector<16xi1>, vector<16xf32>
      %select_n3A_284 = arith.select %gt3A_282, %select_n3A_281, %select_n3A_239 : vector<16xi1>, vector<16xi32>
      %select_n3A_285 = arith.select %gt3A_282, %select_n3A_238, %select_n3A_280 : vector<16xi1>, vector<16xf32>
      %select_n3A_286 = arith.select %gt3A_282, %select_n3A_239, %select_n3A_281 : vector<16xi1>, vector<16xi32>
      %gt3A_287 = arith.cmpf ogt, %select_n3A_285, %select_n3A_243 : vector<16xf32>
      %select_n3A_288 = arith.select %gt3A_287, %select_n3A_285, %select_n3A_243 : vector<16xi1>, vector<16xf32>
      %select_n3A_289 = arith.select %gt3A_287, %select_n3A_286, %select_n3A_244 : vector<16xi1>, vector<16xi32>
      %select_n3A_290 = arith.select %gt3A_287, %select_n3A_243, %select_n3A_285 : vector<16xi1>, vector<16xf32>
      %select_n3A_291 = arith.select %gt3A_287, %select_n3A_244, %select_n3A_286 : vector<16xi1>, vector<16xi32>
      %gt3A_292 = arith.cmpf ogt, %select_n3A_290, %select_n3A_248 : vector<16xf32>
      %select_n3A_293 = arith.select %gt3A_292, %select_n3A_290, %select_n3A_248 : vector<16xi1>, vector<16xf32>
      %select_n3A_294 = arith.select %gt3A_292, %select_n3A_291, %select_n3A_249 : vector<16xi1>, vector<16xi32>
      %select_n3A_295 = arith.select %gt3A_292, %select_n3A_248, %select_n3A_290 : vector<16xi1>, vector<16xf32>
      %select_n3A_296 = arith.select %gt3A_292, %select_n3A_249, %select_n3A_291 : vector<16xi1>, vector<16xi32>
      %gt3A_297 = arith.cmpf ogt, %select_n3A_295, %select_n3A_253 : vector<16xf32>
      %select_n3A_298 = arith.select %gt3A_297, %select_n3A_295, %select_n3A_253 : vector<16xi1>, vector<16xf32>
      %select_n3A_299 = arith.select %gt3A_297, %select_n3A_296, %select_n3A_254 : vector<16xi1>, vector<16xi32>
      %get3A_300 = arith.constant 4 : i32
      %get3A_301 = arith.index_cast %select_n3A : i32 to index
      %get3A_302 = arith.index_cast %get3A_300 : i32 to index
      %get3A_303 = arith.index_cast %mul3A_89 : i32 to index
      %get3A_304 = tpu.vector_load %arg5[%get3A_301, %get3A_302, %get3A_303] {strides = array<i32>} : memref<1x64x320xf32, #tpu.memory_space<vmem>>, vector<16xf32>,
      %broadcast_in_dim3A_305 = arith.constant 4 : i32
      %broadcast_in_dim3A_306 = vector.broadcast %broadcast_in_dim3A_305 : i32 to vector<16xi32>
      %gt3A_307 = arith.cmpf ogt, %get3A_304, %select_n3A_263 : vector<16xf32>
      %select_n3A_308 = arith.select %gt3A_307, %get3A_304, %select_n3A_263 : vector<16xi1>, vector<16xf32>
      %select_n3A_309 = arith.select %gt3A_307, %broadcast_in_dim3A_306, %select_n3A_264 : vector<16xi1>, vector<16xi32>
      %select_n3A_310 = arith.select %gt3A_307, %select_n3A_263, %get3A_304 : vector<16xi1>, vector<16xf32>
      %select_n3A_311 = arith.select %gt3A_307, %select_n3A_264, %broadcast_in_dim3A_306 : vector<16xi1>, vector<16xi32>
      %gt3A_312 = arith.cmpf ogt, %select_n3A_310, %select_n3A_268 : vector<16xf32>
      %select_n3A_313 = arith.select %gt3A_312, %select_n3A_310, %select_n3A_268 : vector<16xi1>, vector<16xf32>
      %select_n3A_314 = arith.select %gt3A_312, %select_n3A_311, %select_n3A_269 : vector<16xi1>, vector<16xi32>
      %select_n3A_315 = arith.select %gt3A_312, %select_n3A_268, %select_n3A_310 : vector<16xi1>, vector<16xf32>
      %select_n3A_316 = arith.select %gt3A_312, %select_n3A_269, %select_n3A_311 : vector<16xi1>, vector<16xi32>
      %gt3A_317 = arith.cmpf ogt, %select_n3A_315, %select_n3A_273 : vector<16xf32>
      %select_n3A_318 = arith.select %gt3A_317, %select_n3A_315, %select_n3A_273 : vector<16xi1>, vector<16xf32>
      %select_n3A_319 = arith.select %gt3A_317, %select_n3A_316, %select_n3A_274 : vector<16xi1>, vector<16xi32>
      %select_n3A_320 = arith.select %gt3A_317, %select_n3A_273, %select_n3A_315 : vector<16xi1>, vector<16xf32>
      %select_n3A_321 = arith.select %gt3A_317, %select_n3A_274, %select_n3A_316 : vector<16xi1>, vector<16xi32>
      %gt3A_322 = arith.cmpf ogt, %select_n3A_320, %select_n3A_278 : vector<16xf32>
      %select_n3A_323 = arith.select %gt3A_322, %select_n3A_320, %select_n3A_278 : vector<16xi1>, vector<16xf32>
      %select_n3A_324 = arith.select %gt3A_322, %select_n3A_321, %select_n3A_279 : vector<16xi1>, vector<16xi32>
      %select_n3A_325 = arith.select %gt3A_322, %select_n3A_278, %select_n3A_320 : vector<16xi1>, vector<16xf32>
      %select_n3A_326 = arith.select %gt3A_322, %select_n3A_279, %select_n3A_321 : vector<16xi1>, vector<16xi32>
      %gt3A_327 = arith.cmpf ogt, %select_n3A_325, %select_n3A_283 : vector<16xf32>
      %select_n3A_328 = arith.select %gt3A_327, %select_n3A_325, %select_n3A_283 : vector<16xi1>, vector<16xf32>
      %select_n3A_329 = arith.select %gt3A_327, %select_n3A_326, %select_n3A_284 : vector<16xi1>, vector<16xi32>
      %select_n3A_330 = arith.select %gt3A_327, %select_n3A_283, %select_n3A_325 : vector<16xi1>, vector<16xf32>
      %select_n3A_331 = arith.select %gt3A_327, %select_n3A_284, %select_n3A_326 : vector<16xi1>, vector<16xi32>
      %gt3A_332 = arith.cmpf ogt, %select_n3A_330, %select_n3A_288 : vector<16xf32>
      %select_n3A_333 = arith.select %gt3A_332, %select_n3A_330, %select_n3A_288 : vector<16xi1>, vector<16xf32>
      %select_n3A_334 = arith.select %gt3A_332, %select_n3A_331, %select_n3A_289 : vector<16xi1>, vector<16xi32>
      %select_n3A_335 = arith.select %gt3A_332, %select_n3A_288, %select_n3A_330 : vector<16xi1>, vector<16xf32>
      %select_n3A_336 = arith.select %gt3A_332, %select_n3A_289, %select_n3A_331 : vector<16xi1>, vector<16xi32>
      %gt3A_337 = arith.cmpf ogt, %select_n3A_335, %select_n3A_293 : vector<16xf32>
      %select_n3A_338 = arith.select %gt3A_337, %select_n3A_335, %select_n3A_293 : vector<16xi1>, vector<16xf32>
      %select_n3A_339 = arith.select %gt3A_337, %select_n3A_336, %select_n3A_294 : vector<16xi1>, vector<16xi32>
      %select_n3A_340 = arith.select %gt3A_337, %select_n3A_293, %select_n3A_335 : vector<16xi1>, vector<16xf32>
      %select_n3A_341 = arith.select %gt3A_337, %select_n3A_294, %select_n3A_336 : vector<16xi1>, vector<16xi32>
      %gt3A_342 = arith.cmpf ogt, %select_n3A_340, %select_n3A_298 : vector<16xf32>
      %select_n3A_343 = arith.select %gt3A_342, %select_n3A_340, %select_n3A_298 : vector<16xi1>, vector<16xf32>
      %select_n3A_344 = arith.select %gt3A_342, %select_n3A_341, %select_n3A_299 : vector<16xi1>, vector<16xi32>
      %get3A_345 = arith.constant 5 : i32
      %get3A_346 = arith.index_cast %select_n3A : i32 to index
      %get3A_347 = arith.index_cast %get3A_345 : i32 to index
      %get3A_348 = arith.index_cast %mul3A_89 : i32 to index
      %get3A_349 = tpu.vector_load %arg5[%get3A_346, %get3A_347, %get3A_348] {strides = array<i32>} : memref<1x64x320xf32, #tpu.memory_space<vmem>>, vector<16xf32>,
      %broadcast_in_dim3A_350 = arith.constant 5 : i32
      %broadcast_in_dim3A_351 = vector.broadcast %broadcast_in_dim3A_350 : i32 to vector<16xi32>
      %gt3A_352 = arith.cmpf ogt, %get3A_349, %select_n3A_308 : vector<16xf32>
      %select_n3A_353 = arith.select %gt3A_352, %get3A_349, %select_n3A_308 : vector<16xi1>, vector<16xf32>
      %select_n3A_354 = arith.select %gt3A_352, %broadcast_in_dim3A_351, %select_n3A_309 : vector<16xi1>, vector<16xi32>
      %select_n3A_355 = arith.select %gt3A_352, %select_n3A_308, %get3A_349 : vector<16xi1>, vector<16xf32>
      %select_n3A_356 = arith.select %gt3A_352, %select_n3A_309, %broadcast_in_dim3A_351 : vector<16xi1>, vector<16xi32>
      %gt3A_357 = arith.cmpf ogt, %select_n3A_355, %select_n3A_313 : vector<16xf32>
      %select_n3A_358 = arith.select %gt3A_357, %select_n3A_355, %select_n3A_313 : vector<16xi1>, vector<16xf32>
      %select_n3A_359 = arith.select %gt3A_357, %select_n3A_356, %select_n3A_314 : vector<16xi1>, vector<16xi32>
      %select_n3A_360 = arith.select %gt3A_357, %select_n3A_313, %select_n3A_355 : vector<16xi1>, vector<16xf32>
      %select_n3A_361 = arith.select %gt3A_357, %select_n3A_314, %select_n3A_356 : vector<16xi1>, vector<16xi32>
      %gt3A_362 = arith.cmpf ogt, %select_n3A_360, %select_n3A_318 : vector<16xf32>
      %select_n3A_363 = arith.select %gt3A_362, %select_n3A_360, %select_n3A_318 : vector<16xi1>, vector<16xf32>
      %select_n3A_364 = arith.select %gt3A_362, %select_n3A_361, %select_n3A_319 : vector<16xi1>, vector<16xi32>
      %select_n3A_365 = arith.select %gt3A_362, %select_n3A_318, %select_n3A_360 : vector<16xi1>, vector<16xf32>
      %select_n3A_366 = arith.select %gt3A_362, %select_n3A_319, %select_n3A_361 : vector<16xi1>, vector<16xi32>
      %gt3A_367 = arith.cmpf ogt, %select_n3A_365, %select_n3A_323 : vector<16xf32>
      %select_n3A_368 = arith.select %gt3A_367, %select_n3A_365, %select_n3A_323 : vector<16xi1>, vector<16xf32>
      %select_n3A_369 = arith.select %gt3A_367, %select_n3A_366, %select_n3A_324 : vector<16xi1>, vector<16xi32>
      %select_n3A_370 = arith.select %gt3A_367, %select_n3A_323, %select_n3A_365 : vector<16xi1>, vector<16xf32>
      %select_n3A_371 = arith.select %gt3A_367, %select_n3A_324, %select_n3A_366 : vector<16xi1>, vector<16xi32>
      %gt3A_372 = arith.cmpf ogt, %select_n3A_370, %select_n3A_328 : vector<16xf32>
      %select_n3A_373 = arith.select %gt3A_372, %select_n3A_370, %select_n3A_328 : vector<16xi1>, vector<16xf32>
      %select_n3A_374 = arith.select %gt3A_372, %select_n3A_371, %select_n3A_329 : vector<16xi1>, vector<16xi32>
      %select_n3A_375 = arith.select %gt3A_372, %select_n3A_328, %select_n3A_370 : vector<16xi1>, vector<16xf32>
      %select_n3A_376 = arith.select %gt3A_372, %select_n3A_329, %select_n3A_371 : vector<16xi1>, vector<16xi32>
      %gt3A_377 = arith.cmpf ogt, %select_n3A_375, %select_n3A_333 : vector<16xf32>
      %select_n3A_378 = arith.select %gt3A_377, %select_n3A_375, %select_n3A_333 : vector<16xi1>, vector<16xf32>
      %select_n3A_379 = arith.select %gt3A_377, %select_n3A_376, %select_n3A_334 : vector<16xi1>, vector<16xi32>
      %select_n3A_380 = arith.select %gt3A_377, %select_n3A_333, %select_n3A_375 : vector<16xi1>, vector<16xf32>
      %select_n3A_381 = arith.select %gt3A_377, %select_n3A_334, %select_n3A_376 : vector<16xi1>, vector<16xi32>
      %gt3A_382 = arith.cmpf ogt, %select_n3A_380, %select_n3A_338 : vector<16xf32>
      %select_n3A_383 = arith.select %gt3A_382, %select_n3A_380, %select_n3A_338 : vector<16xi1>, vector<16xf32>
      %select_n3A_384 = arith.select %gt3A_382, %select_n3A_381, %select_n3A_339 : vector<16xi1>, vector<16xi32>
      %select_n3A_385 = arith.select %gt3A_382, %select_n3A_338, %select_n3A_380 : vector<16xi1>, vector<16xf32>
      %select_n3A_386 = arith.select %gt3A_382, %select_n3A_339, %select_n3A_381 : vector<16xi1>, vector<16xi32>
      %gt3A_387 = arith.cmpf ogt, %select_n3A_385, %select_n3A_343 : vector<16xf32>
      %select_n3A_388 = arith.select %gt3A_387, %select_n3A_385, %select_n3A_343 : vector<16xi1>, vector<16xf32>
      %select_n3A_389 = arith.select %gt3A_387, %select_n3A_386, %select_n3A_344 : vector<16xi1>, vector<16xi32>
      %get3A_390 = arith.constant 6 : i32
      %get3A_391 = arith.index_cast %select_n3A : i32 to index
      %get3A_392 = arith.index_cast %get3A_390 : i32 to index
      %get3A_393 = arith.index_cast %mul3A_89 : i32 to index
      %get3A_394 = tpu.vector_load %arg5[%get3A_391, %get3A_392, %get3A_393] {strides = array<i32>} : memref<1x64x320xf32, #tpu.memory_space<vmem>>, vector<16xf32>,
      %broadcast_in_dim3A_395 = arith.constant 6 : i32
      %broadcast_in_dim3A_396 = vector.broadcast %broadcast_in_dim3A_395 : i32 to vector<16xi32>
      %gt3A_397 = arith.cmpf ogt, %get3A_394, %select_n3A_353 : vector<16xf32>
      %select_n3A_398 = arith.select %gt3A_397, %get3A_394, %select_n3A_353 : vector<16xi1>, vector<16xf32>
      %select_n3A_399 = arith.select %gt3A_397, %broadcast_in_dim3A_396, %select_n3A_354 : vector<16xi1>, vector<16xi32>
      %select_n3A_400 = arith.select %gt3A_397, %select_n3A_353, %get3A_394 : vector<16xi1>, vector<16xf32>
      %select_n3A_401 = arith.select %gt3A_397, %select_n3A_354, %broadcast_in_dim3A_396 : vector<16xi1>, vector<16xi32>
      %gt3A_402 = arith.cmpf ogt, %select_n3A_400, %select_n3A_358 : vector<16xf32>
      %select_n3A_403 = arith.select %gt3A_402, %select_n3A_400, %select_n3A_358 : vector<16xi1>, vector<16xf32>
      %select_n3A_404 = arith.select %gt3A_402, %select_n3A_401, %select_n3A_359 : vector<16xi1>, vector<16xi32>
      %select_n3A_405 = arith.select %gt3A_402, %select_n3A_358, %select_n3A_400 : vector<16xi1>, vector<16xf32>
      %select_n3A_406 = arith.select %gt3A_402, %select_n3A_359, %select_n3A_401 : vector<16xi1>, vector<16xi32>
      %gt3A_407 = arith.cmpf ogt, %select_n3A_405, %select_n3A_363 : vector<16xf32>
      %select_n3A_408 = arith.select %gt3A_407, %select_n3A_405, %select_n3A_363 : vector<16xi1>, vector<16xf32>
      %select_n3A_409 = arith.select %gt3A_407, %select_n3A_406, %select_n3A_364 : vector<16xi1>, vector<16xi32>
      %select_n3A_410 = arith.select %gt3A_407, %select_n3A_363, %select_n3A_405 : vector<16xi1>, vector<16xf32>
      %select_n3A_411 = arith.select %gt3A_407, %select_n3A_364, %select_n3A_406 : vector<16xi1>, vector<16xi32>
      %gt3A_412 = arith.cmpf ogt, %select_n3A_410, %select_n3A_368 : vector<16xf32>
      %select_n3A_413 = arith.select %gt3A_412, %select_n3A_410, %select_n3A_368 : vector<16xi1>, vector<16xf32>
      %select_n3A_414 = arith.select %gt3A_412, %select_n3A_411, %select_n3A_369 : vector<16xi1>, vector<16xi32>
      %select_n3A_415 = arith.select %gt3A_412, %select_n3A_368, %select_n3A_410 : vector<16xi1>, vector<16xf32>
      %select_n3A_416 = arith.select %gt3A_412, %select_n3A_369, %select_n3A_411 : vector<16xi1>, vector<16xi32>
      %gt3A_417 = arith.cmpf ogt, %select_n3A_415, %select_n3A_373 : vector<16xf32>
      %select_n3A_418 = arith.select %gt3A_417, %select_n3A_415, %select_n3A_373 : vector<16xi1>, vector<16xf32>
      %select_n3A_419 = arith.select %gt3A_417, %select_n3A_416, %select_n3A_374 : vector<16xi1>, vector<16xi32>
      %select_n3A_420 = arith.select %gt3A_417, %select_n3A_373, %select_n3A_415 : vector<16xi1>, vector<16xf32>
      %select_n3A_421 = arith.select %gt3A_417, %select_n3A_374, %select_n3A_416 : vector<16xi1>, vector<16xi32>
      %gt3A_422 = arith.cmpf ogt, %select_n3A_420, %select_n3A_378 : vector<16xf32>
      %select_n3A_423 = arith.select %gt3A_422, %select_n3A_420, %select_n3A_378 : vector<16xi1>, vector<16xf32>
      %select_n3A_424 = arith.select %gt3A_422, %select_n3A_421, %select_n3A_379 : vector<16xi1>, vector<16xi32>
      %select_n3A_425 = arith.select %gt3A_422, %select_n3A_378, %select_n3A_420 : vector<16xi1>, vector<16xf32>
      %select_n3A_426 = arith.select %gt3A_422, %select_n3A_379, %select_n3A_421 : vector<16xi1>, vector<16xi32>
      %gt3A_427 = arith.cmpf ogt, %select_n3A_425, %select_n3A_383 : vector<16xf32>
      %select_n3A_428 = arith.select %gt3A_427, %select_n3A_425, %select_n3A_383 : vector<16xi1>, vector<16xf32>
      %select_n3A_429 = arith.select %gt3A_427, %select_n3A_426, %select_n3A_384 : vector<16xi1>, vector<16xi32>
      %select_n3A_430 = arith.select %gt3A_427, %select_n3A_383, %select_n3A_425 : vector<16xi1>, vector<16xf32>
      %select_n3A_431 = arith.select %gt3A_427, %select_n3A_384, %select_n3A_426 : vector<16xi1>, vector<16xi32>
      %gt3A_432 = arith.cmpf ogt, %select_n3A_430, %select_n3A_388 : vector<16xf32>
      %select_n3A_433 = arith.select %gt3A_432, %select_n3A_430, %select_n3A_388 : vector<16xi1>, vector<16xf32>
      %select_n3A_434 = arith.select %gt3A_432, %select_n3A_431, %select_n3A_389 : vector<16xi1>, vector<16xi32>
      %get3A_435 = arith.constant 7 : i32
      %get3A_436 = arith.index_cast %select_n3A : i32 to index
      %get3A_437 = arith.index_cast %get3A_435 : i32 to index
      %get3A_438 = arith.index_cast %mul3A_89 : i32 to index
      %get3A_439 = tpu.vector_load %arg5[%get3A_436, %get3A_437, %get3A_438] {strides = array<i32>} : memref<1x64x320xf32, #tpu.memory_space<vmem>>, vector<16xf32>,
      %broadcast_in_dim3A_440 = arith.constant 7 : i32
      %broadcast_in_dim3A_441 = vector.broadcast %broadcast_in_dim3A_440 : i32 to vector<16xi32>
      %gt3A_442 = arith.cmpf ogt, %get3A_439, %select_n3A_398 : vector<16xf32>
      %select_n3A_443 = arith.select %gt3A_442, %get3A_439, %select_n3A_398 : vector<16xi1>, vector<16xf32>
      %select_n3A_444 = arith.select %gt3A_442, %broadcast_in_dim3A_441, %select_n3A_399 : vector<16xi1>, vector<16xi32>
      %select_n3A_445 = arith.select %gt3A_442, %select_n3A_398, %get3A_439 : vector<16xi1>, vector<16xf32>
      %select_n3A_446 = arith.select %gt3A_442, %select_n3A_399, %broadcast_in_dim3A_441 : vector<16xi1>, vector<16xi32>
      %gt3A_447 = arith.cmpf ogt, %select_n3A_445, %select_n3A_403 : vector<16xf32>
      %select_n3A_448 = arith.select %gt3A_447, %select_n3A_445, %select_n3A_403 : vector<16xi1>, vector<16xf32>
      %select_n3A_449 = arith.select %gt3A_447, %select_n3A_446, %select_n3A_404 : vector<16xi1>, vector<16xi32>
      %select_n3A_450 = arith.select %gt3A_447, %select_n3A_403, %select_n3A_445 : vector<16xi1>, vector<16xf32>
      %select_n3A_451 = arith.select %gt3A_447, %select_n3A_404, %select_n3A_446 : vector<16xi1>, vector<16xi32>
      %gt3A_452 = arith.cmpf ogt, %select_n3A_450, %select_n3A_408 : vector<16xf32>
      %select_n3A_453 = arith.select %gt3A_452, %select_n3A_450, %select_n3A_408 : vector<16xi1>, vector<16xf32>
      %select_n3A_454 = arith.select %gt3A_452, %select_n3A_451, %select_n3A_409 : vector<16xi1>, vector<16xi32>
      %select_n3A_455 = arith.select %gt3A_452, %select_n3A_408, %select_n3A_450 : vector<16xi1>, vector<16xf32>
      %select_n3A_456 = arith.select %gt3A_452, %select_n3A_409, %select_n3A_451 : vector<16xi1>, vector<16xi32>
      %gt3A_457 = arith.cmpf ogt, %select_n3A_455, %select_n3A_413 : vector<16xf32>
      %select_n3A_458 = arith.select %gt3A_457, %select_n3A_455, %select_n3A_413 : vector<16xi1>, vector<16xf32>
      %select_n3A_459 = arith.select %gt3A_457, %select_n3A_456, %select_n3A_414 : vector<16xi1>, vector<16xi32>
      %select_n3A_460 = arith.select %gt3A_457, %select_n3A_413, %select_n3A_455 : vector<16xi1>, vector<16xf32>
      %select_n3A_461 = arith.select %gt3A_457, %select_n3A_414, %select_n3A_456 : vector<16xi1>, vector<16xi32>
      %gt3A_462 = arith.cmpf ogt, %select_n3A_460, %select_n3A_418 : vector<16xf32>
      %select_n3A_463 = arith.select %gt3A_462, %select_n3A_460, %select_n3A_418 : vector<16xi1>, vector<16xf32>
      %select_n3A_464 = arith.select %gt3A_462, %select_n3A_461, %select_n3A_419 : vector<16xi1>, vector<16xi32>
      %select_n3A_465 = arith.select %gt3A_462, %select_n3A_418, %select_n3A_460 : vector<16xi1>, vector<16xf32>
      %select_n3A_466 = arith.select %gt3A_462, %select_n3A_419, %select_n3A_461 : vector<16xi1>, vector<16xi32>
      %gt3A_467 = arith.cmpf ogt, %select_n3A_465, %select_n3A_423 : vector<16xf32>
      %select_n3A_468 = arith.select %gt3A_467, %select_n3A_465, %select_n3A_423 : vector<16xi1>, vector<16xf32>
      %select_n3A_469 = arith.select %gt3A_467, %select_n3A_466, %select_n3A_424 : vector<16xi1>, vector<16xi32>
      %select_n3A_470 = arith.select %gt3A_467, %select_n3A_423, %select_n3A_465 : vector<16xi1>, vector<16xf32>
      %select_n3A_471 = arith.select %gt3A_467, %select_n3A_424, %select_n3A_466 : vector<16xi1>, vector<16xi32>
      %gt3A_472 = arith.cmpf ogt, %select_n3A_470, %select_n3A_428 : vector<16xf32>
      %select_n3A_473 = arith.select %gt3A_472, %select_n3A_470, %select_n3A_428 : vector<16xi1>, vector<16xf32>
      %select_n3A_474 = arith.select %gt3A_472, %select_n3A_471, %select_n3A_429 : vector<16xi1>, vector<16xi32>
      %select_n3A_475 = arith.select %gt3A_472, %select_n3A_428, %select_n3A_470 : vector<16xi1>, vector<16xf32>
      %select_n3A_476 = arith.select %gt3A_472, %select_n3A_429, %select_n3A_471 : vector<16xi1>, vector<16xi32>
      %gt3A_477 = arith.cmpf ogt, %select_n3A_475, %select_n3A_433 : vector<16xf32>
      %select_n3A_478 = arith.select %gt3A_477, %select_n3A_475, %select_n3A_433 : vector<16xi1>, vector<16xf32>
      %select_n3A_479 = arith.select %gt3A_477, %select_n3A_476, %select_n3A_434 : vector<16xi1>, vector<16xi32>
      %get3A_480 = arith.constant 8 : i32
      %get3A_481 = arith.index_cast %select_n3A : i32 to index
      %get3A_482 = arith.index_cast %get3A_480 : i32 to index
      %get3A_483 = arith.index_cast %mul3A_89 : i32 to index
      %get3A_484 = tpu.vector_load %arg5[%get3A_481, %get3A_482, %get3A_483] {strides = array<i32>} : memref<1x64x320xf32, #tpu.memory_space<vmem>>, vector<16xf32>,
      %broadcast_in_dim3A_485 = arith.constant 8 : i32
      %broadcast_in_dim3A_486 = vector.broadcast %broadcast_in_dim3A_485 : i32 to vector<16xi32>
      %gt3A_487 = arith.cmpf ogt, %get3A_484, %select_n3A_443 : vector<16xf32>
      %select_n3A_488 = arith.select %gt3A_487, %get3A_484, %select_n3A_443 : vector<16xi1>, vector<16xf32>
      %select_n3A_489 = arith.select %gt3A_487, %broadcast_in_dim3A_486, %select_n3A_444 : vector<16xi1>, vector<16xi32>
      %select_n3A_490 = arith.select %gt3A_487, %select_n3A_443, %get3A_484 : vector<16xi1>, vector<16xf32>
      %select_n3A_491 = arith.select %gt3A_487, %select_n3A_444, %broadcast_in_dim3A_486 : vector<16xi1>, vector<16xi32>
      %gt3A_492 = arith.cmpf ogt, %select_n3A_490, %select_n3A_448 : vector<16xf32>
      %select_n3A_493 = arith.select %gt3A_492, %select_n3A_490, %select_n3A_448 : vector<16xi1>, vector<16xf32>
      %select_n3A_494 = arith.select %gt3A_492, %select_n3A_491, %select_n3A_449 : vector<16xi1>, vector<16xi32>
      %select_n3A_495 = arith.select %gt3A_492, %select_n3A_448, %select_n3A_490 : vector<16xi1>, vector<16xf32>
      %select_n3A_496 = arith.select %gt3A_492, %select_n3A_449, %select_n3A_491 : vector<16xi1>, vector<16xi32>
      %gt3A_497 = arith.cmpf ogt, %select_n3A_495, %select_n3A_453 : vector<16xf32>
      %select_n3A_498 = arith.select %gt3A_497, %select_n3A_495, %select_n3A_453 : vector<16xi1>, vector<16xf32>
      %select_n3A_499 = arith.select %gt3A_497, %select_n3A_496, %select_n3A_454 : vector<16xi1>, vector<16xi32>
      %select_n3A_500 = arith.select %gt3A_497, %select_n3A_453, %select_n3A_495 : vector<16xi1>, vector<16xf32>
      %select_n3A_501 = arith.select %gt3A_497, %select_n3A_454, %select_n3A_496 : vector<16xi1>, vector<16xi32>
      %gt3A_502 = arith.cmpf ogt, %select_n3A_500, %select_n3A_458 : vector<16xf32>
      %select_n3A_503 = arith.select %gt3A_502, %select_n3A_500, %select_n3A_458 : vector<16xi1>, vector<16xf32>
      %select_n3A_504 = arith.select %gt3A_502, %select_n3A_501, %select_n3A_459 : vector<16xi1>, vector<16xi32>
      %select_n3A_505 = arith.select %gt3A_502, %select_n3A_458, %select_n3A_500 : vector<16xi1>, vector<16xf32>
      %select_n3A_506 = arith.select %gt3A_502, %select_n3A_459, %select_n3A_501 : vector<16xi1>, vector<16xi32>
      %gt3A_507 = arith.cmpf ogt, %select_n3A_505, %select_n3A_463 : vector<16xf32>
      %select_n3A_508 = arith.select %gt3A_507, %select_n3A_505, %select_n3A_463 : vector<16xi1>, vector<16xf32>
      %select_n3A_509 = arith.select %gt3A_507, %select_n3A_506, %select_n3A_464 : vector<16xi1>, vector<16xi32>
      %select_n3A_510 = arith.select %gt3A_507, %select_n3A_463, %select_n3A_505 : vector<16xi1>, vector<16xf32>
      %select_n3A_511 = arith.select %gt3A_507, %select_n3A_464, %select_n3A_506 : vector<16xi1>, vector<16xi32>
      %gt3A_512 = arith.cmpf ogt, %select_n3A_510, %select_n3A_468 : vector<16xf32>
      %select_n3A_513 = arith.select %gt3A_512, %select_n3A_510, %select_n3A_468 : vector<16xi1>, vector<16xf32>
      %select_n3A_514 = arith.select %gt3A_512, %select_n3A_511, %select_n3A_469 : vector<16xi1>, vector<16xi32>
      %select_n3A_515 = arith.select %gt3A_512, %select_n3A_468, %select_n3A_510 : vector<16xi1>, vector<16xf32>
      %select_n3A_516 = arith.select %gt3A_512, %select_n3A_469, %select_n3A_511 : vector<16xi1>, vector<16xi32>
      %gt3A_517 = arith.cmpf ogt, %select_n3A_515, %select_n3A_473 : vector<16xf32>
      %select_n3A_518 = arith.select %gt3A_517, %select_n3A_515, %select_n3A_473 : vector<16xi1>, vector<16xf32>
      %select_n3A_519 = arith.select %gt3A_517, %select_n3A_516, %select_n3A_474 : vector<16xi1>, vector<16xi32>
      %select_n3A_520 = arith.select %gt3A_517, %select_n3A_473, %select_n3A_515 : vector<16xi1>, vector<16xf32>
      %select_n3A_521 = arith.select %gt3A_517, %select_n3A_474, %select_n3A_516 : vector<16xi1>, vector<16xi32>
      %gt3A_522 = arith.cmpf ogt, %select_n3A_520, %select_n3A_478 : vector<16xf32>
      %select_n3A_523 = arith.select %gt3A_522, %select_n3A_520, %select_n3A_478 : vector<16xi1>, vector<16xf32>
      %select_n3A_524 = arith.select %gt3A_522, %select_n3A_521, %select_n3A_479 : vector<16xi1>, vector<16xi32>
      %get3A_525 = arith.constant 9 : i32
      %get3A_526 = arith.index_cast %select_n3A : i32 to index
      %get3A_527 = arith.index_cast %get3A_525 : i32 to index
      %get3A_528 = arith.index_cast %mul3A_89 : i32 to index
      %get3A_529 = tpu.vector_load %arg5[%get3A_526, %get3A_527, %get3A_528] {strides = array<i32>} : memref<1x64x320xf32, #tpu.memory_space<vmem>>, vector<16xf32>,
      %broadcast_in_dim3A_530 = arith.constant 9 : i32
      %broadcast_in_dim3A_531 = vector.broadcast %broadcast_in_dim3A_530 : i32 to vector<16xi32>
      %gt3A_532 = arith.cmpf ogt, %get3A_529, %select_n3A_488 : vector<16xf32>
      %select_n3A_533 = arith.select %gt3A_532, %get3A_529, %select_n3A_488 : vector<16xi1>, vector<16xf32>
      %select_n3A_534 = arith.select %gt3A_532, %broadcast_in_dim3A_531, %select_n3A_489 : vector<16xi1>, vector<16xi32>
      %select_n3A_535 = arith.select %gt3A_532, %select_n3A_488, %get3A_529 : vector<16xi1>, vector<16xf32>
      %select_n3A_536 = arith.select %gt3A_532, %select_n3A_489, %broadcast_in_dim3A_531 : vector<16xi1>, vector<16xi32>
      %gt3A_537 = arith.cmpf ogt, %select_n3A_535, %select_n3A_493 : vector<16xf32>
      %select_n3A_538 = arith.select %gt3A_537, %select_n3A_535, %select_n3A_493 : vector<16xi1>, vector<16xf32>
      %select_n3A_539 = arith.select %gt3A_537, %select_n3A_536, %select_n3A_494 : vector<16xi1>, vector<16xi32>
      %select_n3A_540 = arith.select %gt3A_537, %select_n3A_493, %select_n3A_535 : vector<16xi1>, vector<16xf32>
      %select_n3A_541 = arith.select %gt3A_537, %select_n3A_494, %select_n3A_536 : vector<16xi1>, vector<16xi32>
      %gt3A_542 = arith.cmpf ogt, %select_n3A_540, %select_n3A_498 : vector<16xf32>
      %select_n3A_543 = arith.select %gt3A_542, %select_n3A_540, %select_n3A_498 : vector<16xi1>, vector<16xf32>
      %select_n3A_544 = arith.select %gt3A_542, %select_n3A_541, %select_n3A_499 : vector<16xi1>, vector<16xi32>
      %select_n3A_545 = arith.select %gt3A_542, %select_n3A_498, %select_n3A_540 : vector<16xi1>, vector<16xf32>
      %select_n3A_546 = arith.select %gt3A_542, %select_n3A_499, %select_n3A_541 : vector<16xi1>, vector<16xi32>
      %gt3A_547 = arith.cmpf ogt, %select_n3A_545, %select_n3A_503 : vector<16xf32>
      %select_n3A_548 = arith.select %gt3A_547, %select_n3A_545, %select_n3A_503 : vector<16xi1>, vector<16xf32>
      %select_n3A_549 = arith.select %gt3A_547, %select_n3A_546, %select_n3A_504 : vector<16xi1>, vector<16xi32>
      %select_n3A_550 = arith.select %gt3A_547, %select_n3A_503, %select_n3A_545 : vector<16xi1>, vector<16xf32>
      %select_n3A_551 = arith.select %gt3A_547, %select_n3A_504, %select_n3A_546 : vector<16xi1>, vector<16xi32>
      %gt3A_552 = arith.cmpf ogt, %select_n3A_550, %select_n3A_508 : vector<16xf32>
      %select_n3A_553 = arith.select %gt3A_552, %select_n3A_550, %select_n3A_508 : vector<16xi1>, vector<16xf32>
      %select_n3A_554 = arith.select %gt3A_552, %select_n3A_551, %select_n3A_509 : vector<16xi1>, vector<16xi32>
      %select_n3A_555 = arith.select %gt3A_552, %select_n3A_508, %select_n3A_550 : vector<16xi1>, vector<16xf32>
      %select_n3A_556 = arith.select %gt3A_552, %select_n3A_509, %select_n3A_551 : vector<16xi1>, vector<16xi32>
      %gt3A_557 = arith.cmpf ogt, %select_n3A_555, %select_n3A_513 : vector<16xf32>
      %select_n3A_558 = arith.select %gt3A_557, %select_n3A_555, %select_n3A_513 : vector<16xi1>, vector<16xf32>
      %select_n3A_559 = arith.select %gt3A_557, %select_n3A_556, %select_n3A_514 : vector<16xi1>, vector<16xi32>
      %select_n3A_560 = arith.select %gt3A_557, %select_n3A_513, %select_n3A_555 : vector<16xi1>, vector<16xf32>
      %select_n3A_561 = arith.select %gt3A_557, %select_n3A_514, %select_n3A_556 : vector<16xi1>, vector<16xi32>
      %gt3A_562 = arith.cmpf ogt, %select_n3A_560, %select_n3A_518 : vector<16xf32>
      %select_n3A_563 = arith.select %gt3A_562, %select_n3A_560, %select_n3A_518 : vector<16xi1>, vector<16xf32>
      %select_n3A_564 = arith.select %gt3A_562, %select_n3A_561, %select_n3A_519 : vector<16xi1>, vector<16xi32>
      %select_n3A_565 = arith.select %gt3A_562, %select_n3A_518, %select_n3A_560 : vector<16xi1>, vector<16xf32>
      %select_n3A_566 = arith.select %gt3A_562, %select_n3A_519, %select_n3A_561 : vector<16xi1>, vector<16xi32>
      %gt3A_567 = arith.cmpf ogt, %select_n3A_565, %select_n3A_523 : vector<16xf32>
      %select_n3A_568 = arith.select %gt3A_567, %select_n3A_565, %select_n3A_523 : vector<16xi1>, vector<16xf32>
      %select_n3A_569 = arith.select %gt3A_567, %select_n3A_566, %select_n3A_524 : vector<16xi1>, vector<16xi32>
      %get3A_570 = arith.constant 10 : i32
      %get3A_571 = arith.index_cast %select_n3A : i32 to index
      %get3A_572 = arith.index_cast %get3A_570 : i32 to index
      %get3A_573 = arith.index_cast %mul3A_89 : i32 to index
      %get3A_574 = tpu.vector_load %arg5[%get3A_571, %get3A_572, %get3A_573] {strides = array<i32>} : memref<1x64x320xf32, #tpu.memory_space<vmem>>, vector<16xf32>,
      %broadcast_in_dim3A_575 = arith.constant 10 : i32
      %broadcast_in_dim3A_576 = vector.broadcast %broadcast_in_dim3A_575 : i32 to vector<16xi32>
      %gt3A_577 = arith.cmpf ogt, %get3A_574, %select_n3A_533 : vector<16xf32>
      %select_n3A_578 = arith.select %gt3A_577, %get3A_574, %select_n3A_533 : vector<16xi1>, vector<16xf32>
      %select_n3A_579 = arith.select %gt3A_577, %broadcast_in_dim3A_576, %select_n3A_534 : vector<16xi1>, vector<16xi32>
      %select_n3A_580 = arith.select %gt3A_577, %select_n3A_533, %get3A_574 : vector<16xi1>, vector<16xf32>
      %select_n3A_581 = arith.select %gt3A_577, %select_n3A_534, %broadcast_in_dim3A_576 : vector<16xi1>, vector<16xi32>
      %gt3A_582 = arith.cmpf ogt, %select_n3A_580, %select_n3A_538 : vector<16xf32>
      %select_n3A_583 = arith.select %gt3A_582, %select_n3A_580, %select_n3A_538 : vector<16xi1>, vector<16xf32>
      %select_n3A_584 = arith.select %gt3A_582, %select_n3A_581, %select_n3A_539 : vector<16xi1>, vector<16xi32>
      %select_n3A_585 = arith.select %gt3A_582, %select_n3A_538, %select_n3A_580 : vector<16xi1>, vector<16xf32>
      %select_n3A_586 = arith.select %gt3A_582, %select_n3A_539, %select_n3A_581 : vector<16xi1>, vector<16xi32>
      %gt3A_587 = arith.cmpf ogt, %select_n3A_585, %select_n3A_543 : vector<16xf32>
      %select_n3A_588 = arith.select %gt3A_587, %select_n3A_585, %select_n3A_543 : vector<16xi1>, vector<16xf32>
      %select_n3A_589 = arith.select %gt3A_587, %select_n3A_586, %select_n3A_544 : vector<16xi1>, vector<16xi32>
      %select_n3A_590 = arith.select %gt3A_587, %select_n3A_543, %select_n3A_585 : vector<16xi1>, vector<16xf32>
      %select_n3A_591 = arith.select %gt3A_587, %select_n3A_544, %select_n3A_586 : vector<16xi1>, vector<16xi32>
      %gt3A_592 = arith.cmpf ogt, %select_n3A_590, %select_n3A_548 : vector<16xf32>
      %select_n3A_593 = arith.select %gt3A_592, %select_n3A_590, %select_n3A_548 : vector<16xi1>, vector<16xf32>
      %select_n3A_594 = arith.select %gt3A_592, %select_n3A_591, %select_n3A_549 : vector<16xi1>, vector<16xi32>
      %select_n3A_595 = arith.select %gt3A_592, %select_n3A_548, %select_n3A_590 : vector<16xi1>, vector<16xf32>
      %select_n3A_596 = arith.select %gt3A_592, %select_n3A_549, %select_n3A_591 : vector<16xi1>, vector<16xi32>
      %gt3A_597 = arith.cmpf ogt, %select_n3A_595, %select_n3A_553 : vector<16xf32>
      %select_n3A_598 = arith.select %gt3A_597, %select_n3A_595, %select_n3A_553 : vector<16xi1>, vector<16xf32>
      %select_n3A_599 = arith.select %gt3A_597, %select_n3A_596, %select_n3A_554 : vector<16xi1>, vector<16xi32>
      %select_n3A_600 = arith.select %gt3A_597, %select_n3A_553, %select_n3A_595 : vector<16xi1>, vector<16xf32>
      %select_n3A_601 = arith.select %gt3A_597, %select_n3A_554, %select_n3A_596 : vector<16xi1>, vector<16xi32>
      %gt3A_602 = arith.cmpf ogt, %select_n3A_600, %select_n3A_558 : vector<16xf32>
      %select_n3A_603 = arith.select %gt3A_602, %select_n3A_600, %select_n3A_558 : vector<16xi1>, vector<16xf32>
      %select_n3A_604 = arith.select %gt3A_602, %select_n3A_601, %select_n3A_559 : vector<16xi1>, vector<16xi32>
      %select_n3A_605 = arith.select %gt3A_602, %select_n3A_558, %select_n3A_600 : vector<16xi1>, vector<16xf32>
      %select_n3A_606 = arith.select %gt3A_602, %select_n3A_559, %select_n3A_601 : vector<16xi1>, vector<16xi32>
      %gt3A_607 = arith.cmpf ogt, %select_n3A_605, %select_n3A_563 : vector<16xf32>
      %select_n3A_608 = arith.select %gt3A_607, %select_n3A_605, %select_n3A_563 : vector<16xi1>, vector<16xf32>
      %select_n3A_609 = arith.select %gt3A_607, %select_n3A_606, %select_n3A_564 : vector<16xi1>, vector<16xi32>
      %select_n3A_610 = arith.select %gt3A_607, %select_n3A_563, %select_n3A_605 : vector<16xi1>, vector<16xf32>
      %select_n3A_611 = arith.select %gt3A_607, %select_n3A_564, %select_n3A_606 : vector<16xi1>, vector<16xi32>
      %gt3A_612 = arith.cmpf ogt, %select_n3A_610, %select_n3A_568 : vector<16xf32>
      %select_n3A_613 = arith.select %gt3A_612, %select_n3A_610, %select_n3A_568 : vector<16xi1>, vector<16xf32>
      %select_n3A_614 = arith.select %gt3A_612, %select_n3A_611, %select_n3A_569 : vector<16xi1>, vector<16xi32>
      %get3A_615 = arith.constant 11 : i32
      %get3A_616 = arith.index_cast %select_n3A : i32 to index
      %get3A_617 = arith.index_cast %get3A_615 : i32 to index
      %get3A_618 = arith.index_cast %mul3A_89 : i32 to index
      %get3A_619 = tpu.vector_load %arg5[%get3A_616, %get3A_617, %get3A_618] {strides = array<i32>} : memref<1x64x320xf32, #tpu.memory_space<vmem>>, vector<16xf32>,
      %broadcast_in_dim3A_620 = arith.constant 11 : i32
      %broadcast_in_dim3A_621 = vector.broadcast %broadcast_in_dim3A_620 : i32 to vector<16xi32>
      %gt3A_622 = arith.cmpf ogt, %get3A_619, %select_n3A_578 : vector<16xf32>
      %select_n3A_623 = arith.select %gt3A_622, %get3A_619, %select_n3A_578 : vector<16xi1>, vector<16xf32>
      %select_n3A_624 = arith.select %gt3A_622, %broadcast_in_dim3A_621, %select_n3A_579 : vector<16xi1>, vector<16xi32>
      %select_n3A_625 = arith.select %gt3A_622, %select_n3A_578, %get3A_619 : vector<16xi1>, vector<16xf32>
      %select_n3A_626 = arith.select %gt3A_622, %select_n3A_579, %broadcast_in_dim3A_621 : vector<16xi1>, vector<16xi32>
      %gt3A_627 = arith.cmpf ogt, %select_n3A_625, %select_n3A_583 : vector<16xf32>
      %select_n3A_628 = arith.select %gt3A_627, %select_n3A_625, %select_n3A_583 : vector<16xi1>, vector<16xf32>
      %select_n3A_629 = arith.select %gt3A_627, %select_n3A_626, %select_n3A_584 : vector<16xi1>, vector<16xi32>
      %select_n3A_630 = arith.select %gt3A_627, %select_n3A_583, %select_n3A_625 : vector<16xi1>, vector<16xf32>
      %select_n3A_631 = arith.select %gt3A_627, %select_n3A_584, %select_n3A_626 : vector<16xi1>, vector<16xi32>
      %gt3A_632 = arith.cmpf ogt, %select_n3A_630, %select_n3A_588 : vector<16xf32>
      %select_n3A_633 = arith.select %gt3A_632, %select_n3A_630, %select_n3A_588 : vector<16xi1>, vector<16xf32>
      %select_n3A_634 = arith.select %gt3A_632, %select_n3A_631, %select_n3A_589 : vector<16xi1>, vector<16xi32>
      %select_n3A_635 = arith.select %gt3A_632, %select_n3A_588, %select_n3A_630 : vector<16xi1>, vector<16xf32>
      %select_n3A_636 = arith.select %gt3A_632, %select_n3A_589, %select_n3A_631 : vector<16xi1>, vector<16xi32>
      %gt3A_637 = arith.cmpf ogt, %select_n3A_635, %select_n3A_593 : vector<16xf32>
      %select_n3A_638 = arith.select %gt3A_637, %select_n3A_635, %select_n3A_593 : vector<16xi1>, vector<16xf32>
      %select_n3A_639 = arith.select %gt3A_637, %select_n3A_636, %select_n3A_594 : vector<16xi1>, vector<16xi32>
      %select_n3A_640 = arith.select %gt3A_637, %select_n3A_593, %select_n3A_635 : vector<16xi1>, vector<16xf32>
      %select_n3A_641 = arith.select %gt3A_637, %select_n3A_594, %select_n3A_636 : vector<16xi1>, vector<16xi32>
      %gt3A_642 = arith.cmpf ogt, %select_n3A_640, %select_n3A_598 : vector<16xf32>
      %select_n3A_643 = arith.select %gt3A_642, %select_n3A_640, %select_n3A_598 : vector<16xi1>, vector<16xf32>
      %select_n3A_644 = arith.select %gt3A_642, %select_n3A_641, %select_n3A_599 : vector<16xi1>, vector<16xi32>
      %select_n3A_645 = arith.select %gt3A_642, %select_n3A_598, %select_n3A_640 : vector<16xi1>, vector<16xf32>
      %select_n3A_646 = arith.select %gt3A_642, %select_n3A_599, %select_n3A_641 : vector<16xi1>, vector<16xi32>
      %gt3A_647 = arith.cmpf ogt, %select_n3A_645, %select_n3A_603 : vector<16xf32>
      %select_n3A_648 = arith.select %gt3A_647, %select_n3A_645, %select_n3A_603 : vector<16xi1>, vector<16xf32>
      %select_n3A_649 = arith.select %gt3A_647, %select_n3A_646, %select_n3A_604 : vector<16xi1>, vector<16xi32>
      %select_n3A_650 = arith.select %gt3A_647, %select_n3A_603, %select_n3A_645 : vector<16xi1>, vector<16xf32>
      %select_n3A_651 = arith.select %gt3A_647, %select_n3A_604, %select_n3A_646 : vector<16xi1>, vector<16xi32>
      %gt3A_652 = arith.cmpf ogt, %select_n3A_650, %select_n3A_608 : vector<16xf32>
      %select_n3A_653 = arith.select %gt3A_652, %select_n3A_650, %select_n3A_608 : vector<16xi1>, vector<16xf32>
      %select_n3A_654 = arith.select %gt3A_652, %select_n3A_651, %select_n3A_609 : vector<16xi1>, vector<16xi32>
      %select_n3A_655 = arith.select %gt3A_652, %select_n3A_608, %select_n3A_650 : vector<16xi1>, vector<16xf32>
      %select_n3A_656 = arith.select %gt3A_652, %select_n3A_609, %select_n3A_651 : vector<16xi1>, vector<16xi32>
      %gt3A_657 = arith.cmpf ogt, %select_n3A_655, %select_n3A_613 : vector<16xf32>
      %select_n3A_658 = arith.select %gt3A_657, %select_n3A_655, %select_n3A_613 : vector<16xi1>, vector<16xf32>
      %select_n3A_659 = arith.select %gt3A_657, %select_n3A_656, %select_n3A_614 : vector<16xi1>, vector<16xi32>
      %get3A_660 = arith.constant 12 : i32
      %get3A_661 = arith.index_cast %select_n3A : i32 to index
      %get3A_662 = arith.index_cast %get3A_660 : i32 to index
      %get3A_663 = arith.index_cast %mul3A_89 : i32 to index
      %get3A_664 = tpu.vector_load %arg5[%get3A_661, %get3A_662, %get3A_663] {strides = array<i32>} : memref<1x64x320xf32, #tpu.memory_space<vmem>>, vector<16xf32>,
      %broadcast_in_dim3A_665 = arith.constant 12 : i32
      %broadcast_in_dim3A_666 = vector.broadcast %broadcast_in_dim3A_665 : i32 to vector<16xi32>
      %gt3A_667 = arith.cmpf ogt, %get3A_664, %select_n3A_623 : vector<16xf32>
      %select_n3A_668 = arith.select %gt3A_667, %get3A_664, %select_n3A_623 : vector<16xi1>, vector<16xf32>
      %select_n3A_669 = arith.select %gt3A_667, %broadcast_in_dim3A_666, %select_n3A_624 : vector<16xi1>, vector<16xi32>
      %select_n3A_670 = arith.select %gt3A_667, %select_n3A_623, %get3A_664 : vector<16xi1>, vector<16xf32>
      %select_n3A_671 = arith.select %gt3A_667, %select_n3A_624, %broadcast_in_dim3A_666 : vector<16xi1>, vector<16xi32>
      %gt3A_672 = arith.cmpf ogt, %select_n3A_670, %select_n3A_628 : vector<16xf32>
      %select_n3A_673 = arith.select %gt3A_672, %select_n3A_670, %select_n3A_628 : vector<16xi1>, vector<16xf32>
      %select_n3A_674 = arith.select %gt3A_672, %select_n3A_671, %select_n3A_629 : vector<16xi1>, vector<16xi32>
      %select_n3A_675 = arith.select %gt3A_672, %select_n3A_628, %select_n3A_670 : vector<16xi1>, vector<16xf32>
      %select_n3A_676 = arith.select %gt3A_672, %select_n3A_629, %select_n3A_671 : vector<16xi1>, vector<16xi32>
      %gt3A_677 = arith.cmpf ogt, %select_n3A_675, %select_n3A_633 : vector<16xf32>
      %select_n3A_678 = arith.select %gt3A_677, %select_n3A_675, %select_n3A_633 : vector<16xi1>, vector<16xf32>
      %select_n3A_679 = arith.select %gt3A_677, %select_n3A_676, %select_n3A_634 : vector<16xi1>, vector<16xi32>
      %select_n3A_680 = arith.select %gt3A_677, %select_n3A_633, %select_n3A_675 : vector<16xi1>, vector<16xf32>
      %select_n3A_681 = arith.select %gt3A_677, %select_n3A_634, %select_n3A_676 : vector<16xi1>, vector<16xi32>
      %gt3A_682 = arith.cmpf ogt, %select_n3A_680, %select_n3A_638 : vector<16xf32>
      %select_n3A_683 = arith.select %gt3A_682, %select_n3A_680, %select_n3A_638 : vector<16xi1>, vector<16xf32>
      %select_n3A_684 = arith.select %gt3A_682, %select_n3A_681, %select_n3A_639 : vector<16xi1>, vector<16xi32>
      %select_n3A_685 = arith.select %gt3A_682, %select_n3A_638, %select_n3A_680 : vector<16xi1>, vector<16xf32>
      %select_n3A_686 = arith.select %gt3A_682, %select_n3A_639, %select_n3A_681 : vector<16xi1>, vector<16xi32>
      %gt3A_687 = arith.cmpf ogt, %select_n3A_685, %select_n3A_643 : vector<16xf32>
      %select_n3A_688 = arith.select %gt3A_687, %select_n3A_685, %select_n3A_643 : vector<16xi1>, vector<16xf32>
      %select_n3A_689 = arith.select %gt3A_687, %select_n3A_686, %select_n3A_644 : vector<16xi1>, vector<16xi32>
      %select_n3A_690 = arith.select %gt3A_687, %select_n3A_643, %select_n3A_685 : vector<16xi1>, vector<16xf32>
      %select_n3A_691 = arith.select %gt3A_687, %select_n3A_644, %select_n3A_686 : vector<16xi1>, vector<16xi32>
      %gt3A_692 = arith.cmpf ogt, %select_n3A_690, %select_n3A_648 : vector<16xf32>
      %select_n3A_693 = arith.select %gt3A_692, %select_n3A_690, %select_n3A_648 : vector<16xi1>, vector<16xf32>
      %select_n3A_694 = arith.select %gt3A_692, %select_n3A_691, %select_n3A_649 : vector<16xi1>, vector<16xi32>
      %select_n3A_695 = arith.select %gt3A_692, %select_n3A_648, %select_n3A_690 : vector<16xi1>, vector<16xf32>
      %select_n3A_696 = arith.select %gt3A_692, %select_n3A_649, %select_n3A_691 : vector<16xi1>, vector<16xi32>
      %gt3A_697 = arith.cmpf ogt, %select_n3A_695, %select_n3A_653 : vector<16xf32>
      %select_n3A_698 = arith.select %gt3A_697, %select_n3A_695, %select_n3A_653 : vector<16xi1>, vector<16xf32>
      %select_n3A_699 = arith.select %gt3A_697, %select_n3A_696, %select_n3A_654 : vector<16xi1>, vector<16xi32>
      %select_n3A_700 = arith.select %gt3A_697, %select_n3A_653, %select_n3A_695 : vector<16xi1>, vector<16xf32>
      %select_n3A_701 = arith.select %gt3A_697, %select_n3A_654, %select_n3A_696 : vector<16xi1>, vector<16xi32>
      %gt3A_702 = arith.cmpf ogt, %select_n3A_700, %select_n3A_658 : vector<16xf32>
      %select_n3A_703 = arith.select %gt3A_702, %select_n3A_700, %select_n3A_658 : vector<16xi1>, vector<16xf32>
      %select_n3A_704 = arith.select %gt3A_702, %select_n3A_701, %select_n3A_659 : vector<16xi1>, vector<16xi32>
      %get3A_705 = arith.constant 13 : i32
      %get3A_706 = arith.index_cast %select_n3A : i32 to index
      %get3A_707 = arith.index_cast %get3A_705 : i32 to index
      %get3A_708 = arith.index_cast %mul3A_89 : i32 to index
      %get3A_709 = tpu.vector_load %arg5[%get3A_706, %get3A_707, %get3A_708] {strides = array<i32>} : memref<1x64x320xf32, #tpu.memory_space<vmem>>, vector<16xf32>,
      %broadcast_in_dim3A_710 = arith.constant 13 : i32
      %broadcast_in_dim3A_711 = vector.broadcast %broadcast_in_dim3A_710 : i32 to vector<16xi32>
      %gt3A_712 = arith.cmpf ogt, %get3A_709, %select_n3A_668 : vector<16xf32>
      %select_n3A_713 = arith.select %gt3A_712, %get3A_709, %select_n3A_668 : vector<16xi1>, vector<16xf32>
      %select_n3A_714 = arith.select %gt3A_712, %broadcast_in_dim3A_711, %select_n3A_669 : vector<16xi1>, vector<16xi32>
      %select_n3A_715 = arith.select %gt3A_712, %select_n3A_668, %get3A_709 : vector<16xi1>, vector<16xf32>
      %select_n3A_716 = arith.select %gt3A_712, %select_n3A_669, %broadcast_in_dim3A_711 : vector<16xi1>, vector<16xi32>
      %gt3A_717 = arith.cmpf ogt, %select_n3A_715, %select_n3A_673 : vector<16xf32>
      %select_n3A_718 = arith.select %gt3A_717, %select_n3A_715, %select_n3A_673 : vector<16xi1>, vector<16xf32>
      %select_n3A_719 = arith.select %gt3A_717, %select_n3A_716, %select_n3A_674 : vector<16xi1>, vector<16xi32>
      %select_n3A_720 = arith.select %gt3A_717, %select_n3A_673, %select_n3A_715 : vector<16xi1>, vector<16xf32>
      %select_n3A_721 = arith.select %gt3A_717, %select_n3A_674, %select_n3A_716 : vector<16xi1>, vector<16xi32>
      %gt3A_722 = arith.cmpf ogt, %select_n3A_720, %select_n3A_678 : vector<16xf32>
      %select_n3A_723 = arith.select %gt3A_722, %select_n3A_720, %select_n3A_678 : vector<16xi1>, vector<16xf32>
      %select_n3A_724 = arith.select %gt3A_722, %select_n3A_721, %select_n3A_679 : vector<16xi1>, vector<16xi32>
      %select_n3A_725 = arith.select %gt3A_722, %select_n3A_678, %select_n3A_720 : vector<16xi1>, vector<16xf32>
      %select_n3A_726 = arith.select %gt3A_722, %select_n3A_679, %select_n3A_721 : vector<16xi1>, vector<16xi32>
      %gt3A_727 = arith.cmpf ogt, %select_n3A_725, %select_n3A_683 : vector<16xf32>
      %select_n3A_728 = arith.select %gt3A_727, %select_n3A_725, %select_n3A_683 : vector<16xi1>, vector<16xf32>
      %select_n3A_729 = arith.select %gt3A_727, %select_n3A_726, %select_n3A_684 : vector<16xi1>, vector<16xi32>
      %select_n3A_730 = arith.select %gt3A_727, %select_n3A_683, %select_n3A_725 : vector<16xi1>, vector<16xf32>
      %select_n3A_731 = arith.select %gt3A_727, %select_n3A_684, %select_n3A_726 : vector<16xi1>, vector<16xi32>
      %gt3A_732 = arith.cmpf ogt, %select_n3A_730, %select_n3A_688 : vector<16xf32>
      %select_n3A_733 = arith.select %gt3A_732, %select_n3A_730, %select_n3A_688 : vector<16xi1>, vector<16xf32>
      %select_n3A_734 = arith.select %gt3A_732, %select_n3A_731, %select_n3A_689 : vector<16xi1>, vector<16xi32>
      %select_n3A_735 = arith.select %gt3A_732, %select_n3A_688, %select_n3A_730 : vector<16xi1>, vector<16xf32>
      %select_n3A_736 = arith.select %gt3A_732, %select_n3A_689, %select_n3A_731 : vector<16xi1>, vector<16xi32>
      %gt3A_737 = arith.cmpf ogt, %select_n3A_735, %select_n3A_693 : vector<16xf32>
      %select_n3A_738 = arith.select %gt3A_737, %select_n3A_735, %select_n3A_693 : vector<16xi1>, vector<16xf32>
      %select_n3A_739 = arith.select %gt3A_737, %select_n3A_736, %select_n3A_694 : vector<16xi1>, vector<16xi32>
      %select_n3A_740 = arith.select %gt3A_737, %select_n3A_693, %select_n3A_735 : vector<16xi1>, vector<16xf32>
      %select_n3A_741 = arith.select %gt3A_737, %select_n3A_694, %select_n3A_736 : vector<16xi1>, vector<16xi32>
      %gt3A_742 = arith.cmpf ogt, %select_n3A_740, %select_n3A_698 : vector<16xf32>
      %select_n3A_743 = arith.select %gt3A_742, %select_n3A_740, %select_n3A_698 : vector<16xi1>, vector<16xf32>
      %select_n3A_744 = arith.select %gt3A_742, %select_n3A_741, %select_n3A_699 : vector<16xi1>, vector<16xi32>
      %select_n3A_745 = arith.select %gt3A_742, %select_n3A_698, %select_n3A_740 : vector<16xi1>, vector<16xf32>
      %select_n3A_746 = arith.select %gt3A_742, %select_n3A_699, %select_n3A_741 : vector<16xi1>, vector<16xi32>
      %gt3A_747 = arith.cmpf ogt, %select_n3A_745, %select_n3A_703 : vector<16xf32>
      %select_n3A_748 = arith.select %gt3A_747, %select_n3A_745, %select_n3A_703 : vector<16xi1>, vector<16xf32>
      %select_n3A_749 = arith.select %gt3A_747, %select_n3A_746, %select_n3A_704 : vector<16xi1>, vector<16xi32>
      %get3A_750 = arith.constant 14 : i32
      %get3A_751 = arith.index_cast %select_n3A : i32 to index
      %get3A_752 = arith.index_cast %get3A_750 : i32 to index
      %get3A_753 = arith.index_cast %mul3A_89 : i32 to index
      %get3A_754 = tpu.vector_load %arg5[%get3A_751, %get3A_752, %get3A_753] {strides = array<i32>} : memref<1x64x320xf32, #tpu.memory_space<vmem>>, vector<16xf32>,
      %broadcast_in_dim3A_755 = arith.constant 14 : i32
      %broadcast_in_dim3A_756 = vector.broadcast %broadcast_in_dim3A_755 : i32 to vector<16xi32>
      %gt3A_757 = arith.cmpf ogt, %get3A_754, %select_n3A_713 : vector<16xf32>
      %select_n3A_758 = arith.select %gt3A_757, %get3A_754, %select_n3A_713 : vector<16xi1>, vector<16xf32>
      %select_n3A_759 = arith.select %gt3A_757, %broadcast_in_dim3A_756, %select_n3A_714 : vector<16xi1>, vector<16xi32>
      %select_n3A_760 = arith.select %gt3A_757, %select_n3A_713, %get3A_754 : vector<16xi1>, vector<16xf32>
      %select_n3A_761 = arith.select %gt3A_757, %select_n3A_714, %broadcast_in_dim3A_756 : vector<16xi1>, vector<16xi32>
      %gt3A_762 = arith.cmpf ogt, %select_n3A_760, %select_n3A_718 : vector<16xf32>
      %select_n3A_763 = arith.select %gt3A_762, %select_n3A_760, %select_n3A_718 : vector<16xi1>, vector<16xf32>
      %select_n3A_764 = arith.select %gt3A_762, %select_n3A_761, %select_n3A_719 : vector<16xi1>, vector<16xi32>
      %select_n3A_765 = arith.select %gt3A_762, %select_n3A_718, %select_n3A_760 : vector<16xi1>, vector<16xf32>
      %select_n3A_766 = arith.select %gt3A_762, %select_n3A_719, %select_n3A_761 : vector<16xi1>, vector<16xi32>
      %gt3A_767 = arith.cmpf ogt, %select_n3A_765, %select_n3A_723 : vector<16xf32>
      %select_n3A_768 = arith.select %gt3A_767, %select_n3A_765, %select_n3A_723 : vector<16xi1>, vector<16xf32>
      %select_n3A_769 = arith.select %gt3A_767, %select_n3A_766, %select_n3A_724 : vector<16xi1>, vector<16xi32>
      %select_n3A_770 = arith.select %gt3A_767, %select_n3A_723, %select_n3A_765 : vector<16xi1>, vector<16xf32>
      %select_n3A_771 = arith.select %gt3A_767, %select_n3A_724, %select_n3A_766 : vector<16xi1>, vector<16xi32>
      %gt3A_772 = arith.cmpf ogt, %select_n3A_770, %select_n3A_728 : vector<16xf32>
      %select_n3A_773 = arith.select %gt3A_772, %select_n3A_770, %select_n3A_728 : vector<16xi1>, vector<16xf32>
      %select_n3A_774 = arith.select %gt3A_772, %select_n3A_771, %select_n3A_729 : vector<16xi1>, vector<16xi32>
      %select_n3A_775 = arith.select %gt3A_772, %select_n3A_728, %select_n3A_770 : vector<16xi1>, vector<16xf32>
      %select_n3A_776 = arith.select %gt3A_772, %select_n3A_729, %select_n3A_771 : vector<16xi1>, vector<16xi32>
      %gt3A_777 = arith.cmpf ogt, %select_n3A_775, %select_n3A_733 : vector<16xf32>
      %select_n3A_778 = arith.select %gt3A_777, %select_n3A_775, %select_n3A_733 : vector<16xi1>, vector<16xf32>
      %select_n3A_779 = arith.select %gt3A_777, %select_n3A_776, %select_n3A_734 : vector<16xi1>, vector<16xi32>
      %select_n3A_780 = arith.select %gt3A_777, %select_n3A_733, %select_n3A_775 : vector<16xi1>, vector<16xf32>
      %select_n3A_781 = arith.select %gt3A_777, %select_n3A_734, %select_n3A_776 : vector<16xi1>, vector<16xi32>
      %gt3A_782 = arith.cmpf ogt, %select_n3A_780, %select_n3A_738 : vector<16xf32>
      %select_n3A_783 = arith.select %gt3A_782, %select_n3A_780, %select_n3A_738 : vector<16xi1>, vector<16xf32>
      %select_n3A_784 = arith.select %gt3A_782, %select_n3A_781, %select_n3A_739 : vector<16xi1>, vector<16xi32>
      %select_n3A_785 = arith.select %gt3A_782, %select_n3A_738, %select_n3A_780 : vector<16xi1>, vector<16xf32>
      %select_n3A_786 = arith.select %gt3A_782, %select_n3A_739, %select_n3A_781 : vector<16xi1>, vector<16xi32>
      %gt3A_787 = arith.cmpf ogt, %select_n3A_785, %select_n3A_743 : vector<16xf32>
      %select_n3A_788 = arith.select %gt3A_787, %select_n3A_785, %select_n3A_743 : vector<16xi1>, vector<16xf32>
      %select_n3A_789 = arith.select %gt3A_787, %select_n3A_786, %select_n3A_744 : vector<16xi1>, vector<16xi32>
      %select_n3A_790 = arith.select %gt3A_787, %select_n3A_743, %select_n3A_785 : vector<16xi1>, vector<16xf32>
      %select_n3A_791 = arith.select %gt3A_787, %select_n3A_744, %select_n3A_786 : vector<16xi1>, vector<16xi32>
      %gt3A_792 = arith.cmpf ogt, %select_n3A_790, %select_n3A_748 : vector<16xf32>
      %select_n3A_793 = arith.select %gt3A_792, %select_n3A_790, %select_n3A_748 : vector<16xi1>, vector<16xf32>
      %select_n3A_794 = arith.select %gt3A_792, %select_n3A_791, %select_n3A_749 : vector<16xi1>, vector<16xi32>
      %get3A_795 = arith.constant 15 : i32
      %get3A_796 = arith.index_cast %select_n3A : i32 to index
      %get3A_797 = arith.index_cast %get3A_795 : i32 to index
      %get3A_798 = arith.index_cast %mul3A_89 : i32 to index
      %get3A_799 = tpu.vector_load %arg5[%get3A_796, %get3A_797, %get3A_798] {strides = array<i32>} : memref<1x64x320xf32, #tpu.memory_space<vmem>>, vector<16xf32>,
      %broadcast_in_dim3A_800 = arith.constant 15 : i32
      %broadcast_in_dim3A_801 = vector.broadcast %broadcast_in_dim3A_800 : i32 to vector<16xi32>
      %gt3A_802 = arith.cmpf ogt, %get3A_799, %select_n3A_758 : vector<16xf32>
      %select_n3A_803 = arith.select %gt3A_802, %get3A_799, %select_n3A_758 : vector<16xi1>, vector<16xf32>
      %select_n3A_804 = arith.select %gt3A_802, %broadcast_in_dim3A_801, %select_n3A_759 : vector<16xi1>, vector<16xi32>
      %select_n3A_805 = arith.select %gt3A_802, %select_n3A_758, %get3A_799 : vector<16xi1>, vector<16xf32>
      %select_n3A_806 = arith.select %gt3A_802, %select_n3A_759, %broadcast_in_dim3A_801 : vector<16xi1>, vector<16xi32>
      %gt3A_807 = arith.cmpf ogt, %select_n3A_805, %select_n3A_763 : vector<16xf32>
      %select_n3A_808 = arith.select %gt3A_807, %select_n3A_805, %select_n3A_763 : vector<16xi1>, vector<16xf32>
      %select_n3A_809 = arith.select %gt3A_807, %select_n3A_806, %select_n3A_764 : vector<16xi1>, vector<16xi32>
      %select_n3A_810 = arith.select %gt3A_807, %select_n3A_763, %select_n3A_805 : vector<16xi1>, vector<16xf32>
      %select_n3A_811 = arith.select %gt3A_807, %select_n3A_764, %select_n3A_806 : vector<16xi1>, vector<16xi32>
      %gt3A_812 = arith.cmpf ogt, %select_n3A_810, %select_n3A_768 : vector<16xf32>
      %select_n3A_813 = arith.select %gt3A_812, %select_n3A_810, %select_n3A_768 : vector<16xi1>, vector<16xf32>
      %select_n3A_814 = arith.select %gt3A_812, %select_n3A_811, %select_n3A_769 : vector<16xi1>, vector<16xi32>
      %select_n3A_815 = arith.select %gt3A_812, %select_n3A_768, %select_n3A_810 : vector<16xi1>, vector<16xf32>
      %select_n3A_816 = arith.select %gt3A_812, %select_n3A_769, %select_n3A_811 : vector<16xi1>, vector<16xi32>
      %gt3A_817 = arith.cmpf ogt, %select_n3A_815, %select_n3A_773 : vector<16xf32>
      %select_n3A_818 = arith.select %gt3A_817, %select_n3A_815, %select_n3A_773 : vector<16xi1>, vector<16xf32>
      %select_n3A_819 = arith.select %gt3A_817, %select_n3A_816, %select_n3A_774 : vector<16xi1>, vector<16xi32>
      %select_n3A_820 = arith.select %gt3A_817, %select_n3A_773, %select_n3A_815 : vector<16xi1>, vector<16xf32>
      %select_n3A_821 = arith.select %gt3A_817, %select_n3A_774, %select_n3A_816 : vector<16xi1>, vector<16xi32>
      %gt3A_822 = arith.cmpf ogt, %select_n3A_820, %select_n3A_778 : vector<16xf32>
      %select_n3A_823 = arith.select %gt3A_822, %select_n3A_820, %select_n3A_778 : vector<16xi1>, vector<16xf32>
      %select_n3A_824 = arith.select %gt3A_822, %select_n3A_821, %select_n3A_779 : vector<16xi1>, vector<16xi32>
      %select_n3A_825 = arith.select %gt3A_822, %select_n3A_778, %select_n3A_820 : vector<16xi1>, vector<16xf32>
      %select_n3A_826 = arith.select %gt3A_822, %select_n3A_779, %select_n3A_821 : vector<16xi1>, vector<16xi32>
      %gt3A_827 = arith.cmpf ogt, %select_n3A_825, %select_n3A_783 : vector<16xf32>
      %select_n3A_828 = arith.select %gt3A_827, %select_n3A_825, %select_n3A_783 : vector<16xi1>, vector<16xf32>
      %select_n3A_829 = arith.select %gt3A_827, %select_n3A_826, %select_n3A_784 : vector<16xi1>, vector<16xi32>
      %select_n3A_830 = arith.select %gt3A_827, %select_n3A_783, %select_n3A_825 : vector<16xi1>, vector<16xf32>
      %select_n3A_831 = arith.select %gt3A_827, %select_n3A_784, %select_n3A_826 : vector<16xi1>, vector<16xi32>
      %gt3A_832 = arith.cmpf ogt, %select_n3A_830, %select_n3A_788 : vector<16xf32>
      %select_n3A_833 = arith.select %gt3A_832, %select_n3A_830, %select_n3A_788 : vector<16xi1>, vector<16xf32>
      %select_n3A_834 = arith.select %gt3A_832, %select_n3A_831, %select_n3A_789 : vector<16xi1>, vector<16xi32>
      %select_n3A_835 = arith.select %gt3A_832, %select_n3A_788, %select_n3A_830 : vector<16xi1>, vector<16xf32>
      %select_n3A_836 = arith.select %gt3A_832, %select_n3A_789, %select_n3A_831 : vector<16xi1>, vector<16xi32>
      %gt3A_837 = arith.cmpf ogt, %select_n3A_835, %select_n3A_793 : vector<16xf32>
      %select_n3A_838 = arith.select %gt3A_837, %select_n3A_835, %select_n3A_793 : vector<16xi1>, vector<16xf32>
      %select_n3A_839 = arith.select %gt3A_837, %select_n3A_836, %select_n3A_794 : vector<16xi1>, vector<16xi32>
      %get3A_840 = arith.constant 16 : i32
      %get3A_841 = arith.index_cast %select_n3A : i32 to index
      %get3A_842 = arith.index_cast %get3A_840 : i32 to index
      %get3A_843 = arith.index_cast %mul3A_89 : i32 to index
      %get3A_844 = tpu.vector_load %arg5[%get3A_841, %get3A_842, %get3A_843] {strides = array<i32>} : memref<1x64x320xf32, #tpu.memory_space<vmem>>, vector<16xf32>,
      %broadcast_in_dim3A_845 = arith.constant 16 : i32
      %broadcast_in_dim3A_846 = vector.broadcast %broadcast_in_dim3A_845 : i32 to vector<16xi32>
      %gt3A_847 = arith.cmpf ogt, %get3A_844, %select_n3A_803 : vector<16xf32>
      %select_n3A_848 = arith.select %gt3A_847, %get3A_844, %select_n3A_803 : vector<16xi1>, vector<16xf32>
      %select_n3A_849 = arith.select %gt3A_847, %broadcast_in_dim3A_846, %select_n3A_804 : vector<16xi1>, vector<16xi32>
      %select_n3A_850 = arith.select %gt3A_847, %select_n3A_803, %get3A_844 : vector<16xi1>, vector<16xf32>
      %select_n3A_851 = arith.select %gt3A_847, %select_n3A_804, %broadcast_in_dim3A_846 : vector<16xi1>, vector<16xi32>
      %gt3A_852 = arith.cmpf ogt, %select_n3A_850, %select_n3A_808 : vector<16xf32>
      %select_n3A_853 = arith.select %gt3A_852, %select_n3A_850, %select_n3A_808 : vector<16xi1>, vector<16xf32>
      %select_n3A_854 = arith.select %gt3A_852, %select_n3A_851, %select_n3A_809 : vector<16xi1>, vector<16xi32>
      %select_n3A_855 = arith.select %gt3A_852, %select_n3A_808, %select_n3A_850 : vector<16xi1>, vector<16xf32>
      %select_n3A_856 = arith.select %gt3A_852, %select_n3A_809, %select_n3A_851 : vector<16xi1>, vector<16xi32>
      %gt3A_857 = arith.cmpf ogt, %select_n3A_855, %select_n3A_813 : vector<16xf32>
      %select_n3A_858 = arith.select %gt3A_857, %select_n3A_855, %select_n3A_813 : vector<16xi1>, vector<16xf32>
      %select_n3A_859 = arith.select %gt3A_857, %select_n3A_856, %select_n3A_814 : vector<16xi1>, vector<16xi32>
      %select_n3A_860 = arith.select %gt3A_857, %select_n3A_813, %select_n3A_855 : vector<16xi1>, vector<16xf32>
      %select_n3A_861 = arith.select %gt3A_857, %select_n3A_814, %select_n3A_856 : vector<16xi1>, vector<16xi32>
      %gt3A_862 = arith.cmpf ogt, %select_n3A_860, %select_n3A_818 : vector<16xf32>
      %select_n3A_863 = arith.select %gt3A_862, %select_n3A_860, %select_n3A_818 : vector<16xi1>, vector<16xf32>
      %select_n3A_864 = arith.select %gt3A_862, %select_n3A_861, %select_n3A_819 : vector<16xi1>, vector<16xi32>
      %select_n3A_865 = arith.select %gt3A_862, %select_n3A_818, %select_n3A_860 : vector<16xi1>, vector<16xf32>
      %select_n3A_866 = arith.select %gt3A_862, %select_n3A_819, %select_n3A_861 : vector<16xi1>, vector<16xi32>
      %gt3A_867 = arith.cmpf ogt, %select_n3A_865, %select_n3A_823 : vector<16xf32>
      %select_n3A_868 = arith.select %gt3A_867, %select_n3A_865, %select_n3A_823 : vector<16xi1>, vector<16xf32>
      %select_n3A_869 = arith.select %gt3A_867, %select_n3A_866, %select_n3A_824 : vector<16xi1>, vector<16xi32>
      %select_n3A_870 = arith.select %gt3A_867, %select_n3A_823, %select_n3A_865 : vector<16xi1>, vector<16xf32>
      %select_n3A_871 = arith.select %gt3A_867, %select_n3A_824, %select_n3A_866 : vector<16xi1>, vector<16xi32>
      %gt3A_872 = arith.cmpf ogt, %select_n3A_870, %select_n3A_828 : vector<16xf32>
      %select_n3A_873 = arith.select %gt3A_872, %select_n3A_870, %select_n3A_828 : vector<16xi1>, vector<16xf32>
      %select_n3A_874 = arith.select %gt3A_872, %select_n3A_871, %select_n3A_829 : vector<16xi1>, vector<16xi32>
      %select_n3A_875 = arith.select %gt3A_872, %select_n3A_828, %select_n3A_870 : vector<16xi1>, vector<16xf32>
      %select_n3A_876 = arith.select %gt3A_872, %select_n3A_829, %select_n3A_871 : vector<16xi1>, vector<16xi32>
      %gt3A_877 = arith.cmpf ogt, %select_n3A_875, %select_n3A_833 : vector<16xf32>
      %select_n3A_878 = arith.select %gt3A_877, %select_n3A_875, %select_n3A_833 : vector<16xi1>, vector<16xf32>
      %select_n3A_879 = arith.select %gt3A_877, %select_n3A_876, %select_n3A_834 : vector<16xi1>, vector<16xi32>
      %select_n3A_880 = arith.select %gt3A_877, %select_n3A_833, %select_n3A_875 : vector<16xi1>, vector<16xf32>
      %select_n3A_881 = arith.select %gt3A_877, %select_n3A_834, %select_n3A_876 : vector<16xi1>, vector<16xi32>
      %gt3A_882 = arith.cmpf ogt, %select_n3A_880, %select_n3A_838 : vector<16xf32>
      %select_n3A_883 = arith.select %gt3A_882, %select_n3A_880, %select_n3A_838 : vector<16xi1>, vector<16xf32>
      %select_n3A_884 = arith.select %gt3A_882, %select_n3A_881, %select_n3A_839 : vector<16xi1>, vector<16xi32>
      %get3A_885 = arith.constant 17 : i32
      %get3A_886 = arith.index_cast %select_n3A : i32 to index
      %get3A_887 = arith.index_cast %get3A_885 : i32 to index
      %get3A_888 = arith.index_cast %mul3A_89 : i32 to index
      %get3A_889 = tpu.vector_load %arg5[%get3A_886, %get3A_887, %get3A_888] {strides = array<i32>} : memref<1x64x320xf32, #tpu.memory_space<vmem>>, vector<16xf32>,
      %broadcast_in_dim3A_890 = arith.constant 17 : i32
      %broadcast_in_dim3A_891 = vector.broadcast %broadcast_in_dim3A_890 : i32 to vector<16xi32>
      %gt3A_892 = arith.cmpf ogt, %get3A_889, %select_n3A_848 : vector<16xf32>
      %select_n3A_893 = arith.select %gt3A_892, %get3A_889, %select_n3A_848 : vector<16xi1>, vector<16xf32>
      %select_n3A_894 = arith.select %gt3A_892, %broadcast_in_dim3A_891, %select_n3A_849 : vector<16xi1>, vector<16xi32>
      %select_n3A_895 = arith.select %gt3A_892, %select_n3A_848, %get3A_889 : vector<16xi1>, vector<16xf32>
      %select_n3A_896 = arith.select %gt3A_892, %select_n3A_849, %broadcast_in_dim3A_891 : vector<16xi1>, vector<16xi32>
      %gt3A_897 = arith.cmpf ogt, %select_n3A_895, %select_n3A_853 : vector<16xf32>
      %select_n3A_898 = arith.select %gt3A_897, %select_n3A_895, %select_n3A_853 : vector<16xi1>, vector<16xf32>
      %select_n3A_899 = arith.select %gt3A_897, %select_n3A_896, %select_n3A_854 : vector<16xi1>, vector<16xi32>
      %select_n3A_900 = arith.select %gt3A_897, %select_n3A_853, %select_n3A_895 : vector<16xi1>, vector<16xf32>
      %select_n3A_901 = arith.select %gt3A_897, %select_n3A_854, %select_n3A_896 : vector<16xi1>, vector<16xi32>
      %gt3A_902 = arith.cmpf ogt, %select_n3A_900, %select_n3A_858 : vector<16xf32>
      %select_n3A_903 = arith.select %gt3A_902, %select_n3A_900, %select_n3A_858 : vector<16xi1>, vector<16xf32>
      %select_n3A_904 = arith.select %gt3A_902, %select_n3A_901, %select_n3A_859 : vector<16xi1>, vector<16xi32>
      %select_n3A_905 = arith.select %gt3A_902, %select_n3A_858, %select_n3A_900 : vector<16xi1>, vector<16xf32>
      %select_n3A_906 = arith.select %gt3A_902, %select_n3A_859, %select_n3A_901 : vector<16xi1>, vector<16xi32>
      %gt3A_907 = arith.cmpf ogt, %select_n3A_905, %select_n3A_863 : vector<16xf32>
      %select_n3A_908 = arith.select %gt3A_907, %select_n3A_905, %select_n3A_863 : vector<16xi1>, vector<16xf32>
      %select_n3A_909 = arith.select %gt3A_907, %select_n3A_906, %select_n3A_864 : vector<16xi1>, vector<16xi32>
      %select_n3A_910 = arith.select %gt3A_907, %select_n3A_863, %select_n3A_905 : vector<16xi1>, vector<16xf32>
      %select_n3A_911 = arith.select %gt3A_907, %select_n3A_864, %select_n3A_906 : vector<16xi1>, vector<16xi32>
      %gt3A_912 = arith.cmpf ogt, %select_n3A_910, %select_n3A_868 : vector<16xf32>
      %select_n3A_913 = arith.select %gt3A_912, %select_n3A_910, %select_n3A_868 : vector<16xi1>, vector<16xf32>
      %select_n3A_914 = arith.select %gt3A_912, %select_n3A_911, %select_n3A_869 : vector<16xi1>, vector<16xi32>
      %select_n3A_915 = arith.select %gt3A_912, %select_n3A_868, %select_n3A_910 : vector<16xi1>, vector<16xf32>
      %select_n3A_916 = arith.select %gt3A_912, %select_n3A_869, %select_n3A_911 : vector<16xi1>, vector<16xi32>
      %gt3A_917 = arith.cmpf ogt, %select_n3A_915, %select_n3A_873 : vector<16xf32>
      %select_n3A_918 = arith.select %gt3A_917, %select_n3A_915, %select_n3A_873 : vector<16xi1>, vector<16xf32>
      %select_n3A_919 = arith.select %gt3A_917, %select_n3A_916, %select_n3A_874 : vector<16xi1>, vector<16xi32>
      %select_n3A_920 = arith.select %gt3A_917, %select_n3A_873, %select_n3A_915 : vector<16xi1>, vector<16xf32>
      %select_n3A_921 = arith.select %gt3A_917, %select_n3A_874, %select_n3A_916 : vector<16xi1>, vector<16xi32>
      %gt3A_922 = arith.cmpf ogt, %select_n3A_920, %select_n3A_878 : vector<16xf32>
      %select_n3A_923 = arith.select %gt3A_922, %select_n3A_920, %select_n3A_878 : vector<16xi1>, vector<16xf32>
      %select_n3A_924 = arith.select %gt3A_922, %select_n3A_921, %select_n3A_879 : vector<16xi1>, vector<16xi32>
      %select_n3A_925 = arith.select %gt3A_922, %select_n3A_878, %select_n3A_920 : vector<16xi1>, vector<16xf32>
      %select_n3A_926 = arith.select %gt3A_922, %select_n3A_879, %select_n3A_921 : vector<16xi1>, vector<16xi32>
      %gt3A_927 = arith.cmpf ogt, %select_n3A_925, %select_n3A_883 : vector<16xf32>
      %select_n3A_928 = arith.select %gt3A_927, %select_n3A_925, %select_n3A_883 : vector<16xi1>, vector<16xf32>
      %select_n3A_929 = arith.select %gt3A_927, %select_n3A_926, %select_n3A_884 : vector<16xi1>, vector<16xi32>
      %get3A_930 = arith.constant 18 : i32
      %get3A_931 = arith.index_cast %select_n3A : i32 to index
      %get3A_932 = arith.index_cast %get3A_930 : i32 to index
      %get3A_933 = arith.index_cast %mul3A_89 : i32 to index
      %get3A_934 = tpu.vector_load %arg5[%get3A_931, %get3A_932, %get3A_933] {strides = array<i32>} : memref<1x64x320xf32, #tpu.memory_space<vmem>>, vector<16xf32>,
      %broadcast_in_dim3A_935 = arith.constant 18 : i32
      %broadcast_in_dim3A_936 = vector.broadcast %broadcast_in_dim3A_935 : i32 to vector<16xi32>
      %gt3A_937 = arith.cmpf ogt, %get3A_934, %select_n3A_893 : vector<16xf32>
      %select_n3A_938 = arith.select %gt3A_937, %get3A_934, %select_n3A_893 : vector<16xi1>, vector<16xf32>
      %select_n3A_939 = arith.select %gt3A_937, %broadcast_in_dim3A_936, %select_n3A_894 : vector<16xi1>, vector<16xi32>
      %select_n3A_940 = arith.select %gt3A_937, %select_n3A_893, %get3A_934 : vector<16xi1>, vector<16xf32>
      %select_n3A_941 = arith.select %gt3A_937, %select_n3A_894, %broadcast_in_dim3A_936 : vector<16xi1>, vector<16xi32>
      %gt3A_942 = arith.cmpf ogt, %select_n3A_940, %select_n3A_898 : vector<16xf32>
      %select_n3A_943 = arith.select %gt3A_942, %select_n3A_940, %select_n3A_898 : vector<16xi1>, vector<16xf32>
      %select_n3A_944 = arith.select %gt3A_942, %select_n3A_941, %select_n3A_899 : vector<16xi1>, vector<16xi32>
      %select_n3A_945 = arith.select %gt3A_942, %select_n3A_898, %select_n3A_940 : vector<16xi1>, vector<16xf32>
      %select_n3A_946 = arith.select %gt3A_942, %select_n3A_899, %select_n3A_941 : vector<16xi1>, vector<16xi32>
      %gt3A_947 = arith.cmpf ogt, %select_n3A_945, %select_n3A_903 : vector<16xf32>
      %select_n3A_948 = arith.select %gt3A_947, %select_n3A_945, %select_n3A_903 : vector<16xi1>, vector<16xf32>
      %select_n3A_949 = arith.select %gt3A_947, %select_n3A_946, %select_n3A_904 : vector<16xi1>, vector<16xi32>
      %select_n3A_950 = arith.select %gt3A_947, %select_n3A_903, %select_n3A_945 : vector<16xi1>, vector<16xf32>
      %select_n3A_951 = arith.select %gt3A_947, %select_n3A_904, %select_n3A_946 : vector<16xi1>, vector<16xi32>
      %gt3A_952 = arith.cmpf ogt, %select_n3A_950, %select_n3A_908 : vector<16xf32>
      %select_n3A_953 = arith.select %gt3A_952, %select_n3A_950, %select_n3A_908 : vector<16xi1>, vector<16xf32>
      %select_n3A_954 = arith.select %gt3A_952, %select_n3A_951, %select_n3A_909 : vector<16xi1>, vector<16xi32>
      %select_n3A_955 = arith.select %gt3A_952, %select_n3A_908, %select_n3A_950 : vector<16xi1>, vector<16xf32>
      %select_n3A_956 = arith.select %gt3A_952, %select_n3A_909, %select_n3A_951 : vector<16xi1>, vector<16xi32>
      %gt3A_957 = arith.cmpf ogt, %select_n3A_955, %select_n3A_913 : vector<16xf32>
      %select_n3A_958 = arith.select %gt3A_957, %select_n3A_955, %select_n3A_913 : vector<16xi1>, vector<16xf32>
      %select_n3A_959 = arith.select %gt3A_957, %select_n3A_956, %select_n3A_914 : vector<16xi1>, vector<16xi32>
      %select_n3A_960 = arith.select %gt3A_957, %select_n3A_913, %select_n3A_955 : vector<16xi1>, vector<16xf32>
      %select_n3A_961 = arith.select %gt3A_957, %select_n3A_914, %select_n3A_956 : vector<16xi1>, vector<16xi32>
      %gt3A_962 = arith.cmpf ogt, %select_n3A_960, %select_n3A_918 : vector<16xf32>
      %select_n3A_963 = arith.select %gt3A_962, %select_n3A_960, %select_n3A_918 : vector<16xi1>, vector<16xf32>
      %select_n3A_964 = arith.select %gt3A_962, %select_n3A_961, %select_n3A_919 : vector<16xi1>, vector<16xi32>
      %select_n3A_965 = arith.select %gt3A_962, %select_n3A_918, %select_n3A_960 : vector<16xi1>, vector<16xf32>
      %select_n3A_966 = arith.select %gt3A_962, %select_n3A_919, %select_n3A_961 : vector<16xi1>, vector<16xi32>
      %gt3A_967 = arith.cmpf ogt, %select_n3A_965, %select_n3A_923 : vector<16xf32>
      %select_n3A_968 = arith.select %gt3A_967, %select_n3A_965, %select_n3A_923 : vector<16xi1>, vector<16xf32>
      %select_n3A_969 = arith.select %gt3A_967, %select_n3A_966, %select_n3A_924 : vector<16xi1>, vector<16xi32>
      %select_n3A_970 = arith.select %gt3A_967, %select_n3A_923, %select_n3A_965 : vector<16xi1>, vector<16xf32>
      %select_n3A_971 = arith.select %gt3A_967, %select_n3A_924, %select_n3A_966 : vector<16xi1>, vector<16xi32>
      %gt3A_972 = arith.cmpf ogt, %select_n3A_970, %select_n3A_928 : vector<16xf32>
      %select_n3A_973 = arith.select %gt3A_972, %select_n3A_970, %select_n3A_928 : vector<16xi1>, vector<16xf32>
      %select_n3A_974 = arith.select %gt3A_972, %select_n3A_971, %select_n3A_929 : vector<16xi1>, vector<16xi32>
      %get3A_975 = arith.constant 19 : i32
      %get3A_976 = arith.index_cast %select_n3A : i32 to index
      %get3A_977 = arith.index_cast %get3A_975 : i32 to index
      %get3A_978 = arith.index_cast %mul3A_89 : i32 to index
      %get3A_979 = tpu.vector_load %arg5[%get3A_976, %get3A_977, %get3A_978] {strides = array<i32>} : memref<1x64x320xf32, #tpu.memory_space<vmem>>, vector<16xf32>,
      %broadcast_in_dim3A_980 = arith.constant 19 : i32
      %broadcast_in_dim3A_981 = vector.broadcast %broadcast_in_dim3A_980 : i32 to vector<16xi32>
      %gt3A_982 = arith.cmpf ogt, %get3A_979, %select_n3A_938 : vector<16xf32>
      %select_n3A_983 = arith.select %gt3A_982, %get3A_979, %select_n3A_938 : vector<16xi1>, vector<16xf32>
      %select_n3A_984 = arith.select %gt3A_982, %broadcast_in_dim3A_981, %select_n3A_939 : vector<16xi1>, vector<16xi32>
      %select_n3A_985 = arith.select %gt3A_982, %select_n3A_938, %get3A_979 : vector<16xi1>, vector<16xf32>
      %select_n3A_986 = arith.select %gt3A_982, %select_n3A_939, %broadcast_in_dim3A_981 : vector<16xi1>, vector<16xi32>
      %gt3A_987 = arith.cmpf ogt, %select_n3A_985, %select_n3A_943 : vector<16xf32>
      %select_n3A_988 = arith.select %gt3A_987, %select_n3A_985, %select_n3A_943 : vector<16xi1>, vector<16xf32>
      %select_n3A_989 = arith.select %gt3A_987, %select_n3A_986, %select_n3A_944 : vector<16xi1>, vector<16xi32>
      %select_n3A_990 = arith.select %gt3A_987, %select_n3A_943, %select_n3A_985 : vector<16xi1>, vector<16xf32>
      %select_n3A_991 = arith.select %gt3A_987, %select_n3A_944, %select_n3A_986 : vector<16xi1>, vector<16xi32>
      %gt3A_992 = arith.cmpf ogt, %select_n3A_990, %select_n3A_948 : vector<16xf32>
      %select_n3A_993 = arith.select %gt3A_992, %select_n3A_990, %select_n3A_948 : vector<16xi1>, vector<16xf32>
      %select_n3A_994 = arith.select %gt3A_992, %select_n3A_991, %select_n3A_949 : vector<16xi1>, vector<16xi32>
      %select_n3A_995 = arith.select %gt3A_992, %select_n3A_948, %select_n3A_990 : vector<16xi1>, vector<16xf32>
      %select_n3A_996 = arith.select %gt3A_992, %select_n3A_949, %select_n3A_991 : vector<16xi1>, vector<16xi32>
      %gt3A_997 = arith.cmpf ogt, %select_n3A_995, %select_n3A_953 : vector<16xf32>
      %select_n3A_998 = arith.select %gt3A_997, %select_n3A_995, %select_n3A_953 : vector<16xi1>, vector<16xf32>
      %select_n3A_999 = arith.select %gt3A_997, %select_n3A_996, %select_n3A_954 : vector<16xi1>, vector<16xi32>
      %select_n3A_1000 = arith.select %gt3A_997, %select_n3A_953, %select_n3A_995 : vector<16xi1>, vector<16xf32>
      %select_n3A_1001 = arith.select %gt3A_997, %select_n3A_954, %select_n3A_996 : vector<16xi1>, vector<16xi32>
      %gt3A_1002 = arith.cmpf ogt, %select_n3A_1000, %select_n3A_958 : vector<16xf32>
      %select_n3A_1003 = arith.select %gt3A_1002, %select_n3A_1000, %select_n3A_958 : vector<16xi1>, vector<16xf32>
      %select_n3A_1004 = arith.select %gt3A_1002, %select_n3A_1001, %select_n3A_959 : vector<16xi1>, vector<16xi32>
      %select_n3A_1005 = arith.select %gt3A_1002, %select_n3A_958, %select_n3A_1000 : vector<16xi1>, vector<16xf32>
      %select_n3A_1006 = arith.select %gt3A_1002, %select_n3A_959, %select_n3A_1001 : vector<16xi1>, vector<16xi32>
      %gt3A_1007 = arith.cmpf ogt, %select_n3A_1005, %select_n3A_963 : vector<16xf32>
      %select_n3A_1008 = arith.select %gt3A_1007, %select_n3A_1005, %select_n3A_963 : vector<16xi1>, vector<16xf32>
      %select_n3A_1009 = arith.select %gt3A_1007, %select_n3A_1006, %select_n3A_964 : vector<16xi1>, vector<16xi32>
      %select_n3A_1010 = arith.select %gt3A_1007, %select_n3A_963, %select_n3A_1005 : vector<16xi1>, vector<16xf32>
      %select_n3A_1011 = arith.select %gt3A_1007, %select_n3A_964, %select_n3A_1006 : vector<16xi1>, vector<16xi32>
      %gt3A_1012 = arith.cmpf ogt, %select_n3A_1010, %select_n3A_968 : vector<16xf32>
      %select_n3A_1013 = arith.select %gt3A_1012, %select_n3A_1010, %select_n3A_968 : vector<16xi1>, vector<16xf32>
      %select_n3A_1014 = arith.select %gt3A_1012, %select_n3A_1011, %select_n3A_969 : vector<16xi1>, vector<16xi32>
      %select_n3A_1015 = arith.select %gt3A_1012, %select_n3A_968, %select_n3A_1010 : vector<16xi1>, vector<16xf32>
      %select_n3A_1016 = arith.select %gt3A_1012, %select_n3A_969, %select_n3A_1011 : vector<16xi1>, vector<16xi32>
      %gt3A_1017 = arith.cmpf ogt, %select_n3A_1015, %select_n3A_973 : vector<16xf32>
      %select_n3A_1018 = arith.select %gt3A_1017, %select_n3A_1015, %select_n3A_973 : vector<16xi1>, vector<16xf32>
      %select_n3A_1019 = arith.select %gt3A_1017, %select_n3A_1016, %select_n3A_974 : vector<16xi1>, vector<16xi32>
      %get3A_1020 = arith.constant 20 : i32
      %get3A_1021 = arith.index_cast %select_n3A : i32 to index
      %get3A_1022 = arith.index_cast %get3A_1020 : i32 to index
      %get3A_1023 = arith.index_cast %mul3A_89 : i32 to index
      %get3A_1024 = tpu.vector_load %arg5[%get3A_1021, %get3A_1022, %get3A_1023] {strides = array<i32>} : memref<1x64x320xf32, #tpu.memory_space<vmem>>, vector<16xf32>,
      %broadcast_in_dim3A_1025 = arith.constant 20 : i32
      %broadcast_in_dim3A_1026 = vector.broadcast %broadcast_in_dim3A_1025 : i32 to vector<16xi32>
      %gt3A_1027 = arith.cmpf ogt, %get3A_1024, %select_n3A_983 : vector<16xf32>
      %select_n3A_1028 = arith.select %gt3A_1027, %get3A_1024, %select_n3A_983 : vector<16xi1>, vector<16xf32>
      %select_n3A_1029 = arith.select %gt3A_1027, %broadcast_in_dim3A_1026, %select_n3A_984 : vector<16xi1>, vector<16xi32>
      %select_n3A_1030 = arith.select %gt3A_1027, %select_n3A_983, %get3A_1024 : vector<16xi1>, vector<16xf32>
      %select_n3A_1031 = arith.select %gt3A_1027, %select_n3A_984, %broadcast_in_dim3A_1026 : vector<16xi1>, vector<16xi32>
      %gt3A_1032 = arith.cmpf ogt, %select_n3A_1030, %select_n3A_988 : vector<16xf32>
      %select_n3A_1033 = arith.select %gt3A_1032, %select_n3A_1030, %select_n3A_988 : vector<16xi1>, vector<16xf32>
      %select_n3A_1034 = arith.select %gt3A_1032, %select_n3A_1031, %select_n3A_989 : vector<16xi1>, vector<16xi32>
      %select_n3A_1035 = arith.select %gt3A_1032, %select_n3A_988, %select_n3A_1030 : vector<16xi1>, vector<16xf32>
      %select_n3A_1036 = arith.select %gt3A_1032, %select_n3A_989, %select_n3A_1031 : vector<16xi1>, vector<16xi32>
      %gt3A_1037 = arith.cmpf ogt, %select_n3A_1035, %select_n3A_993 : vector<16xf32>
      %select_n3A_1038 = arith.select %gt3A_1037, %select_n3A_1035, %select_n3A_993 : vector<16xi1>, vector<16xf32>
      %select_n3A_1039 = arith.select %gt3A_1037, %select_n3A_1036, %select_n3A_994 : vector<16xi1>, vector<16xi32>
      %select_n3A_1040 = arith.select %gt3A_1037, %select_n3A_993, %select_n3A_1035 : vector<16xi1>, vector<16xf32>
      %select_n3A_1041 = arith.select %gt3A_1037, %select_n3A_994, %select_n3A_1036 : vector<16xi1>, vector<16xi32>
      %gt3A_1042 = arith.cmpf ogt, %select_n3A_1040, %select_n3A_998 : vector<16xf32>
      %select_n3A_1043 = arith.select %gt3A_1042, %select_n3A_1040, %select_n3A_998 : vector<16xi1>, vector<16xf32>
      %select_n3A_1044 = arith.select %gt3A_1042, %select_n3A_1041, %select_n3A_999 : vector<16xi1>, vector<16xi32>
      %select_n3A_1045 = arith.select %gt3A_1042, %select_n3A_998, %select_n3A_1040 : vector<16xi1>, vector<16xf32>
      %select_n3A_1046 = arith.select %gt3A_1042, %select_n3A_999, %select_n3A_1041 : vector<16xi1>, vector<16xi32>
      %gt3A_1047 = arith.cmpf ogt, %select_n3A_1045, %select_n3A_1003 : vector<16xf32>
      %select_n3A_1048 = arith.select %gt3A_1047, %select_n3A_1045, %select_n3A_1003 : vector<16xi1>, vector<16xf32>
      %select_n3A_1049 = arith.select %gt3A_1047, %select_n3A_1046, %select_n3A_1004 : vector<16xi1>, vector<16xi32>
      %select_n3A_1050 = arith.select %gt3A_1047, %select_n3A_1003, %select_n3A_1045 : vector<16xi1>, vector<16xf32>
      %select_n3A_1051 = arith.select %gt3A_1047, %select_n3A_1004, %select_n3A_1046 : vector<16xi1>, vector<16xi32>
      %gt3A_1052 = arith.cmpf ogt, %select_n3A_1050, %select_n3A_1008 : vector<16xf32>
      %select_n3A_1053 = arith.select %gt3A_1052, %select_n3A_1050, %select_n3A_1008 : vector<16xi1>, vector<16xf32>
      %select_n3A_1054 = arith.select %gt3A_1052, %select_n3A_1051, %select_n3A_1009 : vector<16xi1>, vector<16xi32>
      %select_n3A_1055 = arith.select %gt3A_1052, %select_n3A_1008, %select_n3A_1050 : vector<16xi1>, vector<16xf32>
      %select_n3A_1056 = arith.select %gt3A_1052, %select_n3A_1009, %select_n3A_1051 : vector<16xi1>, vector<16xi32>
      %gt3A_1057 = arith.cmpf ogt, %select_n3A_1055, %select_n3A_1013 : vector<16xf32>
      %select_n3A_1058 = arith.select %gt3A_1057, %select_n3A_1055, %select_n3A_1013 : vector<16xi1>, vector<16xf32>
      %select_n3A_1059 = arith.select %gt3A_1057, %select_n3A_1056, %select_n3A_1014 : vector<16xi1>, vector<16xi32>
      %select_n3A_1060 = arith.select %gt3A_1057, %select_n3A_1013, %select_n3A_1055 : vector<16xi1>, vector<16xf32>
      %select_n3A_1061 = arith.select %gt3A_1057, %select_n3A_1014, %select_n3A_1056 : vector<16xi1>, vector<16xi32>
      %gt3A_1062 = arith.cmpf ogt, %select_n3A_1060, %select_n3A_1018 : vector<16xf32>
      %select_n3A_1063 = arith.select %gt3A_1062, %select_n3A_1060, %select_n3A_1018 : vector<16xi1>, vector<16xf32>
      %select_n3A_1064 = arith.select %gt3A_1062, %select_n3A_1061, %select_n3A_1019 : vector<16xi1>, vector<16xi32>
      %get3A_1065 = arith.constant 21 : i32
      %get3A_1066 = arith.index_cast %select_n3A : i32 to index
      %get3A_1067 = arith.index_cast %get3A_1065 : i32 to index
      %get3A_1068 = arith.index_cast %mul3A_89 : i32 to index
      %get3A_1069 = tpu.vector_load %arg5[%get3A_1066, %get3A_1067, %get3A_1068] {strides = array<i32>} : memref<1x64x320xf32, #tpu.memory_space<vmem>>, vector<16xf32>,
      %broadcast_in_dim3A_1070 = arith.constant 21 : i32
      %broadcast_in_dim3A_1071 = vector.broadcast %broadcast_in_dim3A_1070 : i32 to vector<16xi32>
      %gt3A_1072 = arith.cmpf ogt, %get3A_1069, %select_n3A_1028 : vector<16xf32>
      %select_n3A_1073 = arith.select %gt3A_1072, %get3A_1069, %select_n3A_1028 : vector<16xi1>, vector<16xf32>
      %select_n3A_1074 = arith.select %gt3A_1072, %broadcast_in_dim3A_1071, %select_n3A_1029 : vector<16xi1>, vector<16xi32>
      %select_n3A_1075 = arith.select %gt3A_1072, %select_n3A_1028, %get3A_1069 : vector<16xi1>, vector<16xf32>
      %select_n3A_1076 = arith.select %gt3A_1072, %select_n3A_1029, %broadcast_in_dim3A_1071 : vector<16xi1>, vector<16xi32>
      %gt3A_1077 = arith.cmpf ogt, %select_n3A_1075, %select_n3A_1033 : vector<16xf32>
      %select_n3A_1078 = arith.select %gt3A_1077, %select_n3A_1075, %select_n3A_1033 : vector<16xi1>, vector<16xf32>
      %select_n3A_1079 = arith.select %gt3A_1077, %select_n3A_1076, %select_n3A_1034 : vector<16xi1>, vector<16xi32>
      %select_n3A_1080 = arith.select %gt3A_1077, %select_n3A_1033, %select_n3A_1075 : vector<16xi1>, vector<16xf32>
      %select_n3A_1081 = arith.select %gt3A_1077, %select_n3A_1034, %select_n3A_1076 : vector<16xi1>, vector<16xi32>
      %gt3A_1082 = arith.cmpf ogt, %select_n3A_1080, %select_n3A_1038 : vector<16xf32>
      %select_n3A_1083 = arith.select %gt3A_1082, %select_n3A_1080, %select_n3A_1038 : vector<16xi1>, vector<16xf32>
      %select_n3A_1084 = arith.select %gt3A_1082, %select_n3A_1081, %select_n3A_1039 : vector<16xi1>, vector<16xi32>
      %select_n3A_1085 = arith.select %gt3A_1082, %select_n3A_1038, %select_n3A_1080 : vector<16xi1>, vector<16xf32>
      %select_n3A_1086 = arith.select %gt3A_1082, %select_n3A_1039, %select_n3A_1081 : vector<16xi1>, vector<16xi32>
      %gt3A_1087 = arith.cmpf ogt, %select_n3A_1085, %select_n3A_1043 : vector<16xf32>
      %select_n3A_1088 = arith.select %gt3A_1087, %select_n3A_1085, %select_n3A_1043 : vector<16xi1>, vector<16xf32>
      %select_n3A_1089 = arith.select %gt3A_1087, %select_n3A_1086, %select_n3A_1044 : vector<16xi1>, vector<16xi32>
      %select_n3A_1090 = arith.select %gt3A_1087, %select_n3A_1043, %select_n3A_1085 : vector<16xi1>, vector<16xf32>
      %select_n3A_1091 = arith.select %gt3A_1087, %select_n3A_1044, %select_n3A_1086 : vector<16xi1>, vector<16xi32>
      %gt3A_1092 = arith.cmpf ogt, %select_n3A_1090, %select_n3A_1048 : vector<16xf32>
      %select_n3A_1093 = arith.select %gt3A_1092, %select_n3A_1090, %select_n3A_1048 : vector<16xi1>, vector<16xf32>
      %select_n3A_1094 = arith.select %gt3A_1092, %select_n3A_1091, %select_n3A_1049 : vector<16xi1>, vector<16xi32>
      %select_n3A_1095 = arith.select %gt3A_1092, %select_n3A_1048, %select_n3A_1090 : vector<16xi1>, vector<16xf32>
      %select_n3A_1096 = arith.select %gt3A_1092, %select_n3A_1049, %select_n3A_1091 : vector<16xi1>, vector<16xi32>
      %gt3A_1097 = arith.cmpf ogt, %select_n3A_1095, %select_n3A_1053 : vector<16xf32>
      %select_n3A_1098 = arith.select %gt3A_1097, %select_n3A_1095, %select_n3A_1053 : vector<16xi1>, vector<16xf32>
      %select_n3A_1099 = arith.select %gt3A_1097, %select_n3A_1096, %select_n3A_1054 : vector<16xi1>, vector<16xi32>
      %select_n3A_1100 = arith.select %gt3A_1097, %select_n3A_1053, %select_n3A_1095 : vector<16xi1>, vector<16xf32>
      %select_n3A_1101 = arith.select %gt3A_1097, %select_n3A_1054, %select_n3A_1096 : vector<16xi1>, vector<16xi32>
      %gt3A_1102 = arith.cmpf ogt, %select_n3A_1100, %select_n3A_1058 : vector<16xf32>
      %select_n3A_1103 = arith.select %gt3A_1102, %select_n3A_1100, %select_n3A_1058 : vector<16xi1>, vector<16xf32>
      %select_n3A_1104 = arith.select %gt3A_1102, %select_n3A_1101, %select_n3A_1059 : vector<16xi1>, vector<16xi32>
      %select_n3A_1105 = arith.select %gt3A_1102, %select_n3A_1058, %select_n3A_1100 : vector<16xi1>, vector<16xf32>
      %select_n3A_1106 = arith.select %gt3A_1102, %select_n3A_1059, %select_n3A_1101 : vector<16xi1>, vector<16xi32>
      %gt3A_1107 = arith.cmpf ogt, %select_n3A_1105, %select_n3A_1063 : vector<16xf32>
      %select_n3A_1108 = arith.select %gt3A_1107, %select_n3A_1105, %select_n3A_1063 : vector<16xi1>, vector<16xf32>
      %select_n3A_1109 = arith.select %gt3A_1107, %select_n3A_1106, %select_n3A_1064 : vector<16xi1>, vector<16xi32>
      %get3A_1110 = arith.constant 22 : i32
      %get3A_1111 = arith.index_cast %select_n3A : i32 to index
      %get3A_1112 = arith.index_cast %get3A_1110 : i32 to index
      %get3A_1113 = arith.index_cast %mul3A_89 : i32 to index
      %get3A_1114 = tpu.vector_load %arg5[%get3A_1111, %get3A_1112, %get3A_1113] {strides = array<i32>} : memref<1x64x320xf32, #tpu.memory_space<vmem>>, vector<16xf32>,
      %broadcast_in_dim3A_1115 = arith.constant 22 : i32
      %broadcast_in_dim3A_1116 = vector.broadcast %broadcast_in_dim3A_1115 : i32 to vector<16xi32>
      %gt3A_1117 = arith.cmpf ogt, %get3A_1114, %select_n3A_1073 : vector<16xf32>
      %select_n3A_1118 = arith.select %gt3A_1117, %get3A_1114, %select_n3A_1073 : vector<16xi1>, vector<16xf32>
      %select_n3A_1119 = arith.select %gt3A_1117, %broadcast_in_dim3A_1116, %select_n3A_1074 : vector<16xi1>, vector<16xi32>
      %select_n3A_1120 = arith.select %gt3A_1117, %select_n3A_1073, %get3A_1114 : vector<16xi1>, vector<16xf32>
      %select_n3A_1121 = arith.select %gt3A_1117, %select_n3A_1074, %broadcast_in_dim3A_1116 : vector<16xi1>, vector<16xi32>
      %gt3A_1122 = arith.cmpf ogt, %select_n3A_1120, %select_n3A_1078 : vector<16xf32>
      %select_n3A_1123 = arith.select %gt3A_1122, %select_n3A_1120, %select_n3A_1078 : vector<16xi1>, vector<16xf32>
      %select_n3A_1124 = arith.select %gt3A_1122, %select_n3A_1121, %select_n3A_1079 : vector<16xi1>, vector<16xi32>
      %select_n3A_1125 = arith.select %gt3A_1122, %select_n3A_1078, %select_n3A_1120 : vector<16xi1>, vector<16xf32>
      %select_n3A_1126 = arith.select %gt3A_1122, %select_n3A_1079, %select_n3A_1121 : vector<16xi1>, vector<16xi32>
      %gt3A_1127 = arith.cmpf ogt, %select_n3A_1125, %select_n3A_1083 : vector<16xf32>
      %select_n3A_1128 = arith.select %gt3A_1127, %select_n3A_1125, %select_n3A_1083 : vector<16xi1>, vector<16xf32>
      %select_n3A_1129 = arith.select %gt3A_1127, %select_n3A_1126, %select_n3A_1084 : vector<16xi1>, vector<16xi32>
      %select_n3A_1130 = arith.select %gt3A_1127, %select_n3A_1083, %select_n3A_1125 : vector<16xi1>, vector<16xf32>
      %select_n3A_1131 = arith.select %gt3A_1127, %select_n3A_1084, %select_n3A_1126 : vector<16xi1>, vector<16xi32>
      %gt3A_1132 = arith.cmpf ogt, %select_n3A_1130, %select_n3A_1088 : vector<16xf32>
      %select_n3A_1133 = arith.select %gt3A_1132, %select_n3A_1130, %select_n3A_1088 : vector<16xi1>, vector<16xf32>
      %select_n3A_1134 = arith.select %gt3A_1132, %select_n3A_1131, %select_n3A_1089 : vector<16xi1>, vector<16xi32>
      %select_n3A_1135 = arith.select %gt3A_1132, %select_n3A_1088, %select_n3A_1130 : vector<16xi1>, vector<16xf32>
      %select_n3A_1136 = arith.select %gt3A_1132, %select_n3A_1089, %select_n3A_1131 : vector<16xi1>, vector<16xi32>
      %gt3A_1137 = arith.cmpf ogt, %select_n3A_1135, %select_n3A_1093 : vector<16xf32>
      %select_n3A_1138 = arith.select %gt3A_1137, %select_n3A_1135, %select_n3A_1093 : vector<16xi1>, vector<16xf32>
      %select_n3A_1139 = arith.select %gt3A_1137, %select_n3A_1136, %select_n3A_1094 : vector<16xi1>, vector<16xi32>
      %select_n3A_1140 = arith.select %gt3A_1137, %select_n3A_1093, %select_n3A_1135 : vector<16xi1>, vector<16xf32>
      %select_n3A_1141 = arith.select %gt3A_1137, %select_n3A_1094, %select_n3A_1136 : vector<16xi1>, vector<16xi32>
      %gt3A_1142 = arith.cmpf ogt, %select_n3A_1140, %select_n3A_1098 : vector<16xf32>
      %select_n3A_1143 = arith.select %gt3A_1142, %select_n3A_1140, %select_n3A_1098 : vector<16xi1>, vector<16xf32>
      %select_n3A_1144 = arith.select %gt3A_1142, %select_n3A_1141, %select_n3A_1099 : vector<16xi1>, vector<16xi32>
      %select_n3A_1145 = arith.select %gt3A_1142, %select_n3A_1098, %select_n3A_1140 : vector<16xi1>, vector<16xf32>
      %select_n3A_1146 = arith.select %gt3A_1142, %select_n3A_1099, %select_n3A_1141 : vector<16xi1>, vector<16xi32>
      %gt3A_1147 = arith.cmpf ogt, %select_n3A_1145, %select_n3A_1103 : vector<16xf32>
      %select_n3A_1148 = arith.select %gt3A_1147, %select_n3A_1145, %select_n3A_1103 : vector<16xi1>, vector<16xf32>
      %select_n3A_1149 = arith.select %gt3A_1147, %select_n3A_1146, %select_n3A_1104 : vector<16xi1>, vector<16xi32>
      %select_n3A_1150 = arith.select %gt3A_1147, %select_n3A_1103, %select_n3A_1145 : vector<16xi1>, vector<16xf32>
      %select_n3A_1151 = arith.select %gt3A_1147, %select_n3A_1104, %select_n3A_1146 : vector<16xi1>, vector<16xi32>
      %gt3A_1152 = arith.cmpf ogt, %select_n3A_1150, %select_n3A_1108 : vector<16xf32>
      %select_n3A_1153 = arith.select %gt3A_1152, %select_n3A_1150, %select_n3A_1108 : vector<16xi1>, vector<16xf32>
      %select_n3A_1154 = arith.select %gt3A_1152, %select_n3A_1151, %select_n3A_1109 : vector<16xi1>, vector<16xi32>
      %get3A_1155 = arith.constant 23 : i32
      %get3A_1156 = arith.index_cast %select_n3A : i32 to index
      %get3A_1157 = arith.index_cast %get3A_1155 : i32 to index
      %get3A_1158 = arith.index_cast %mul3A_89 : i32 to index
      %get3A_1159 = tpu.vector_load %arg5[%get3A_1156, %get3A_1157, %get3A_1158] {strides = array<i32>} : memref<1x64x320xf32, #tpu.memory_space<vmem>>, vector<16xf32>,
      %broadcast_in_dim3A_1160 = arith.constant 23 : i32
      %broadcast_in_dim3A_1161 = vector.broadcast %broadcast_in_dim3A_1160 : i32 to vector<16xi32>
      %gt3A_1162 = arith.cmpf ogt, %get3A_1159, %select_n3A_1118 : vector<16xf32>
      %select_n3A_1163 = arith.select %gt3A_1162, %get3A_1159, %select_n3A_1118 : vector<16xi1>, vector<16xf32>
      %select_n3A_1164 = arith.select %gt3A_1162, %broadcast_in_dim3A_1161, %select_n3A_1119 : vector<16xi1>, vector<16xi32>
      %select_n3A_1165 = arith.select %gt3A_1162, %select_n3A_1118, %get3A_1159 : vector<16xi1>, vector<16xf32>
      %select_n3A_1166 = arith.select %gt3A_1162, %select_n3A_1119, %broadcast_in_dim3A_1161 : vector<16xi1>, vector<16xi32>
      %gt3A_1167 = arith.cmpf ogt, %select_n3A_1165, %select_n3A_1123 : vector<16xf32>
      %select_n3A_1168 = arith.select %gt3A_1167, %select_n3A_1165, %select_n3A_1123 : vector<16xi1>, vector<16xf32>
      %select_n3A_1169 = arith.select %gt3A_1167, %select_n3A_1166, %select_n3A_1124 : vector<16xi1>, vector<16xi32>
      %select_n3A_1170 = arith.select %gt3A_1167, %select_n3A_1123, %select_n3A_1165 : vector<16xi1>, vector<16xf32>
      %select_n3A_1171 = arith.select %gt3A_1167, %select_n3A_1124, %select_n3A_1166 : vector<16xi1>, vector<16xi32>
      %gt3A_1172 = arith.cmpf ogt, %select_n3A_1170, %select_n3A_1128 : vector<16xf32>
      %select_n3A_1173 = arith.select %gt3A_1172, %select_n3A_1170, %select_n3A_1128 : vector<16xi1>, vector<16xf32>
      %select_n3A_1174 = arith.select %gt3A_1172, %select_n3A_1171, %select_n3A_1129 : vector<16xi1>, vector<16xi32>
      %select_n3A_1175 = arith.select %gt3A_1172, %select_n3A_1128, %select_n3A_1170 : vector<16xi1>, vector<16xf32>
      %select_n3A_1176 = arith.select %gt3A_1172, %select_n3A_1129, %select_n3A_1171 : vector<16xi1>, vector<16xi32>
      %gt3A_1177 = arith.cmpf ogt, %select_n3A_1175, %select_n3A_1133 : vector<16xf32>
      %select_n3A_1178 = arith.select %gt3A_1177, %select_n3A_1175, %select_n3A_1133 : vector<16xi1>, vector<16xf32>
      %select_n3A_1179 = arith.select %gt3A_1177, %select_n3A_1176, %select_n3A_1134 : vector<16xi1>, vector<16xi32>
      %select_n3A_1180 = arith.select %gt3A_1177, %select_n3A_1133, %select_n3A_1175 : vector<16xi1>, vector<16xf32>
      %select_n3A_1181 = arith.select %gt3A_1177, %select_n3A_1134, %select_n3A_1176 : vector<16xi1>, vector<16xi32>
      %gt3A_1182 = arith.cmpf ogt, %select_n3A_1180, %select_n3A_1138 : vector<16xf32>
      %select_n3A_1183 = arith.select %gt3A_1182, %select_n3A_1180, %select_n3A_1138 : vector<16xi1>, vector<16xf32>
      %select_n3A_1184 = arith.select %gt3A_1182, %select_n3A_1181, %select_n3A_1139 : vector<16xi1>, vector<16xi32>
      %select_n3A_1185 = arith.select %gt3A_1182, %select_n3A_1138, %select_n3A_1180 : vector<16xi1>, vector<16xf32>
      %select_n3A_1186 = arith.select %gt3A_1182, %select_n3A_1139, %select_n3A_1181 : vector<16xi1>, vector<16xi32>
      %gt3A_1187 = arith.cmpf ogt, %select_n3A_1185, %select_n3A_1143 : vector<16xf32>
      %select_n3A_1188 = arith.select %gt3A_1187, %select_n3A_1185, %select_n3A_1143 : vector<16xi1>, vector<16xf32>
      %select_n3A_1189 = arith.select %gt3A_1187, %select_n3A_1186, %select_n3A_1144 : vector<16xi1>, vector<16xi32>
      %select_n3A_1190 = arith.select %gt3A_1187, %select_n3A_1143, %select_n3A_1185 : vector<16xi1>, vector<16xf32>
      %select_n3A_1191 = arith.select %gt3A_1187, %select_n3A_1144, %select_n3A_1186 : vector<16xi1>, vector<16xi32>
      %gt3A_1192 = arith.cmpf ogt, %select_n3A_1190, %select_n3A_1148 : vector<16xf32>
      %select_n3A_1193 = arith.select %gt3A_1192, %select_n3A_1190, %select_n3A_1148 : vector<16xi1>, vector<16xf32>
      %select_n3A_1194 = arith.select %gt3A_1192, %select_n3A_1191, %select_n3A_1149 : vector<16xi1>, vector<16xi32>
      %select_n3A_1195 = arith.select %gt3A_1192, %select_n3A_1148, %select_n3A_1190 : vector<16xi1>, vector<16xf32>
      %select_n3A_1196 = arith.select %gt3A_1192, %select_n3A_1149, %select_n3A_1191 : vector<16xi1>, vector<16xi32>
      %gt3A_1197 = arith.cmpf ogt, %select_n3A_1195, %select_n3A_1153 : vector<16xf32>
      %select_n3A_1198 = arith.select %gt3A_1197, %select_n3A_1195, %select_n3A_1153 : vector<16xi1>, vector<16xf32>
      %select_n3A_1199 = arith.select %gt3A_1197, %select_n3A_1196, %select_n3A_1154 : vector<16xi1>, vector<16xi32>
      %get3A_1200 = arith.constant 24 : i32
      %get3A_1201 = arith.index_cast %select_n3A : i32 to index
      %get3A_1202 = arith.index_cast %get3A_1200 : i32 to index
      %get3A_1203 = arith.index_cast %mul3A_89 : i32 to index
      %get3A_1204 = tpu.vector_load %arg5[%get3A_1201, %get3A_1202, %get3A_1203] {strides = array<i32>} : memref<1x64x320xf32, #tpu.memory_space<vmem>>, vector<16xf32>,
      %broadcast_in_dim3A_1205 = arith.constant 24 : i32
      %broadcast_in_dim3A_1206 = vector.broadcast %broadcast_in_dim3A_1205 : i32 to vector<16xi32>
      %gt3A_1207 = arith.cmpf ogt, %get3A_1204, %select_n3A_1163 : vector<16xf32>
      %select_n3A_1208 = arith.select %gt3A_1207, %get3A_1204, %select_n3A_1163 : vector<16xi1>, vector<16xf32>
      %select_n3A_1209 = arith.select %gt3A_1207, %broadcast_in_dim3A_1206, %select_n3A_1164 : vector<16xi1>, vector<16xi32>
      %select_n3A_1210 = arith.select %gt3A_1207, %select_n3A_1163, %get3A_1204 : vector<16xi1>, vector<16xf32>
      %select_n3A_1211 = arith.select %gt3A_1207, %select_n3A_1164, %broadcast_in_dim3A_1206 : vector<16xi1>, vector<16xi32>
      %gt3A_1212 = arith.cmpf ogt, %select_n3A_1210, %select_n3A_1168 : vector<16xf32>
      %select_n3A_1213 = arith.select %gt3A_1212, %select_n3A_1210, %select_n3A_1168 : vector<16xi1>, vector<16xf32>
      %select_n3A_1214 = arith.select %gt3A_1212, %select_n3A_1211, %select_n3A_1169 : vector<16xi1>, vector<16xi32>
      %select_n3A_1215 = arith.select %gt3A_1212, %select_n3A_1168, %select_n3A_1210 : vector<16xi1>, vector<16xf32>
      %select_n3A_1216 = arith.select %gt3A_1212, %select_n3A_1169, %select_n3A_1211 : vector<16xi1>, vector<16xi32>
      %gt3A_1217 = arith.cmpf ogt, %select_n3A_1215, %select_n3A_1173 : vector<16xf32>
      %select_n3A_1218 = arith.select %gt3A_1217, %select_n3A_1215, %select_n3A_1173 : vector<16xi1>, vector<16xf32>
      %select_n3A_1219 = arith.select %gt3A_1217, %select_n3A_1216, %select_n3A_1174 : vector<16xi1>, vector<16xi32>
      %select_n3A_1220 = arith.select %gt3A_1217, %select_n3A_1173, %select_n3A_1215 : vector<16xi1>, vector<16xf32>
      %select_n3A_1221 = arith.select %gt3A_1217, %select_n3A_1174, %select_n3A_1216 : vector<16xi1>, vector<16xi32>
      %gt3A_1222 = arith.cmpf ogt, %select_n3A_1220, %select_n3A_1178 : vector<16xf32>
      %select_n3A_1223 = arith.select %gt3A_1222, %select_n3A_1220, %select_n3A_1178 : vector<16xi1>, vector<16xf32>
      %select_n3A_1224 = arith.select %gt3A_1222, %select_n3A_1221, %select_n3A_1179 : vector<16xi1>, vector<16xi32>
      %select_n3A_1225 = arith.select %gt3A_1222, %select_n3A_1178, %select_n3A_1220 : vector<16xi1>, vector<16xf32>
      %select_n3A_1226 = arith.select %gt3A_1222, %select_n3A_1179, %select_n3A_1221 : vector<16xi1>, vector<16xi32>
      %gt3A_1227 = arith.cmpf ogt, %select_n3A_1225, %select_n3A_1183 : vector<16xf32>
      %select_n3A_1228 = arith.select %gt3A_1227, %select_n3A_1225, %select_n3A_1183 : vector<16xi1>, vector<16xf32>
      %select_n3A_1229 = arith.select %gt3A_1227, %select_n3A_1226, %select_n3A_1184 : vector<16xi1>, vector<16xi32>
      %select_n3A_1230 = arith.select %gt3A_1227, %select_n3A_1183, %select_n3A_1225 : vector<16xi1>, vector<16xf32>
      %select_n3A_1231 = arith.select %gt3A_1227, %select_n3A_1184, %select_n3A_1226 : vector<16xi1>, vector<16xi32>
      %gt3A_1232 = arith.cmpf ogt, %select_n3A_1230, %select_n3A_1188 : vector<16xf32>
      %select_n3A_1233 = arith.select %gt3A_1232, %select_n3A_1230, %select_n3A_1188 : vector<16xi1>, vector<16xf32>
      %select_n3A_1234 = arith.select %gt3A_1232, %select_n3A_1231, %select_n3A_1189 : vector<16xi1>, vector<16xi32>
      %select_n3A_1235 = arith.select %gt3A_1232, %select_n3A_1188, %select_n3A_1230 : vector<16xi1>, vector<16xf32>
      %select_n3A_1236 = arith.select %gt3A_1232, %select_n3A_1189, %select_n3A_1231 : vector<16xi1>, vector<16xi32>
      %gt3A_1237 = arith.cmpf ogt, %select_n3A_1235, %select_n3A_1193 : vector<16xf32>
      %select_n3A_1238 = arith.select %gt3A_1237, %select_n3A_1235, %select_n3A_1193 : vector<16xi1>, vector<16xf32>
      %select_n3A_1239 = arith.select %gt3A_1237, %select_n3A_1236, %select_n3A_1194 : vector<16xi1>, vector<16xi32>
      %select_n3A_1240 = arith.select %gt3A_1237, %select_n3A_1193, %select_n3A_1235 : vector<16xi1>, vector<16xf32>
      %select_n3A_1241 = arith.select %gt3A_1237, %select_n3A_1194, %select_n3A_1236 : vector<16xi1>, vector<16xi32>
      %gt3A_1242 = arith.cmpf ogt, %select_n3A_1240, %select_n3A_1198 : vector<16xf32>
      %select_n3A_1243 = arith.select %gt3A_1242, %select_n3A_1240, %select_n3A_1198 : vector<16xi1>, vector<16xf32>
      %select_n3A_1244 = arith.select %gt3A_1242, %select_n3A_1241, %select_n3A_1199 : vector<16xi1>, vector<16xi32>
      %get3A_1245 = arith.constant 25 : i32
      %get3A_1246 = arith.index_cast %select_n3A : i32 to index
      %get3A_1247 = arith.index_cast %get3A_1245 : i32 to index
      %get3A_1248 = arith.index_cast %mul3A_89 : i32 to index
      %get3A_1249 = tpu.vector_load %arg5[%get3A_1246, %get3A_1247, %get3A_1248] {strides = array<i32>} : memref<1x64x320xf32, #tpu.memory_space<vmem>>, vector<16xf32>,
      %broadcast_in_dim3A_1250 = arith.constant 25 : i32
      %broadcast_in_dim3A_1251 = vector.broadcast %broadcast_in_dim3A_1250 : i32 to vector<16xi32>
      %gt3A_1252 = arith.cmpf ogt, %get3A_1249, %select_n3A_1208 : vector<16xf32>
      %select_n3A_1253 = arith.select %gt3A_1252, %get3A_1249, %select_n3A_1208 : vector<16xi1>, vector<16xf32>
      %select_n3A_1254 = arith.select %gt3A_1252, %broadcast_in_dim3A_1251, %select_n3A_1209 : vector<16xi1>, vector<16xi32>
      %select_n3A_1255 = arith.select %gt3A_1252, %select_n3A_1208, %get3A_1249 : vector<16xi1>, vector<16xf32>
      %select_n3A_1256 = arith.select %gt3A_1252, %select_n3A_1209, %broadcast_in_dim3A_1251 : vector<16xi1>, vector<16xi32>
      %gt3A_1257 = arith.cmpf ogt, %select_n3A_1255, %select_n3A_1213 : vector<16xf32>
      %select_n3A_1258 = arith.select %gt3A_1257, %select_n3A_1255, %select_n3A_1213 : vector<16xi1>, vector<16xf32>
      %select_n3A_1259 = arith.select %gt3A_1257, %select_n3A_1256, %select_n3A_1214 : vector<16xi1>, vector<16xi32>
      %select_n3A_1260 = arith.select %gt3A_1257, %select_n3A_1213, %select_n3A_1255 : vector<16xi1>, vector<16xf32>
      %select_n3A_1261 = arith.select %gt3A_1257, %select_n3A_1214, %select_n3A_1256 : vector<16xi1>, vector<16xi32>
      %gt3A_1262 = arith.cmpf ogt, %select_n3A_1260, %select_n3A_1218 : vector<16xf32>
      %select_n3A_1263 = arith.select %gt3A_1262, %select_n3A_1260, %select_n3A_1218 : vector<16xi1>, vector<16xf32>
      %select_n3A_1264 = arith.select %gt3A_1262, %select_n3A_1261, %select_n3A_1219 : vector<16xi1>, vector<16xi32>
      %select_n3A_1265 = arith.select %gt3A_1262, %select_n3A_1218, %select_n3A_1260 : vector<16xi1>, vector<16xf32>
      %select_n3A_1266 = arith.select %gt3A_1262, %select_n3A_1219, %select_n3A_1261 : vector<16xi1>, vector<16xi32>
      %gt3A_1267 = arith.cmpf ogt, %select_n3A_1265, %select_n3A_1223 : vector<16xf32>
      %select_n3A_1268 = arith.select %gt3A_1267, %select_n3A_1265, %select_n3A_1223 : vector<16xi1>, vector<16xf32>
      %select_n3A_1269 = arith.select %gt3A_1267, %select_n3A_1266, %select_n3A_1224 : vector<16xi1>, vector<16xi32>
      %select_n3A_1270 = arith.select %gt3A_1267, %select_n3A_1223, %select_n3A_1265 : vector<16xi1>, vector<16xf32>
      %select_n3A_1271 = arith.select %gt3A_1267, %select_n3A_1224, %select_n3A_1266 : vector<16xi1>, vector<16xi32>
      %gt3A_1272 = arith.cmpf ogt, %select_n3A_1270, %select_n3A_1228 : vector<16xf32>
      %select_n3A_1273 = arith.select %gt3A_1272, %select_n3A_1270, %select_n3A_1228 : vector<16xi1>, vector<16xf32>
      %select_n3A_1274 = arith.select %gt3A_1272, %select_n3A_1271, %select_n3A_1229 : vector<16xi1>, vector<16xi32>
      %select_n3A_1275 = arith.select %gt3A_1272, %select_n3A_1228, %select_n3A_1270 : vector<16xi1>, vector<16xf32>
      %select_n3A_1276 = arith.select %gt3A_1272, %select_n3A_1229, %select_n3A_1271 : vector<16xi1>, vector<16xi32>
      %gt3A_1277 = arith.cmpf ogt, %select_n3A_1275, %select_n3A_1233 : vector<16xf32>
      %select_n3A_1278 = arith.select %gt3A_1277, %select_n3A_1275, %select_n3A_1233 : vector<16xi1>, vector<16xf32>
      %select_n3A_1279 = arith.select %gt3A_1277, %select_n3A_1276, %select_n3A_1234 : vector<16xi1>, vector<16xi32>
      %select_n3A_1280 = arith.select %gt3A_1277, %select_n3A_1233, %select_n3A_1275 : vector<16xi1>, vector<16xf32>
      %select_n3A_1281 = arith.select %gt3A_1277, %select_n3A_1234, %select_n3A_1276 : vector<16xi1>, vector<16xi32>
      %gt3A_1282 = arith.cmpf ogt, %select_n3A_1280, %select_n3A_1238 : vector<16xf32>
      %select_n3A_1283 = arith.select %gt3A_1282, %select_n3A_1280, %select_n3A_1238 : vector<16xi1>, vector<16xf32>
      %select_n3A_1284 = arith.select %gt3A_1282, %select_n3A_1281, %select_n3A_1239 : vector<16xi1>, vector<16xi32>
      %select_n3A_1285 = arith.select %gt3A_1282, %select_n3A_1238, %select_n3A_1280 : vector<16xi1>, vector<16xf32>
      %select_n3A_1286 = arith.select %gt3A_1282, %select_n3A_1239, %select_n3A_1281 : vector<16xi1>, vector<16xi32>
      %gt3A_1287 = arith.cmpf ogt, %select_n3A_1285, %select_n3A_1243 : vector<16xf32>
      %select_n3A_1288 = arith.select %gt3A_1287, %select_n3A_1285, %select_n3A_1243 : vector<16xi1>, vector<16xf32>
      %select_n3A_1289 = arith.select %gt3A_1287, %select_n3A_1286, %select_n3A_1244 : vector<16xi1>, vector<16xi32>
      %get3A_1290 = arith.constant 26 : i32
      %get3A_1291 = arith.index_cast %select_n3A : i32 to index
      %get3A_1292 = arith.index_cast %get3A_1290 : i32 to index
      %get3A_1293 = arith.index_cast %mul3A_89 : i32 to index
      %get3A_1294 = tpu.vector_load %arg5[%get3A_1291, %get3A_1292, %get3A_1293] {strides = array<i32>} : memref<1x64x320xf32, #tpu.memory_space<vmem>>, vector<16xf32>,
      %broadcast_in_dim3A_1295 = arith.constant 26 : i32
      %broadcast_in_dim3A_1296 = vector.broadcast %broadcast_in_dim3A_1295 : i32 to vector<16xi32>
      %gt3A_1297 = arith.cmpf ogt, %get3A_1294, %select_n3A_1253 : vector<16xf32>
      %select_n3A_1298 = arith.select %gt3A_1297, %get3A_1294, %select_n3A_1253 : vector<16xi1>, vector<16xf32>
      %select_n3A_1299 = arith.select %gt3A_1297, %broadcast_in_dim3A_1296, %select_n3A_1254 : vector<16xi1>, vector<16xi32>
      %select_n3A_1300 = arith.select %gt3A_1297, %select_n3A_1253, %get3A_1294 : vector<16xi1>, vector<16xf32>
      %select_n3A_1301 = arith.select %gt3A_1297, %select_n3A_1254, %broadcast_in_dim3A_1296 : vector<16xi1>, vector<16xi32>
      %gt3A_1302 = arith.cmpf ogt, %select_n3A_1300, %select_n3A_1258 : vector<16xf32>
      %select_n3A_1303 = arith.select %gt3A_1302, %select_n3A_1300, %select_n3A_1258 : vector<16xi1>, vector<16xf32>
      %select_n3A_1304 = arith.select %gt3A_1302, %select_n3A_1301, %select_n3A_1259 : vector<16xi1>, vector<16xi32>
      %select_n3A_1305 = arith.select %gt3A_1302, %select_n3A_1258, %select_n3A_1300 : vector<16xi1>, vector<16xf32>
      %select_n3A_1306 = arith.select %gt3A_1302, %select_n3A_1259, %select_n3A_1301 : vector<16xi1>, vector<16xi32>
      %gt3A_1307 = arith.cmpf ogt, %select_n3A_1305, %select_n3A_1263 : vector<16xf32>
      %select_n3A_1308 = arith.select %gt3A_1307, %select_n3A_1305, %select_n3A_1263 : vector<16xi1>, vector<16xf32>
      %select_n3A_1309 = arith.select %gt3A_1307, %select_n3A_1306, %select_n3A_1264 : vector<16xi1>, vector<16xi32>
      %select_n3A_1310 = arith.select %gt3A_1307, %select_n3A_1263, %select_n3A_1305 : vector<16xi1>, vector<16xf32>
      %select_n3A_1311 = arith.select %gt3A_1307, %select_n3A_1264, %select_n3A_1306 : vector<16xi1>, vector<16xi32>
      %gt3A_1312 = arith.cmpf ogt, %select_n3A_1310, %select_n3A_1268 : vector<16xf32>
      %select_n3A_1313 = arith.select %gt3A_1312, %select_n3A_1310, %select_n3A_1268 : vector<16xi1>, vector<16xf32>
      %select_n3A_1314 = arith.select %gt3A_1312, %select_n3A_1311, %select_n3A_1269 : vector<16xi1>, vector<16xi32>
      %select_n3A_1315 = arith.select %gt3A_1312, %select_n3A_1268, %select_n3A_1310 : vector<16xi1>, vector<16xf32>
      %select_n3A_1316 = arith.select %gt3A_1312, %select_n3A_1269, %select_n3A_1311 : vector<16xi1>, vector<16xi32>
      %gt3A_1317 = arith.cmpf ogt, %select_n3A_1315, %select_n3A_1273 : vector<16xf32>
      %select_n3A_1318 = arith.select %gt3A_1317, %select_n3A_1315, %select_n3A_1273 : vector<16xi1>, vector<16xf32>
      %select_n3A_1319 = arith.select %gt3A_1317, %select_n3A_1316, %select_n3A_1274 : vector<16xi1>, vector<16xi32>
      %select_n3A_1320 = arith.select %gt3A_1317, %select_n3A_1273, %select_n3A_1315 : vector<16xi1>, vector<16xf32>
      %select_n3A_1321 = arith.select %gt3A_1317, %select_n3A_1274, %select_n3A_1316 : vector<16xi1>, vector<16xi32>
      %gt3A_1322 = arith.cmpf ogt, %select_n3A_1320, %select_n3A_1278 : vector<16xf32>
      %select_n3A_1323 = arith.select %gt3A_1322, %select_n3A_1320, %select_n3A_1278 : vector<16xi1>, vector<16xf32>
      %select_n3A_1324 = arith.select %gt3A_1322, %select_n3A_1321, %select_n3A_1279 : vector<16xi1>, vector<16xi32>
      %select_n3A_1325 = arith.select %gt3A_1322, %select_n3A_1278, %select_n3A_1320 : vector<16xi1>, vector<16xf32>
      %select_n3A_1326 = arith.select %gt3A_1322, %select_n3A_1279, %select_n3A_1321 : vector<16xi1>, vector<16xi32>
      %gt3A_1327 = arith.cmpf ogt, %select_n3A_1325, %select_n3A_1283 : vector<16xf32>
      %select_n3A_1328 = arith.select %gt3A_1327, %select_n3A_1325, %select_n3A_1283 : vector<16xi1>, vector<16xf32>
      %select_n3A_1329 = arith.select %gt3A_1327, %select_n3A_1326, %select_n3A_1284 : vector<16xi1>, vector<16xi32>
      %select_n3A_1330 = arith.select %gt3A_1327, %select_n3A_1283, %select_n3A_1325 : vector<16xi1>, vector<16xf32>
      %select_n3A_1331 = arith.select %gt3A_1327, %select_n3A_1284, %select_n3A_1326 : vector<16xi1>, vector<16xi32>
      %gt3A_1332 = arith.cmpf ogt, %select_n3A_1330, %select_n3A_1288 : vector<16xf32>
      %select_n3A_1333 = arith.select %gt3A_1332, %select_n3A_1330, %select_n3A_1288 : vector<16xi1>, vector<16xf32>
      %select_n3A_1334 = arith.select %gt3A_1332, %select_n3A_1331, %select_n3A_1289 : vector<16xi1>, vector<16xi32>
      %get3A_1335 = arith.constant 27 : i32
      %get3A_1336 = arith.index_cast %select_n3A : i32 to index
      %get3A_1337 = arith.index_cast %get3A_1335 : i32 to index
      %get3A_1338 = arith.index_cast %mul3A_89 : i32 to index
      %get3A_1339 = tpu.vector_load %arg5[%get3A_1336, %get3A_1337, %get3A_1338] {strides = array<i32>} : memref<1x64x320xf32, #tpu.memory_space<vmem>>, vector<16xf32>,
      %broadcast_in_dim3A_1340 = arith.constant 27 : i32
      %broadcast_in_dim3A_1341 = vector.broadcast %broadcast_in_dim3A_1340 : i32 to vector<16xi32>
      %gt3A_1342 = arith.cmpf ogt, %get3A_1339, %select_n3A_1298 : vector<16xf32>
      %select_n3A_1343 = arith.select %gt3A_1342, %get3A_1339, %select_n3A_1298 : vector<16xi1>, vector<16xf32>
      %select_n3A_1344 = arith.select %gt3A_1342, %broadcast_in_dim3A_1341, %select_n3A_1299 : vector<16xi1>, vector<16xi32>
      %select_n3A_1345 = arith.select %gt3A_1342, %select_n3A_1298, %get3A_1339 : vector<16xi1>, vector<16xf32>
      %select_n3A_1346 = arith.select %gt3A_1342, %select_n3A_1299, %broadcast_in_dim3A_1341 : vector<16xi1>, vector<16xi32>
      %gt3A_1347 = arith.cmpf ogt, %select_n3A_1345, %select_n3A_1303 : vector<16xf32>
      %select_n3A_1348 = arith.select %gt3A_1347, %select_n3A_1345, %select_n3A_1303 : vector<16xi1>, vector<16xf32>
      %select_n3A_1349 = arith.select %gt3A_1347, %select_n3A_1346, %select_n3A_1304 : vector<16xi1>, vector<16xi32>
      %select_n3A_1350 = arith.select %gt3A_1347, %select_n3A_1303, %select_n3A_1345 : vector<16xi1>, vector<16xf32>
      %select_n3A_1351 = arith.select %gt3A_1347, %select_n3A_1304, %select_n3A_1346 : vector<16xi1>, vector<16xi32>
      %gt3A_1352 = arith.cmpf ogt, %select_n3A_1350, %select_n3A_1308 : vector<16xf32>
      %select_n3A_1353 = arith.select %gt3A_1352, %select_n3A_1350, %select_n3A_1308 : vector<16xi1>, vector<16xf32>
      %select_n3A_1354 = arith.select %gt3A_1352, %select_n3A_1351, %select_n3A_1309 : vector<16xi1>, vector<16xi32>
      %select_n3A_1355 = arith.select %gt3A_1352, %select_n3A_1308, %select_n3A_1350 : vector<16xi1>, vector<16xf32>
      %select_n3A_1356 = arith.select %gt3A_1352, %select_n3A_1309, %select_n3A_1351 : vector<16xi1>, vector<16xi32>
      %gt3A_1357 = arith.cmpf ogt, %select_n3A_1355, %select_n3A_1313 : vector<16xf32>
      %select_n3A_1358 = arith.select %gt3A_1357, %select_n3A_1355, %select_n3A_1313 : vector<16xi1>, vector<16xf32>
      %select_n3A_1359 = arith.select %gt3A_1357, %select_n3A_1356, %select_n3A_1314 : vector<16xi1>, vector<16xi32>
      %select_n3A_1360 = arith.select %gt3A_1357, %select_n3A_1313, %select_n3A_1355 : vector<16xi1>, vector<16xf32>
      %select_n3A_1361 = arith.select %gt3A_1357, %select_n3A_1314, %select_n3A_1356 : vector<16xi1>, vector<16xi32>
      %gt3A_1362 = arith.cmpf ogt, %select_n3A_1360, %select_n3A_1318 : vector<16xf32>
      %select_n3A_1363 = arith.select %gt3A_1362, %select_n3A_1360, %select_n3A_1318 : vector<16xi1>, vector<16xf32>
      %select_n3A_1364 = arith.select %gt3A_1362, %select_n3A_1361, %select_n3A_1319 : vector<16xi1>, vector<16xi32>
      %select_n3A_1365 = arith.select %gt3A_1362, %select_n3A_1318, %select_n3A_1360 : vector<16xi1>, vector<16xf32>
      %select_n3A_1366 = arith.select %gt3A_1362, %select_n3A_1319, %select_n3A_1361 : vector<16xi1>, vector<16xi32>
      %gt3A_1367 = arith.cmpf ogt, %select_n3A_1365, %select_n3A_1323 : vector<16xf32>
      %select_n3A_1368 = arith.select %gt3A_1367, %select_n3A_1365, %select_n3A_1323 : vector<16xi1>, vector<16xf32>
      %select_n3A_1369 = arith.select %gt3A_1367, %select_n3A_1366, %select_n3A_1324 : vector<16xi1>, vector<16xi32>
      %select_n3A_1370 = arith.select %gt3A_1367, %select_n3A_1323, %select_n3A_1365 : vector<16xi1>, vector<16xf32>
      %select_n3A_1371 = arith.select %gt3A_1367, %select_n3A_1324, %select_n3A_1366 : vector<16xi1>, vector<16xi32>
      %gt3A_1372 = arith.cmpf ogt, %select_n3A_1370, %select_n3A_1328 : vector<16xf32>
      %select_n3A_1373 = arith.select %gt3A_1372, %select_n3A_1370, %select_n3A_1328 : vector<16xi1>, vector<16xf32>
      %select_n3A_1374 = arith.select %gt3A_1372, %select_n3A_1371, %select_n3A_1329 : vector<16xi1>, vector<16xi32>
      %select_n3A_1375 = arith.select %gt3A_1372, %select_n3A_1328, %select_n3A_1370 : vector<16xi1>, vector<16xf32>
      %select_n3A_1376 = arith.select %gt3A_1372, %select_n3A_1329, %select_n3A_1371 : vector<16xi1>, vector<16xi32>
      %gt3A_1377 = arith.cmpf ogt, %select_n3A_1375, %select_n3A_1333 : vector<16xf32>
      %select_n3A_1378 = arith.select %gt3A_1377, %select_n3A_1375, %select_n3A_1333 : vector<16xi1>, vector<16xf32>
      %select_n3A_1379 = arith.select %gt3A_1377, %select_n3A_1376, %select_n3A_1334 : vector<16xi1>, vector<16xi32>
      %get3A_1380 = arith.constant 28 : i32
      %get3A_1381 = arith.index_cast %select_n3A : i32 to index
      %get3A_1382 = arith.index_cast %get3A_1380 : i32 to index
      %get3A_1383 = arith.index_cast %mul3A_89 : i32 to index
      %get3A_1384 = tpu.vector_load %arg5[%get3A_1381, %get3A_1382, %get3A_1383] {strides = array<i32>} : memref<1x64x320xf32, #tpu.memory_space<vmem>>, vector<16xf32>,
      %broadcast_in_dim3A_1385 = arith.constant 28 : i32
      %broadcast_in_dim3A_1386 = vector.broadcast %broadcast_in_dim3A_1385 : i32 to vector<16xi32>
      %gt3A_1387 = arith.cmpf ogt, %get3A_1384, %select_n3A_1343 : vector<16xf32>
      %select_n3A_1388 = arith.select %gt3A_1387, %get3A_1384, %select_n3A_1343 : vector<16xi1>, vector<16xf32>
      %select_n3A_1389 = arith.select %gt3A_1387, %broadcast_in_dim3A_1386, %select_n3A_1344 : vector<16xi1>, vector<16xi32>
      %select_n3A_1390 = arith.select %gt3A_1387, %select_n3A_1343, %get3A_1384 : vector<16xi1>, vector<16xf32>
      %select_n3A_1391 = arith.select %gt3A_1387, %select_n3A_1344, %broadcast_in_dim3A_1386 : vector<16xi1>, vector<16xi32>
      %gt3A_1392 = arith.cmpf ogt, %select_n3A_1390, %select_n3A_1348 : vector<16xf32>
      %select_n3A_1393 = arith.select %gt3A_1392, %select_n3A_1390, %select_n3A_1348 : vector<16xi1>, vector<16xf32>
      %select_n3A_1394 = arith.select %gt3A_1392, %select_n3A_1391, %select_n3A_1349 : vector<16xi1>, vector<16xi32>
      %select_n3A_1395 = arith.select %gt3A_1392, %select_n3A_1348, %select_n3A_1390 : vector<16xi1>, vector<16xf32>
      %select_n3A_1396 = arith.select %gt3A_1392, %select_n3A_1349, %select_n3A_1391 : vector<16xi1>, vector<16xi32>
      %gt3A_1397 = arith.cmpf ogt, %select_n3A_1395, %select_n3A_1353 : vector<16xf32>
      %select_n3A_1398 = arith.select %gt3A_1397, %select_n3A_1395, %select_n3A_1353 : vector<16xi1>, vector<16xf32>
      %select_n3A_1399 = arith.select %gt3A_1397, %select_n3A_1396, %select_n3A_1354 : vector<16xi1>, vector<16xi32>
      %select_n3A_1400 = arith.select %gt3A_1397, %select_n3A_1353, %select_n3A_1395 : vector<16xi1>, vector<16xf32>
      %select_n3A_1401 = arith.select %gt3A_1397, %select_n3A_1354, %select_n3A_1396 : vector<16xi1>, vector<16xi32>
      %gt3A_1402 = arith.cmpf ogt, %select_n3A_1400, %select_n3A_1358 : vector<16xf32>
      %select_n3A_1403 = arith.select %gt3A_1402, %select_n3A_1400, %select_n3A_1358 : vector<16xi1>, vector<16xf32>
      %select_n3A_1404 = arith.select %gt3A_1402, %select_n3A_1401, %select_n3A_1359 : vector<16xi1>, vector<16xi32>
      %select_n3A_1405 = arith.select %gt3A_1402, %select_n3A_1358, %select_n3A_1400 : vector<16xi1>, vector<16xf32>
      %select_n3A_1406 = arith.select %gt3A_1402, %select_n3A_1359, %select_n3A_1401 : vector<16xi1>, vector<16xi32>
      %gt3A_1407 = arith.cmpf ogt, %select_n3A_1405, %select_n3A_1363 : vector<16xf32>
      %select_n3A_1408 = arith.select %gt3A_1407, %select_n3A_1405, %select_n3A_1363 : vector<16xi1>, vector<16xf32>
      %select_n3A_1409 = arith.select %gt3A_1407, %select_n3A_1406, %select_n3A_1364 : vector<16xi1>, vector<16xi32>
      %select_n3A_1410 = arith.select %gt3A_1407, %select_n3A_1363, %select_n3A_1405 : vector<16xi1>, vector<16xf32>
      %select_n3A_1411 = arith.select %gt3A_1407, %select_n3A_1364, %select_n3A_1406 : vector<16xi1>, vector<16xi32>
      %gt3A_1412 = arith.cmpf ogt, %select_n3A_1410, %select_n3A_1368 : vector<16xf32>
      %select_n3A_1413 = arith.select %gt3A_1412, %select_n3A_1410, %select_n3A_1368 : vector<16xi1>, vector<16xf32>
      %select_n3A_1414 = arith.select %gt3A_1412, %select_n3A_1411, %select_n3A_1369 : vector<16xi1>, vector<16xi32>
      %select_n3A_1415 = arith.select %gt3A_1412, %select_n3A_1368, %select_n3A_1410 : vector<16xi1>, vector<16xf32>
      %select_n3A_1416 = arith.select %gt3A_1412, %select_n3A_1369, %select_n3A_1411 : vector<16xi1>, vector<16xi32>
      %gt3A_1417 = arith.cmpf ogt, %select_n3A_1415, %select_n3A_1373 : vector<16xf32>
      %select_n3A_1418 = arith.select %gt3A_1417, %select_n3A_1415, %select_n3A_1373 : vector<16xi1>, vector<16xf32>
      %select_n3A_1419 = arith.select %gt3A_1417, %select_n3A_1416, %select_n3A_1374 : vector<16xi1>, vector<16xi32>
      %select_n3A_1420 = arith.select %gt3A_1417, %select_n3A_1373, %select_n3A_1415 : vector<16xi1>, vector<16xf32>
      %select_n3A_1421 = arith.select %gt3A_1417, %select_n3A_1374, %select_n3A_1416 : vector<16xi1>, vector<16xi32>
      %gt3A_1422 = arith.cmpf ogt, %select_n3A_1420, %select_n3A_1378 : vector<16xf32>
      %select_n3A_1423 = arith.select %gt3A_1422, %select_n3A_1420, %select_n3A_1378 : vector<16xi1>, vector<16xf32>
      %select_n3A_1424 = arith.select %gt3A_1422, %select_n3A_1421, %select_n3A_1379 : vector<16xi1>, vector<16xi32>
      %get3A_1425 = arith.constant 29 : i32
      %get3A_1426 = arith.index_cast %select_n3A : i32 to index
      %get3A_1427 = arith.index_cast %get3A_1425 : i32 to index
      %get3A_1428 = arith.index_cast %mul3A_89 : i32 to index
      %get3A_1429 = tpu.vector_load %arg5[%get3A_1426, %get3A_1427, %get3A_1428] {strides = array<i32>} : memref<1x64x320xf32, #tpu.memory_space<vmem>>, vector<16xf32>,
      %broadcast_in_dim3A_1430 = arith.constant 29 : i32
      %broadcast_in_dim3A_1431 = vector.broadcast %broadcast_in_dim3A_1430 : i32 to vector<16xi32>
      %gt3A_1432 = arith.cmpf ogt, %get3A_1429, %select_n3A_1388 : vector<16xf32>
      %select_n3A_1433 = arith.select %gt3A_1432, %get3A_1429, %select_n3A_1388 : vector<16xi1>, vector<16xf32>
      %select_n3A_1434 = arith.select %gt3A_1432, %broadcast_in_dim3A_1431, %select_n3A_1389 : vector<16xi1>, vector<16xi32>
      %select_n3A_1435 = arith.select %gt3A_1432, %select_n3A_1388, %get3A_1429 : vector<16xi1>, vector<16xf32>
      %select_n3A_1436 = arith.select %gt3A_1432, %select_n3A_1389, %broadcast_in_dim3A_1431 : vector<16xi1>, vector<16xi32>
      %gt3A_1437 = arith.cmpf ogt, %select_n3A_1435, %select_n3A_1393 : vector<16xf32>
      %select_n3A_1438 = arith.select %gt3A_1437, %select_n3A_1435, %select_n3A_1393 : vector<16xi1>, vector<16xf32>
      %select_n3A_1439 = arith.select %gt3A_1437, %select_n3A_1436, %select_n3A_1394 : vector<16xi1>, vector<16xi32>
      %select_n3A_1440 = arith.select %gt3A_1437, %select_n3A_1393, %select_n3A_1435 : vector<16xi1>, vector<16xf32>
      %select_n3A_1441 = arith.select %gt3A_1437, %select_n3A_1394, %select_n3A_1436 : vector<16xi1>, vector<16xi32>
      %gt3A_1442 = arith.cmpf ogt, %select_n3A_1440, %select_n3A_1398 : vector<16xf32>
      %select_n3A_1443 = arith.select %gt3A_1442, %select_n3A_1440, %select_n3A_1398 : vector<16xi1>, vector<16xf32>
      %select_n3A_1444 = arith.select %gt3A_1442, %select_n3A_1441, %select_n3A_1399 : vector<16xi1>, vector<16xi32>
      %select_n3A_1445 = arith.select %gt3A_1442, %select_n3A_1398, %select_n3A_1440 : vector<16xi1>, vector<16xf32>
      %select_n3A_1446 = arith.select %gt3A_1442, %select_n3A_1399, %select_n3A_1441 : vector<16xi1>, vector<16xi32>
      %gt3A_1447 = arith.cmpf ogt, %select_n3A_1445, %select_n3A_1403 : vector<16xf32>
      %select_n3A_1448 = arith.select %gt3A_1447, %select_n3A_1445, %select_n3A_1403 : vector<16xi1>, vector<16xf32>
      %select_n3A_1449 = arith.select %gt3A_1447, %select_n3A_1446, %select_n3A_1404 : vector<16xi1>, vector<16xi32>
      %select_n3A_1450 = arith.select %gt3A_1447, %select_n3A_1403, %select_n3A_1445 : vector<16xi1>, vector<16xf32>
      %select_n3A_1451 = arith.select %gt3A_1447, %select_n3A_1404, %select_n3A_1446 : vector<16xi1>, vector<16xi32>
      %gt3A_1452 = arith.cmpf ogt, %select_n3A_1450, %select_n3A_1408 : vector<16xf32>
      %select_n3A_1453 = arith.select %gt3A_1452, %select_n3A_1450, %select_n3A_1408 : vector<16xi1>, vector<16xf32>
      %select_n3A_1454 = arith.select %gt3A_1452, %select_n3A_1451, %select_n3A_1409 : vector<16xi1>, vector<16xi32>
      %select_n3A_1455 = arith.select %gt3A_1452, %select_n3A_1408, %select_n3A_1450 : vector<16xi1>, vector<16xf32>
      %select_n3A_1456 = arith.select %gt3A_1452, %select_n3A_1409, %select_n3A_1451 : vector<16xi1>, vector<16xi32>
      %gt3A_1457 = arith.cmpf ogt, %select_n3A_1455, %select_n3A_1413 : vector<16xf32>
      %select_n3A_1458 = arith.select %gt3A_1457, %select_n3A_1455, %select_n3A_1413 : vector<16xi1>, vector<16xf32>
      %select_n3A_1459 = arith.select %gt3A_1457, %select_n3A_1456, %select_n3A_1414 : vector<16xi1>, vector<16xi32>
      %select_n3A_1460 = arith.select %gt3A_1457, %select_n3A_1413, %select_n3A_1455 : vector<16xi1>, vector<16xf32>
      %select_n3A_1461 = arith.select %gt3A_1457, %select_n3A_1414, %select_n3A_1456 : vector<16xi1>, vector<16xi32>
      %gt3A_1462 = arith.cmpf ogt, %select_n3A_1460, %select_n3A_1418 : vector<16xf32>
      %select_n3A_1463 = arith.select %gt3A_1462, %select_n3A_1460, %select_n3A_1418 : vector<16xi1>, vector<16xf32>
      %select_n3A_1464 = arith.select %gt3A_1462, %select_n3A_1461, %select_n3A_1419 : vector<16xi1>, vector<16xi32>
      %select_n3A_1465 = arith.select %gt3A_1462, %select_n3A_1418, %select_n3A_1460 : vector<16xi1>, vector<16xf32>
      %select_n3A_1466 = arith.select %gt3A_1462, %select_n3A_1419, %select_n3A_1461 : vector<16xi1>, vector<16xi32>
      %gt3A_1467 = arith.cmpf ogt, %select_n3A_1465, %select_n3A_1423 : vector<16xf32>
      %select_n3A_1468 = arith.select %gt3A_1467, %select_n3A_1465, %select_n3A_1423 : vector<16xi1>, vector<16xf32>
      %select_n3A_1469 = arith.select %gt3A_1467, %select_n3A_1466, %select_n3A_1424 : vector<16xi1>, vector<16xi32>
      %get3A_1470 = arith.constant 30 : i32
      %get3A_1471 = arith.index_cast %select_n3A : i32 to index
      %get3A_1472 = arith.index_cast %get3A_1470 : i32 to index
      %get3A_1473 = arith.index_cast %mul3A_89 : i32 to index
      %get3A_1474 = tpu.vector_load %arg5[%get3A_1471, %get3A_1472, %get3A_1473] {strides = array<i32>} : memref<1x64x320xf32, #tpu.memory_space<vmem>>, vector<16xf32>,
      %broadcast_in_dim3A_1475 = arith.constant 30 : i32
      %broadcast_in_dim3A_1476 = vector.broadcast %broadcast_in_dim3A_1475 : i32 to vector<16xi32>
      %gt3A_1477 = arith.cmpf ogt, %get3A_1474, %select_n3A_1433 : vector<16xf32>
      %select_n3A_1478 = arith.select %gt3A_1477, %get3A_1474, %select_n3A_1433 : vector<16xi1>, vector<16xf32>
      %select_n3A_1479 = arith.select %gt3A_1477, %broadcast_in_dim3A_1476, %select_n3A_1434 : vector<16xi1>, vector<16xi32>
      %select_n3A_1480 = arith.select %gt3A_1477, %select_n3A_1433, %get3A_1474 : vector<16xi1>, vector<16xf32>
      %select_n3A_1481 = arith.select %gt3A_1477, %select_n3A_1434, %broadcast_in_dim3A_1476 : vector<16xi1>, vector<16xi32>
      %gt3A_1482 = arith.cmpf ogt, %select_n3A_1480, %select_n3A_1438 : vector<16xf32>
      %select_n3A_1483 = arith.select %gt3A_1482, %select_n3A_1480, %select_n3A_1438 : vector<16xi1>, vector<16xf32>
      %select_n3A_1484 = arith.select %gt3A_1482, %select_n3A_1481, %select_n3A_1439 : vector<16xi1>, vector<16xi32>
      %select_n3A_1485 = arith.select %gt3A_1482, %select_n3A_1438, %select_n3A_1480 : vector<16xi1>, vector<16xf32>
      %select_n3A_1486 = arith.select %gt3A_1482, %select_n3A_1439, %select_n3A_1481 : vector<16xi1>, vector<16xi32>
      %gt3A_1487 = arith.cmpf ogt, %select_n3A_1485, %select_n3A_1443 : vector<16xf32>
      %select_n3A_1488 = arith.select %gt3A_1487, %select_n3A_1485, %select_n3A_1443 : vector<16xi1>, vector<16xf32>
      %select_n3A_1489 = arith.select %gt3A_1487, %select_n3A_1486, %select_n3A_1444 : vector<16xi1>, vector<16xi32>
      %select_n3A_1490 = arith.select %gt3A_1487, %select_n3A_1443, %select_n3A_1485 : vector<16xi1>, vector<16xf32>
      %select_n3A_1491 = arith.select %gt3A_1487, %select_n3A_1444, %select_n3A_1486 : vector<16xi1>, vector<16xi32>
      %gt3A_1492 = arith.cmpf ogt, %select_n3A_1490, %select_n3A_1448 : vector<16xf32>
      %select_n3A_1493 = arith.select %gt3A_1492, %select_n3A_1490, %select_n3A_1448 : vector<16xi1>, vector<16xf32>
      %select_n3A_1494 = arith.select %gt3A_1492, %select_n3A_1491, %select_n3A_1449 : vector<16xi1>, vector<16xi32>
      %select_n3A_1495 = arith.select %gt3A_1492, %select_n3A_1448, %select_n3A_1490 : vector<16xi1>, vector<16xf32>
      %select_n3A_1496 = arith.select %gt3A_1492, %select_n3A_1449, %select_n3A_1491 : vector<16xi1>, vector<16xi32>
      %gt3A_1497 = arith.cmpf ogt, %select_n3A_1495, %select_n3A_1453 : vector<16xf32>
      %select_n3A_1498 = arith.select %gt3A_1497, %select_n3A_1495, %select_n3A_1453 : vector<16xi1>, vector<16xf32>
      %select_n3A_1499 = arith.select %gt3A_1497, %select_n3A_1496, %select_n3A_1454 : vector<16xi1>, vector<16xi32>
      %select_n3A_1500 = arith.select %gt3A_1497, %select_n3A_1453, %select_n3A_1495 : vector<16xi1>, vector<16xf32>
      %select_n3A_1501 = arith.select %gt3A_1497, %select_n3A_1454, %select_n3A_1496 : vector<16xi1>, vector<16xi32>
      %gt3A_1502 = arith.cmpf ogt, %select_n3A_1500, %select_n3A_1458 : vector<16xf32>
      %select_n3A_1503 = arith.select %gt3A_1502, %select_n3A_1500, %select_n3A_1458 : vector<16xi1>, vector<16xf32>
      %select_n3A_1504 = arith.select %gt3A_1502, %select_n3A_1501, %select_n3A_1459 : vector<16xi1>, vector<16xi32>
      %select_n3A_1505 = arith.select %gt3A_1502, %select_n3A_1458, %select_n3A_1500 : vector<16xi1>, vector<16xf32>
      %select_n3A_1506 = arith.select %gt3A_1502, %select_n3A_1459, %select_n3A_1501 : vector<16xi1>, vector<16xi32>
      %gt3A_1507 = arith.cmpf ogt, %select_n3A_1505, %select_n3A_1463 : vector<16xf32>
      %select_n3A_1508 = arith.select %gt3A_1507, %select_n3A_1505, %select_n3A_1463 : vector<16xi1>, vector<16xf32>
      %select_n3A_1509 = arith.select %gt3A_1507, %select_n3A_1506, %select_n3A_1464 : vector<16xi1>, vector<16xi32>
      %select_n3A_1510 = arith.select %gt3A_1507, %select_n3A_1463, %select_n3A_1505 : vector<16xi1>, vector<16xf32>
      %select_n3A_1511 = arith.select %gt3A_1507, %select_n3A_1464, %select_n3A_1506 : vector<16xi1>, vector<16xi32>
      %gt3A_1512 = arith.cmpf ogt, %select_n3A_1510, %select_n3A_1468 : vector<16xf32>
      %select_n3A_1513 = arith.select %gt3A_1512, %select_n3A_1510, %select_n3A_1468 : vector<16xi1>, vector<16xf32>
      %select_n3A_1514 = arith.select %gt3A_1512, %select_n3A_1511, %select_n3A_1469 : vector<16xi1>, vector<16xi32>
      %get3A_1515 = arith.constant 31 : i32
      %get3A_1516 = arith.index_cast %select_n3A : i32 to index
      %get3A_1517 = arith.index_cast %get3A_1515 : i32 to index
      %get3A_1518 = arith.index_cast %mul3A_89 : i32 to index
      %get3A_1519 = tpu.vector_load %arg5[%get3A_1516, %get3A_1517, %get3A_1518] {strides = array<i32>} : memref<1x64x320xf32, #tpu.memory_space<vmem>>, vector<16xf32>,
      %broadcast_in_dim3A_1520 = arith.constant 31 : i32
      %broadcast_in_dim3A_1521 = vector.broadcast %broadcast_in_dim3A_1520 : i32 to vector<16xi32>
      %gt3A_1522 = arith.cmpf ogt, %get3A_1519, %select_n3A_1478 : vector<16xf32>
      %select_n3A_1523 = arith.select %gt3A_1522, %get3A_1519, %select_n3A_1478 : vector<16xi1>, vector<16xf32>
      %select_n3A_1524 = arith.select %gt3A_1522, %broadcast_in_dim3A_1521, %select_n3A_1479 : vector<16xi1>, vector<16xi32>
      %select_n3A_1525 = arith.select %gt3A_1522, %select_n3A_1478, %get3A_1519 : vector<16xi1>, vector<16xf32>
      %select_n3A_1526 = arith.select %gt3A_1522, %select_n3A_1479, %broadcast_in_dim3A_1521 : vector<16xi1>, vector<16xi32>
      %gt3A_1527 = arith.cmpf ogt, %select_n3A_1525, %select_n3A_1483 : vector<16xf32>
      %select_n3A_1528 = arith.select %gt3A_1527, %select_n3A_1525, %select_n3A_1483 : vector<16xi1>, vector<16xf32>
      %select_n3A_1529 = arith.select %gt3A_1527, %select_n3A_1526, %select_n3A_1484 : vector<16xi1>, vector<16xi32>
      %select_n3A_1530 = arith.select %gt3A_1527, %select_n3A_1483, %select_n3A_1525 : vector<16xi1>, vector<16xf32>
      %select_n3A_1531 = arith.select %gt3A_1527, %select_n3A_1484, %select_n3A_1526 : vector<16xi1>, vector<16xi32>
      %gt3A_1532 = arith.cmpf ogt, %select_n3A_1530, %select_n3A_1488 : vector<16xf32>
      %select_n3A_1533 = arith.select %gt3A_1532, %select_n3A_1530, %select_n3A_1488 : vector<16xi1>, vector<16xf32>
      %select_n3A_1534 = arith.select %gt3A_1532, %select_n3A_1531, %select_n3A_1489 : vector<16xi1>, vector<16xi32>
      %select_n3A_1535 = arith.select %gt3A_1532, %select_n3A_1488, %select_n3A_1530 : vector<16xi1>, vector<16xf32>
      %select_n3A_1536 = arith.select %gt3A_1532, %select_n3A_1489, %select_n3A_1531 : vector<16xi1>, vector<16xi32>
      %gt3A_1537 = arith.cmpf ogt, %select_n3A_1535, %select_n3A_1493 : vector<16xf32>
      %select_n3A_1538 = arith.select %gt3A_1537, %select_n3A_1535, %select_n3A_1493 : vector<16xi1>, vector<16xf32>
      %select_n3A_1539 = arith.select %gt3A_1537, %select_n3A_1536, %select_n3A_1494 : vector<16xi1>, vector<16xi32>
      %select_n3A_1540 = arith.select %gt3A_1537, %select_n3A_1493, %select_n3A_1535 : vector<16xi1>, vector<16xf32>
      %select_n3A_1541 = arith.select %gt3A_1537, %select_n3A_1494, %select_n3A_1536 : vector<16xi1>, vector<16xi32>
      %gt3A_1542 = arith.cmpf ogt, %select_n3A_1540, %select_n3A_1498 : vector<16xf32>
      %select_n3A_1543 = arith.select %gt3A_1542, %select_n3A_1540, %select_n3A_1498 : vector<16xi1>, vector<16xf32>
      %select_n3A_1544 = arith.select %gt3A_1542, %select_n3A_1541, %select_n3A_1499 : vector<16xi1>, vector<16xi32>
      %select_n3A_1545 = arith.select %gt3A_1542, %select_n3A_1498, %select_n3A_1540 : vector<16xi1>, vector<16xf32>
      %select_n3A_1546 = arith.select %gt3A_1542, %select_n3A_1499, %select_n3A_1541 : vector<16xi1>, vector<16xi32>
      %gt3A_1547 = arith.cmpf ogt, %select_n3A_1545, %select_n3A_1503 : vector<16xf32>
      %select_n3A_1548 = arith.select %gt3A_1547, %select_n3A_1545, %select_n3A_1503 : vector<16xi1>, vector<16xf32>
      %select_n3A_1549 = arith.select %gt3A_1547, %select_n3A_1546, %select_n3A_1504 : vector<16xi1>, vector<16xi32>
      %select_n3A_1550 = arith.select %gt3A_1547, %select_n3A_1503, %select_n3A_1545 : vector<16xi1>, vector<16xf32>
      %select_n3A_1551 = arith.select %gt3A_1547, %select_n3A_1504, %select_n3A_1546 : vector<16xi1>, vector<16xi32>
      %gt3A_1552 = arith.cmpf ogt, %select_n3A_1550, %select_n3A_1508 : vector<16xf32>
      %select_n3A_1553 = arith.select %gt3A_1552, %select_n3A_1550, %select_n3A_1508 : vector<16xi1>, vector<16xf32>
      %select_n3A_1554 = arith.select %gt3A_1552, %select_n3A_1551, %select_n3A_1509 : vector<16xi1>, vector<16xi32>
      %select_n3A_1555 = arith.select %gt3A_1552, %select_n3A_1508, %select_n3A_1550 : vector<16xi1>, vector<16xf32>
      %select_n3A_1556 = arith.select %gt3A_1552, %select_n3A_1509, %select_n3A_1551 : vector<16xi1>, vector<16xi32>
      %gt3A_1557 = arith.cmpf ogt, %select_n3A_1555, %select_n3A_1513 : vector<16xf32>
      %select_n3A_1558 = arith.select %gt3A_1557, %select_n3A_1555, %select_n3A_1513 : vector<16xi1>, vector<16xf32>
      %select_n3A_1559 = arith.select %gt3A_1557, %select_n3A_1556, %select_n3A_1514 : vector<16xi1>, vector<16xi32>
      %get3A_1560 = arith.constant 32 : i32
      %get3A_1561 = arith.index_cast %select_n3A : i32 to index
      %get3A_1562 = arith.index_cast %get3A_1560 : i32 to index
      %get3A_1563 = arith.index_cast %mul3A_89 : i32 to index
      %get3A_1564 = tpu.vector_load %arg5[%get3A_1561, %get3A_1562, %get3A_1563] {strides = array<i32>} : memref<1x64x320xf32, #tpu.memory_space<vmem>>, vector<16xf32>,
      %broadcast_in_dim3A_1565 = arith.constant 32 : i32
      %broadcast_in_dim3A_1566 = vector.broadcast %broadcast_in_dim3A_1565 : i32 to vector<16xi32>
      %gt3A_1567 = arith.cmpf ogt, %get3A_1564, %select_n3A_1523 : vector<16xf32>
      %select_n3A_1568 = arith.select %gt3A_1567, %get3A_1564, %select_n3A_1523 : vector<16xi1>, vector<16xf32>
      %select_n3A_1569 = arith.select %gt3A_1567, %broadcast_in_dim3A_1566, %select_n3A_1524 : vector<16xi1>, vector<16xi32>
      %select_n3A_1570 = arith.select %gt3A_1567, %select_n3A_1523, %get3A_1564 : vector<16xi1>, vector<16xf32>
      %select_n3A_1571 = arith.select %gt3A_1567, %select_n3A_1524, %broadcast_in_dim3A_1566 : vector<16xi1>, vector<16xi32>
      %gt3A_1572 = arith.cmpf ogt, %select_n3A_1570, %select_n3A_1528 : vector<16xf32>
      %select_n3A_1573 = arith.select %gt3A_1572, %select_n3A_1570, %select_n3A_1528 : vector<16xi1>, vector<16xf32>
      %select_n3A_1574 = arith.select %gt3A_1572, %select_n3A_1571, %select_n3A_1529 : vector<16xi1>, vector<16xi32>
      %select_n3A_1575 = arith.select %gt3A_1572, %select_n3A_1528, %select_n3A_1570 : vector<16xi1>, vector<16xf32>
      %select_n3A_1576 = arith.select %gt3A_1572, %select_n3A_1529, %select_n3A_1571 : vector<16xi1>, vector<16xi32>
      %gt3A_1577 = arith.cmpf ogt, %select_n3A_1575, %select_n3A_1533 : vector<16xf32>
      %select_n3A_1578 = arith.select %gt3A_1577, %select_n3A_1575, %select_n3A_1533 : vector<16xi1>, vector<16xf32>
      %select_n3A_1579 = arith.select %gt3A_1577, %select_n3A_1576, %select_n3A_1534 : vector<16xi1>, vector<16xi32>
      %select_n3A_1580 = arith.select %gt3A_1577, %select_n3A_1533, %select_n3A_1575 : vector<16xi1>, vector<16xf32>
      %select_n3A_1581 = arith.select %gt3A_1577, %select_n3A_1534, %select_n3A_1576 : vector<16xi1>, vector<16xi32>
      %gt3A_1582 = arith.cmpf ogt, %select_n3A_1580, %select_n3A_1538 : vector<16xf32>
      %select_n3A_1583 = arith.select %gt3A_1582, %select_n3A_1580, %select_n3A_1538 : vector<16xi1>, vector<16xf32>
      %select_n3A_1584 = arith.select %gt3A_1582, %select_n3A_1581, %select_n3A_1539 : vector<16xi1>, vector<16xi32>
      %select_n3A_1585 = arith.select %gt3A_1582, %select_n3A_1538, %select_n3A_1580 : vector<16xi1>, vector<16xf32>
      %select_n3A_1586 = arith.select %gt3A_1582, %select_n3A_1539, %select_n3A_1581 : vector<16xi1>, vector<16xi32>
      %gt3A_1587 = arith.cmpf ogt, %select_n3A_1585, %select_n3A_1543 : vector<16xf32>
      %select_n3A_1588 = arith.select %gt3A_1587, %select_n3A_1585, %select_n3A_1543 : vector<16xi1>, vector<16xf32>
      %select_n3A_1589 = arith.select %gt3A_1587, %select_n3A_1586, %select_n3A_1544 : vector<16xi1>, vector<16xi32>
      %select_n3A_1590 = arith.select %gt3A_1587, %select_n3A_1543, %select_n3A_1585 : vector<16xi1>, vector<16xf32>
      %select_n3A_1591 = arith.select %gt3A_1587, %select_n3A_1544, %select_n3A_1586 : vector<16xi1>, vector<16xi32>
      %gt3A_1592 = arith.cmpf ogt, %select_n3A_1590, %select_n3A_1548 : vector<16xf32>
      %select_n3A_1593 = arith.select %gt3A_1592, %select_n3A_1590, %select_n3A_1548 : vector<16xi1>, vector<16xf32>
      %select_n3A_1594 = arith.select %gt3A_1592, %select_n3A_1591, %select_n3A_1549 : vector<16xi1>, vector<16xi32>
      %select_n3A_1595 = arith.select %gt3A_1592, %select_n3A_1548, %select_n3A_1590 : vector<16xi1>, vector<16xf32>
      %select_n3A_1596 = arith.select %gt3A_1592, %select_n3A_1549, %select_n3A_1591 : vector<16xi1>, vector<16xi32>
      %gt3A_1597 = arith.cmpf ogt, %select_n3A_1595, %select_n3A_1553 : vector<16xf32>
      %select_n3A_1598 = arith.select %gt3A_1597, %select_n3A_1595, %select_n3A_1553 : vector<16xi1>, vector<16xf32>
      %select_n3A_1599 = arith.select %gt3A_1597, %select_n3A_1596, %select_n3A_1554 : vector<16xi1>, vector<16xi32>
      %select_n3A_1600 = arith.select %gt3A_1597, %select_n3A_1553, %select_n3A_1595 : vector<16xi1>, vector<16xf32>
      %select_n3A_1601 = arith.select %gt3A_1597, %select_n3A_1554, %select_n3A_1596 : vector<16xi1>, vector<16xi32>
      %gt3A_1602 = arith.cmpf ogt, %select_n3A_1600, %select_n3A_1558 : vector<16xf32>
      %select_n3A_1603 = arith.select %gt3A_1602, %select_n3A_1600, %select_n3A_1558 : vector<16xi1>, vector<16xf32>
      %select_n3A_1604 = arith.select %gt3A_1602, %select_n3A_1601, %select_n3A_1559 : vector<16xi1>, vector<16xi32>
      %get3A_1605 = arith.constant 33 : i32
      %get3A_1606 = arith.index_cast %select_n3A : i32 to index
      %get3A_1607 = arith.index_cast %get3A_1605 : i32 to index
      %get3A_1608 = arith.index_cast %mul3A_89 : i32 to index
      %get3A_1609 = tpu.vector_load %arg5[%get3A_1606, %get3A_1607, %get3A_1608] {strides = array<i32>} : memref<1x64x320xf32, #tpu.memory_space<vmem>>, vector<16xf32>,
      %broadcast_in_dim3A_1610 = arith.constant 33 : i32
      %broadcast_in_dim3A_1611 = vector.broadcast %broadcast_in_dim3A_1610 : i32 to vector<16xi32>
      %gt3A_1612 = arith.cmpf ogt, %get3A_1609, %select_n3A_1568 : vector<16xf32>
      %select_n3A_1613 = arith.select %gt3A_1612, %get3A_1609, %select_n3A_1568 : vector<16xi1>, vector<16xf32>
      %select_n3A_1614 = arith.select %gt3A_1612, %broadcast_in_dim3A_1611, %select_n3A_1569 : vector<16xi1>, vector<16xi32>
      %select_n3A_1615 = arith.select %gt3A_1612, %select_n3A_1568, %get3A_1609 : vector<16xi1>, vector<16xf32>
      %select_n3A_1616 = arith.select %gt3A_1612, %select_n3A_1569, %broadcast_in_dim3A_1611 : vector<16xi1>, vector<16xi32>
      %gt3A_1617 = arith.cmpf ogt, %select_n3A_1615, %select_n3A_1573 : vector<16xf32>
      %select_n3A_1618 = arith.select %gt3A_1617, %select_n3A_1615, %select_n3A_1573 : vector<16xi1>, vector<16xf32>
      %select_n3A_1619 = arith.select %gt3A_1617, %select_n3A_1616, %select_n3A_1574 : vector<16xi1>, vector<16xi32>
      %select_n3A_1620 = arith.select %gt3A_1617, %select_n3A_1573, %select_n3A_1615 : vector<16xi1>, vector<16xf32>
      %select_n3A_1621 = arith.select %gt3A_1617, %select_n3A_1574, %select_n3A_1616 : vector<16xi1>, vector<16xi32>
      %gt3A_1622 = arith.cmpf ogt, %select_n3A_1620, %select_n3A_1578 : vector<16xf32>
      %select_n3A_1623 = arith.select %gt3A_1622, %select_n3A_1620, %select_n3A_1578 : vector<16xi1>, vector<16xf32>
      %select_n3A_1624 = arith.select %gt3A_1622, %select_n3A_1621, %select_n3A_1579 : vector<16xi1>, vector<16xi32>
      %select_n3A_1625 = arith.select %gt3A_1622, %select_n3A_1578, %select_n3A_1620 : vector<16xi1>, vector<16xf32>
      %select_n3A_1626 = arith.select %gt3A_1622, %select_n3A_1579, %select_n3A_1621 : vector<16xi1>, vector<16xi32>
      %gt3A_1627 = arith.cmpf ogt, %select_n3A_1625, %select_n3A_1583 : vector<16xf32>
      %select_n3A_1628 = arith.select %gt3A_1627, %select_n3A_1625, %select_n3A_1583 : vector<16xi1>, vector<16xf32>
      %select_n3A_1629 = arith.select %gt3A_1627, %select_n3A_1626, %select_n3A_1584 : vector<16xi1>, vector<16xi32>
      %select_n3A_1630 = arith.select %gt3A_1627, %select_n3A_1583, %select_n3A_1625 : vector<16xi1>, vector<16xf32>
      %select_n3A_1631 = arith.select %gt3A_1627, %select_n3A_1584, %select_n3A_1626 : vector<16xi1>, vector<16xi32>
      %gt3A_1632 = arith.cmpf ogt, %select_n3A_1630, %select_n3A_1588 : vector<16xf32>
      %select_n3A_1633 = arith.select %gt3A_1632, %select_n3A_1630, %select_n3A_1588 : vector<16xi1>, vector<16xf32>
      %select_n3A_1634 = arith.select %gt3A_1632, %select_n3A_1631, %select_n3A_1589 : vector<16xi1>, vector<16xi32>
      %select_n3A_1635 = arith.select %gt3A_1632, %select_n3A_1588, %select_n3A_1630 : vector<16xi1>, vector<16xf32>
      %select_n3A_1636 = arith.select %gt3A_1632, %select_n3A_1589, %select_n3A_1631 : vector<16xi1>, vector<16xi32>
      %gt3A_1637 = arith.cmpf ogt, %select_n3A_1635, %select_n3A_1593 : vector<16xf32>
      %select_n3A_1638 = arith.select %gt3A_1637, %select_n3A_1635, %select_n3A_1593 : vector<16xi1>, vector<16xf32>
      %select_n3A_1639 = arith.select %gt3A_1637, %select_n3A_1636, %select_n3A_1594 : vector<16xi1>, vector<16xi32>
      %select_n3A_1640 = arith.select %gt3A_1637, %select_n3A_1593, %select_n3A_1635 : vector<16xi1>, vector<16xf32>
      %select_n3A_1641 = arith.select %gt3A_1637, %select_n3A_1594, %select_n3A_1636 : vector<16xi1>, vector<16xi32>
      %gt3A_1642 = arith.cmpf ogt, %select_n3A_1640, %select_n3A_1598 : vector<16xf32>
      %select_n3A_1643 = arith.select %gt3A_1642, %select_n3A_1640, %select_n3A_1598 : vector<16xi1>, vector<16xf32>
      %select_n3A_1644 = arith.select %gt3A_1642, %select_n3A_1641, %select_n3A_1599 : vector<16xi1>, vector<16xi32>
      %select_n3A_1645 = arith.select %gt3A_1642, %select_n3A_1598, %select_n3A_1640 : vector<16xi1>, vector<16xf32>
      %select_n3A_1646 = arith.select %gt3A_1642, %select_n3A_1599, %select_n3A_1641 : vector<16xi1>, vector<16xi32>
      %gt3A_1647 = arith.cmpf ogt, %select_n3A_1645, %select_n3A_1603 : vector<16xf32>
      %select_n3A_1648 = arith.select %gt3A_1647, %select_n3A_1645, %select_n3A_1603 : vector<16xi1>, vector<16xf32>
      %select_n3A_1649 = arith.select %gt3A_1647, %select_n3A_1646, %select_n3A_1604 : vector<16xi1>, vector<16xi32>
      %get3A_1650 = arith.constant 34 : i32
      %get3A_1651 = arith.index_cast %select_n3A : i32 to index
      %get3A_1652 = arith.index_cast %get3A_1650 : i32 to index
      %get3A_1653 = arith.index_cast %mul3A_89 : i32 to index
      %get3A_1654 = tpu.vector_load %arg5[%get3A_1651, %get3A_1652, %get3A_1653] {strides = array<i32>} : memref<1x64x320xf32, #tpu.memory_space<vmem>>, vector<16xf32>,
      %broadcast_in_dim3A_1655 = arith.constant 34 : i32
      %broadcast_in_dim3A_1656 = vector.broadcast %broadcast_in_dim3A_1655 : i32 to vector<16xi32>
      %gt3A_1657 = arith.cmpf ogt, %get3A_1654, %select_n3A_1613 : vector<16xf32>
      %select_n3A_1658 = arith.select %gt3A_1657, %get3A_1654, %select_n3A_1613 : vector<16xi1>, vector<16xf32>
      %select_n3A_1659 = arith.select %gt3A_1657, %broadcast_in_dim3A_1656, %select_n3A_1614 : vector<16xi1>, vector<16xi32>
      %select_n3A_1660 = arith.select %gt3A_1657, %select_n3A_1613, %get3A_1654 : vector<16xi1>, vector<16xf32>
      %select_n3A_1661 = arith.select %gt3A_1657, %select_n3A_1614, %broadcast_in_dim3A_1656 : vector<16xi1>, vector<16xi32>
      %gt3A_1662 = arith.cmpf ogt, %select_n3A_1660, %select_n3A_1618 : vector<16xf32>
      %select_n3A_1663 = arith.select %gt3A_1662, %select_n3A_1660, %select_n3A_1618 : vector<16xi1>, vector<16xf32>
      %select_n3A_1664 = arith.select %gt3A_1662, %select_n3A_1661, %select_n3A_1619 : vector<16xi1>, vector<16xi32>
      %select_n3A_1665 = arith.select %gt3A_1662, %select_n3A_1618, %select_n3A_1660 : vector<16xi1>, vector<16xf32>
      %select_n3A_1666 = arith.select %gt3A_1662, %select_n3A_1619, %select_n3A_1661 : vector<16xi1>, vector<16xi32>
      %gt3A_1667 = arith.cmpf ogt, %select_n3A_1665, %select_n3A_1623 : vector<16xf32>
      %select_n3A_1668 = arith.select %gt3A_1667, %select_n3A_1665, %select_n3A_1623 : vector<16xi1>, vector<16xf32>
      %select_n3A_1669 = arith.select %gt3A_1667, %select_n3A_1666, %select_n3A_1624 : vector<16xi1>, vector<16xi32>
      %select_n3A_1670 = arith.select %gt3A_1667, %select_n3A_1623, %select_n3A_1665 : vector<16xi1>, vector<16xf32>
      %select_n3A_1671 = arith.select %gt3A_1667, %select_n3A_1624, %select_n3A_1666 : vector<16xi1>, vector<16xi32>
      %gt3A_1672 = arith.cmpf ogt, %select_n3A_1670, %select_n3A_1628 : vector<16xf32>
      %select_n3A_1673 = arith.select %gt3A_1672, %select_n3A_1670, %select_n3A_1628 : vector<16xi1>, vector<16xf32>
      %select_n3A_1674 = arith.select %gt3A_1672, %select_n3A_1671, %select_n3A_1629 : vector<16xi1>, vector<16xi32>
      %select_n3A_1675 = arith.select %gt3A_1672, %select_n3A_1628, %select_n3A_1670 : vector<16xi1>, vector<16xf32>
      %select_n3A_1676 = arith.select %gt3A_1672, %select_n3A_1629, %select_n3A_1671 : vector<16xi1>, vector<16xi32>
      %gt3A_1677 = arith.cmpf ogt, %select_n3A_1675, %select_n3A_1633 : vector<16xf32>
      %select_n3A_1678 = arith.select %gt3A_1677, %select_n3A_1675, %select_n3A_1633 : vector<16xi1>, vector<16xf32>
      %select_n3A_1679 = arith.select %gt3A_1677, %select_n3A_1676, %select_n3A_1634 : vector<16xi1>, vector<16xi32>
      %select_n3A_1680 = arith.select %gt3A_1677, %select_n3A_1633, %select_n3A_1675 : vector<16xi1>, vector<16xf32>
      %select_n3A_1681 = arith.select %gt3A_1677, %select_n3A_1634, %select_n3A_1676 : vector<16xi1>, vector<16xi32>
      %gt3A_1682 = arith.cmpf ogt, %select_n3A_1680, %select_n3A_1638 : vector<16xf32>
      %select_n3A_1683 = arith.select %gt3A_1682, %select_n3A_1680, %select_n3A_1638 : vector<16xi1>, vector<16xf32>
      %select_n3A_1684 = arith.select %gt3A_1682, %select_n3A_1681, %select_n3A_1639 : vector<16xi1>, vector<16xi32>
      %select_n3A_1685 = arith.select %gt3A_1682, %select_n3A_1638, %select_n3A_1680 : vector<16xi1>, vector<16xf32>
      %select_n3A_1686 = arith.select %gt3A_1682, %select_n3A_1639, %select_n3A_1681 : vector<16xi1>, vector<16xi32>
      %gt3A_1687 = arith.cmpf ogt, %select_n3A_1685, %select_n3A_1643 : vector<16xf32>
      %select_n3A_1688 = arith.select %gt3A_1687, %select_n3A_1685, %select_n3A_1643 : vector<16xi1>, vector<16xf32>
      %select_n3A_1689 = arith.select %gt3A_1687, %select_n3A_1686, %select_n3A_1644 : vector<16xi1>, vector<16xi32>
      %select_n3A_1690 = arith.select %gt3A_1687, %select_n3A_1643, %select_n3A_1685 : vector<16xi1>, vector<16xf32>
      %select_n3A_1691 = arith.select %gt3A_1687, %select_n3A_1644, %select_n3A_1686 : vector<16xi1>, vector<16xi32>
      %gt3A_1692 = arith.cmpf ogt, %select_n3A_1690, %select_n3A_1648 : vector<16xf32>
      %select_n3A_1693 = arith.select %gt3A_1692, %select_n3A_1690, %select_n3A_1648 : vector<16xi1>, vector<16xf32>
      %select_n3A_1694 = arith.select %gt3A_1692, %select_n3A_1691, %select_n3A_1649 : vector<16xi1>, vector<16xi32>
      %get3A_1695 = arith.constant 35 : i32
      %get3A_1696 = arith.index_cast %select_n3A : i32 to index
      %get3A_1697 = arith.index_cast %get3A_1695 : i32 to index
      %get3A_1698 = arith.index_cast %mul3A_89 : i32 to index
      %get3A_1699 = tpu.vector_load %arg5[%get3A_1696, %get3A_1697, %get3A_1698] {strides = array<i32>} : memref<1x64x320xf32, #tpu.memory_space<vmem>>, vector<16xf32>,
      %broadcast_in_dim3A_1700 = arith.constant 35 : i32
      %broadcast_in_dim3A_1701 = vector.broadcast %broadcast_in_dim3A_1700 : i32 to vector<16xi32>
      %gt3A_1702 = arith.cmpf ogt, %get3A_1699, %select_n3A_1658 : vector<16xf32>
      %select_n3A_1703 = arith.select %gt3A_1702, %get3A_1699, %select_n3A_1658 : vector<16xi1>, vector<16xf32>
      %select_n3A_1704 = arith.select %gt3A_1702, %broadcast_in_dim3A_1701, %select_n3A_1659 : vector<16xi1>, vector<16xi32>
      %select_n3A_1705 = arith.select %gt3A_1702, %select_n3A_1658, %get3A_1699 : vector<16xi1>, vector<16xf32>
      %select_n3A_1706 = arith.select %gt3A_1702, %select_n3A_1659, %broadcast_in_dim3A_1701 : vector<16xi1>, vector<16xi32>
      %gt3A_1707 = arith.cmpf ogt, %select_n3A_1705, %select_n3A_1663 : vector<16xf32>
      %select_n3A_1708 = arith.select %gt3A_1707, %select_n3A_1705, %select_n3A_1663 : vector<16xi1>, vector<16xf32>
      %select_n3A_1709 = arith.select %gt3A_1707, %select_n3A_1706, %select_n3A_1664 : vector<16xi1>, vector<16xi32>
      %select_n3A_1710 = arith.select %gt3A_1707, %select_n3A_1663, %select_n3A_1705 : vector<16xi1>, vector<16xf32>
      %select_n3A_1711 = arith.select %gt3A_1707, %select_n3A_1664, %select_n3A_1706 : vector<16xi1>, vector<16xi32>
      %gt3A_1712 = arith.cmpf ogt, %select_n3A_1710, %select_n3A_1668 : vector<16xf32>
      %select_n3A_1713 = arith.select %gt3A_1712, %select_n3A_1710, %select_n3A_1668 : vector<16xi1>, vector<16xf32>
      %select_n3A_1714 = arith.select %gt3A_1712, %select_n3A_1711, %select_n3A_1669 : vector<16xi1>, vector<16xi32>
      %select_n3A_1715 = arith.select %gt3A_1712, %select_n3A_1668, %select_n3A_1710 : vector<16xi1>, vector<16xf32>
      %select_n3A_1716 = arith.select %gt3A_1712, %select_n3A_1669, %select_n3A_1711 : vector<16xi1>, vector<16xi32>
      %gt3A_1717 = arith.cmpf ogt, %select_n3A_1715, %select_n3A_1673 : vector<16xf32>
      %select_n3A_1718 = arith.select %gt3A_1717, %select_n3A_1715, %select_n3A_1673 : vector<16xi1>, vector<16xf32>
      %select_n3A_1719 = arith.select %gt3A_1717, %select_n3A_1716, %select_n3A_1674 : vector<16xi1>, vector<16xi32>
      %select_n3A_1720 = arith.select %gt3A_1717, %select_n3A_1673, %select_n3A_1715 : vector<16xi1>, vector<16xf32>
      %select_n3A_1721 = arith.select %gt3A_1717, %select_n3A_1674, %select_n3A_1716 : vector<16xi1>, vector<16xi32>
      %gt3A_1722 = arith.cmpf ogt, %select_n3A_1720, %select_n3A_1678 : vector<16xf32>
      %select_n3A_1723 = arith.select %gt3A_1722, %select_n3A_1720, %select_n3A_1678 : vector<16xi1>, vector<16xf32>
      %select_n3A_1724 = arith.select %gt3A_1722, %select_n3A_1721, %select_n3A_1679 : vector<16xi1>, vector<16xi32>
      %select_n3A_1725 = arith.select %gt3A_1722, %select_n3A_1678, %select_n3A_1720 : vector<16xi1>, vector<16xf32>
      %select_n3A_1726 = arith.select %gt3A_1722, %select_n3A_1679, %select_n3A_1721 : vector<16xi1>, vector<16xi32>
      %gt3A_1727 = arith.cmpf ogt, %select_n3A_1725, %select_n3A_1683 : vector<16xf32>
      %select_n3A_1728 = arith.select %gt3A_1727, %select_n3A_1725, %select_n3A_1683 : vector<16xi1>, vector<16xf32>
      %select_n3A_1729 = arith.select %gt3A_1727, %select_n3A_1726, %select_n3A_1684 : vector<16xi1>, vector<16xi32>
      %select_n3A_1730 = arith.select %gt3A_1727, %select_n3A_1683, %select_n3A_1725 : vector<16xi1>, vector<16xf32>
      %select_n3A_1731 = arith.select %gt3A_1727, %select_n3A_1684, %select_n3A_1726 : vector<16xi1>, vector<16xi32>
      %gt3A_1732 = arith.cmpf ogt, %select_n3A_1730, %select_n3A_1688 : vector<16xf32>
      %select_n3A_1733 = arith.select %gt3A_1732, %select_n3A_1730, %select_n3A_1688 : vector<16xi1>, vector<16xf32>
      %select_n3A_1734 = arith.select %gt3A_1732, %select_n3A_1731, %select_n3A_1689 : vector<16xi1>, vector<16xi32>
      %select_n3A_1735 = arith.select %gt3A_1732, %select_n3A_1688, %select_n3A_1730 : vector<16xi1>, vector<16xf32>
      %select_n3A_1736 = arith.select %gt3A_1732, %select_n3A_1689, %select_n3A_1731 : vector<16xi1>, vector<16xi32>
      %gt3A_1737 = arith.cmpf ogt, %select_n3A_1735, %select_n3A_1693 : vector<16xf32>
      %select_n3A_1738 = arith.select %gt3A_1737, %select_n3A_1735, %select_n3A_1693 : vector<16xi1>, vector<16xf32>
      %select_n3A_1739 = arith.select %gt3A_1737, %select_n3A_1736, %select_n3A_1694 : vector<16xi1>, vector<16xi32>
      %get3A_1740 = arith.constant 36 : i32
      %get3A_1741 = arith.index_cast %select_n3A : i32 to index
      %get3A_1742 = arith.index_cast %get3A_1740 : i32 to index
      %get3A_1743 = arith.index_cast %mul3A_89 : i32 to index
      %get3A_1744 = tpu.vector_load %arg5[%get3A_1741, %get3A_1742, %get3A_1743] {strides = array<i32>} : memref<1x64x320xf32, #tpu.memory_space<vmem>>, vector<16xf32>,
      %broadcast_in_dim3A_1745 = arith.constant 36 : i32
      %broadcast_in_dim3A_1746 = vector.broadcast %broadcast_in_dim3A_1745 : i32 to vector<16xi32>
      %gt3A_1747 = arith.cmpf ogt, %get3A_1744, %select_n3A_1703 : vector<16xf32>
      %select_n3A_1748 = arith.select %gt3A_1747, %get3A_1744, %select_n3A_1703 : vector<16xi1>, vector<16xf32>
      %select_n3A_1749 = arith.select %gt3A_1747, %broadcast_in_dim3A_1746, %select_n3A_1704 : vector<16xi1>, vector<16xi32>
      %select_n3A_1750 = arith.select %gt3A_1747, %select_n3A_1703, %get3A_1744 : vector<16xi1>, vector<16xf32>
      %select_n3A_1751 = arith.select %gt3A_1747, %select_n3A_1704, %broadcast_in_dim3A_1746 : vector<16xi1>, vector<16xi32>
      %gt3A_1752 = arith.cmpf ogt, %select_n3A_1750, %select_n3A_1708 : vector<16xf32>
      %select_n3A_1753 = arith.select %gt3A_1752, %select_n3A_1750, %select_n3A_1708 : vector<16xi1>, vector<16xf32>
      %select_n3A_1754 = arith.select %gt3A_1752, %select_n3A_1751, %select_n3A_1709 : vector<16xi1>, vector<16xi32>
      %select_n3A_1755 = arith.select %gt3A_1752, %select_n3A_1708, %select_n3A_1750 : vector<16xi1>, vector<16xf32>
      %select_n3A_1756 = arith.select %gt3A_1752, %select_n3A_1709, %select_n3A_1751 : vector<16xi1>, vector<16xi32>
      %gt3A_1757 = arith.cmpf ogt, %select_n3A_1755, %select_n3A_1713 : vector<16xf32>
      %select_n3A_1758 = arith.select %gt3A_1757, %select_n3A_1755, %select_n3A_1713 : vector<16xi1>, vector<16xf32>
      %select_n3A_1759 = arith.select %gt3A_1757, %select_n3A_1756, %select_n3A_1714 : vector<16xi1>, vector<16xi32>
      %select_n3A_1760 = arith.select %gt3A_1757, %select_n3A_1713, %select_n3A_1755 : vector<16xi1>, vector<16xf32>
      %select_n3A_1761 = arith.select %gt3A_1757, %select_n3A_1714, %select_n3A_1756 : vector<16xi1>, vector<16xi32>
      %gt3A_1762 = arith.cmpf ogt, %select_n3A_1760, %select_n3A_1718 : vector<16xf32>
      %select_n3A_1763 = arith.select %gt3A_1762, %select_n3A_1760, %select_n3A_1718 : vector<16xi1>, vector<16xf32>
      %select_n3A_1764 = arith.select %gt3A_1762, %select_n3A_1761, %select_n3A_1719 : vector<16xi1>, vector<16xi32>
      %select_n3A_1765 = arith.select %gt3A_1762, %select_n3A_1718, %select_n3A_1760 : vector<16xi1>, vector<16xf32>
      %select_n3A_1766 = arith.select %gt3A_1762, %select_n3A_1719, %select_n3A_1761 : vector<16xi1>, vector<16xi32>
      %gt3A_1767 = arith.cmpf ogt, %select_n3A_1765, %select_n3A_1723 : vector<16xf32>
      %select_n3A_1768 = arith.select %gt3A_1767, %select_n3A_1765, %select_n3A_1723 : vector<16xi1>, vector<16xf32>
      %select_n3A_1769 = arith.select %gt3A_1767, %select_n3A_1766, %select_n3A_1724 : vector<16xi1>, vector<16xi32>
      %select_n3A_1770 = arith.select %gt3A_1767, %select_n3A_1723, %select_n3A_1765 : vector<16xi1>, vector<16xf32>
      %select_n3A_1771 = arith.select %gt3A_1767, %select_n3A_1724, %select_n3A_1766 : vector<16xi1>, vector<16xi32>
      %gt3A_1772 = arith.cmpf ogt, %select_n3A_1770, %select_n3A_1728 : vector<16xf32>
      %select_n3A_1773 = arith.select %gt3A_1772, %select_n3A_1770, %select_n3A_1728 : vector<16xi1>, vector<16xf32>
      %select_n3A_1774 = arith.select %gt3A_1772, %select_n3A_1771, %select_n3A_1729 : vector<16xi1>, vector<16xi32>
      %select_n3A_1775 = arith.select %gt3A_1772, %select_n3A_1728, %select_n3A_1770 : vector<16xi1>, vector<16xf32>
      %select_n3A_1776 = arith.select %gt3A_1772, %select_n3A_1729, %select_n3A_1771 : vector<16xi1>, vector<16xi32>
      %gt3A_1777 = arith.cmpf ogt, %select_n3A_1775, %select_n3A_1733 : vector<16xf32>
      %select_n3A_1778 = arith.select %gt3A_1777, %select_n3A_1775, %select_n3A_1733 : vector<16xi1>, vector<16xf32>
      %select_n3A_1779 = arith.select %gt3A_1777, %select_n3A_1776, %select_n3A_1734 : vector<16xi1>, vector<16xi32>
      %select_n3A_1780 = arith.select %gt3A_1777, %select_n3A_1733, %select_n3A_1775 : vector<16xi1>, vector<16xf32>
      %select_n3A_1781 = arith.select %gt3A_1777, %select_n3A_1734, %select_n3A_1776 : vector<16xi1>, vector<16xi32>
      %gt3A_1782 = arith.cmpf ogt, %select_n3A_1780, %select_n3A_1738 : vector<16xf32>
      %select_n3A_1783 = arith.select %gt3A_1782, %select_n3A_1780, %select_n3A_1738 : vector<16xi1>, vector<16xf32>
      %select_n3A_1784 = arith.select %gt3A_1782, %select_n3A_1781, %select_n3A_1739 : vector<16xi1>, vector<16xi32>
      %get3A_1785 = arith.constant 37 : i32
      %get3A_1786 = arith.index_cast %select_n3A : i32 to index
      %get3A_1787 = arith.index_cast %get3A_1785 : i32 to index
      %get3A_1788 = arith.index_cast %mul3A_89 : i32 to index
      %get3A_1789 = tpu.vector_load %arg5[%get3A_1786, %get3A_1787, %get3A_1788] {strides = array<i32>} : memref<1x64x320xf32, #tpu.memory_space<vmem>>, vector<16xf32>,
      %broadcast_in_dim3A_1790 = arith.constant 37 : i32
      %broadcast_in_dim3A_1791 = vector.broadcast %broadcast_in_dim3A_1790 : i32 to vector<16xi32>
      %gt3A_1792 = arith.cmpf ogt, %get3A_1789, %select_n3A_1748 : vector<16xf32>
      %select_n3A_1793 = arith.select %gt3A_1792, %get3A_1789, %select_n3A_1748 : vector<16xi1>, vector<16xf32>
      %select_n3A_1794 = arith.select %gt3A_1792, %broadcast_in_dim3A_1791, %select_n3A_1749 : vector<16xi1>, vector<16xi32>
      %select_n3A_1795 = arith.select %gt3A_1792, %select_n3A_1748, %get3A_1789 : vector<16xi1>, vector<16xf32>
      %select_n3A_1796 = arith.select %gt3A_1792, %select_n3A_1749, %broadcast_in_dim3A_1791 : vector<16xi1>, vector<16xi32>
      %gt3A_1797 = arith.cmpf ogt, %select_n3A_1795, %select_n3A_1753 : vector<16xf32>
      %select_n3A_1798 = arith.select %gt3A_1797, %select_n3A_1795, %select_n3A_1753 : vector<16xi1>, vector<16xf32>
      %select_n3A_1799 = arith.select %gt3A_1797, %select_n3A_1796, %select_n3A_1754 : vector<16xi1>, vector<16xi32>
      %select_n3A_1800 = arith.select %gt3A_1797, %select_n3A_1753, %select_n3A_1795 : vector<16xi1>, vector<16xf32>
      %select_n3A_1801 = arith.select %gt3A_1797, %select_n3A_1754, %select_n3A_1796 : vector<16xi1>, vector<16xi32>
      %gt3A_1802 = arith.cmpf ogt, %select_n3A_1800, %select_n3A_1758 : vector<16xf32>
      %select_n3A_1803 = arith.select %gt3A_1802, %select_n3A_1800, %select_n3A_1758 : vector<16xi1>, vector<16xf32>
      %select_n3A_1804 = arith.select %gt3A_1802, %select_n3A_1801, %select_n3A_1759 : vector<16xi1>, vector<16xi32>
      %select_n3A_1805 = arith.select %gt3A_1802, %select_n3A_1758, %select_n3A_1800 : vector<16xi1>, vector<16xf32>
      %select_n3A_1806 = arith.select %gt3A_1802, %select_n3A_1759, %select_n3A_1801 : vector<16xi1>, vector<16xi32>
      %gt3A_1807 = arith.cmpf ogt, %select_n3A_1805, %select_n3A_1763 : vector<16xf32>
      %select_n3A_1808 = arith.select %gt3A_1807, %select_n3A_1805, %select_n3A_1763 : vector<16xi1>, vector<16xf32>
      %select_n3A_1809 = arith.select %gt3A_1807, %select_n3A_1806, %select_n3A_1764 : vector<16xi1>, vector<16xi32>
      %select_n3A_1810 = arith.select %gt3A_1807, %select_n3A_1763, %select_n3A_1805 : vector<16xi1>, vector<16xf32>
      %select_n3A_1811 = arith.select %gt3A_1807, %select_n3A_1764, %select_n3A_1806 : vector<16xi1>, vector<16xi32>
      %gt3A_1812 = arith.cmpf ogt, %select_n3A_1810, %select_n3A_1768 : vector<16xf32>
      %select_n3A_1813 = arith.select %gt3A_1812, %select_n3A_1810, %select_n3A_1768 : vector<16xi1>, vector<16xf32>
      %select_n3A_1814 = arith.select %gt3A_1812, %select_n3A_1811, %select_n3A_1769 : vector<16xi1>, vector<16xi32>
      %select_n3A_1815 = arith.select %gt3A_1812, %select_n3A_1768, %select_n3A_1810 : vector<16xi1>, vector<16xf32>
      %select_n3A_1816 = arith.select %gt3A_1812, %select_n3A_1769, %select_n3A_1811 : vector<16xi1>, vector<16xi32>
      %gt3A_1817 = arith.cmpf ogt, %select_n3A_1815, %select_n3A_1773 : vector<16xf32>
      %select_n3A_1818 = arith.select %gt3A_1817, %select_n3A_1815, %select_n3A_1773 : vector<16xi1>, vector<16xf32>
      %select_n3A_1819 = arith.select %gt3A_1817, %select_n3A_1816, %select_n3A_1774 : vector<16xi1>, vector<16xi32>
      %select_n3A_1820 = arith.select %gt3A_1817, %select_n3A_1773, %select_n3A_1815 : vector<16xi1>, vector<16xf32>
      %select_n3A_1821 = arith.select %gt3A_1817, %select_n3A_1774, %select_n3A_1816 : vector<16xi1>, vector<16xi32>
      %gt3A_1822 = arith.cmpf ogt, %select_n3A_1820, %select_n3A_1778 : vector<16xf32>
      %select_n3A_1823 = arith.select %gt3A_1822, %select_n3A_1820, %select_n3A_1778 : vector<16xi1>, vector<16xf32>
      %select_n3A_1824 = arith.select %gt3A_1822, %select_n3A_1821, %select_n3A_1779 : vector<16xi1>, vector<16xi32>
      %select_n3A_1825 = arith.select %gt3A_1822, %select_n3A_1778, %select_n3A_1820 : vector<16xi1>, vector<16xf32>
      %select_n3A_1826 = arith.select %gt3A_1822, %select_n3A_1779, %select_n3A_1821 : vector<16xi1>, vector<16xi32>
      %gt3A_1827 = arith.cmpf ogt, %select_n3A_1825, %select_n3A_1783 : vector<16xf32>
      %select_n3A_1828 = arith.select %gt3A_1827, %select_n3A_1825, %select_n3A_1783 : vector<16xi1>, vector<16xf32>
      %select_n3A_1829 = arith.select %gt3A_1827, %select_n3A_1826, %select_n3A_1784 : vector<16xi1>, vector<16xi32>
      %get3A_1830 = arith.constant 38 : i32
      %get3A_1831 = arith.index_cast %select_n3A : i32 to index
      %get3A_1832 = arith.index_cast %get3A_1830 : i32 to index
      %get3A_1833 = arith.index_cast %mul3A_89 : i32 to index
      %get3A_1834 = tpu.vector_load %arg5[%get3A_1831, %get3A_1832, %get3A_1833] {strides = array<i32>} : memref<1x64x320xf32, #tpu.memory_space<vmem>>, vector<16xf32>,
      %broadcast_in_dim3A_1835 = arith.constant 38 : i32
      %broadcast_in_dim3A_1836 = vector.broadcast %broadcast_in_dim3A_1835 : i32 to vector<16xi32>
      %gt3A_1837 = arith.cmpf ogt, %get3A_1834, %select_n3A_1793 : vector<16xf32>
      %select_n3A_1838 = arith.select %gt3A_1837, %get3A_1834, %select_n3A_1793 : vector<16xi1>, vector<16xf32>
      %select_n3A_1839 = arith.select %gt3A_1837, %broadcast_in_dim3A_1836, %select_n3A_1794 : vector<16xi1>, vector<16xi32>
      %select_n3A_1840 = arith.select %gt3A_1837, %select_n3A_1793, %get3A_1834 : vector<16xi1>, vector<16xf32>
      %select_n3A_1841 = arith.select %gt3A_1837, %select_n3A_1794, %broadcast_in_dim3A_1836 : vector<16xi1>, vector<16xi32>
      %gt3A_1842 = arith.cmpf ogt, %select_n3A_1840, %select_n3A_1798 : vector<16xf32>
      %select_n3A_1843 = arith.select %gt3A_1842, %select_n3A_1840, %select_n3A_1798 : vector<16xi1>, vector<16xf32>
      %select_n3A_1844 = arith.select %gt3A_1842, %select_n3A_1841, %select_n3A_1799 : vector<16xi1>, vector<16xi32>
      %select_n3A_1845 = arith.select %gt3A_1842, %select_n3A_1798, %select_n3A_1840 : vector<16xi1>, vector<16xf32>
      %select_n3A_1846 = arith.select %gt3A_1842, %select_n3A_1799, %select_n3A_1841 : vector<16xi1>, vector<16xi32>
      %gt3A_1847 = arith.cmpf ogt, %select_n3A_1845, %select_n3A_1803 : vector<16xf32>
      %select_n3A_1848 = arith.select %gt3A_1847, %select_n3A_1845, %select_n3A_1803 : vector<16xi1>, vector<16xf32>
      %select_n3A_1849 = arith.select %gt3A_1847, %select_n3A_1846, %select_n3A_1804 : vector<16xi1>, vector<16xi32>
      %select_n3A_1850 = arith.select %gt3A_1847, %select_n3A_1803, %select_n3A_1845 : vector<16xi1>, vector<16xf32>
      %select_n3A_1851 = arith.select %gt3A_1847, %select_n3A_1804, %select_n3A_1846 : vector<16xi1>, vector<16xi32>
      %gt3A_1852 = arith.cmpf ogt, %select_n3A_1850, %select_n3A_1808 : vector<16xf32>
      %select_n3A_1853 = arith.select %gt3A_1852, %select_n3A_1850, %select_n3A_1808 : vector<16xi1>, vector<16xf32>
      %select_n3A_1854 = arith.select %gt3A_1852, %select_n3A_1851, %select_n3A_1809 : vector<16xi1>, vector<16xi32>
      %select_n3A_1855 = arith.select %gt3A_1852, %select_n3A_1808, %select_n3A_1850 : vector<16xi1>, vector<16xf32>
      %select_n3A_1856 = arith.select %gt3A_1852, %select_n3A_1809, %select_n3A_1851 : vector<16xi1>, vector<16xi32>
      %gt3A_1857 = arith.cmpf ogt, %select_n3A_1855, %select_n3A_1813 : vector<16xf32>
      %select_n3A_1858 = arith.select %gt3A_1857, %select_n3A_1855, %select_n3A_1813 : vector<16xi1>, vector<16xf32>
      %select_n3A_1859 = arith.select %gt3A_1857, %select_n3A_1856, %select_n3A_1814 : vector<16xi1>, vector<16xi32>
      %select_n3A_1860 = arith.select %gt3A_1857, %select_n3A_1813, %select_n3A_1855 : vector<16xi1>, vector<16xf32>
      %select_n3A_1861 = arith.select %gt3A_1857, %select_n3A_1814, %select_n3A_1856 : vector<16xi1>, vector<16xi32>
      %gt3A_1862 = arith.cmpf ogt, %select_n3A_1860, %select_n3A_1818 : vector<16xf32>
      %select_n3A_1863 = arith.select %gt3A_1862, %select_n3A_1860, %select_n3A_1818 : vector<16xi1>, vector<16xf32>
      %select_n3A_1864 = arith.select %gt3A_1862, %select_n3A_1861, %select_n3A_1819 : vector<16xi1>, vector<16xi32>
      %select_n3A_1865 = arith.select %gt3A_1862, %select_n3A_1818, %select_n3A_1860 : vector<16xi1>, vector<16xf32>
      %select_n3A_1866 = arith.select %gt3A_1862, %select_n3A_1819, %select_n3A_1861 : vector<16xi1>, vector<16xi32>
      %gt3A_1867 = arith.cmpf ogt, %select_n3A_1865, %select_n3A_1823 : vector<16xf32>
      %select_n3A_1868 = arith.select %gt3A_1867, %select_n3A_1865, %select_n3A_1823 : vector<16xi1>, vector<16xf32>
      %select_n3A_1869 = arith.select %gt3A_1867, %select_n3A_1866, %select_n3A_1824 : vector<16xi1>, vector<16xi32>
      %select_n3A_1870 = arith.select %gt3A_1867, %select_n3A_1823, %select_n3A_1865 : vector<16xi1>, vector<16xf32>
      %select_n3A_1871 = arith.select %gt3A_1867, %select_n3A_1824, %select_n3A_1866 : vector<16xi1>, vector<16xi32>
      %gt3A_1872 = arith.cmpf ogt, %select_n3A_1870, %select_n3A_1828 : vector<16xf32>
      %select_n3A_1873 = arith.select %gt3A_1872, %select_n3A_1870, %select_n3A_1828 : vector<16xi1>, vector<16xf32>
      %select_n3A_1874 = arith.select %gt3A_1872, %select_n3A_1871, %select_n3A_1829 : vector<16xi1>, vector<16xi32>
      %get3A_1875 = arith.constant 39 : i32
      %get3A_1876 = arith.index_cast %select_n3A : i32 to index
      %get3A_1877 = arith.index_cast %get3A_1875 : i32 to index
      %get3A_1878 = arith.index_cast %mul3A_89 : i32 to index
      %get3A_1879 = tpu.vector_load %arg5[%get3A_1876, %get3A_1877, %get3A_1878] {strides = array<i32>} : memref<1x64x320xf32, #tpu.memory_space<vmem>>, vector<16xf32>,
      %broadcast_in_dim3A_1880 = arith.constant 39 : i32
      %broadcast_in_dim3A_1881 = vector.broadcast %broadcast_in_dim3A_1880 : i32 to vector<16xi32>
      %gt3A_1882 = arith.cmpf ogt, %get3A_1879, %select_n3A_1838 : vector<16xf32>
      %select_n3A_1883 = arith.select %gt3A_1882, %get3A_1879, %select_n3A_1838 : vector<16xi1>, vector<16xf32>
      %select_n3A_1884 = arith.select %gt3A_1882, %broadcast_in_dim3A_1881, %select_n3A_1839 : vector<16xi1>, vector<16xi32>
      %select_n3A_1885 = arith.select %gt3A_1882, %select_n3A_1838, %get3A_1879 : vector<16xi1>, vector<16xf32>
      %select_n3A_1886 = arith.select %gt3A_1882, %select_n3A_1839, %broadcast_in_dim3A_1881 : vector<16xi1>, vector<16xi32>
      %gt3A_1887 = arith.cmpf ogt, %select_n3A_1885, %select_n3A_1843 : vector<16xf32>
      %select_n3A_1888 = arith.select %gt3A_1887, %select_n3A_1885, %select_n3A_1843 : vector<16xi1>, vector<16xf32>
      %select_n3A_1889 = arith.select %gt3A_1887, %select_n3A_1886, %select_n3A_1844 : vector<16xi1>, vector<16xi32>
      %select_n3A_1890 = arith.select %gt3A_1887, %select_n3A_1843, %select_n3A_1885 : vector<16xi1>, vector<16xf32>
      %select_n3A_1891 = arith.select %gt3A_1887, %select_n3A_1844, %select_n3A_1886 : vector<16xi1>, vector<16xi32>
      %gt3A_1892 = arith.cmpf ogt, %select_n3A_1890, %select_n3A_1848 : vector<16xf32>
      %select_n3A_1893 = arith.select %gt3A_1892, %select_n3A_1890, %select_n3A_1848 : vector<16xi1>, vector<16xf32>
      %select_n3A_1894 = arith.select %gt3A_1892, %select_n3A_1891, %select_n3A_1849 : vector<16xi1>, vector<16xi32>
      %select_n3A_1895 = arith.select %gt3A_1892, %select_n3A_1848, %select_n3A_1890 : vector<16xi1>, vector<16xf32>
      %select_n3A_1896 = arith.select %gt3A_1892, %select_n3A_1849, %select_n3A_1891 : vector<16xi1>, vector<16xi32>
      %gt3A_1897 = arith.cmpf ogt, %select_n3A_1895, %select_n3A_1853 : vector<16xf32>
      %select_n3A_1898 = arith.select %gt3A_1897, %select_n3A_1895, %select_n3A_1853 : vector<16xi1>, vector<16xf32>
      %select_n3A_1899 = arith.select %gt3A_1897, %select_n3A_1896, %select_n3A_1854 : vector<16xi1>, vector<16xi32>
      %select_n3A_1900 = arith.select %gt3A_1897, %select_n3A_1853, %select_n3A_1895 : vector<16xi1>, vector<16xf32>
      %select_n3A_1901 = arith.select %gt3A_1897, %select_n3A_1854, %select_n3A_1896 : vector<16xi1>, vector<16xi32>
      %gt3A_1902 = arith.cmpf ogt, %select_n3A_1900, %select_n3A_1858 : vector<16xf32>
      %select_n3A_1903 = arith.select %gt3A_1902, %select_n3A_1900, %select_n3A_1858 : vector<16xi1>, vector<16xf32>
      %select_n3A_1904 = arith.select %gt3A_1902, %select_n3A_1901, %select_n3A_1859 : vector<16xi1>, vector<16xi32>
      %select_n3A_1905 = arith.select %gt3A_1902, %select_n3A_1858, %select_n3A_1900 : vector<16xi1>, vector<16xf32>
      %select_n3A_1906 = arith.select %gt3A_1902, %select_n3A_1859, %select_n3A_1901 : vector<16xi1>, vector<16xi32>
      %gt3A_1907 = arith.cmpf ogt, %select_n3A_1905, %select_n3A_1863 : vector<16xf32>
      %select_n3A_1908 = arith.select %gt3A_1907, %select_n3A_1905, %select_n3A_1863 : vector<16xi1>, vector<16xf32>
      %select_n3A_1909 = arith.select %gt3A_1907, %select_n3A_1906, %select_n3A_1864 : vector<16xi1>, vector<16xi32>
      %select_n3A_1910 = arith.select %gt3A_1907, %select_n3A_1863, %select_n3A_1905 : vector<16xi1>, vector<16xf32>
      %select_n3A_1911 = arith.select %gt3A_1907, %select_n3A_1864, %select_n3A_1906 : vector<16xi1>, vector<16xi32>
      %gt3A_1912 = arith.cmpf ogt, %select_n3A_1910, %select_n3A_1868 : vector<16xf32>
      %select_n3A_1913 = arith.select %gt3A_1912, %select_n3A_1910, %select_n3A_1868 : vector<16xi1>, vector<16xf32>
      %select_n3A_1914 = arith.select %gt3A_1912, %select_n3A_1911, %select_n3A_1869 : vector<16xi1>, vector<16xi32>
      %select_n3A_1915 = arith.select %gt3A_1912, %select_n3A_1868, %select_n3A_1910 : vector<16xi1>, vector<16xf32>
      %select_n3A_1916 = arith.select %gt3A_1912, %select_n3A_1869, %select_n3A_1911 : vector<16xi1>, vector<16xi32>
      %gt3A_1917 = arith.cmpf ogt, %select_n3A_1915, %select_n3A_1873 : vector<16xf32>
      %select_n3A_1918 = arith.select %gt3A_1917, %select_n3A_1915, %select_n3A_1873 : vector<16xi1>, vector<16xf32>
      %select_n3A_1919 = arith.select %gt3A_1917, %select_n3A_1916, %select_n3A_1874 : vector<16xi1>, vector<16xi32>
      %get3A_1920 = arith.constant 40 : i32
      %get3A_1921 = arith.index_cast %select_n3A : i32 to index
      %get3A_1922 = arith.index_cast %get3A_1920 : i32 to index
      %get3A_1923 = arith.index_cast %mul3A_89 : i32 to index
      %get3A_1924 = tpu.vector_load %arg5[%get3A_1921, %get3A_1922, %get3A_1923] {strides = array<i32>} : memref<1x64x320xf32, #tpu.memory_space<vmem>>, vector<16xf32>,
      %broadcast_in_dim3A_1925 = arith.constant 40 : i32
      %broadcast_in_dim3A_1926 = vector.broadcast %broadcast_in_dim3A_1925 : i32 to vector<16xi32>
      %gt3A_1927 = arith.cmpf ogt, %get3A_1924, %select_n3A_1883 : vector<16xf32>
      %select_n3A_1928 = arith.select %gt3A_1927, %get3A_1924, %select_n3A_1883 : vector<16xi1>, vector<16xf32>
      %select_n3A_1929 = arith.select %gt3A_1927, %broadcast_in_dim3A_1926, %select_n3A_1884 : vector<16xi1>, vector<16xi32>
      %select_n3A_1930 = arith.select %gt3A_1927, %select_n3A_1883, %get3A_1924 : vector<16xi1>, vector<16xf32>
      %select_n3A_1931 = arith.select %gt3A_1927, %select_n3A_1884, %broadcast_in_dim3A_1926 : vector<16xi1>, vector<16xi32>
      %gt3A_1932 = arith.cmpf ogt, %select_n3A_1930, %select_n3A_1888 : vector<16xf32>
      %select_n3A_1933 = arith.select %gt3A_1932, %select_n3A_1930, %select_n3A_1888 : vector<16xi1>, vector<16xf32>
      %select_n3A_1934 = arith.select %gt3A_1932, %select_n3A_1931, %select_n3A_1889 : vector<16xi1>, vector<16xi32>
      %select_n3A_1935 = arith.select %gt3A_1932, %select_n3A_1888, %select_n3A_1930 : vector<16xi1>, vector<16xf32>
      %select_n3A_1936 = arith.select %gt3A_1932, %select_n3A_1889, %select_n3A_1931 : vector<16xi1>, vector<16xi32>
      %gt3A_1937 = arith.cmpf ogt, %select_n3A_1935, %select_n3A_1893 : vector<16xf32>
      %select_n3A_1938 = arith.select %gt3A_1937, %select_n3A_1935, %select_n3A_1893 : vector<16xi1>, vector<16xf32>
      %select_n3A_1939 = arith.select %gt3A_1937, %select_n3A_1936, %select_n3A_1894 : vector<16xi1>, vector<16xi32>
      %select_n3A_1940 = arith.select %gt3A_1937, %select_n3A_1893, %select_n3A_1935 : vector<16xi1>, vector<16xf32>
      %select_n3A_1941 = arith.select %gt3A_1937, %select_n3A_1894, %select_n3A_1936 : vector<16xi1>, vector<16xi32>
      %gt3A_1942 = arith.cmpf ogt, %select_n3A_1940, %select_n3A_1898 : vector<16xf32>
      %select_n3A_1943 = arith.select %gt3A_1942, %select_n3A_1940, %select_n3A_1898 : vector<16xi1>, vector<16xf32>
      %select_n3A_1944 = arith.select %gt3A_1942, %select_n3A_1941, %select_n3A_1899 : vector<16xi1>, vector<16xi32>
      %select_n3A_1945 = arith.select %gt3A_1942, %select_n3A_1898, %select_n3A_1940 : vector<16xi1>, vector<16xf32>
      %select_n3A_1946 = arith.select %gt3A_1942, %select_n3A_1899, %select_n3A_1941 : vector<16xi1>, vector<16xi32>
      %gt3A_1947 = arith.cmpf ogt, %select_n3A_1945, %select_n3A_1903 : vector<16xf32>
      %select_n3A_1948 = arith.select %gt3A_1947, %select_n3A_1945, %select_n3A_1903 : vector<16xi1>, vector<16xf32>
      %select_n3A_1949 = arith.select %gt3A_1947, %select_n3A_1946, %select_n3A_1904 : vector<16xi1>, vector<16xi32>
      %select_n3A_1950 = arith.select %gt3A_1947, %select_n3A_1903, %select_n3A_1945 : vector<16xi1>, vector<16xf32>
      %select_n3A_1951 = arith.select %gt3A_1947, %select_n3A_1904, %select_n3A_1946 : vector<16xi1>, vector<16xi32>
      %gt3A_1952 = arith.cmpf ogt, %select_n3A_1950, %select_n3A_1908 : vector<16xf32>
      %select_n3A_1953 = arith.select %gt3A_1952, %select_n3A_1950, %select_n3A_1908 : vector<16xi1>, vector<16xf32>
      %select_n3A_1954 = arith.select %gt3A_1952, %select_n3A_1951, %select_n3A_1909 : vector<16xi1>, vector<16xi32>
      %select_n3A_1955 = arith.select %gt3A_1952, %select_n3A_1908, %select_n3A_1950 : vector<16xi1>, vector<16xf32>
      %select_n3A_1956 = arith.select %gt3A_1952, %select_n3A_1909, %select_n3A_1951 : vector<16xi1>, vector<16xi32>
      %gt3A_1957 = arith.cmpf ogt, %select_n3A_1955, %select_n3A_1913 : vector<16xf32>
      %select_n3A_1958 = arith.select %gt3A_1957, %select_n3A_1955, %select_n3A_1913 : vector<16xi1>, vector<16xf32>
      %select_n3A_1959 = arith.select %gt3A_1957, %select_n3A_1956, %select_n3A_1914 : vector<16xi1>, vector<16xi32>
      %select_n3A_1960 = arith.select %gt3A_1957, %select_n3A_1913, %select_n3A_1955 : vector<16xi1>, vector<16xf32>
      %select_n3A_1961 = arith.select %gt3A_1957, %select_n3A_1914, %select_n3A_1956 : vector<16xi1>, vector<16xi32>
      %gt3A_1962 = arith.cmpf ogt, %select_n3A_1960, %select_n3A_1918 : vector<16xf32>
      %select_n3A_1963 = arith.select %gt3A_1962, %select_n3A_1960, %select_n3A_1918 : vector<16xi1>, vector<16xf32>
      %select_n3A_1964 = arith.select %gt3A_1962, %select_n3A_1961, %select_n3A_1919 : vector<16xi1>, vector<16xi32>
      %get3A_1965 = arith.constant 41 : i32
      %get3A_1966 = arith.index_cast %select_n3A : i32 to index
      %get3A_1967 = arith.index_cast %get3A_1965 : i32 to index
      %get3A_1968 = arith.index_cast %mul3A_89 : i32 to index
      %get3A_1969 = tpu.vector_load %arg5[%get3A_1966, %get3A_1967, %get3A_1968] {strides = array<i32>} : memref<1x64x320xf32, #tpu.memory_space<vmem>>, vector<16xf32>,
      %broadcast_in_dim3A_1970 = arith.constant 41 : i32
      %broadcast_in_dim3A_1971 = vector.broadcast %broadcast_in_dim3A_1970 : i32 to vector<16xi32>
      %gt3A_1972 = arith.cmpf ogt, %get3A_1969, %select_n3A_1928 : vector<16xf32>
      %select_n3A_1973 = arith.select %gt3A_1972, %get3A_1969, %select_n3A_1928 : vector<16xi1>, vector<16xf32>
      %select_n3A_1974 = arith.select %gt3A_1972, %broadcast_in_dim3A_1971, %select_n3A_1929 : vector<16xi1>, vector<16xi32>
      %select_n3A_1975 = arith.select %gt3A_1972, %select_n3A_1928, %get3A_1969 : vector<16xi1>, vector<16xf32>
      %select_n3A_1976 = arith.select %gt3A_1972, %select_n3A_1929, %broadcast_in_dim3A_1971 : vector<16xi1>, vector<16xi32>
      %gt3A_1977 = arith.cmpf ogt, %select_n3A_1975, %select_n3A_1933 : vector<16xf32>
      %select_n3A_1978 = arith.select %gt3A_1977, %select_n3A_1975, %select_n3A_1933 : vector<16xi1>, vector<16xf32>
      %select_n3A_1979 = arith.select %gt3A_1977, %select_n3A_1976, %select_n3A_1934 : vector<16xi1>, vector<16xi32>
      %select_n3A_1980 = arith.select %gt3A_1977, %select_n3A_1933, %select_n3A_1975 : vector<16xi1>, vector<16xf32>
      %select_n3A_1981 = arith.select %gt3A_1977, %select_n3A_1934, %select_n3A_1976 : vector<16xi1>, vector<16xi32>
      %gt3A_1982 = arith.cmpf ogt, %select_n3A_1980, %select_n3A_1938 : vector<16xf32>
      %select_n3A_1983 = arith.select %gt3A_1982, %select_n3A_1980, %select_n3A_1938 : vector<16xi1>, vector<16xf32>
      %select_n3A_1984 = arith.select %gt3A_1982, %select_n3A_1981, %select_n3A_1939 : vector<16xi1>, vector<16xi32>
      %select_n3A_1985 = arith.select %gt3A_1982, %select_n3A_1938, %select_n3A_1980 : vector<16xi1>, vector<16xf32>
      %select_n3A_1986 = arith.select %gt3A_1982, %select_n3A_1939, %select_n3A_1981 : vector<16xi1>, vector<16xi32>
      %gt3A_1987 = arith.cmpf ogt, %select_n3A_1985, %select_n3A_1943 : vector<16xf32>
      %select_n3A_1988 = arith.select %gt3A_1987, %select_n3A_1985, %select_n3A_1943 : vector<16xi1>, vector<16xf32>
      %select_n3A_1989 = arith.select %gt3A_1987, %select_n3A_1986, %select_n3A_1944 : vector<16xi1>, vector<16xi32>
      %select_n3A_1990 = arith.select %gt3A_1987, %select_n3A_1943, %select_n3A_1985 : vector<16xi1>, vector<16xf32>
      %select_n3A_1991 = arith.select %gt3A_1987, %select_n3A_1944, %select_n3A_1986 : vector<16xi1>, vector<16xi32>
      %gt3A_1992 = arith.cmpf ogt, %select_n3A_1990, %select_n3A_1948 : vector<16xf32>
      %select_n3A_1993 = arith.select %gt3A_1992, %select_n3A_1990, %select_n3A_1948 : vector<16xi1>, vector<16xf32>
      %select_n3A_1994 = arith.select %gt3A_1992, %select_n3A_1991, %select_n3A_1949 : vector<16xi1>, vector<16xi32>
      %select_n3A_1995 = arith.select %gt3A_1992, %select_n3A_1948, %select_n3A_1990 : vector<16xi1>, vector<16xf32>
      %select_n3A_1996 = arith.select %gt3A_1992, %select_n3A_1949, %select_n3A_1991 : vector<16xi1>, vector<16xi32>
      %gt3A_1997 = arith.cmpf ogt, %select_n3A_1995, %select_n3A_1953 : vector<16xf32>
      %select_n3A_1998 = arith.select %gt3A_1997, %select_n3A_1995, %select_n3A_1953 : vector<16xi1>, vector<16xf32>
      %select_n3A_1999 = arith.select %gt3A_1997, %select_n3A_1996, %select_n3A_1954 : vector<16xi1>, vector<16xi32>
      %select_n3A_2000 = arith.select %gt3A_1997, %select_n3A_1953, %select_n3A_1995 : vector<16xi1>, vector<16xf32>
      %select_n3A_2001 = arith.select %gt3A_1997, %select_n3A_1954, %select_n3A_1996 : vector<16xi1>, vector<16xi32>
      %gt3A_2002 = arith.cmpf ogt, %select_n3A_2000, %select_n3A_1958 : vector<16xf32>
      %select_n3A_2003 = arith.select %gt3A_2002, %select_n3A_2000, %select_n3A_1958 : vector<16xi1>, vector<16xf32>
      %select_n3A_2004 = arith.select %gt3A_2002, %select_n3A_2001, %select_n3A_1959 : vector<16xi1>, vector<16xi32>
      %select_n3A_2005 = arith.select %gt3A_2002, %select_n3A_1958, %select_n3A_2000 : vector<16xi1>, vector<16xf32>
      %select_n3A_2006 = arith.select %gt3A_2002, %select_n3A_1959, %select_n3A_2001 : vector<16xi1>, vector<16xi32>
      %gt3A_2007 = arith.cmpf ogt, %select_n3A_2005, %select_n3A_1963 : vector<16xf32>
      %select_n3A_2008 = arith.select %gt3A_2007, %select_n3A_2005, %select_n3A_1963 : vector<16xi1>, vector<16xf32>
      %select_n3A_2009 = arith.select %gt3A_2007, %select_n3A_2006, %select_n3A_1964 : vector<16xi1>, vector<16xi32>
      %get3A_2010 = arith.constant 42 : i32
      %get3A_2011 = arith.index_cast %select_n3A : i32 to index
      %get3A_2012 = arith.index_cast %get3A_2010 : i32 to index
      %get3A_2013 = arith.index_cast %mul3A_89 : i32 to index
      %get3A_2014 = tpu.vector_load %arg5[%get3A_2011, %get3A_2012, %get3A_2013] {strides = array<i32>} : memref<1x64x320xf32, #tpu.memory_space<vmem>>, vector<16xf32>,
      %broadcast_in_dim3A_2015 = arith.constant 42 : i32
      %broadcast_in_dim3A_2016 = vector.broadcast %broadcast_in_dim3A_2015 : i32 to vector<16xi32>
      %gt3A_2017 = arith.cmpf ogt, %get3A_2014, %select_n3A_1973 : vector<16xf32>
      %select_n3A_2018 = arith.select %gt3A_2017, %get3A_2014, %select_n3A_1973 : vector<16xi1>, vector<16xf32>
      %select_n3A_2019 = arith.select %gt3A_2017, %broadcast_in_dim3A_2016, %select_n3A_1974 : vector<16xi1>, vector<16xi32>
      %select_n3A_2020 = arith.select %gt3A_2017, %select_n3A_1973, %get3A_2014 : vector<16xi1>, vector<16xf32>
      %select_n3A_2021 = arith.select %gt3A_2017, %select_n3A_1974, %broadcast_in_dim3A_2016 : vector<16xi1>, vector<16xi32>
      %gt3A_2022 = arith.cmpf ogt, %select_n3A_2020, %select_n3A_1978 : vector<16xf32>
      %select_n3A_2023 = arith.select %gt3A_2022, %select_n3A_2020, %select_n3A_1978 : vector<16xi1>, vector<16xf32>
      %select_n3A_2024 = arith.select %gt3A_2022, %select_n3A_2021, %select_n3A_1979 : vector<16xi1>, vector<16xi32>
      %select_n3A_2025 = arith.select %gt3A_2022, %select_n3A_1978, %select_n3A_2020 : vector<16xi1>, vector<16xf32>
      %select_n3A_2026 = arith.select %gt3A_2022, %select_n3A_1979, %select_n3A_2021 : vector<16xi1>, vector<16xi32>
      %gt3A_2027 = arith.cmpf ogt, %select_n3A_2025, %select_n3A_1983 : vector<16xf32>
      %select_n3A_2028 = arith.select %gt3A_2027, %select_n3A_2025, %select_n3A_1983 : vector<16xi1>, vector<16xf32>
      %select_n3A_2029 = arith.select %gt3A_2027, %select_n3A_2026, %select_n3A_1984 : vector<16xi1>, vector<16xi32>
      %select_n3A_2030 = arith.select %gt3A_2027, %select_n3A_1983, %select_n3A_2025 : vector<16xi1>, vector<16xf32>
      %select_n3A_2031 = arith.select %gt3A_2027, %select_n3A_1984, %select_n3A_2026 : vector<16xi1>, vector<16xi32>
      %gt3A_2032 = arith.cmpf ogt, %select_n3A_2030, %select_n3A_1988 : vector<16xf32>
      %select_n3A_2033 = arith.select %gt3A_2032, %select_n3A_2030, %select_n3A_1988 : vector<16xi1>, vector<16xf32>
      %select_n3A_2034 = arith.select %gt3A_2032, %select_n3A_2031, %select_n3A_1989 : vector<16xi1>, vector<16xi32>
      %select_n3A_2035 = arith.select %gt3A_2032, %select_n3A_1988, %select_n3A_2030 : vector<16xi1>, vector<16xf32>
      %select_n3A_2036 = arith.select %gt3A_2032, %select_n3A_1989, %select_n3A_2031 : vector<16xi1>, vector<16xi32>
      %gt3A_2037 = arith.cmpf ogt, %select_n3A_2035, %select_n3A_1993 : vector<16xf32>
      %select_n3A_2038 = arith.select %gt3A_2037, %select_n3A_2035, %select_n3A_1993 : vector<16xi1>, vector<16xf32>
      %select_n3A_2039 = arith.select %gt3A_2037, %select_n3A_2036, %select_n3A_1994 : vector<16xi1>, vector<16xi32>
      %select_n3A_2040 = arith.select %gt3A_2037, %select_n3A_1993, %select_n3A_2035 : vector<16xi1>, vector<16xf32>
      %select_n3A_2041 = arith.select %gt3A_2037, %select_n3A_1994, %select_n3A_2036 : vector<16xi1>, vector<16xi32>
      %gt3A_2042 = arith.cmpf ogt, %select_n3A_2040, %select_n3A_1998 : vector<16xf32>
      %select_n3A_2043 = arith.select %gt3A_2042, %select_n3A_2040, %select_n3A_1998 : vector<16xi1>, vector<16xf32>
      %select_n3A_2044 = arith.select %gt3A_2042, %select_n3A_2041, %select_n3A_1999 : vector<16xi1>, vector<16xi32>
      %select_n3A_2045 = arith.select %gt3A_2042, %select_n3A_1998, %select_n3A_2040 : vector<16xi1>, vector<16xf32>
      %select_n3A_2046 = arith.select %gt3A_2042, %select_n3A_1999, %select_n3A_2041 : vector<16xi1>, vector<16xi32>
      %gt3A_2047 = arith.cmpf ogt, %select_n3A_2045, %select_n3A_2003 : vector<16xf32>
      %select_n3A_2048 = arith.select %gt3A_2047, %select_n3A_2045, %select_n3A_2003 : vector<16xi1>, vector<16xf32>
      %select_n3A_2049 = arith.select %gt3A_2047, %select_n3A_2046, %select_n3A_2004 : vector<16xi1>, vector<16xi32>
      %select_n3A_2050 = arith.select %gt3A_2047, %select_n3A_2003, %select_n3A_2045 : vector<16xi1>, vector<16xf32>
      %select_n3A_2051 = arith.select %gt3A_2047, %select_n3A_2004, %select_n3A_2046 : vector<16xi1>, vector<16xi32>
      %gt3A_2052 = arith.cmpf ogt, %select_n3A_2050, %select_n3A_2008 : vector<16xf32>
      %select_n3A_2053 = arith.select %gt3A_2052, %select_n3A_2050, %select_n3A_2008 : vector<16xi1>, vector<16xf32>
      %select_n3A_2054 = arith.select %gt3A_2052, %select_n3A_2051, %select_n3A_2009 : vector<16xi1>, vector<16xi32>
      %get3A_2055 = arith.constant 43 : i32
      %get3A_2056 = arith.index_cast %select_n3A : i32 to index
      %get3A_2057 = arith.index_cast %get3A_2055 : i32 to index
      %get3A_2058 = arith.index_cast %mul3A_89 : i32 to index
      %get3A_2059 = tpu.vector_load %arg5[%get3A_2056, %get3A_2057, %get3A_2058] {strides = array<i32>} : memref<1x64x320xf32, #tpu.memory_space<vmem>>, vector<16xf32>,
      %broadcast_in_dim3A_2060 = arith.constant 43 : i32
      %broadcast_in_dim3A_2061 = vector.broadcast %broadcast_in_dim3A_2060 : i32 to vector<16xi32>
      %gt3A_2062 = arith.cmpf ogt, %get3A_2059, %select_n3A_2018 : vector<16xf32>
      %select_n3A_2063 = arith.select %gt3A_2062, %get3A_2059, %select_n3A_2018 : vector<16xi1>, vector<16xf32>
      %select_n3A_2064 = arith.select %gt3A_2062, %broadcast_in_dim3A_2061, %select_n3A_2019 : vector<16xi1>, vector<16xi32>
      %select_n3A_2065 = arith.select %gt3A_2062, %select_n3A_2018, %get3A_2059 : vector<16xi1>, vector<16xf32>
      %select_n3A_2066 = arith.select %gt3A_2062, %select_n3A_2019, %broadcast_in_dim3A_2061 : vector<16xi1>, vector<16xi32>
      %gt3A_2067 = arith.cmpf ogt, %select_n3A_2065, %select_n3A_2023 : vector<16xf32>
      %select_n3A_2068 = arith.select %gt3A_2067, %select_n3A_2065, %select_n3A_2023 : vector<16xi1>, vector<16xf32>
      %select_n3A_2069 = arith.select %gt3A_2067, %select_n3A_2066, %select_n3A_2024 : vector<16xi1>, vector<16xi32>
      %select_n3A_2070 = arith.select %gt3A_2067, %select_n3A_2023, %select_n3A_2065 : vector<16xi1>, vector<16xf32>
      %select_n3A_2071 = arith.select %gt3A_2067, %select_n3A_2024, %select_n3A_2066 : vector<16xi1>, vector<16xi32>
      %gt3A_2072 = arith.cmpf ogt, %select_n3A_2070, %select_n3A_2028 : vector<16xf32>
      %select_n3A_2073 = arith.select %gt3A_2072, %select_n3A_2070, %select_n3A_2028 : vector<16xi1>, vector<16xf32>
      %select_n3A_2074 = arith.select %gt3A_2072, %select_n3A_2071, %select_n3A_2029 : vector<16xi1>, vector<16xi32>
      %select_n3A_2075 = arith.select %gt3A_2072, %select_n3A_2028, %select_n3A_2070 : vector<16xi1>, vector<16xf32>
      %select_n3A_2076 = arith.select %gt3A_2072, %select_n3A_2029, %select_n3A_2071 : vector<16xi1>, vector<16xi32>
      %gt3A_2077 = arith.cmpf ogt, %select_n3A_2075, %select_n3A_2033 : vector<16xf32>
      %select_n3A_2078 = arith.select %gt3A_2077, %select_n3A_2075, %select_n3A_2033 : vector<16xi1>, vector<16xf32>
      %select_n3A_2079 = arith.select %gt3A_2077, %select_n3A_2076, %select_n3A_2034 : vector<16xi1>, vector<16xi32>
      %select_n3A_2080 = arith.select %gt3A_2077, %select_n3A_2033, %select_n3A_2075 : vector<16xi1>, vector<16xf32>
      %select_n3A_2081 = arith.select %gt3A_2077, %select_n3A_2034, %select_n3A_2076 : vector<16xi1>, vector<16xi32>
      %gt3A_2082 = arith.cmpf ogt, %select_n3A_2080, %select_n3A_2038 : vector<16xf32>
      %select_n3A_2083 = arith.select %gt3A_2082, %select_n3A_2080, %select_n3A_2038 : vector<16xi1>, vector<16xf32>
      %select_n3A_2084 = arith.select %gt3A_2082, %select_n3A_2081, %select_n3A_2039 : vector<16xi1>, vector<16xi32>
      %select_n3A_2085 = arith.select %gt3A_2082, %select_n3A_2038, %select_n3A_2080 : vector<16xi1>, vector<16xf32>
      %select_n3A_2086 = arith.select %gt3A_2082, %select_n3A_2039, %select_n3A_2081 : vector<16xi1>, vector<16xi32>
      %gt3A_2087 = arith.cmpf ogt, %select_n3A_2085, %select_n3A_2043 : vector<16xf32>
      %select_n3A_2088 = arith.select %gt3A_2087, %select_n3A_2085, %select_n3A_2043 : vector<16xi1>, vector<16xf32>
      %select_n3A_2089 = arith.select %gt3A_2087, %select_n3A_2086, %select_n3A_2044 : vector<16xi1>, vector<16xi32>
      %select_n3A_2090 = arith.select %gt3A_2087, %select_n3A_2043, %select_n3A_2085 : vector<16xi1>, vector<16xf32>
      %select_n3A_2091 = arith.select %gt3A_2087, %select_n3A_2044, %select_n3A_2086 : vector<16xi1>, vector<16xi32>
      %gt3A_2092 = arith.cmpf ogt, %select_n3A_2090, %select_n3A_2048 : vector<16xf32>
      %select_n3A_2093 = arith.select %gt3A_2092, %select_n3A_2090, %select_n3A_2048 : vector<16xi1>, vector<16xf32>
      %select_n3A_2094 = arith.select %gt3A_2092, %select_n3A_2091, %select_n3A_2049 : vector<16xi1>, vector<16xi32>
      %select_n3A_2095 = arith.select %gt3A_2092, %select_n3A_2048, %select_n3A_2090 : vector<16xi1>, vector<16xf32>
      %select_n3A_2096 = arith.select %gt3A_2092, %select_n3A_2049, %select_n3A_2091 : vector<16xi1>, vector<16xi32>
      %gt3A_2097 = arith.cmpf ogt, %select_n3A_2095, %select_n3A_2053 : vector<16xf32>
      %select_n3A_2098 = arith.select %gt3A_2097, %select_n3A_2095, %select_n3A_2053 : vector<16xi1>, vector<16xf32>
      %select_n3A_2099 = arith.select %gt3A_2097, %select_n3A_2096, %select_n3A_2054 : vector<16xi1>, vector<16xi32>
      %get3A_2100 = arith.constant 44 : i32
      %get3A_2101 = arith.index_cast %select_n3A : i32 to index
      %get3A_2102 = arith.index_cast %get3A_2100 : i32 to index
      %get3A_2103 = arith.index_cast %mul3A_89 : i32 to index
      %get3A_2104 = tpu.vector_load %arg5[%get3A_2101, %get3A_2102, %get3A_2103] {strides = array<i32>} : memref<1x64x320xf32, #tpu.memory_space<vmem>>, vector<16xf32>,
      %broadcast_in_dim3A_2105 = arith.constant 44 : i32
      %broadcast_in_dim3A_2106 = vector.broadcast %broadcast_in_dim3A_2105 : i32 to vector<16xi32>
      %gt3A_2107 = arith.cmpf ogt, %get3A_2104, %select_n3A_2063 : vector<16xf32>
      %select_n3A_2108 = arith.select %gt3A_2107, %get3A_2104, %select_n3A_2063 : vector<16xi1>, vector<16xf32>
      %select_n3A_2109 = arith.select %gt3A_2107, %broadcast_in_dim3A_2106, %select_n3A_2064 : vector<16xi1>, vector<16xi32>
      %select_n3A_2110 = arith.select %gt3A_2107, %select_n3A_2063, %get3A_2104 : vector<16xi1>, vector<16xf32>
      %select_n3A_2111 = arith.select %gt3A_2107, %select_n3A_2064, %broadcast_in_dim3A_2106 : vector<16xi1>, vector<16xi32>
      %gt3A_2112 = arith.cmpf ogt, %select_n3A_2110, %select_n3A_2068 : vector<16xf32>
      %select_n3A_2113 = arith.select %gt3A_2112, %select_n3A_2110, %select_n3A_2068 : vector<16xi1>, vector<16xf32>
      %select_n3A_2114 = arith.select %gt3A_2112, %select_n3A_2111, %select_n3A_2069 : vector<16xi1>, vector<16xi32>
      %select_n3A_2115 = arith.select %gt3A_2112, %select_n3A_2068, %select_n3A_2110 : vector<16xi1>, vector<16xf32>
      %select_n3A_2116 = arith.select %gt3A_2112, %select_n3A_2069, %select_n3A_2111 : vector<16xi1>, vector<16xi32>
      %gt3A_2117 = arith.cmpf ogt, %select_n3A_2115, %select_n3A_2073 : vector<16xf32>
      %select_n3A_2118 = arith.select %gt3A_2117, %select_n3A_2115, %select_n3A_2073 : vector<16xi1>, vector<16xf32>
      %select_n3A_2119 = arith.select %gt3A_2117, %select_n3A_2116, %select_n3A_2074 : vector<16xi1>, vector<16xi32>
      %select_n3A_2120 = arith.select %gt3A_2117, %select_n3A_2073, %select_n3A_2115 : vector<16xi1>, vector<16xf32>
      %select_n3A_2121 = arith.select %gt3A_2117, %select_n3A_2074, %select_n3A_2116 : vector<16xi1>, vector<16xi32>
      %gt3A_2122 = arith.cmpf ogt, %select_n3A_2120, %select_n3A_2078 : vector<16xf32>
      %select_n3A_2123 = arith.select %gt3A_2122, %select_n3A_2120, %select_n3A_2078 : vector<16xi1>, vector<16xf32>
      %select_n3A_2124 = arith.select %gt3A_2122, %select_n3A_2121, %select_n3A_2079 : vector<16xi1>, vector<16xi32>
      %select_n3A_2125 = arith.select %gt3A_2122, %select_n3A_2078, %select_n3A_2120 : vector<16xi1>, vector<16xf32>
      %select_n3A_2126 = arith.select %gt3A_2122, %select_n3A_2079, %select_n3A_2121 : vector<16xi1>, vector<16xi32>
      %gt3A_2127 = arith.cmpf ogt, %select_n3A_2125, %select_n3A_2083 : vector<16xf32>
      %select_n3A_2128 = arith.select %gt3A_2127, %select_n3A_2125, %select_n3A_2083 : vector<16xi1>, vector<16xf32>
      %select_n3A_2129 = arith.select %gt3A_2127, %select_n3A_2126, %select_n3A_2084 : vector<16xi1>, vector<16xi32>
      %select_n3A_2130 = arith.select %gt3A_2127, %select_n3A_2083, %select_n3A_2125 : vector<16xi1>, vector<16xf32>
      %select_n3A_2131 = arith.select %gt3A_2127, %select_n3A_2084, %select_n3A_2126 : vector<16xi1>, vector<16xi32>
      %gt3A_2132 = arith.cmpf ogt, %select_n3A_2130, %select_n3A_2088 : vector<16xf32>
      %select_n3A_2133 = arith.select %gt3A_2132, %select_n3A_2130, %select_n3A_2088 : vector<16xi1>, vector<16xf32>
      %select_n3A_2134 = arith.select %gt3A_2132, %select_n3A_2131, %select_n3A_2089 : vector<16xi1>, vector<16xi32>
      %select_n3A_2135 = arith.select %gt3A_2132, %select_n3A_2088, %select_n3A_2130 : vector<16xi1>, vector<16xf32>
      %select_n3A_2136 = arith.select %gt3A_2132, %select_n3A_2089, %select_n3A_2131 : vector<16xi1>, vector<16xi32>
      %gt3A_2137 = arith.cmpf ogt, %select_n3A_2135, %select_n3A_2093 : vector<16xf32>
      %select_n3A_2138 = arith.select %gt3A_2137, %select_n3A_2135, %select_n3A_2093 : vector<16xi1>, vector<16xf32>
      %select_n3A_2139 = arith.select %gt3A_2137, %select_n3A_2136, %select_n3A_2094 : vector<16xi1>, vector<16xi32>
      %select_n3A_2140 = arith.select %gt3A_2137, %select_n3A_2093, %select_n3A_2135 : vector<16xi1>, vector<16xf32>
      %select_n3A_2141 = arith.select %gt3A_2137, %select_n3A_2094, %select_n3A_2136 : vector<16xi1>, vector<16xi32>
      %gt3A_2142 = arith.cmpf ogt, %select_n3A_2140, %select_n3A_2098 : vector<16xf32>
      %select_n3A_2143 = arith.select %gt3A_2142, %select_n3A_2140, %select_n3A_2098 : vector<16xi1>, vector<16xf32>
      %select_n3A_2144 = arith.select %gt3A_2142, %select_n3A_2141, %select_n3A_2099 : vector<16xi1>, vector<16xi32>
      %get3A_2145 = arith.constant 45 : i32
      %get3A_2146 = arith.index_cast %select_n3A : i32 to index
      %get3A_2147 = arith.index_cast %get3A_2145 : i32 to index
      %get3A_2148 = arith.index_cast %mul3A_89 : i32 to index
      %get3A_2149 = tpu.vector_load %arg5[%get3A_2146, %get3A_2147, %get3A_2148] {strides = array<i32>} : memref<1x64x320xf32, #tpu.memory_space<vmem>>, vector<16xf32>,
      %broadcast_in_dim3A_2150 = arith.constant 45 : i32
      %broadcast_in_dim3A_2151 = vector.broadcast %broadcast_in_dim3A_2150 : i32 to vector<16xi32>
      %gt3A_2152 = arith.cmpf ogt, %get3A_2149, %select_n3A_2108 : vector<16xf32>
      %select_n3A_2153 = arith.select %gt3A_2152, %get3A_2149, %select_n3A_2108 : vector<16xi1>, vector<16xf32>
      %select_n3A_2154 = arith.select %gt3A_2152, %broadcast_in_dim3A_2151, %select_n3A_2109 : vector<16xi1>, vector<16xi32>
      %select_n3A_2155 = arith.select %gt3A_2152, %select_n3A_2108, %get3A_2149 : vector<16xi1>, vector<16xf32>
      %select_n3A_2156 = arith.select %gt3A_2152, %select_n3A_2109, %broadcast_in_dim3A_2151 : vector<16xi1>, vector<16xi32>
      %gt3A_2157 = arith.cmpf ogt, %select_n3A_2155, %select_n3A_2113 : vector<16xf32>
      %select_n3A_2158 = arith.select %gt3A_2157, %select_n3A_2155, %select_n3A_2113 : vector<16xi1>, vector<16xf32>
      %select_n3A_2159 = arith.select %gt3A_2157, %select_n3A_2156, %select_n3A_2114 : vector<16xi1>, vector<16xi32>
      %select_n3A_2160 = arith.select %gt3A_2157, %select_n3A_2113, %select_n3A_2155 : vector<16xi1>, vector<16xf32>
      %select_n3A_2161 = arith.select %gt3A_2157, %select_n3A_2114, %select_n3A_2156 : vector<16xi1>, vector<16xi32>
      %gt3A_2162 = arith.cmpf ogt, %select_n3A_2160, %select_n3A_2118 : vector<16xf32>
      %select_n3A_2163 = arith.select %gt3A_2162, %select_n3A_2160, %select_n3A_2118 : vector<16xi1>, vector<16xf32>
      %select_n3A_2164 = arith.select %gt3A_2162, %select_n3A_2161, %select_n3A_2119 : vector<16xi1>, vector<16xi32>
      %select_n3A_2165 = arith.select %gt3A_2162, %select_n3A_2118, %select_n3A_2160 : vector<16xi1>, vector<16xf32>
      %select_n3A_2166 = arith.select %gt3A_2162, %select_n3A_2119, %select_n3A_2161 : vector<16xi1>, vector<16xi32>
      %gt3A_2167 = arith.cmpf ogt, %select_n3A_2165, %select_n3A_2123 : vector<16xf32>
      %select_n3A_2168 = arith.select %gt3A_2167, %select_n3A_2165, %select_n3A_2123 : vector<16xi1>, vector<16xf32>
      %select_n3A_2169 = arith.select %gt3A_2167, %select_n3A_2166, %select_n3A_2124 : vector<16xi1>, vector<16xi32>
      %select_n3A_2170 = arith.select %gt3A_2167, %select_n3A_2123, %select_n3A_2165 : vector<16xi1>, vector<16xf32>
      %select_n3A_2171 = arith.select %gt3A_2167, %select_n3A_2124, %select_n3A_2166 : vector<16xi1>, vector<16xi32>
      %gt3A_2172 = arith.cmpf ogt, %select_n3A_2170, %select_n3A_2128 : vector<16xf32>
      %select_n3A_2173 = arith.select %gt3A_2172, %select_n3A_2170, %select_n3A_2128 : vector<16xi1>, vector<16xf32>
      %select_n3A_2174 = arith.select %gt3A_2172, %select_n3A_2171, %select_n3A_2129 : vector<16xi1>, vector<16xi32>
      %select_n3A_2175 = arith.select %gt3A_2172, %select_n3A_2128, %select_n3A_2170 : vector<16xi1>, vector<16xf32>
      %select_n3A_2176 = arith.select %gt3A_2172, %select_n3A_2129, %select_n3A_2171 : vector<16xi1>, vector<16xi32>
      %gt3A_2177 = arith.cmpf ogt, %select_n3A_2175, %select_n3A_2133 : vector<16xf32>
      %select_n3A_2178 = arith.select %gt3A_2177, %select_n3A_2175, %select_n3A_2133 : vector<16xi1>, vector<16xf32>
      %select_n3A_2179 = arith.select %gt3A_2177, %select_n3A_2176, %select_n3A_2134 : vector<16xi1>, vector<16xi32>
      %select_n3A_2180 = arith.select %gt3A_2177, %select_n3A_2133, %select_n3A_2175 : vector<16xi1>, vector<16xf32>
      %select_n3A_2181 = arith.select %gt3A_2177, %select_n3A_2134, %select_n3A_2176 : vector<16xi1>, vector<16xi32>
      %gt3A_2182 = arith.cmpf ogt, %select_n3A_2180, %select_n3A_2138 : vector<16xf32>
      %select_n3A_2183 = arith.select %gt3A_2182, %select_n3A_2180, %select_n3A_2138 : vector<16xi1>, vector<16xf32>
      %select_n3A_2184 = arith.select %gt3A_2182, %select_n3A_2181, %select_n3A_2139 : vector<16xi1>, vector<16xi32>
      %select_n3A_2185 = arith.select %gt3A_2182, %select_n3A_2138, %select_n3A_2180 : vector<16xi1>, vector<16xf32>
      %select_n3A_2186 = arith.select %gt3A_2182, %select_n3A_2139, %select_n3A_2181 : vector<16xi1>, vector<16xi32>
      %gt3A_2187 = arith.cmpf ogt, %select_n3A_2185, %select_n3A_2143 : vector<16xf32>
      %select_n3A_2188 = arith.select %gt3A_2187, %select_n3A_2185, %select_n3A_2143 : vector<16xi1>, vector<16xf32>
      %select_n3A_2189 = arith.select %gt3A_2187, %select_n3A_2186, %select_n3A_2144 : vector<16xi1>, vector<16xi32>
      %get3A_2190 = arith.constant 46 : i32
      %get3A_2191 = arith.index_cast %select_n3A : i32 to index
      %get3A_2192 = arith.index_cast %get3A_2190 : i32 to index
      %get3A_2193 = arith.index_cast %mul3A_89 : i32 to index
      %get3A_2194 = tpu.vector_load %arg5[%get3A_2191, %get3A_2192, %get3A_2193] {strides = array<i32>} : memref<1x64x320xf32, #tpu.memory_space<vmem>>, vector<16xf32>,
      %broadcast_in_dim3A_2195 = arith.constant 46 : i32
      %broadcast_in_dim3A_2196 = vector.broadcast %broadcast_in_dim3A_2195 : i32 to vector<16xi32>
      %gt3A_2197 = arith.cmpf ogt, %get3A_2194, %select_n3A_2153 : vector<16xf32>
      %select_n3A_2198 = arith.select %gt3A_2197, %get3A_2194, %select_n3A_2153 : vector<16xi1>, vector<16xf32>
      %select_n3A_2199 = arith.select %gt3A_2197, %broadcast_in_dim3A_2196, %select_n3A_2154 : vector<16xi1>, vector<16xi32>
      %select_n3A_2200 = arith.select %gt3A_2197, %select_n3A_2153, %get3A_2194 : vector<16xi1>, vector<16xf32>
      %select_n3A_2201 = arith.select %gt3A_2197, %select_n3A_2154, %broadcast_in_dim3A_2196 : vector<16xi1>, vector<16xi32>
      %gt3A_2202 = arith.cmpf ogt, %select_n3A_2200, %select_n3A_2158 : vector<16xf32>
      %select_n3A_2203 = arith.select %gt3A_2202, %select_n3A_2200, %select_n3A_2158 : vector<16xi1>, vector<16xf32>
      %select_n3A_2204 = arith.select %gt3A_2202, %select_n3A_2201, %select_n3A_2159 : vector<16xi1>, vector<16xi32>
      %select_n3A_2205 = arith.select %gt3A_2202, %select_n3A_2158, %select_n3A_2200 : vector<16xi1>, vector<16xf32>
      %select_n3A_2206 = arith.select %gt3A_2202, %select_n3A_2159, %select_n3A_2201 : vector<16xi1>, vector<16xi32>
      %gt3A_2207 = arith.cmpf ogt, %select_n3A_2205, %select_n3A_2163 : vector<16xf32>
      %select_n3A_2208 = arith.select %gt3A_2207, %select_n3A_2205, %select_n3A_2163 : vector<16xi1>, vector<16xf32>
      %select_n3A_2209 = arith.select %gt3A_2207, %select_n3A_2206, %select_n3A_2164 : vector<16xi1>, vector<16xi32>
      %select_n3A_2210 = arith.select %gt3A_2207, %select_n3A_2163, %select_n3A_2205 : vector<16xi1>, vector<16xf32>
      %select_n3A_2211 = arith.select %gt3A_2207, %select_n3A_2164, %select_n3A_2206 : vector<16xi1>, vector<16xi32>
      %gt3A_2212 = arith.cmpf ogt, %select_n3A_2210, %select_n3A_2168 : vector<16xf32>
      %select_n3A_2213 = arith.select %gt3A_2212, %select_n3A_2210, %select_n3A_2168 : vector<16xi1>, vector<16xf32>
      %select_n3A_2214 = arith.select %gt3A_2212, %select_n3A_2211, %select_n3A_2169 : vector<16xi1>, vector<16xi32>
      %select_n3A_2215 = arith.select %gt3A_2212, %select_n3A_2168, %select_n3A_2210 : vector<16xi1>, vector<16xf32>
      %select_n3A_2216 = arith.select %gt3A_2212, %select_n3A_2169, %select_n3A_2211 : vector<16xi1>, vector<16xi32>
      %gt3A_2217 = arith.cmpf ogt, %select_n3A_2215, %select_n3A_2173 : vector<16xf32>
      %select_n3A_2218 = arith.select %gt3A_2217, %select_n3A_2215, %select_n3A_2173 : vector<16xi1>, vector<16xf32>
      %select_n3A_2219 = arith.select %gt3A_2217, %select_n3A_2216, %select_n3A_2174 : vector<16xi1>, vector<16xi32>
      %select_n3A_2220 = arith.select %gt3A_2217, %select_n3A_2173, %select_n3A_2215 : vector<16xi1>, vector<16xf32>
      %select_n3A_2221 = arith.select %gt3A_2217, %select_n3A_2174, %select_n3A_2216 : vector<16xi1>, vector<16xi32>
      %gt3A_2222 = arith.cmpf ogt, %select_n3A_2220, %select_n3A_2178 : vector<16xf32>
      %select_n3A_2223 = arith.select %gt3A_2222, %select_n3A_2220, %select_n3A_2178 : vector<16xi1>, vector<16xf32>
      %select_n3A_2224 = arith.select %gt3A_2222, %select_n3A_2221, %select_n3A_2179 : vector<16xi1>, vector<16xi32>
      %select_n3A_2225 = arith.select %gt3A_2222, %select_n3A_2178, %select_n3A_2220 : vector<16xi1>, vector<16xf32>
      %select_n3A_2226 = arith.select %gt3A_2222, %select_n3A_2179, %select_n3A_2221 : vector<16xi1>, vector<16xi32>
      %gt3A_2227 = arith.cmpf ogt, %select_n3A_2225, %select_n3A_2183 : vector<16xf32>
      %select_n3A_2228 = arith.select %gt3A_2227, %select_n3A_2225, %select_n3A_2183 : vector<16xi1>, vector<16xf32>
      %select_n3A_2229 = arith.select %gt3A_2227, %select_n3A_2226, %select_n3A_2184 : vector<16xi1>, vector<16xi32>
      %select_n3A_2230 = arith.select %gt3A_2227, %select_n3A_2183, %select_n3A_2225 : vector<16xi1>, vector<16xf32>
      %select_n3A_2231 = arith.select %gt3A_2227, %select_n3A_2184, %select_n3A_2226 : vector<16xi1>, vector<16xi32>
      %gt3A_2232 = arith.cmpf ogt, %select_n3A_2230, %select_n3A_2188 : vector<16xf32>
      %select_n3A_2233 = arith.select %gt3A_2232, %select_n3A_2230, %select_n3A_2188 : vector<16xi1>, vector<16xf32>
      %select_n3A_2234 = arith.select %gt3A_2232, %select_n3A_2231, %select_n3A_2189 : vector<16xi1>, vector<16xi32>
      %get3A_2235 = arith.constant 47 : i32
      %get3A_2236 = arith.index_cast %select_n3A : i32 to index
      %get3A_2237 = arith.index_cast %get3A_2235 : i32 to index
      %get3A_2238 = arith.index_cast %mul3A_89 : i32 to index
      %get3A_2239 = tpu.vector_load %arg5[%get3A_2236, %get3A_2237, %get3A_2238] {strides = array<i32>} : memref<1x64x320xf32, #tpu.memory_space<vmem>>, vector<16xf32>,
      %broadcast_in_dim3A_2240 = arith.constant 47 : i32
      %broadcast_in_dim3A_2241 = vector.broadcast %broadcast_in_dim3A_2240 : i32 to vector<16xi32>
      %gt3A_2242 = arith.cmpf ogt, %get3A_2239, %select_n3A_2198 : vector<16xf32>
      %select_n3A_2243 = arith.select %gt3A_2242, %get3A_2239, %select_n3A_2198 : vector<16xi1>, vector<16xf32>
      %select_n3A_2244 = arith.select %gt3A_2242, %broadcast_in_dim3A_2241, %select_n3A_2199 : vector<16xi1>, vector<16xi32>
      %select_n3A_2245 = arith.select %gt3A_2242, %select_n3A_2198, %get3A_2239 : vector<16xi1>, vector<16xf32>
      %select_n3A_2246 = arith.select %gt3A_2242, %select_n3A_2199, %broadcast_in_dim3A_2241 : vector<16xi1>, vector<16xi32>
      %gt3A_2247 = arith.cmpf ogt, %select_n3A_2245, %select_n3A_2203 : vector<16xf32>
      %select_n3A_2248 = arith.select %gt3A_2247, %select_n3A_2245, %select_n3A_2203 : vector<16xi1>, vector<16xf32>
      %select_n3A_2249 = arith.select %gt3A_2247, %select_n3A_2246, %select_n3A_2204 : vector<16xi1>, vector<16xi32>
      %select_n3A_2250 = arith.select %gt3A_2247, %select_n3A_2203, %select_n3A_2245 : vector<16xi1>, vector<16xf32>
      %select_n3A_2251 = arith.select %gt3A_2247, %select_n3A_2204, %select_n3A_2246 : vector<16xi1>, vector<16xi32>
      %gt3A_2252 = arith.cmpf ogt, %select_n3A_2250, %select_n3A_2208 : vector<16xf32>
      %select_n3A_2253 = arith.select %gt3A_2252, %select_n3A_2250, %select_n3A_2208 : vector<16xi1>, vector<16xf32>
      %select_n3A_2254 = arith.select %gt3A_2252, %select_n3A_2251, %select_n3A_2209 : vector<16xi1>, vector<16xi32>
      %select_n3A_2255 = arith.select %gt3A_2252, %select_n3A_2208, %select_n3A_2250 : vector<16xi1>, vector<16xf32>
      %select_n3A_2256 = arith.select %gt3A_2252, %select_n3A_2209, %select_n3A_2251 : vector<16xi1>, vector<16xi32>
      %gt3A_2257 = arith.cmpf ogt, %select_n3A_2255, %select_n3A_2213 : vector<16xf32>
      %select_n3A_2258 = arith.select %gt3A_2257, %select_n3A_2255, %select_n3A_2213 : vector<16xi1>, vector<16xf32>
      %select_n3A_2259 = arith.select %gt3A_2257, %select_n3A_2256, %select_n3A_2214 : vector<16xi1>, vector<16xi32>
      %select_n3A_2260 = arith.select %gt3A_2257, %select_n3A_2213, %select_n3A_2255 : vector<16xi1>, vector<16xf32>
      %select_n3A_2261 = arith.select %gt3A_2257, %select_n3A_2214, %select_n3A_2256 : vector<16xi1>, vector<16xi32>
      %gt3A_2262 = arith.cmpf ogt, %select_n3A_2260, %select_n3A_2218 : vector<16xf32>
      %select_n3A_2263 = arith.select %gt3A_2262, %select_n3A_2260, %select_n3A_2218 : vector<16xi1>, vector<16xf32>
      %select_n3A_2264 = arith.select %gt3A_2262, %select_n3A_2261, %select_n3A_2219 : vector<16xi1>, vector<16xi32>
      %select_n3A_2265 = arith.select %gt3A_2262, %select_n3A_2218, %select_n3A_2260 : vector<16xi1>, vector<16xf32>
      %select_n3A_2266 = arith.select %gt3A_2262, %select_n3A_2219, %select_n3A_2261 : vector<16xi1>, vector<16xi32>
      %gt3A_2267 = arith.cmpf ogt, %select_n3A_2265, %select_n3A_2223 : vector<16xf32>
      %select_n3A_2268 = arith.select %gt3A_2267, %select_n3A_2265, %select_n3A_2223 : vector<16xi1>, vector<16xf32>
      %select_n3A_2269 = arith.select %gt3A_2267, %select_n3A_2266, %select_n3A_2224 : vector<16xi1>, vector<16xi32>
      %select_n3A_2270 = arith.select %gt3A_2267, %select_n3A_2223, %select_n3A_2265 : vector<16xi1>, vector<16xf32>
      %select_n3A_2271 = arith.select %gt3A_2267, %select_n3A_2224, %select_n3A_2266 : vector<16xi1>, vector<16xi32>
      %gt3A_2272 = arith.cmpf ogt, %select_n3A_2270, %select_n3A_2228 : vector<16xf32>
      %select_n3A_2273 = arith.select %gt3A_2272, %select_n3A_2270, %select_n3A_2228 : vector<16xi1>, vector<16xf32>
      %select_n3A_2274 = arith.select %gt3A_2272, %select_n3A_2271, %select_n3A_2229 : vector<16xi1>, vector<16xi32>
      %select_n3A_2275 = arith.select %gt3A_2272, %select_n3A_2228, %select_n3A_2270 : vector<16xi1>, vector<16xf32>
      %select_n3A_2276 = arith.select %gt3A_2272, %select_n3A_2229, %select_n3A_2271 : vector<16xi1>, vector<16xi32>
      %gt3A_2277 = arith.cmpf ogt, %select_n3A_2275, %select_n3A_2233 : vector<16xf32>
      %select_n3A_2278 = arith.select %gt3A_2277, %select_n3A_2275, %select_n3A_2233 : vector<16xi1>, vector<16xf32>
      %select_n3A_2279 = arith.select %gt3A_2277, %select_n3A_2276, %select_n3A_2234 : vector<16xi1>, vector<16xi32>
      %get3A_2280 = arith.constant 48 : i32
      %get3A_2281 = arith.index_cast %select_n3A : i32 to index
      %get3A_2282 = arith.index_cast %get3A_2280 : i32 to index
      %get3A_2283 = arith.index_cast %mul3A_89 : i32 to index
      %get3A_2284 = tpu.vector_load %arg5[%get3A_2281, %get3A_2282, %get3A_2283] {strides = array<i32>} : memref<1x64x320xf32, #tpu.memory_space<vmem>>, vector<16xf32>,
      %broadcast_in_dim3A_2285 = arith.constant 48 : i32
      %broadcast_in_dim3A_2286 = vector.broadcast %broadcast_in_dim3A_2285 : i32 to vector<16xi32>
      %gt3A_2287 = arith.cmpf ogt, %get3A_2284, %select_n3A_2243 : vector<16xf32>
      %select_n3A_2288 = arith.select %gt3A_2287, %get3A_2284, %select_n3A_2243 : vector<16xi1>, vector<16xf32>
      %select_n3A_2289 = arith.select %gt3A_2287, %broadcast_in_dim3A_2286, %select_n3A_2244 : vector<16xi1>, vector<16xi32>
      %select_n3A_2290 = arith.select %gt3A_2287, %select_n3A_2243, %get3A_2284 : vector<16xi1>, vector<16xf32>
      %select_n3A_2291 = arith.select %gt3A_2287, %select_n3A_2244, %broadcast_in_dim3A_2286 : vector<16xi1>, vector<16xi32>
      %gt3A_2292 = arith.cmpf ogt, %select_n3A_2290, %select_n3A_2248 : vector<16xf32>
      %select_n3A_2293 = arith.select %gt3A_2292, %select_n3A_2290, %select_n3A_2248 : vector<16xi1>, vector<16xf32>
      %select_n3A_2294 = arith.select %gt3A_2292, %select_n3A_2291, %select_n3A_2249 : vector<16xi1>, vector<16xi32>
      %select_n3A_2295 = arith.select %gt3A_2292, %select_n3A_2248, %select_n3A_2290 : vector<16xi1>, vector<16xf32>
      %select_n3A_2296 = arith.select %gt3A_2292, %select_n3A_2249, %select_n3A_2291 : vector<16xi1>, vector<16xi32>
      %gt3A_2297 = arith.cmpf ogt, %select_n3A_2295, %select_n3A_2253 : vector<16xf32>
      %select_n3A_2298 = arith.select %gt3A_2297, %select_n3A_2295, %select_n3A_2253 : vector<16xi1>, vector<16xf32>
      %select_n3A_2299 = arith.select %gt3A_2297, %select_n3A_2296, %select_n3A_2254 : vector<16xi1>, vector<16xi32>
      %select_n3A_2300 = arith.select %gt3A_2297, %select_n3A_2253, %select_n3A_2295 : vector<16xi1>, vector<16xf32>
      %select_n3A_2301 = arith.select %gt3A_2297, %select_n3A_2254, %select_n3A_2296 : vector<16xi1>, vector<16xi32>
      %gt3A_2302 = arith.cmpf ogt, %select_n3A_2300, %select_n3A_2258 : vector<16xf32>
      %select_n3A_2303 = arith.select %gt3A_2302, %select_n3A_2300, %select_n3A_2258 : vector<16xi1>, vector<16xf32>
      %select_n3A_2304 = arith.select %gt3A_2302, %select_n3A_2301, %select_n3A_2259 : vector<16xi1>, vector<16xi32>
      %select_n3A_2305 = arith.select %gt3A_2302, %select_n3A_2258, %select_n3A_2300 : vector<16xi1>, vector<16xf32>
      %select_n3A_2306 = arith.select %gt3A_2302, %select_n3A_2259, %select_n3A_2301 : vector<16xi1>, vector<16xi32>
      %gt3A_2307 = arith.cmpf ogt, %select_n3A_2305, %select_n3A_2263 : vector<16xf32>
      %select_n3A_2308 = arith.select %gt3A_2307, %select_n3A_2305, %select_n3A_2263 : vector<16xi1>, vector<16xf32>
      %select_n3A_2309 = arith.select %gt3A_2307, %select_n3A_2306, %select_n3A_2264 : vector<16xi1>, vector<16xi32>
      %select_n3A_2310 = arith.select %gt3A_2307, %select_n3A_2263, %select_n3A_2305 : vector<16xi1>, vector<16xf32>
      %select_n3A_2311 = arith.select %gt3A_2307, %select_n3A_2264, %select_n3A_2306 : vector<16xi1>, vector<16xi32>
      %gt3A_2312 = arith.cmpf ogt, %select_n3A_2310, %select_n3A_2268 : vector<16xf32>
      %select_n3A_2313 = arith.select %gt3A_2312, %select_n3A_2310, %select_n3A_2268 : vector<16xi1>, vector<16xf32>
      %select_n3A_2314 = arith.select %gt3A_2312, %select_n3A_2311, %select_n3A_2269 : vector<16xi1>, vector<16xi32>
      %select_n3A_2315 = arith.select %gt3A_2312, %select_n3A_2268, %select_n3A_2310 : vector<16xi1>, vector<16xf32>
      %select_n3A_2316 = arith.select %gt3A_2312, %select_n3A_2269, %select_n3A_2311 : vector<16xi1>, vector<16xi32>
      %gt3A_2317 = arith.cmpf ogt, %select_n3A_2315, %select_n3A_2273 : vector<16xf32>
      %select_n3A_2318 = arith.select %gt3A_2317, %select_n3A_2315, %select_n3A_2273 : vector<16xi1>, vector<16xf32>
      %select_n3A_2319 = arith.select %gt3A_2317, %select_n3A_2316, %select_n3A_2274 : vector<16xi1>, vector<16xi32>
      %select_n3A_2320 = arith.select %gt3A_2317, %select_n3A_2273, %select_n3A_2315 : vector<16xi1>, vector<16xf32>
      %select_n3A_2321 = arith.select %gt3A_2317, %select_n3A_2274, %select_n3A_2316 : vector<16xi1>, vector<16xi32>
      %gt3A_2322 = arith.cmpf ogt, %select_n3A_2320, %select_n3A_2278 : vector<16xf32>
      %select_n3A_2323 = arith.select %gt3A_2322, %select_n3A_2320, %select_n3A_2278 : vector<16xi1>, vector<16xf32>
      %select_n3A_2324 = arith.select %gt3A_2322, %select_n3A_2321, %select_n3A_2279 : vector<16xi1>, vector<16xi32>
      %get3A_2325 = arith.constant 49 : i32
      %get3A_2326 = arith.index_cast %select_n3A : i32 to index
      %get3A_2327 = arith.index_cast %get3A_2325 : i32 to index
      %get3A_2328 = arith.index_cast %mul3A_89 : i32 to index
      %get3A_2329 = tpu.vector_load %arg5[%get3A_2326, %get3A_2327, %get3A_2328] {strides = array<i32>} : memref<1x64x320xf32, #tpu.memory_space<vmem>>, vector<16xf32>,
      %broadcast_in_dim3A_2330 = arith.constant 49 : i32
      %broadcast_in_dim3A_2331 = vector.broadcast %broadcast_in_dim3A_2330 : i32 to vector<16xi32>
      %gt3A_2332 = arith.cmpf ogt, %get3A_2329, %select_n3A_2288 : vector<16xf32>
      %select_n3A_2333 = arith.select %gt3A_2332, %get3A_2329, %select_n3A_2288 : vector<16xi1>, vector<16xf32>
      %select_n3A_2334 = arith.select %gt3A_2332, %broadcast_in_dim3A_2331, %select_n3A_2289 : vector<16xi1>, vector<16xi32>
      %select_n3A_2335 = arith.select %gt3A_2332, %select_n3A_2288, %get3A_2329 : vector<16xi1>, vector<16xf32>
      %select_n3A_2336 = arith.select %gt3A_2332, %select_n3A_2289, %broadcast_in_dim3A_2331 : vector<16xi1>, vector<16xi32>
      %gt3A_2337 = arith.cmpf ogt, %select_n3A_2335, %select_n3A_2293 : vector<16xf32>
      %select_n3A_2338 = arith.select %gt3A_2337, %select_n3A_2335, %select_n3A_2293 : vector<16xi1>, vector<16xf32>
      %select_n3A_2339 = arith.select %gt3A_2337, %select_n3A_2336, %select_n3A_2294 : vector<16xi1>, vector<16xi32>
      %select_n3A_2340 = arith.select %gt3A_2337, %select_n3A_2293, %select_n3A_2335 : vector<16xi1>, vector<16xf32>
      %select_n3A_2341 = arith.select %gt3A_2337, %select_n3A_2294, %select_n3A_2336 : vector<16xi1>, vector<16xi32>
      %gt3A_2342 = arith.cmpf ogt, %select_n3A_2340, %select_n3A_2298 : vector<16xf32>
      %select_n3A_2343 = arith.select %gt3A_2342, %select_n3A_2340, %select_n3A_2298 : vector<16xi1>, vector<16xf32>
      %select_n3A_2344 = arith.select %gt3A_2342, %select_n3A_2341, %select_n3A_2299 : vector<16xi1>, vector<16xi32>
      %select_n3A_2345 = arith.select %gt3A_2342, %select_n3A_2298, %select_n3A_2340 : vector<16xi1>, vector<16xf32>
      %select_n3A_2346 = arith.select %gt3A_2342, %select_n3A_2299, %select_n3A_2341 : vector<16xi1>, vector<16xi32>
      %gt3A_2347 = arith.cmpf ogt, %select_n3A_2345, %select_n3A_2303 : vector<16xf32>
      %select_n3A_2348 = arith.select %gt3A_2347, %select_n3A_2345, %select_n3A_2303 : vector<16xi1>, vector<16xf32>
      %select_n3A_2349 = arith.select %gt3A_2347, %select_n3A_2346, %select_n3A_2304 : vector<16xi1>, vector<16xi32>
      %select_n3A_2350 = arith.select %gt3A_2347, %select_n3A_2303, %select_n3A_2345 : vector<16xi1>, vector<16xf32>
      %select_n3A_2351 = arith.select %gt3A_2347, %select_n3A_2304, %select_n3A_2346 : vector<16xi1>, vector<16xi32>
      %gt3A_2352 = arith.cmpf ogt, %select_n3A_2350, %select_n3A_2308 : vector<16xf32>
      %select_n3A_2353 = arith.select %gt3A_2352, %select_n3A_2350, %select_n3A_2308 : vector<16xi1>, vector<16xf32>
      %select_n3A_2354 = arith.select %gt3A_2352, %select_n3A_2351, %select_n3A_2309 : vector<16xi1>, vector<16xi32>
      %select_n3A_2355 = arith.select %gt3A_2352, %select_n3A_2308, %select_n3A_2350 : vector<16xi1>, vector<16xf32>
      %select_n3A_2356 = arith.select %gt3A_2352, %select_n3A_2309, %select_n3A_2351 : vector<16xi1>, vector<16xi32>
      %gt3A_2357 = arith.cmpf ogt, %select_n3A_2355, %select_n3A_2313 : vector<16xf32>
      %select_n3A_2358 = arith.select %gt3A_2357, %select_n3A_2355, %select_n3A_2313 : vector<16xi1>, vector<16xf32>
      %select_n3A_2359 = arith.select %gt3A_2357, %select_n3A_2356, %select_n3A_2314 : vector<16xi1>, vector<16xi32>
      %select_n3A_2360 = arith.select %gt3A_2357, %select_n3A_2313, %select_n3A_2355 : vector<16xi1>, vector<16xf32>
      %select_n3A_2361 = arith.select %gt3A_2357, %select_n3A_2314, %select_n3A_2356 : vector<16xi1>, vector<16xi32>
      %gt3A_2362 = arith.cmpf ogt, %select_n3A_2360, %select_n3A_2318 : vector<16xf32>
      %select_n3A_2363 = arith.select %gt3A_2362, %select_n3A_2360, %select_n3A_2318 : vector<16xi1>, vector<16xf32>
      %select_n3A_2364 = arith.select %gt3A_2362, %select_n3A_2361, %select_n3A_2319 : vector<16xi1>, vector<16xi32>
      %select_n3A_2365 = arith.select %gt3A_2362, %select_n3A_2318, %select_n3A_2360 : vector<16xi1>, vector<16xf32>
      %select_n3A_2366 = arith.select %gt3A_2362, %select_n3A_2319, %select_n3A_2361 : vector<16xi1>, vector<16xi32>
      %gt3A_2367 = arith.cmpf ogt, %select_n3A_2365, %select_n3A_2323 : vector<16xf32>
      %select_n3A_2368 = arith.select %gt3A_2367, %select_n3A_2365, %select_n3A_2323 : vector<16xi1>, vector<16xf32>
      %select_n3A_2369 = arith.select %gt3A_2367, %select_n3A_2366, %select_n3A_2324 : vector<16xi1>, vector<16xi32>
      %get3A_2370 = arith.constant 50 : i32
      %get3A_2371 = arith.index_cast %select_n3A : i32 to index
      %get3A_2372 = arith.index_cast %get3A_2370 : i32 to index
      %get3A_2373 = arith.index_cast %mul3A_89 : i32 to index
      %get3A_2374 = tpu.vector_load %arg5[%get3A_2371, %get3A_2372, %get3A_2373] {strides = array<i32>} : memref<1x64x320xf32, #tpu.memory_space<vmem>>, vector<16xf32>,
      %broadcast_in_dim3A_2375 = arith.constant 50 : i32
      %broadcast_in_dim3A_2376 = vector.broadcast %broadcast_in_dim3A_2375 : i32 to vector<16xi32>
      %gt3A_2377 = arith.cmpf ogt, %get3A_2374, %select_n3A_2333 : vector<16xf32>
      %select_n3A_2378 = arith.select %gt3A_2377, %get3A_2374, %select_n3A_2333 : vector<16xi1>, vector<16xf32>
      %select_n3A_2379 = arith.select %gt3A_2377, %broadcast_in_dim3A_2376, %select_n3A_2334 : vector<16xi1>, vector<16xi32>
      %select_n3A_2380 = arith.select %gt3A_2377, %select_n3A_2333, %get3A_2374 : vector<16xi1>, vector<16xf32>
      %select_n3A_2381 = arith.select %gt3A_2377, %select_n3A_2334, %broadcast_in_dim3A_2376 : vector<16xi1>, vector<16xi32>
      %gt3A_2382 = arith.cmpf ogt, %select_n3A_2380, %select_n3A_2338 : vector<16xf32>
      %select_n3A_2383 = arith.select %gt3A_2382, %select_n3A_2380, %select_n3A_2338 : vector<16xi1>, vector<16xf32>
      %select_n3A_2384 = arith.select %gt3A_2382, %select_n3A_2381, %select_n3A_2339 : vector<16xi1>, vector<16xi32>
      %select_n3A_2385 = arith.select %gt3A_2382, %select_n3A_2338, %select_n3A_2380 : vector<16xi1>, vector<16xf32>
      %select_n3A_2386 = arith.select %gt3A_2382, %select_n3A_2339, %select_n3A_2381 : vector<16xi1>, vector<16xi32>
      %gt3A_2387 = arith.cmpf ogt, %select_n3A_2385, %select_n3A_2343 : vector<16xf32>
      %select_n3A_2388 = arith.select %gt3A_2387, %select_n3A_2385, %select_n3A_2343 : vector<16xi1>, vector<16xf32>
      %select_n3A_2389 = arith.select %gt3A_2387, %select_n3A_2386, %select_n3A_2344 : vector<16xi1>, vector<16xi32>
      %select_n3A_2390 = arith.select %gt3A_2387, %select_n3A_2343, %select_n3A_2385 : vector<16xi1>, vector<16xf32>
      %select_n3A_2391 = arith.select %gt3A_2387, %select_n3A_2344, %select_n3A_2386 : vector<16xi1>, vector<16xi32>
      %gt3A_2392 = arith.cmpf ogt, %select_n3A_2390, %select_n3A_2348 : vector<16xf32>
      %select_n3A_2393 = arith.select %gt3A_2392, %select_n3A_2390, %select_n3A_2348 : vector<16xi1>, vector<16xf32>
      %select_n3A_2394 = arith.select %gt3A_2392, %select_n3A_2391, %select_n3A_2349 : vector<16xi1>, vector<16xi32>
      %select_n3A_2395 = arith.select %gt3A_2392, %select_n3A_2348, %select_n3A_2390 : vector<16xi1>, vector<16xf32>
      %select_n3A_2396 = arith.select %gt3A_2392, %select_n3A_2349, %select_n3A_2391 : vector<16xi1>, vector<16xi32>
      %gt3A_2397 = arith.cmpf ogt, %select_n3A_2395, %select_n3A_2353 : vector<16xf32>
      %select_n3A_2398 = arith.select %gt3A_2397, %select_n3A_2395, %select_n3A_2353 : vector<16xi1>, vector<16xf32>
      %select_n3A_2399 = arith.select %gt3A_2397, %select_n3A_2396, %select_n3A_2354 : vector<16xi1>, vector<16xi32>
      %select_n3A_2400 = arith.select %gt3A_2397, %select_n3A_2353, %select_n3A_2395 : vector<16xi1>, vector<16xf32>
      %select_n3A_2401 = arith.select %gt3A_2397, %select_n3A_2354, %select_n3A_2396 : vector<16xi1>, vector<16xi32>
      %gt3A_2402 = arith.cmpf ogt, %select_n3A_2400, %select_n3A_2358 : vector<16xf32>
      %select_n3A_2403 = arith.select %gt3A_2402, %select_n3A_2400, %select_n3A_2358 : vector<16xi1>, vector<16xf32>
      %select_n3A_2404 = arith.select %gt3A_2402, %select_n3A_2401, %select_n3A_2359 : vector<16xi1>, vector<16xi32>
      %select_n3A_2405 = arith.select %gt3A_2402, %select_n3A_2358, %select_n3A_2400 : vector<16xi1>, vector<16xf32>
      %select_n3A_2406 = arith.select %gt3A_2402, %select_n3A_2359, %select_n3A_2401 : vector<16xi1>, vector<16xi32>
      %gt3A_2407 = arith.cmpf ogt, %select_n3A_2405, %select_n3A_2363 : vector<16xf32>
      %select_n3A_2408 = arith.select %gt3A_2407, %select_n3A_2405, %select_n3A_2363 : vector<16xi1>, vector<16xf32>
      %select_n3A_2409 = arith.select %gt3A_2407, %select_n3A_2406, %select_n3A_2364 : vector<16xi1>, vector<16xi32>
      %select_n3A_2410 = arith.select %gt3A_2407, %select_n3A_2363, %select_n3A_2405 : vector<16xi1>, vector<16xf32>
      %select_n3A_2411 = arith.select %gt3A_2407, %select_n3A_2364, %select_n3A_2406 : vector<16xi1>, vector<16xi32>
      %gt3A_2412 = arith.cmpf ogt, %select_n3A_2410, %select_n3A_2368 : vector<16xf32>
      %select_n3A_2413 = arith.select %gt3A_2412, %select_n3A_2410, %select_n3A_2368 : vector<16xi1>, vector<16xf32>
      %select_n3A_2414 = arith.select %gt3A_2412, %select_n3A_2411, %select_n3A_2369 : vector<16xi1>, vector<16xi32>
      %get3A_2415 = arith.constant 51 : i32
      %get3A_2416 = arith.index_cast %select_n3A : i32 to index
      %get3A_2417 = arith.index_cast %get3A_2415 : i32 to index
      %get3A_2418 = arith.index_cast %mul3A_89 : i32 to index
      %get3A_2419 = tpu.vector_load %arg5[%get3A_2416, %get3A_2417, %get3A_2418] {strides = array<i32>} : memref<1x64x320xf32, #tpu.memory_space<vmem>>, vector<16xf32>,
      %broadcast_in_dim3A_2420 = arith.constant 51 : i32
      %broadcast_in_dim3A_2421 = vector.broadcast %broadcast_in_dim3A_2420 : i32 to vector<16xi32>
      %gt3A_2422 = arith.cmpf ogt, %get3A_2419, %select_n3A_2378 : vector<16xf32>
      %select_n3A_2423 = arith.select %gt3A_2422, %get3A_2419, %select_n3A_2378 : vector<16xi1>, vector<16xf32>
      %select_n3A_2424 = arith.select %gt3A_2422, %broadcast_in_dim3A_2421, %select_n3A_2379 : vector<16xi1>, vector<16xi32>
      %select_n3A_2425 = arith.select %gt3A_2422, %select_n3A_2378, %get3A_2419 : vector<16xi1>, vector<16xf32>
      %select_n3A_2426 = arith.select %gt3A_2422, %select_n3A_2379, %broadcast_in_dim3A_2421 : vector<16xi1>, vector<16xi32>
      %gt3A_2427 = arith.cmpf ogt, %select_n3A_2425, %select_n3A_2383 : vector<16xf32>
      %select_n3A_2428 = arith.select %gt3A_2427, %select_n3A_2425, %select_n3A_2383 : vector<16xi1>, vector<16xf32>
      %select_n3A_2429 = arith.select %gt3A_2427, %select_n3A_2426, %select_n3A_2384 : vector<16xi1>, vector<16xi32>
      %select_n3A_2430 = arith.select %gt3A_2427, %select_n3A_2383, %select_n3A_2425 : vector<16xi1>, vector<16xf32>
      %select_n3A_2431 = arith.select %gt3A_2427, %select_n3A_2384, %select_n3A_2426 : vector<16xi1>, vector<16xi32>
      %gt3A_2432 = arith.cmpf ogt, %select_n3A_2430, %select_n3A_2388 : vector<16xf32>
      %select_n3A_2433 = arith.select %gt3A_2432, %select_n3A_2430, %select_n3A_2388 : vector<16xi1>, vector<16xf32>
      %select_n3A_2434 = arith.select %gt3A_2432, %select_n3A_2431, %select_n3A_2389 : vector<16xi1>, vector<16xi32>
      %select_n3A_2435 = arith.select %gt3A_2432, %select_n3A_2388, %select_n3A_2430 : vector<16xi1>, vector<16xf32>
      %select_n3A_2436 = arith.select %gt3A_2432, %select_n3A_2389, %select_n3A_2431 : vector<16xi1>, vector<16xi32>
      %gt3A_2437 = arith.cmpf ogt, %select_n3A_2435, %select_n3A_2393 : vector<16xf32>
      %select_n3A_2438 = arith.select %gt3A_2437, %select_n3A_2435, %select_n3A_2393 : vector<16xi1>, vector<16xf32>
      %select_n3A_2439 = arith.select %gt3A_2437, %select_n3A_2436, %select_n3A_2394 : vector<16xi1>, vector<16xi32>
      %select_n3A_2440 = arith.select %gt3A_2437, %select_n3A_2393, %select_n3A_2435 : vector<16xi1>, vector<16xf32>
      %select_n3A_2441 = arith.select %gt3A_2437, %select_n3A_2394, %select_n3A_2436 : vector<16xi1>, vector<16xi32>
      %gt3A_2442 = arith.cmpf ogt, %select_n3A_2440, %select_n3A_2398 : vector<16xf32>
      %select_n3A_2443 = arith.select %gt3A_2442, %select_n3A_2440, %select_n3A_2398 : vector<16xi1>, vector<16xf32>
      %select_n3A_2444 = arith.select %gt3A_2442, %select_n3A_2441, %select_n3A_2399 : vector<16xi1>, vector<16xi32>
      %select_n3A_2445 = arith.select %gt3A_2442, %select_n3A_2398, %select_n3A_2440 : vector<16xi1>, vector<16xf32>
      %select_n3A_2446 = arith.select %gt3A_2442, %select_n3A_2399, %select_n3A_2441 : vector<16xi1>, vector<16xi32>
      %gt3A_2447 = arith.cmpf ogt, %select_n3A_2445, %select_n3A_2403 : vector<16xf32>
      %select_n3A_2448 = arith.select %gt3A_2447, %select_n3A_2445, %select_n3A_2403 : vector<16xi1>, vector<16xf32>
      %select_n3A_2449 = arith.select %gt3A_2447, %select_n3A_2446, %select_n3A_2404 : vector<16xi1>, vector<16xi32>
      %select_n3A_2450 = arith.select %gt3A_2447, %select_n3A_2403, %select_n3A_2445 : vector<16xi1>, vector<16xf32>
      %select_n3A_2451 = arith.select %gt3A_2447, %select_n3A_2404, %select_n3A_2446 : vector<16xi1>, vector<16xi32>
      %gt3A_2452 = arith.cmpf ogt, %select_n3A_2450, %select_n3A_2408 : vector<16xf32>
      %select_n3A_2453 = arith.select %gt3A_2452, %select_n3A_2450, %select_n3A_2408 : vector<16xi1>, vector<16xf32>
      %select_n3A_2454 = arith.select %gt3A_2452, %select_n3A_2451, %select_n3A_2409 : vector<16xi1>, vector<16xi32>
      %select_n3A_2455 = arith.select %gt3A_2452, %select_n3A_2408, %select_n3A_2450 : vector<16xi1>, vector<16xf32>
      %select_n3A_2456 = arith.select %gt3A_2452, %select_n3A_2409, %select_n3A_2451 : vector<16xi1>, vector<16xi32>
      %gt3A_2457 = arith.cmpf ogt, %select_n3A_2455, %select_n3A_2413 : vector<16xf32>
      %select_n3A_2458 = arith.select %gt3A_2457, %select_n3A_2455, %select_n3A_2413 : vector<16xi1>, vector<16xf32>
      %select_n3A_2459 = arith.select %gt3A_2457, %select_n3A_2456, %select_n3A_2414 : vector<16xi1>, vector<16xi32>
      %get3A_2460 = arith.constant 52 : i32
      %get3A_2461 = arith.index_cast %select_n3A : i32 to index
      %get3A_2462 = arith.index_cast %get3A_2460 : i32 to index
      %get3A_2463 = arith.index_cast %mul3A_89 : i32 to index
      %get3A_2464 = tpu.vector_load %arg5[%get3A_2461, %get3A_2462, %get3A_2463] {strides = array<i32>} : memref<1x64x320xf32, #tpu.memory_space<vmem>>, vector<16xf32>,
      %broadcast_in_dim3A_2465 = arith.constant 52 : i32
      %broadcast_in_dim3A_2466 = vector.broadcast %broadcast_in_dim3A_2465 : i32 to vector<16xi32>
      %gt3A_2467 = arith.cmpf ogt, %get3A_2464, %select_n3A_2423 : vector<16xf32>
      %select_n3A_2468 = arith.select %gt3A_2467, %get3A_2464, %select_n3A_2423 : vector<16xi1>, vector<16xf32>
      %select_n3A_2469 = arith.select %gt3A_2467, %broadcast_in_dim3A_2466, %select_n3A_2424 : vector<16xi1>, vector<16xi32>
      %select_n3A_2470 = arith.select %gt3A_2467, %select_n3A_2423, %get3A_2464 : vector<16xi1>, vector<16xf32>
      %select_n3A_2471 = arith.select %gt3A_2467, %select_n3A_2424, %broadcast_in_dim3A_2466 : vector<16xi1>, vector<16xi32>
      %gt3A_2472 = arith.cmpf ogt, %select_n3A_2470, %select_n3A_2428 : vector<16xf32>
      %select_n3A_2473 = arith.select %gt3A_2472, %select_n3A_2470, %select_n3A_2428 : vector<16xi1>, vector<16xf32>
      %select_n3A_2474 = arith.select %gt3A_2472, %select_n3A_2471, %select_n3A_2429 : vector<16xi1>, vector<16xi32>
      %select_n3A_2475 = arith.select %gt3A_2472, %select_n3A_2428, %select_n3A_2470 : vector<16xi1>, vector<16xf32>
      %select_n3A_2476 = arith.select %gt3A_2472, %select_n3A_2429, %select_n3A_2471 : vector<16xi1>, vector<16xi32>
      %gt3A_2477 = arith.cmpf ogt, %select_n3A_2475, %select_n3A_2433 : vector<16xf32>
      %select_n3A_2478 = arith.select %gt3A_2477, %select_n3A_2475, %select_n3A_2433 : vector<16xi1>, vector<16xf32>
      %select_n3A_2479 = arith.select %gt3A_2477, %select_n3A_2476, %select_n3A_2434 : vector<16xi1>, vector<16xi32>
      %select_n3A_2480 = arith.select %gt3A_2477, %select_n3A_2433, %select_n3A_2475 : vector<16xi1>, vector<16xf32>
      %select_n3A_2481 = arith.select %gt3A_2477, %select_n3A_2434, %select_n3A_2476 : vector<16xi1>, vector<16xi32>
      %gt3A_2482 = arith.cmpf ogt, %select_n3A_2480, %select_n3A_2438 : vector<16xf32>
      %select_n3A_2483 = arith.select %gt3A_2482, %select_n3A_2480, %select_n3A_2438 : vector<16xi1>, vector<16xf32>
      %select_n3A_2484 = arith.select %gt3A_2482, %select_n3A_2481, %select_n3A_2439 : vector<16xi1>, vector<16xi32>
      %select_n3A_2485 = arith.select %gt3A_2482, %select_n3A_2438, %select_n3A_2480 : vector<16xi1>, vector<16xf32>
      %select_n3A_2486 = arith.select %gt3A_2482, %select_n3A_2439, %select_n3A_2481 : vector<16xi1>, vector<16xi32>
      %gt3A_2487 = arith.cmpf ogt, %select_n3A_2485, %select_n3A_2443 : vector<16xf32>
      %select_n3A_2488 = arith.select %gt3A_2487, %select_n3A_2485, %select_n3A_2443 : vector<16xi1>, vector<16xf32>
      %select_n3A_2489 = arith.select %gt3A_2487, %select_n3A_2486, %select_n3A_2444 : vector<16xi1>, vector<16xi32>
      %select_n3A_2490 = arith.select %gt3A_2487, %select_n3A_2443, %select_n3A_2485 : vector<16xi1>, vector<16xf32>
      %select_n3A_2491 = arith.select %gt3A_2487, %select_n3A_2444, %select_n3A_2486 : vector<16xi1>, vector<16xi32>
      %gt3A_2492 = arith.cmpf ogt, %select_n3A_2490, %select_n3A_2448 : vector<16xf32>
      %select_n3A_2493 = arith.select %gt3A_2492, %select_n3A_2490, %select_n3A_2448 : vector<16xi1>, vector<16xf32>
      %select_n3A_2494 = arith.select %gt3A_2492, %select_n3A_2491, %select_n3A_2449 : vector<16xi1>, vector<16xi32>
      %select_n3A_2495 = arith.select %gt3A_2492, %select_n3A_2448, %select_n3A_2490 : vector<16xi1>, vector<16xf32>
      %select_n3A_2496 = arith.select %gt3A_2492, %select_n3A_2449, %select_n3A_2491 : vector<16xi1>, vector<16xi32>
      %gt3A_2497 = arith.cmpf ogt, %select_n3A_2495, %select_n3A_2453 : vector<16xf32>
      %select_n3A_2498 = arith.select %gt3A_2497, %select_n3A_2495, %select_n3A_2453 : vector<16xi1>, vector<16xf32>
      %select_n3A_2499 = arith.select %gt3A_2497, %select_n3A_2496, %select_n3A_2454 : vector<16xi1>, vector<16xi32>
      %select_n3A_2500 = arith.select %gt3A_2497, %select_n3A_2453, %select_n3A_2495 : vector<16xi1>, vector<16xf32>
      %select_n3A_2501 = arith.select %gt3A_2497, %select_n3A_2454, %select_n3A_2496 : vector<16xi1>, vector<16xi32>
      %gt3A_2502 = arith.cmpf ogt, %select_n3A_2500, %select_n3A_2458 : vector<16xf32>
      %select_n3A_2503 = arith.select %gt3A_2502, %select_n3A_2500, %select_n3A_2458 : vector<16xi1>, vector<16xf32>
      %select_n3A_2504 = arith.select %gt3A_2502, %select_n3A_2501, %select_n3A_2459 : vector<16xi1>, vector<16xi32>
      %get3A_2505 = arith.constant 53 : i32
      %get3A_2506 = arith.index_cast %select_n3A : i32 to index
      %get3A_2507 = arith.index_cast %get3A_2505 : i32 to index
      %get3A_2508 = arith.index_cast %mul3A_89 : i32 to index
      %get3A_2509 = tpu.vector_load %arg5[%get3A_2506, %get3A_2507, %get3A_2508] {strides = array<i32>} : memref<1x64x320xf32, #tpu.memory_space<vmem>>, vector<16xf32>,
      %broadcast_in_dim3A_2510 = arith.constant 53 : i32
      %broadcast_in_dim3A_2511 = vector.broadcast %broadcast_in_dim3A_2510 : i32 to vector<16xi32>
      %gt3A_2512 = arith.cmpf ogt, %get3A_2509, %select_n3A_2468 : vector<16xf32>
      %select_n3A_2513 = arith.select %gt3A_2512, %get3A_2509, %select_n3A_2468 : vector<16xi1>, vector<16xf32>
      %select_n3A_2514 = arith.select %gt3A_2512, %broadcast_in_dim3A_2511, %select_n3A_2469 : vector<16xi1>, vector<16xi32>
      %select_n3A_2515 = arith.select %gt3A_2512, %select_n3A_2468, %get3A_2509 : vector<16xi1>, vector<16xf32>
      %select_n3A_2516 = arith.select %gt3A_2512, %select_n3A_2469, %broadcast_in_dim3A_2511 : vector<16xi1>, vector<16xi32>
      %gt3A_2517 = arith.cmpf ogt, %select_n3A_2515, %select_n3A_2473 : vector<16xf32>
      %select_n3A_2518 = arith.select %gt3A_2517, %select_n3A_2515, %select_n3A_2473 : vector<16xi1>, vector<16xf32>
      %select_n3A_2519 = arith.select %gt3A_2517, %select_n3A_2516, %select_n3A_2474 : vector<16xi1>, vector<16xi32>
      %select_n3A_2520 = arith.select %gt3A_2517, %select_n3A_2473, %select_n3A_2515 : vector<16xi1>, vector<16xf32>
      %select_n3A_2521 = arith.select %gt3A_2517, %select_n3A_2474, %select_n3A_2516 : vector<16xi1>, vector<16xi32>
      %gt3A_2522 = arith.cmpf ogt, %select_n3A_2520, %select_n3A_2478 : vector<16xf32>
      %select_n3A_2523 = arith.select %gt3A_2522, %select_n3A_2520, %select_n3A_2478 : vector<16xi1>, vector<16xf32>
      %select_n3A_2524 = arith.select %gt3A_2522, %select_n3A_2521, %select_n3A_2479 : vector<16xi1>, vector<16xi32>
      %select_n3A_2525 = arith.select %gt3A_2522, %select_n3A_2478, %select_n3A_2520 : vector<16xi1>, vector<16xf32>
      %select_n3A_2526 = arith.select %gt3A_2522, %select_n3A_2479, %select_n3A_2521 : vector<16xi1>, vector<16xi32>
      %gt3A_2527 = arith.cmpf ogt, %select_n3A_2525, %select_n3A_2483 : vector<16xf32>
      %select_n3A_2528 = arith.select %gt3A_2527, %select_n3A_2525, %select_n3A_2483 : vector<16xi1>, vector<16xf32>
      %select_n3A_2529 = arith.select %gt3A_2527, %select_n3A_2526, %select_n3A_2484 : vector<16xi1>, vector<16xi32>
      %select_n3A_2530 = arith.select %gt3A_2527, %select_n3A_2483, %select_n3A_2525 : vector<16xi1>, vector<16xf32>
      %select_n3A_2531 = arith.select %gt3A_2527, %select_n3A_2484, %select_n3A_2526 : vector<16xi1>, vector<16xi32>
      %gt3A_2532 = arith.cmpf ogt, %select_n3A_2530, %select_n3A_2488 : vector<16xf32>
      %select_n3A_2533 = arith.select %gt3A_2532, %select_n3A_2530, %select_n3A_2488 : vector<16xi1>, vector<16xf32>
      %select_n3A_2534 = arith.select %gt3A_2532, %select_n3A_2531, %select_n3A_2489 : vector<16xi1>, vector<16xi32>
      %select_n3A_2535 = arith.select %gt3A_2532, %select_n3A_2488, %select_n3A_2530 : vector<16xi1>, vector<16xf32>
      %select_n3A_2536 = arith.select %gt3A_2532, %select_n3A_2489, %select_n3A_2531 : vector<16xi1>, vector<16xi32>
      %gt3A_2537 = arith.cmpf ogt, %select_n3A_2535, %select_n3A_2493 : vector<16xf32>
      %select_n3A_2538 = arith.select %gt3A_2537, %select_n3A_2535, %select_n3A_2493 : vector<16xi1>, vector<16xf32>
      %select_n3A_2539 = arith.select %gt3A_2537, %select_n3A_2536, %select_n3A_2494 : vector<16xi1>, vector<16xi32>
      %select_n3A_2540 = arith.select %gt3A_2537, %select_n3A_2493, %select_n3A_2535 : vector<16xi1>, vector<16xf32>
      %select_n3A_2541 = arith.select %gt3A_2537, %select_n3A_2494, %select_n3A_2536 : vector<16xi1>, vector<16xi32>
      %gt3A_2542 = arith.cmpf ogt, %select_n3A_2540, %select_n3A_2498 : vector<16xf32>
      %select_n3A_2543 = arith.select %gt3A_2542, %select_n3A_2540, %select_n3A_2498 : vector<16xi1>, vector<16xf32>
      %select_n3A_2544 = arith.select %gt3A_2542, %select_n3A_2541, %select_n3A_2499 : vector<16xi1>, vector<16xi32>
      %select_n3A_2545 = arith.select %gt3A_2542, %select_n3A_2498, %select_n3A_2540 : vector<16xi1>, vector<16xf32>
      %select_n3A_2546 = arith.select %gt3A_2542, %select_n3A_2499, %select_n3A_2541 : vector<16xi1>, vector<16xi32>
      %gt3A_2547 = arith.cmpf ogt, %select_n3A_2545, %select_n3A_2503 : vector<16xf32>
      %select_n3A_2548 = arith.select %gt3A_2547, %select_n3A_2545, %select_n3A_2503 : vector<16xi1>, vector<16xf32>
      %select_n3A_2549 = arith.select %gt3A_2547, %select_n3A_2546, %select_n3A_2504 : vector<16xi1>, vector<16xi32>
      %get3A_2550 = arith.constant 54 : i32
      %get3A_2551 = arith.index_cast %select_n3A : i32 to index
      %get3A_2552 = arith.index_cast %get3A_2550 : i32 to index
      %get3A_2553 = arith.index_cast %mul3A_89 : i32 to index
      %get3A_2554 = tpu.vector_load %arg5[%get3A_2551, %get3A_2552, %get3A_2553] {strides = array<i32>} : memref<1x64x320xf32, #tpu.memory_space<vmem>>, vector<16xf32>,
      %broadcast_in_dim3A_2555 = arith.constant 54 : i32
      %broadcast_in_dim3A_2556 = vector.broadcast %broadcast_in_dim3A_2555 : i32 to vector<16xi32>
      %gt3A_2557 = arith.cmpf ogt, %get3A_2554, %select_n3A_2513 : vector<16xf32>
      %select_n3A_2558 = arith.select %gt3A_2557, %get3A_2554, %select_n3A_2513 : vector<16xi1>, vector<16xf32>
      %select_n3A_2559 = arith.select %gt3A_2557, %broadcast_in_dim3A_2556, %select_n3A_2514 : vector<16xi1>, vector<16xi32>
      %select_n3A_2560 = arith.select %gt3A_2557, %select_n3A_2513, %get3A_2554 : vector<16xi1>, vector<16xf32>
      %select_n3A_2561 = arith.select %gt3A_2557, %select_n3A_2514, %broadcast_in_dim3A_2556 : vector<16xi1>, vector<16xi32>
      %gt3A_2562 = arith.cmpf ogt, %select_n3A_2560, %select_n3A_2518 : vector<16xf32>
      %select_n3A_2563 = arith.select %gt3A_2562, %select_n3A_2560, %select_n3A_2518 : vector<16xi1>, vector<16xf32>
      %select_n3A_2564 = arith.select %gt3A_2562, %select_n3A_2561, %select_n3A_2519 : vector<16xi1>, vector<16xi32>
      %select_n3A_2565 = arith.select %gt3A_2562, %select_n3A_2518, %select_n3A_2560 : vector<16xi1>, vector<16xf32>
      %select_n3A_2566 = arith.select %gt3A_2562, %select_n3A_2519, %select_n3A_2561 : vector<16xi1>, vector<16xi32>
      %gt3A_2567 = arith.cmpf ogt, %select_n3A_2565, %select_n3A_2523 : vector<16xf32>
      %select_n3A_2568 = arith.select %gt3A_2567, %select_n3A_2565, %select_n3A_2523 : vector<16xi1>, vector<16xf32>
      %select_n3A_2569 = arith.select %gt3A_2567, %select_n3A_2566, %select_n3A_2524 : vector<16xi1>, vector<16xi32>
      %select_n3A_2570 = arith.select %gt3A_2567, %select_n3A_2523, %select_n3A_2565 : vector<16xi1>, vector<16xf32>
      %select_n3A_2571 = arith.select %gt3A_2567, %select_n3A_2524, %select_n3A_2566 : vector<16xi1>, vector<16xi32>
      %gt3A_2572 = arith.cmpf ogt, %select_n3A_2570, %select_n3A_2528 : vector<16xf32>
      %select_n3A_2573 = arith.select %gt3A_2572, %select_n3A_2570, %select_n3A_2528 : vector<16xi1>, vector<16xf32>
      %select_n3A_2574 = arith.select %gt3A_2572, %select_n3A_2571, %select_n3A_2529 : vector<16xi1>, vector<16xi32>
      %select_n3A_2575 = arith.select %gt3A_2572, %select_n3A_2528, %select_n3A_2570 : vector<16xi1>, vector<16xf32>
      %select_n3A_2576 = arith.select %gt3A_2572, %select_n3A_2529, %select_n3A_2571 : vector<16xi1>, vector<16xi32>
      %gt3A_2577 = arith.cmpf ogt, %select_n3A_2575, %select_n3A_2533 : vector<16xf32>
      %select_n3A_2578 = arith.select %gt3A_2577, %select_n3A_2575, %select_n3A_2533 : vector<16xi1>, vector<16xf32>
      %select_n3A_2579 = arith.select %gt3A_2577, %select_n3A_2576, %select_n3A_2534 : vector<16xi1>, vector<16xi32>
      %select_n3A_2580 = arith.select %gt3A_2577, %select_n3A_2533, %select_n3A_2575 : vector<16xi1>, vector<16xf32>
      %select_n3A_2581 = arith.select %gt3A_2577, %select_n3A_2534, %select_n3A_2576 : vector<16xi1>, vector<16xi32>
      %gt3A_2582 = arith.cmpf ogt, %select_n3A_2580, %select_n3A_2538 : vector<16xf32>
      %select_n3A_2583 = arith.select %gt3A_2582, %select_n3A_2580, %select_n3A_2538 : vector<16xi1>, vector<16xf32>
      %select_n3A_2584 = arith.select %gt3A_2582, %select_n3A_2581, %select_n3A_2539 : vector<16xi1>, vector<16xi32>
      %select_n3A_2585 = arith.select %gt3A_2582, %select_n3A_2538, %select_n3A_2580 : vector<16xi1>, vector<16xf32>
      %select_n3A_2586 = arith.select %gt3A_2582, %select_n3A_2539, %select_n3A_2581 : vector<16xi1>, vector<16xi32>
      %gt3A_2587 = arith.cmpf ogt, %select_n3A_2585, %select_n3A_2543 : vector<16xf32>
      %select_n3A_2588 = arith.select %gt3A_2587, %select_n3A_2585, %select_n3A_2543 : vector<16xi1>, vector<16xf32>
      %select_n3A_2589 = arith.select %gt3A_2587, %select_n3A_2586, %select_n3A_2544 : vector<16xi1>, vector<16xi32>
      %select_n3A_2590 = arith.select %gt3A_2587, %select_n3A_2543, %select_n3A_2585 : vector<16xi1>, vector<16xf32>
      %select_n3A_2591 = arith.select %gt3A_2587, %select_n3A_2544, %select_n3A_2586 : vector<16xi1>, vector<16xi32>
      %gt3A_2592 = arith.cmpf ogt, %select_n3A_2590, %select_n3A_2548 : vector<16xf32>
      %select_n3A_2593 = arith.select %gt3A_2592, %select_n3A_2590, %select_n3A_2548 : vector<16xi1>, vector<16xf32>
      %select_n3A_2594 = arith.select %gt3A_2592, %select_n3A_2591, %select_n3A_2549 : vector<16xi1>, vector<16xi32>
      %get3A_2595 = arith.constant 55 : i32
      %get3A_2596 = arith.index_cast %select_n3A : i32 to index
      %get3A_2597 = arith.index_cast %get3A_2595 : i32 to index
      %get3A_2598 = arith.index_cast %mul3A_89 : i32 to index
      %get3A_2599 = tpu.vector_load %arg5[%get3A_2596, %get3A_2597, %get3A_2598] {strides = array<i32>} : memref<1x64x320xf32, #tpu.memory_space<vmem>>, vector<16xf32>,
      %broadcast_in_dim3A_2600 = arith.constant 55 : i32
      %broadcast_in_dim3A_2601 = vector.broadcast %broadcast_in_dim3A_2600 : i32 to vector<16xi32>
      %gt3A_2602 = arith.cmpf ogt, %get3A_2599, %select_n3A_2558 : vector<16xf32>
      %select_n3A_2603 = arith.select %gt3A_2602, %get3A_2599, %select_n3A_2558 : vector<16xi1>, vector<16xf32>
      %select_n3A_2604 = arith.select %gt3A_2602, %broadcast_in_dim3A_2601, %select_n3A_2559 : vector<16xi1>, vector<16xi32>
      %select_n3A_2605 = arith.select %gt3A_2602, %select_n3A_2558, %get3A_2599 : vector<16xi1>, vector<16xf32>
      %select_n3A_2606 = arith.select %gt3A_2602, %select_n3A_2559, %broadcast_in_dim3A_2601 : vector<16xi1>, vector<16xi32>
      %gt3A_2607 = arith.cmpf ogt, %select_n3A_2605, %select_n3A_2563 : vector<16xf32>
      %select_n3A_2608 = arith.select %gt3A_2607, %select_n3A_2605, %select_n3A_2563 : vector<16xi1>, vector<16xf32>
      %select_n3A_2609 = arith.select %gt3A_2607, %select_n3A_2606, %select_n3A_2564 : vector<16xi1>, vector<16xi32>
      %select_n3A_2610 = arith.select %gt3A_2607, %select_n3A_2563, %select_n3A_2605 : vector<16xi1>, vector<16xf32>
      %select_n3A_2611 = arith.select %gt3A_2607, %select_n3A_2564, %select_n3A_2606 : vector<16xi1>, vector<16xi32>
      %gt3A_2612 = arith.cmpf ogt, %select_n3A_2610, %select_n3A_2568 : vector<16xf32>
      %select_n3A_2613 = arith.select %gt3A_2612, %select_n3A_2610, %select_n3A_2568 : vector<16xi1>, vector<16xf32>
      %select_n3A_2614 = arith.select %gt3A_2612, %select_n3A_2611, %select_n3A_2569 : vector<16xi1>, vector<16xi32>
      %select_n3A_2615 = arith.select %gt3A_2612, %select_n3A_2568, %select_n3A_2610 : vector<16xi1>, vector<16xf32>
      %select_n3A_2616 = arith.select %gt3A_2612, %select_n3A_2569, %select_n3A_2611 : vector<16xi1>, vector<16xi32>
      %gt3A_2617 = arith.cmpf ogt, %select_n3A_2615, %select_n3A_2573 : vector<16xf32>
      %select_n3A_2618 = arith.select %gt3A_2617, %select_n3A_2615, %select_n3A_2573 : vector<16xi1>, vector<16xf32>
      %select_n3A_2619 = arith.select %gt3A_2617, %select_n3A_2616, %select_n3A_2574 : vector<16xi1>, vector<16xi32>
      %select_n3A_2620 = arith.select %gt3A_2617, %select_n3A_2573, %select_n3A_2615 : vector<16xi1>, vector<16xf32>
      %select_n3A_2621 = arith.select %gt3A_2617, %select_n3A_2574, %select_n3A_2616 : vector<16xi1>, vector<16xi32>
      %gt3A_2622 = arith.cmpf ogt, %select_n3A_2620, %select_n3A_2578 : vector<16xf32>
      %select_n3A_2623 = arith.select %gt3A_2622, %select_n3A_2620, %select_n3A_2578 : vector<16xi1>, vector<16xf32>
      %select_n3A_2624 = arith.select %gt3A_2622, %select_n3A_2621, %select_n3A_2579 : vector<16xi1>, vector<16xi32>
      %select_n3A_2625 = arith.select %gt3A_2622, %select_n3A_2578, %select_n3A_2620 : vector<16xi1>, vector<16xf32>
      %select_n3A_2626 = arith.select %gt3A_2622, %select_n3A_2579, %select_n3A_2621 : vector<16xi1>, vector<16xi32>
      %gt3A_2627 = arith.cmpf ogt, %select_n3A_2625, %select_n3A_2583 : vector<16xf32>
      %select_n3A_2628 = arith.select %gt3A_2627, %select_n3A_2625, %select_n3A_2583 : vector<16xi1>, vector<16xf32>
      %select_n3A_2629 = arith.select %gt3A_2627, %select_n3A_2626, %select_n3A_2584 : vector<16xi1>, vector<16xi32>
      %select_n3A_2630 = arith.select %gt3A_2627, %select_n3A_2583, %select_n3A_2625 : vector<16xi1>, vector<16xf32>
      %select_n3A_2631 = arith.select %gt3A_2627, %select_n3A_2584, %select_n3A_2626 : vector<16xi1>, vector<16xi32>
      %gt3A_2632 = arith.cmpf ogt, %select_n3A_2630, %select_n3A_2588 : vector<16xf32>
      %select_n3A_2633 = arith.select %gt3A_2632, %select_n3A_2630, %select_n3A_2588 : vector<16xi1>, vector<16xf32>
      %select_n3A_2634 = arith.select %gt3A_2632, %select_n3A_2631, %select_n3A_2589 : vector<16xi1>, vector<16xi32>
      %select_n3A_2635 = arith.select %gt3A_2632, %select_n3A_2588, %select_n3A_2630 : vector<16xi1>, vector<16xf32>
      %select_n3A_2636 = arith.select %gt3A_2632, %select_n3A_2589, %select_n3A_2631 : vector<16xi1>, vector<16xi32>
      %gt3A_2637 = arith.cmpf ogt, %select_n3A_2635, %select_n3A_2593 : vector<16xf32>
      %select_n3A_2638 = arith.select %gt3A_2637, %select_n3A_2635, %select_n3A_2593 : vector<16xi1>, vector<16xf32>
      %select_n3A_2639 = arith.select %gt3A_2637, %select_n3A_2636, %select_n3A_2594 : vector<16xi1>, vector<16xi32>
      %get3A_2640 = arith.constant 56 : i32
      %get3A_2641 = arith.index_cast %select_n3A : i32 to index
      %get3A_2642 = arith.index_cast %get3A_2640 : i32 to index
      %get3A_2643 = arith.index_cast %mul3A_89 : i32 to index
      %get3A_2644 = tpu.vector_load %arg5[%get3A_2641, %get3A_2642, %get3A_2643] {strides = array<i32>} : memref<1x64x320xf32, #tpu.memory_space<vmem>>, vector<16xf32>,
      %broadcast_in_dim3A_2645 = arith.constant 56 : i32
      %broadcast_in_dim3A_2646 = vector.broadcast %broadcast_in_dim3A_2645 : i32 to vector<16xi32>
      %gt3A_2647 = arith.cmpf ogt, %get3A_2644, %select_n3A_2603 : vector<16xf32>
      %select_n3A_2648 = arith.select %gt3A_2647, %get3A_2644, %select_n3A_2603 : vector<16xi1>, vector<16xf32>
      %select_n3A_2649 = arith.select %gt3A_2647, %broadcast_in_dim3A_2646, %select_n3A_2604 : vector<16xi1>, vector<16xi32>
      %select_n3A_2650 = arith.select %gt3A_2647, %select_n3A_2603, %get3A_2644 : vector<16xi1>, vector<16xf32>
      %select_n3A_2651 = arith.select %gt3A_2647, %select_n3A_2604, %broadcast_in_dim3A_2646 : vector<16xi1>, vector<16xi32>
      %gt3A_2652 = arith.cmpf ogt, %select_n3A_2650, %select_n3A_2608 : vector<16xf32>
      %select_n3A_2653 = arith.select %gt3A_2652, %select_n3A_2650, %select_n3A_2608 : vector<16xi1>, vector<16xf32>
      %select_n3A_2654 = arith.select %gt3A_2652, %select_n3A_2651, %select_n3A_2609 : vector<16xi1>, vector<16xi32>
      %select_n3A_2655 = arith.select %gt3A_2652, %select_n3A_2608, %select_n3A_2650 : vector<16xi1>, vector<16xf32>
      %select_n3A_2656 = arith.select %gt3A_2652, %select_n3A_2609, %select_n3A_2651 : vector<16xi1>, vector<16xi32>
      %gt3A_2657 = arith.cmpf ogt, %select_n3A_2655, %select_n3A_2613 : vector<16xf32>
      %select_n3A_2658 = arith.select %gt3A_2657, %select_n3A_2655, %select_n3A_2613 : vector<16xi1>, vector<16xf32>
      %select_n3A_2659 = arith.select %gt3A_2657, %select_n3A_2656, %select_n3A_2614 : vector<16xi1>, vector<16xi32>
      %select_n3A_2660 = arith.select %gt3A_2657, %select_n3A_2613, %select_n3A_2655 : vector<16xi1>, vector<16xf32>
      %select_n3A_2661 = arith.select %gt3A_2657, %select_n3A_2614, %select_n3A_2656 : vector<16xi1>, vector<16xi32>
      %gt3A_2662 = arith.cmpf ogt, %select_n3A_2660, %select_n3A_2618 : vector<16xf32>
      %select_n3A_2663 = arith.select %gt3A_2662, %select_n3A_2660, %select_n3A_2618 : vector<16xi1>, vector<16xf32>
      %select_n3A_2664 = arith.select %gt3A_2662, %select_n3A_2661, %select_n3A_2619 : vector<16xi1>, vector<16xi32>
      %select_n3A_2665 = arith.select %gt3A_2662, %select_n3A_2618, %select_n3A_2660 : vector<16xi1>, vector<16xf32>
      %select_n3A_2666 = arith.select %gt3A_2662, %select_n3A_2619, %select_n3A_2661 : vector<16xi1>, vector<16xi32>
      %gt3A_2667 = arith.cmpf ogt, %select_n3A_2665, %select_n3A_2623 : vector<16xf32>
      %select_n3A_2668 = arith.select %gt3A_2667, %select_n3A_2665, %select_n3A_2623 : vector<16xi1>, vector<16xf32>
      %select_n3A_2669 = arith.select %gt3A_2667, %select_n3A_2666, %select_n3A_2624 : vector<16xi1>, vector<16xi32>
      %select_n3A_2670 = arith.select %gt3A_2667, %select_n3A_2623, %select_n3A_2665 : vector<16xi1>, vector<16xf32>
      %select_n3A_2671 = arith.select %gt3A_2667, %select_n3A_2624, %select_n3A_2666 : vector<16xi1>, vector<16xi32>
      %gt3A_2672 = arith.cmpf ogt, %select_n3A_2670, %select_n3A_2628 : vector<16xf32>
      %select_n3A_2673 = arith.select %gt3A_2672, %select_n3A_2670, %select_n3A_2628 : vector<16xi1>, vector<16xf32>
      %select_n3A_2674 = arith.select %gt3A_2672, %select_n3A_2671, %select_n3A_2629 : vector<16xi1>, vector<16xi32>
      %select_n3A_2675 = arith.select %gt3A_2672, %select_n3A_2628, %select_n3A_2670 : vector<16xi1>, vector<16xf32>
      %select_n3A_2676 = arith.select %gt3A_2672, %select_n3A_2629, %select_n3A_2671 : vector<16xi1>, vector<16xi32>
      %gt3A_2677 = arith.cmpf ogt, %select_n3A_2675, %select_n3A_2633 : vector<16xf32>
      %select_n3A_2678 = arith.select %gt3A_2677, %select_n3A_2675, %select_n3A_2633 : vector<16xi1>, vector<16xf32>
      %select_n3A_2679 = arith.select %gt3A_2677, %select_n3A_2676, %select_n3A_2634 : vector<16xi1>, vector<16xi32>
      %select_n3A_2680 = arith.select %gt3A_2677, %select_n3A_2633, %select_n3A_2675 : vector<16xi1>, vector<16xf32>
      %select_n3A_2681 = arith.select %gt3A_2677, %select_n3A_2634, %select_n3A_2676 : vector<16xi1>, vector<16xi32>
      %gt3A_2682 = arith.cmpf ogt, %select_n3A_2680, %select_n3A_2638 : vector<16xf32>
      %select_n3A_2683 = arith.select %gt3A_2682, %select_n3A_2680, %select_n3A_2638 : vector<16xi1>, vector<16xf32>
      %select_n3A_2684 = arith.select %gt3A_2682, %select_n3A_2681, %select_n3A_2639 : vector<16xi1>, vector<16xi32>
      %get3A_2685 = arith.constant 57 : i32
      %get3A_2686 = arith.index_cast %select_n3A : i32 to index
      %get3A_2687 = arith.index_cast %get3A_2685 : i32 to index
      %get3A_2688 = arith.index_cast %mul3A_89 : i32 to index
      %get3A_2689 = tpu.vector_load %arg5[%get3A_2686, %get3A_2687, %get3A_2688] {strides = array<i32>} : memref<1x64x320xf32, #tpu.memory_space<vmem>>, vector<16xf32>,
      %broadcast_in_dim3A_2690 = arith.constant 57 : i32
      %broadcast_in_dim3A_2691 = vector.broadcast %broadcast_in_dim3A_2690 : i32 to vector<16xi32>
      %gt3A_2692 = arith.cmpf ogt, %get3A_2689, %select_n3A_2648 : vector<16xf32>
      %select_n3A_2693 = arith.select %gt3A_2692, %get3A_2689, %select_n3A_2648 : vector<16xi1>, vector<16xf32>
      %select_n3A_2694 = arith.select %gt3A_2692, %broadcast_in_dim3A_2691, %select_n3A_2649 : vector<16xi1>, vector<16xi32>
      %select_n3A_2695 = arith.select %gt3A_2692, %select_n3A_2648, %get3A_2689 : vector<16xi1>, vector<16xf32>
      %select_n3A_2696 = arith.select %gt3A_2692, %select_n3A_2649, %broadcast_in_dim3A_2691 : vector<16xi1>, vector<16xi32>
      %gt3A_2697 = arith.cmpf ogt, %select_n3A_2695, %select_n3A_2653 : vector<16xf32>
      %select_n3A_2698 = arith.select %gt3A_2697, %select_n3A_2695, %select_n3A_2653 : vector<16xi1>, vector<16xf32>
      %select_n3A_2699 = arith.select %gt3A_2697, %select_n3A_2696, %select_n3A_2654 : vector<16xi1>, vector<16xi32>
      %select_n3A_2700 = arith.select %gt3A_2697, %select_n3A_2653, %select_n3A_2695 : vector<16xi1>, vector<16xf32>
      %select_n3A_2701 = arith.select %gt3A_2697, %select_n3A_2654, %select_n3A_2696 : vector<16xi1>, vector<16xi32>
      %gt3A_2702 = arith.cmpf ogt, %select_n3A_2700, %select_n3A_2658 : vector<16xf32>
      %select_n3A_2703 = arith.select %gt3A_2702, %select_n3A_2700, %select_n3A_2658 : vector<16xi1>, vector<16xf32>
      %select_n3A_2704 = arith.select %gt3A_2702, %select_n3A_2701, %select_n3A_2659 : vector<16xi1>, vector<16xi32>
      %select_n3A_2705 = arith.select %gt3A_2702, %select_n3A_2658, %select_n3A_2700 : vector<16xi1>, vector<16xf32>
      %select_n3A_2706 = arith.select %gt3A_2702, %select_n3A_2659, %select_n3A_2701 : vector<16xi1>, vector<16xi32>
      %gt3A_2707 = arith.cmpf ogt, %select_n3A_2705, %select_n3A_2663 : vector<16xf32>
      %select_n3A_2708 = arith.select %gt3A_2707, %select_n3A_2705, %select_n3A_2663 : vector<16xi1>, vector<16xf32>
      %select_n3A_2709 = arith.select %gt3A_2707, %select_n3A_2706, %select_n3A_2664 : vector<16xi1>, vector<16xi32>
      %select_n3A_2710 = arith.select %gt3A_2707, %select_n3A_2663, %select_n3A_2705 : vector<16xi1>, vector<16xf32>
      %select_n3A_2711 = arith.select %gt3A_2707, %select_n3A_2664, %select_n3A_2706 : vector<16xi1>, vector<16xi32>
      %gt3A_2712 = arith.cmpf ogt, %select_n3A_2710, %select_n3A_2668 : vector<16xf32>
      %select_n3A_2713 = arith.select %gt3A_2712, %select_n3A_2710, %select_n3A_2668 : vector<16xi1>, vector<16xf32>
      %select_n3A_2714 = arith.select %gt3A_2712, %select_n3A_2711, %select_n3A_2669 : vector<16xi1>, vector<16xi32>
      %select_n3A_2715 = arith.select %gt3A_2712, %select_n3A_2668, %select_n3A_2710 : vector<16xi1>, vector<16xf32>
      %select_n3A_2716 = arith.select %gt3A_2712, %select_n3A_2669, %select_n3A_2711 : vector<16xi1>, vector<16xi32>
      %gt3A_2717 = arith.cmpf ogt, %select_n3A_2715, %select_n3A_2673 : vector<16xf32>
      %select_n3A_2718 = arith.select %gt3A_2717, %select_n3A_2715, %select_n3A_2673 : vector<16xi1>, vector<16xf32>
      %select_n3A_2719 = arith.select %gt3A_2717, %select_n3A_2716, %select_n3A_2674 : vector<16xi1>, vector<16xi32>
      %select_n3A_2720 = arith.select %gt3A_2717, %select_n3A_2673, %select_n3A_2715 : vector<16xi1>, vector<16xf32>
      %select_n3A_2721 = arith.select %gt3A_2717, %select_n3A_2674, %select_n3A_2716 : vector<16xi1>, vector<16xi32>
      %gt3A_2722 = arith.cmpf ogt, %select_n3A_2720, %select_n3A_2678 : vector<16xf32>
      %select_n3A_2723 = arith.select %gt3A_2722, %select_n3A_2720, %select_n3A_2678 : vector<16xi1>, vector<16xf32>
      %select_n3A_2724 = arith.select %gt3A_2722, %select_n3A_2721, %select_n3A_2679 : vector<16xi1>, vector<16xi32>
      %select_n3A_2725 = arith.select %gt3A_2722, %select_n3A_2678, %select_n3A_2720 : vector<16xi1>, vector<16xf32>
      %select_n3A_2726 = arith.select %gt3A_2722, %select_n3A_2679, %select_n3A_2721 : vector<16xi1>, vector<16xi32>
      %gt3A_2727 = arith.cmpf ogt, %select_n3A_2725, %select_n3A_2683 : vector<16xf32>
      %select_n3A_2728 = arith.select %gt3A_2727, %select_n3A_2725, %select_n3A_2683 : vector<16xi1>, vector<16xf32>
      %select_n3A_2729 = arith.select %gt3A_2727, %select_n3A_2726, %select_n3A_2684 : vector<16xi1>, vector<16xi32>
      %get3A_2730 = arith.constant 58 : i32
      %get3A_2731 = arith.index_cast %select_n3A : i32 to index
      %get3A_2732 = arith.index_cast %get3A_2730 : i32 to index
      %get3A_2733 = arith.index_cast %mul3A_89 : i32 to index
      %get3A_2734 = tpu.vector_load %arg5[%get3A_2731, %get3A_2732, %get3A_2733] {strides = array<i32>} : memref<1x64x320xf32, #tpu.memory_space<vmem>>, vector<16xf32>,
      %broadcast_in_dim3A_2735 = arith.constant 58 : i32
      %broadcast_in_dim3A_2736 = vector.broadcast %broadcast_in_dim3A_2735 : i32 to vector<16xi32>
      %gt3A_2737 = arith.cmpf ogt, %get3A_2734, %select_n3A_2693 : vector<16xf32>
      %select_n3A_2738 = arith.select %gt3A_2737, %get3A_2734, %select_n3A_2693 : vector<16xi1>, vector<16xf32>
      %select_n3A_2739 = arith.select %gt3A_2737, %broadcast_in_dim3A_2736, %select_n3A_2694 : vector<16xi1>, vector<16xi32>
      %select_n3A_2740 = arith.select %gt3A_2737, %select_n3A_2693, %get3A_2734 : vector<16xi1>, vector<16xf32>
      %select_n3A_2741 = arith.select %gt3A_2737, %select_n3A_2694, %broadcast_in_dim3A_2736 : vector<16xi1>, vector<16xi32>
      %gt3A_2742 = arith.cmpf ogt, %select_n3A_2740, %select_n3A_2698 : vector<16xf32>
      %select_n3A_2743 = arith.select %gt3A_2742, %select_n3A_2740, %select_n3A_2698 : vector<16xi1>, vector<16xf32>
      %select_n3A_2744 = arith.select %gt3A_2742, %select_n3A_2741, %select_n3A_2699 : vector<16xi1>, vector<16xi32>
      %select_n3A_2745 = arith.select %gt3A_2742, %select_n3A_2698, %select_n3A_2740 : vector<16xi1>, vector<16xf32>
      %select_n3A_2746 = arith.select %gt3A_2742, %select_n3A_2699, %select_n3A_2741 : vector<16xi1>, vector<16xi32>
      %gt3A_2747 = arith.cmpf ogt, %select_n3A_2745, %select_n3A_2703 : vector<16xf32>
      %select_n3A_2748 = arith.select %gt3A_2747, %select_n3A_2745, %select_n3A_2703 : vector<16xi1>, vector<16xf32>
      %select_n3A_2749 = arith.select %gt3A_2747, %select_n3A_2746, %select_n3A_2704 : vector<16xi1>, vector<16xi32>
      %select_n3A_2750 = arith.select %gt3A_2747, %select_n3A_2703, %select_n3A_2745 : vector<16xi1>, vector<16xf32>
      %select_n3A_2751 = arith.select %gt3A_2747, %select_n3A_2704, %select_n3A_2746 : vector<16xi1>, vector<16xi32>
      %gt3A_2752 = arith.cmpf ogt, %select_n3A_2750, %select_n3A_2708 : vector<16xf32>
      %select_n3A_2753 = arith.select %gt3A_2752, %select_n3A_2750, %select_n3A_2708 : vector<16xi1>, vector<16xf32>
      %select_n3A_2754 = arith.select %gt3A_2752, %select_n3A_2751, %select_n3A_2709 : vector<16xi1>, vector<16xi32>
      %select_n3A_2755 = arith.select %gt3A_2752, %select_n3A_2708, %select_n3A_2750 : vector<16xi1>, vector<16xf32>
      %select_n3A_2756 = arith.select %gt3A_2752, %select_n3A_2709, %select_n3A_2751 : vector<16xi1>, vector<16xi32>
      %gt3A_2757 = arith.cmpf ogt, %select_n3A_2755, %select_n3A_2713 : vector<16xf32>
      %select_n3A_2758 = arith.select %gt3A_2757, %select_n3A_2755, %select_n3A_2713 : vector<16xi1>, vector<16xf32>
      %select_n3A_2759 = arith.select %gt3A_2757, %select_n3A_2756, %select_n3A_2714 : vector<16xi1>, vector<16xi32>
      %select_n3A_2760 = arith.select %gt3A_2757, %select_n3A_2713, %select_n3A_2755 : vector<16xi1>, vector<16xf32>
      %select_n3A_2761 = arith.select %gt3A_2757, %select_n3A_2714, %select_n3A_2756 : vector<16xi1>, vector<16xi32>
      %gt3A_2762 = arith.cmpf ogt, %select_n3A_2760, %select_n3A_2718 : vector<16xf32>
      %select_n3A_2763 = arith.select %gt3A_2762, %select_n3A_2760, %select_n3A_2718 : vector<16xi1>, vector<16xf32>
      %select_n3A_2764 = arith.select %gt3A_2762, %select_n3A_2761, %select_n3A_2719 : vector<16xi1>, vector<16xi32>
      %select_n3A_2765 = arith.select %gt3A_2762, %select_n3A_2718, %select_n3A_2760 : vector<16xi1>, vector<16xf32>
      %select_n3A_2766 = arith.select %gt3A_2762, %select_n3A_2719, %select_n3A_2761 : vector<16xi1>, vector<16xi32>
      %gt3A_2767 = arith.cmpf ogt, %select_n3A_2765, %select_n3A_2723 : vector<16xf32>
      %select_n3A_2768 = arith.select %gt3A_2767, %select_n3A_2765, %select_n3A_2723 : vector<16xi1>, vector<16xf32>
      %select_n3A_2769 = arith.select %gt3A_2767, %select_n3A_2766, %select_n3A_2724 : vector<16xi1>, vector<16xi32>
      %select_n3A_2770 = arith.select %gt3A_2767, %select_n3A_2723, %select_n3A_2765 : vector<16xi1>, vector<16xf32>
      %select_n3A_2771 = arith.select %gt3A_2767, %select_n3A_2724, %select_n3A_2766 : vector<16xi1>, vector<16xi32>
      %gt3A_2772 = arith.cmpf ogt, %select_n3A_2770, %select_n3A_2728 : vector<16xf32>
      %select_n3A_2773 = arith.select %gt3A_2772, %select_n3A_2770, %select_n3A_2728 : vector<16xi1>, vector<16xf32>
      %select_n3A_2774 = arith.select %gt3A_2772, %select_n3A_2771, %select_n3A_2729 : vector<16xi1>, vector<16xi32>
      %get3A_2775 = arith.constant 59 : i32
      %get3A_2776 = arith.index_cast %select_n3A : i32 to index
      %get3A_2777 = arith.index_cast %get3A_2775 : i32 to index
      %get3A_2778 = arith.index_cast %mul3A_89 : i32 to index
      %get3A_2779 = tpu.vector_load %arg5[%get3A_2776, %get3A_2777, %get3A_2778] {strides = array<i32>} : memref<1x64x320xf32, #tpu.memory_space<vmem>>, vector<16xf32>,
      %broadcast_in_dim3A_2780 = arith.constant 59 : i32
      %broadcast_in_dim3A_2781 = vector.broadcast %broadcast_in_dim3A_2780 : i32 to vector<16xi32>
      %gt3A_2782 = arith.cmpf ogt, %get3A_2779, %select_n3A_2738 : vector<16xf32>
      %select_n3A_2783 = arith.select %gt3A_2782, %get3A_2779, %select_n3A_2738 : vector<16xi1>, vector<16xf32>
      %select_n3A_2784 = arith.select %gt3A_2782, %broadcast_in_dim3A_2781, %select_n3A_2739 : vector<16xi1>, vector<16xi32>
      %select_n3A_2785 = arith.select %gt3A_2782, %select_n3A_2738, %get3A_2779 : vector<16xi1>, vector<16xf32>
      %select_n3A_2786 = arith.select %gt3A_2782, %select_n3A_2739, %broadcast_in_dim3A_2781 : vector<16xi1>, vector<16xi32>
      %gt3A_2787 = arith.cmpf ogt, %select_n3A_2785, %select_n3A_2743 : vector<16xf32>
      %select_n3A_2788 = arith.select %gt3A_2787, %select_n3A_2785, %select_n3A_2743 : vector<16xi1>, vector<16xf32>
      %select_n3A_2789 = arith.select %gt3A_2787, %select_n3A_2786, %select_n3A_2744 : vector<16xi1>, vector<16xi32>
      %select_n3A_2790 = arith.select %gt3A_2787, %select_n3A_2743, %select_n3A_2785 : vector<16xi1>, vector<16xf32>
      %select_n3A_2791 = arith.select %gt3A_2787, %select_n3A_2744, %select_n3A_2786 : vector<16xi1>, vector<16xi32>
      %gt3A_2792 = arith.cmpf ogt, %select_n3A_2790, %select_n3A_2748 : vector<16xf32>
      %select_n3A_2793 = arith.select %gt3A_2792, %select_n3A_2790, %select_n3A_2748 : vector<16xi1>, vector<16xf32>
      %select_n3A_2794 = arith.select %gt3A_2792, %select_n3A_2791, %select_n3A_2749 : vector<16xi1>, vector<16xi32>
      %select_n3A_2795 = arith.select %gt3A_2792, %select_n3A_2748, %select_n3A_2790 : vector<16xi1>, vector<16xf32>
      %select_n3A_2796 = arith.select %gt3A_2792, %select_n3A_2749, %select_n3A_2791 : vector<16xi1>, vector<16xi32>
      %gt3A_2797 = arith.cmpf ogt, %select_n3A_2795, %select_n3A_2753 : vector<16xf32>
      %select_n3A_2798 = arith.select %gt3A_2797, %select_n3A_2795, %select_n3A_2753 : vector<16xi1>, vector<16xf32>
      %select_n3A_2799 = arith.select %gt3A_2797, %select_n3A_2796, %select_n3A_2754 : vector<16xi1>, vector<16xi32>
      %select_n3A_2800 = arith.select %gt3A_2797, %select_n3A_2753, %select_n3A_2795 : vector<16xi1>, vector<16xf32>
      %select_n3A_2801 = arith.select %gt3A_2797, %select_n3A_2754, %select_n3A_2796 : vector<16xi1>, vector<16xi32>
      %gt3A_2802 = arith.cmpf ogt, %select_n3A_2800, %select_n3A_2758 : vector<16xf32>
      %select_n3A_2803 = arith.select %gt3A_2802, %select_n3A_2800, %select_n3A_2758 : vector<16xi1>, vector<16xf32>
      %select_n3A_2804 = arith.select %gt3A_2802, %select_n3A_2801, %select_n3A_2759 : vector<16xi1>, vector<16xi32>
      %select_n3A_2805 = arith.select %gt3A_2802, %select_n3A_2758, %select_n3A_2800 : vector<16xi1>, vector<16xf32>
      %select_n3A_2806 = arith.select %gt3A_2802, %select_n3A_2759, %select_n3A_2801 : vector<16xi1>, vector<16xi32>
      %gt3A_2807 = arith.cmpf ogt, %select_n3A_2805, %select_n3A_2763 : vector<16xf32>
      %select_n3A_2808 = arith.select %gt3A_2807, %select_n3A_2805, %select_n3A_2763 : vector<16xi1>, vector<16xf32>
      %select_n3A_2809 = arith.select %gt3A_2807, %select_n3A_2806, %select_n3A_2764 : vector<16xi1>, vector<16xi32>
      %select_n3A_2810 = arith.select %gt3A_2807, %select_n3A_2763, %select_n3A_2805 : vector<16xi1>, vector<16xf32>
      %select_n3A_2811 = arith.select %gt3A_2807, %select_n3A_2764, %select_n3A_2806 : vector<16xi1>, vector<16xi32>
      %gt3A_2812 = arith.cmpf ogt, %select_n3A_2810, %select_n3A_2768 : vector<16xf32>
      %select_n3A_2813 = arith.select %gt3A_2812, %select_n3A_2810, %select_n3A_2768 : vector<16xi1>, vector<16xf32>
      %select_n3A_2814 = arith.select %gt3A_2812, %select_n3A_2811, %select_n3A_2769 : vector<16xi1>, vector<16xi32>
      %select_n3A_2815 = arith.select %gt3A_2812, %select_n3A_2768, %select_n3A_2810 : vector<16xi1>, vector<16xf32>
      %select_n3A_2816 = arith.select %gt3A_2812, %select_n3A_2769, %select_n3A_2811 : vector<16xi1>, vector<16xi32>
      %gt3A_2817 = arith.cmpf ogt, %select_n3A_2815, %select_n3A_2773 : vector<16xf32>
      %select_n3A_2818 = arith.select %gt3A_2817, %select_n3A_2815, %select_n3A_2773 : vector<16xi1>, vector<16xf32>
      %select_n3A_2819 = arith.select %gt3A_2817, %select_n3A_2816, %select_n3A_2774 : vector<16xi1>, vector<16xi32>
      %get3A_2820 = arith.constant 60 : i32
      %get3A_2821 = arith.index_cast %select_n3A : i32 to index
      %get3A_2822 = arith.index_cast %get3A_2820 : i32 to index
      %get3A_2823 = arith.index_cast %mul3A_89 : i32 to index
      %get3A_2824 = tpu.vector_load %arg5[%get3A_2821, %get3A_2822, %get3A_2823] {strides = array<i32>} : memref<1x64x320xf32, #tpu.memory_space<vmem>>, vector<16xf32>,
      %broadcast_in_dim3A_2825 = arith.constant 60 : i32
      %broadcast_in_dim3A_2826 = vector.broadcast %broadcast_in_dim3A_2825 : i32 to vector<16xi32>
      %gt3A_2827 = arith.cmpf ogt, %get3A_2824, %select_n3A_2783 : vector<16xf32>
      %select_n3A_2828 = arith.select %gt3A_2827, %get3A_2824, %select_n3A_2783 : vector<16xi1>, vector<16xf32>
      %select_n3A_2829 = arith.select %gt3A_2827, %broadcast_in_dim3A_2826, %select_n3A_2784 : vector<16xi1>, vector<16xi32>
      %select_n3A_2830 = arith.select %gt3A_2827, %select_n3A_2783, %get3A_2824 : vector<16xi1>, vector<16xf32>
      %select_n3A_2831 = arith.select %gt3A_2827, %select_n3A_2784, %broadcast_in_dim3A_2826 : vector<16xi1>, vector<16xi32>
      %gt3A_2832 = arith.cmpf ogt, %select_n3A_2830, %select_n3A_2788 : vector<16xf32>
      %select_n3A_2833 = arith.select %gt3A_2832, %select_n3A_2830, %select_n3A_2788 : vector<16xi1>, vector<16xf32>
      %select_n3A_2834 = arith.select %gt3A_2832, %select_n3A_2831, %select_n3A_2789 : vector<16xi1>, vector<16xi32>
      %select_n3A_2835 = arith.select %gt3A_2832, %select_n3A_2788, %select_n3A_2830 : vector<16xi1>, vector<16xf32>
      %select_n3A_2836 = arith.select %gt3A_2832, %select_n3A_2789, %select_n3A_2831 : vector<16xi1>, vector<16xi32>
      %gt3A_2837 = arith.cmpf ogt, %select_n3A_2835, %select_n3A_2793 : vector<16xf32>
      %select_n3A_2838 = arith.select %gt3A_2837, %select_n3A_2835, %select_n3A_2793 : vector<16xi1>, vector<16xf32>
      %select_n3A_2839 = arith.select %gt3A_2837, %select_n3A_2836, %select_n3A_2794 : vector<16xi1>, vector<16xi32>
      %select_n3A_2840 = arith.select %gt3A_2837, %select_n3A_2793, %select_n3A_2835 : vector<16xi1>, vector<16xf32>
      %select_n3A_2841 = arith.select %gt3A_2837, %select_n3A_2794, %select_n3A_2836 : vector<16xi1>, vector<16xi32>
      %gt3A_2842 = arith.cmpf ogt, %select_n3A_2840, %select_n3A_2798 : vector<16xf32>
      %select_n3A_2843 = arith.select %gt3A_2842, %select_n3A_2840, %select_n3A_2798 : vector<16xi1>, vector<16xf32>
      %select_n3A_2844 = arith.select %gt3A_2842, %select_n3A_2841, %select_n3A_2799 : vector<16xi1>, vector<16xi32>
      %select_n3A_2845 = arith.select %gt3A_2842, %select_n3A_2798, %select_n3A_2840 : vector<16xi1>, vector<16xf32>
      %select_n3A_2846 = arith.select %gt3A_2842, %select_n3A_2799, %select_n3A_2841 : vector<16xi1>, vector<16xi32>
      %gt3A_2847 = arith.cmpf ogt, %select_n3A_2845, %select_n3A_2803 : vector<16xf32>
      %select_n3A_2848 = arith.select %gt3A_2847, %select_n3A_2845, %select_n3A_2803 : vector<16xi1>, vector<16xf32>
      %select_n3A_2849 = arith.select %gt3A_2847, %select_n3A_2846, %select_n3A_2804 : vector<16xi1>, vector<16xi32>
      %select_n3A_2850 = arith.select %gt3A_2847, %select_n3A_2803, %select_n3A_2845 : vector<16xi1>, vector<16xf32>
      %select_n3A_2851 = arith.select %gt3A_2847, %select_n3A_2804, %select_n3A_2846 : vector<16xi1>, vector<16xi32>
      %gt3A_2852 = arith.cmpf ogt, %select_n3A_2850, %select_n3A_2808 : vector<16xf32>
      %select_n3A_2853 = arith.select %gt3A_2852, %select_n3A_2850, %select_n3A_2808 : vector<16xi1>, vector<16xf32>
      %select_n3A_2854 = arith.select %gt3A_2852, %select_n3A_2851, %select_n3A_2809 : vector<16xi1>, vector<16xi32>
      %select_n3A_2855 = arith.select %gt3A_2852, %select_n3A_2808, %select_n3A_2850 : vector<16xi1>, vector<16xf32>
      %select_n3A_2856 = arith.select %gt3A_2852, %select_n3A_2809, %select_n3A_2851 : vector<16xi1>, vector<16xi32>
      %gt3A_2857 = arith.cmpf ogt, %select_n3A_2855, %select_n3A_2813 : vector<16xf32>
      %select_n3A_2858 = arith.select %gt3A_2857, %select_n3A_2855, %select_n3A_2813 : vector<16xi1>, vector<16xf32>
      %select_n3A_2859 = arith.select %gt3A_2857, %select_n3A_2856, %select_n3A_2814 : vector<16xi1>, vector<16xi32>
      %select_n3A_2860 = arith.select %gt3A_2857, %select_n3A_2813, %select_n3A_2855 : vector<16xi1>, vector<16xf32>
      %select_n3A_2861 = arith.select %gt3A_2857, %select_n3A_2814, %select_n3A_2856 : vector<16xi1>, vector<16xi32>
      %gt3A_2862 = arith.cmpf ogt, %select_n3A_2860, %select_n3A_2818 : vector<16xf32>
      %select_n3A_2863 = arith.select %gt3A_2862, %select_n3A_2860, %select_n3A_2818 : vector<16xi1>, vector<16xf32>
      %select_n3A_2864 = arith.select %gt3A_2862, %select_n3A_2861, %select_n3A_2819 : vector<16xi1>, vector<16xi32>
      %get3A_2865 = arith.constant 61 : i32
      %get3A_2866 = arith.index_cast %select_n3A : i32 to index
      %get3A_2867 = arith.index_cast %get3A_2865 : i32 to index
      %get3A_2868 = arith.index_cast %mul3A_89 : i32 to index
      %get3A_2869 = tpu.vector_load %arg5[%get3A_2866, %get3A_2867, %get3A_2868] {strides = array<i32>} : memref<1x64x320xf32, #tpu.memory_space<vmem>>, vector<16xf32>,
      %broadcast_in_dim3A_2870 = arith.constant 61 : i32
      %broadcast_in_dim3A_2871 = vector.broadcast %broadcast_in_dim3A_2870 : i32 to vector<16xi32>
      %gt3A_2872 = arith.cmpf ogt, %get3A_2869, %select_n3A_2828 : vector<16xf32>
      %select_n3A_2873 = arith.select %gt3A_2872, %get3A_2869, %select_n3A_2828 : vector<16xi1>, vector<16xf32>
      %select_n3A_2874 = arith.select %gt3A_2872, %broadcast_in_dim3A_2871, %select_n3A_2829 : vector<16xi1>, vector<16xi32>
      %select_n3A_2875 = arith.select %gt3A_2872, %select_n3A_2828, %get3A_2869 : vector<16xi1>, vector<16xf32>
      %select_n3A_2876 = arith.select %gt3A_2872, %select_n3A_2829, %broadcast_in_dim3A_2871 : vector<16xi1>, vector<16xi32>
      %gt3A_2877 = arith.cmpf ogt, %select_n3A_2875, %select_n3A_2833 : vector<16xf32>
      %select_n3A_2878 = arith.select %gt3A_2877, %select_n3A_2875, %select_n3A_2833 : vector<16xi1>, vector<16xf32>
      %select_n3A_2879 = arith.select %gt3A_2877, %select_n3A_2876, %select_n3A_2834 : vector<16xi1>, vector<16xi32>
      %select_n3A_2880 = arith.select %gt3A_2877, %select_n3A_2833, %select_n3A_2875 : vector<16xi1>, vector<16xf32>
      %select_n3A_2881 = arith.select %gt3A_2877, %select_n3A_2834, %select_n3A_2876 : vector<16xi1>, vector<16xi32>
      %gt3A_2882 = arith.cmpf ogt, %select_n3A_2880, %select_n3A_2838 : vector<16xf32>
      %select_n3A_2883 = arith.select %gt3A_2882, %select_n3A_2880, %select_n3A_2838 : vector<16xi1>, vector<16xf32>
      %select_n3A_2884 = arith.select %gt3A_2882, %select_n3A_2881, %select_n3A_2839 : vector<16xi1>, vector<16xi32>
      %select_n3A_2885 = arith.select %gt3A_2882, %select_n3A_2838, %select_n3A_2880 : vector<16xi1>, vector<16xf32>
      %select_n3A_2886 = arith.select %gt3A_2882, %select_n3A_2839, %select_n3A_2881 : vector<16xi1>, vector<16xi32>
      %gt3A_2887 = arith.cmpf ogt, %select_n3A_2885, %select_n3A_2843 : vector<16xf32>
      %select_n3A_2888 = arith.select %gt3A_2887, %select_n3A_2885, %select_n3A_2843 : vector<16xi1>, vector<16xf32>
      %select_n3A_2889 = arith.select %gt3A_2887, %select_n3A_2886, %select_n3A_2844 : vector<16xi1>, vector<16xi32>
      %select_n3A_2890 = arith.select %gt3A_2887, %select_n3A_2843, %select_n3A_2885 : vector<16xi1>, vector<16xf32>
      %select_n3A_2891 = arith.select %gt3A_2887, %select_n3A_2844, %select_n3A_2886 : vector<16xi1>, vector<16xi32>
      %gt3A_2892 = arith.cmpf ogt, %select_n3A_2890, %select_n3A_2848 : vector<16xf32>
      %select_n3A_2893 = arith.select %gt3A_2892, %select_n3A_2890, %select_n3A_2848 : vector<16xi1>, vector<16xf32>
      %select_n3A_2894 = arith.select %gt3A_2892, %select_n3A_2891, %select_n3A_2849 : vector<16xi1>, vector<16xi32>
      %select_n3A_2895 = arith.select %gt3A_2892, %select_n3A_2848, %select_n3A_2890 : vector<16xi1>, vector<16xf32>
      %select_n3A_2896 = arith.select %gt3A_2892, %select_n3A_2849, %select_n3A_2891 : vector<16xi1>, vector<16xi32>
      %gt3A_2897 = arith.cmpf ogt, %select_n3A_2895, %select_n3A_2853 : vector<16xf32>
      %select_n3A_2898 = arith.select %gt3A_2897, %select_n3A_2895, %select_n3A_2853 : vector<16xi1>, vector<16xf32>
      %select_n3A_2899 = arith.select %gt3A_2897, %select_n3A_2896, %select_n3A_2854 : vector<16xi1>, vector<16xi32>
      %select_n3A_2900 = arith.select %gt3A_2897, %select_n3A_2853, %select_n3A_2895 : vector<16xi1>, vector<16xf32>
      %select_n3A_2901 = arith.select %gt3A_2897, %select_n3A_2854, %select_n3A_2896 : vector<16xi1>, vector<16xi32>
      %gt3A_2902 = arith.cmpf ogt, %select_n3A_2900, %select_n3A_2858 : vector<16xf32>
      %select_n3A_2903 = arith.select %gt3A_2902, %select_n3A_2900, %select_n3A_2858 : vector<16xi1>, vector<16xf32>
      %select_n3A_2904 = arith.select %gt3A_2902, %select_n3A_2901, %select_n3A_2859 : vector<16xi1>, vector<16xi32>
      %select_n3A_2905 = arith.select %gt3A_2902, %select_n3A_2858, %select_n3A_2900 : vector<16xi1>, vector<16xf32>
      %select_n3A_2906 = arith.select %gt3A_2902, %select_n3A_2859, %select_n3A_2901 : vector<16xi1>, vector<16xi32>
      %gt3A_2907 = arith.cmpf ogt, %select_n3A_2905, %select_n3A_2863 : vector<16xf32>
      %select_n3A_2908 = arith.select %gt3A_2907, %select_n3A_2905, %select_n3A_2863 : vector<16xi1>, vector<16xf32>
      %select_n3A_2909 = arith.select %gt3A_2907, %select_n3A_2906, %select_n3A_2864 : vector<16xi1>, vector<16xi32>
      %get3A_2910 = arith.constant 62 : i32
      %get3A_2911 = arith.index_cast %select_n3A : i32 to index
      %get3A_2912 = arith.index_cast %get3A_2910 : i32 to index
      %get3A_2913 = arith.index_cast %mul3A_89 : i32 to index
      %get3A_2914 = tpu.vector_load %arg5[%get3A_2911, %get3A_2912, %get3A_2913] {strides = array<i32>} : memref<1x64x320xf32, #tpu.memory_space<vmem>>, vector<16xf32>,
      %broadcast_in_dim3A_2915 = arith.constant 62 : i32
      %broadcast_in_dim3A_2916 = vector.broadcast %broadcast_in_dim3A_2915 : i32 to vector<16xi32>
      %gt3A_2917 = arith.cmpf ogt, %get3A_2914, %select_n3A_2873 : vector<16xf32>
      %select_n3A_2918 = arith.select %gt3A_2917, %get3A_2914, %select_n3A_2873 : vector<16xi1>, vector<16xf32>
      %select_n3A_2919 = arith.select %gt3A_2917, %broadcast_in_dim3A_2916, %select_n3A_2874 : vector<16xi1>, vector<16xi32>
      %select_n3A_2920 = arith.select %gt3A_2917, %select_n3A_2873, %get3A_2914 : vector<16xi1>, vector<16xf32>
      %select_n3A_2921 = arith.select %gt3A_2917, %select_n3A_2874, %broadcast_in_dim3A_2916 : vector<16xi1>, vector<16xi32>
      %gt3A_2922 = arith.cmpf ogt, %select_n3A_2920, %select_n3A_2878 : vector<16xf32>
      %select_n3A_2923 = arith.select %gt3A_2922, %select_n3A_2920, %select_n3A_2878 : vector<16xi1>, vector<16xf32>
      %select_n3A_2924 = arith.select %gt3A_2922, %select_n3A_2921, %select_n3A_2879 : vector<16xi1>, vector<16xi32>
      %select_n3A_2925 = arith.select %gt3A_2922, %select_n3A_2878, %select_n3A_2920 : vector<16xi1>, vector<16xf32>
      %select_n3A_2926 = arith.select %gt3A_2922, %select_n3A_2879, %select_n3A_2921 : vector<16xi1>, vector<16xi32>
      %gt3A_2927 = arith.cmpf ogt, %select_n3A_2925, %select_n3A_2883 : vector<16xf32>
      %select_n3A_2928 = arith.select %gt3A_2927, %select_n3A_2925, %select_n3A_2883 : vector<16xi1>, vector<16xf32>
      %select_n3A_2929 = arith.select %gt3A_2927, %select_n3A_2926, %select_n3A_2884 : vector<16xi1>, vector<16xi32>
      %select_n3A_2930 = arith.select %gt3A_2927, %select_n3A_2883, %select_n3A_2925 : vector<16xi1>, vector<16xf32>
      %select_n3A_2931 = arith.select %gt3A_2927, %select_n3A_2884, %select_n3A_2926 : vector<16xi1>, vector<16xi32>
      %gt3A_2932 = arith.cmpf ogt, %select_n3A_2930, %select_n3A_2888 : vector<16xf32>
      %select_n3A_2933 = arith.select %gt3A_2932, %select_n3A_2930, %select_n3A_2888 : vector<16xi1>, vector<16xf32>
      %select_n3A_2934 = arith.select %gt3A_2932, %select_n3A_2931, %select_n3A_2889 : vector<16xi1>, vector<16xi32>
      %select_n3A_2935 = arith.select %gt3A_2932, %select_n3A_2888, %select_n3A_2930 : vector<16xi1>, vector<16xf32>
      %select_n3A_2936 = arith.select %gt3A_2932, %select_n3A_2889, %select_n3A_2931 : vector<16xi1>, vector<16xi32>
      %gt3A_2937 = arith.cmpf ogt, %select_n3A_2935, %select_n3A_2893 : vector<16xf32>
      %select_n3A_2938 = arith.select %gt3A_2937, %select_n3A_2935, %select_n3A_2893 : vector<16xi1>, vector<16xf32>
      %select_n3A_2939 = arith.select %gt3A_2937, %select_n3A_2936, %select_n3A_2894 : vector<16xi1>, vector<16xi32>
      %select_n3A_2940 = arith.select %gt3A_2937, %select_n3A_2893, %select_n3A_2935 : vector<16xi1>, vector<16xf32>
      %select_n3A_2941 = arith.select %gt3A_2937, %select_n3A_2894, %select_n3A_2936 : vector<16xi1>, vector<16xi32>
      %gt3A_2942 = arith.cmpf ogt, %select_n3A_2940, %select_n3A_2898 : vector<16xf32>
      %select_n3A_2943 = arith.select %gt3A_2942, %select_n3A_2940, %select_n3A_2898 : vector<16xi1>, vector<16xf32>
      %select_n3A_2944 = arith.select %gt3A_2942, %select_n3A_2941, %select_n3A_2899 : vector<16xi1>, vector<16xi32>
      %select_n3A_2945 = arith.select %gt3A_2942, %select_n3A_2898, %select_n3A_2940 : vector<16xi1>, vector<16xf32>
      %select_n3A_2946 = arith.select %gt3A_2942, %select_n3A_2899, %select_n3A_2941 : vector<16xi1>, vector<16xi32>
      %gt3A_2947 = arith.cmpf ogt, %select_n3A_2945, %select_n3A_2903 : vector<16xf32>
      %select_n3A_2948 = arith.select %gt3A_2947, %select_n3A_2945, %select_n3A_2903 : vector<16xi1>, vector<16xf32>
      %select_n3A_2949 = arith.select %gt3A_2947, %select_n3A_2946, %select_n3A_2904 : vector<16xi1>, vector<16xi32>
      %select_n3A_2950 = arith.select %gt3A_2947, %select_n3A_2903, %select_n3A_2945 : vector<16xi1>, vector<16xf32>
      %select_n3A_2951 = arith.select %gt3A_2947, %select_n3A_2904, %select_n3A_2946 : vector<16xi1>, vector<16xi32>
      %gt3A_2952 = arith.cmpf ogt, %select_n3A_2950, %select_n3A_2908 : vector<16xf32>
      %select_n3A_2953 = arith.select %gt3A_2952, %select_n3A_2950, %select_n3A_2908 : vector<16xi1>, vector<16xf32>
      %select_n3A_2954 = arith.select %gt3A_2952, %select_n3A_2951, %select_n3A_2909 : vector<16xi1>, vector<16xi32>
      %get3A_2955 = arith.constant 63 : i32
      %get3A_2956 = arith.index_cast %select_n3A : i32 to index
      %get3A_2957 = arith.index_cast %get3A_2955 : i32 to index
      %get3A_2958 = arith.index_cast %mul3A_89 : i32 to index
      %get3A_2959 = tpu.vector_load %arg5[%get3A_2956, %get3A_2957, %get3A_2958] {strides = array<i32>} : memref<1x64x320xf32, #tpu.memory_space<vmem>>, vector<16xf32>,
      %broadcast_in_dim3A_2960 = arith.constant 63 : i32
      %broadcast_in_dim3A_2961 = vector.broadcast %broadcast_in_dim3A_2960 : i32 to vector<16xi32>
      %gt3A_2962 = arith.cmpf ogt, %get3A_2959, %select_n3A_2918 : vector<16xf32>
      %select_n3A_2963 = arith.select %gt3A_2962, %get3A_2959, %select_n3A_2918 : vector<16xi1>, vector<16xf32>
      %select_n3A_2964 = arith.select %gt3A_2962, %broadcast_in_dim3A_2961, %select_n3A_2919 : vector<16xi1>, vector<16xi32>
      %select_n3A_2965 = arith.select %gt3A_2962, %select_n3A_2918, %get3A_2959 : vector<16xi1>, vector<16xf32>
      %select_n3A_2966 = arith.select %gt3A_2962, %select_n3A_2919, %broadcast_in_dim3A_2961 : vector<16xi1>, vector<16xi32>
      %gt3A_2967 = arith.cmpf ogt, %select_n3A_2965, %select_n3A_2923 : vector<16xf32>
      %select_n3A_2968 = arith.select %gt3A_2967, %select_n3A_2965, %select_n3A_2923 : vector<16xi1>, vector<16xf32>
      %select_n3A_2969 = arith.select %gt3A_2967, %select_n3A_2966, %select_n3A_2924 : vector<16xi1>, vector<16xi32>
      %select_n3A_2970 = arith.select %gt3A_2967, %select_n3A_2923, %select_n3A_2965 : vector<16xi1>, vector<16xf32>
      %select_n3A_2971 = arith.select %gt3A_2967, %select_n3A_2924, %select_n3A_2966 : vector<16xi1>, vector<16xi32>
      %gt3A_2972 = arith.cmpf ogt, %select_n3A_2970, %select_n3A_2928 : vector<16xf32>
      %select_n3A_2973 = arith.select %gt3A_2972, %select_n3A_2970, %select_n3A_2928 : vector<16xi1>, vector<16xf32>
      %select_n3A_2974 = arith.select %gt3A_2972, %select_n3A_2971, %select_n3A_2929 : vector<16xi1>, vector<16xi32>
      %select_n3A_2975 = arith.select %gt3A_2972, %select_n3A_2928, %select_n3A_2970 : vector<16xi1>, vector<16xf32>
      %select_n3A_2976 = arith.select %gt3A_2972, %select_n3A_2929, %select_n3A_2971 : vector<16xi1>, vector<16xi32>
      %gt3A_2977 = arith.cmpf ogt, %select_n3A_2975, %select_n3A_2933 : vector<16xf32>
      %select_n3A_2978 = arith.select %gt3A_2977, %select_n3A_2975, %select_n3A_2933 : vector<16xi1>, vector<16xf32>
      %select_n3A_2979 = arith.select %gt3A_2977, %select_n3A_2976, %select_n3A_2934 : vector<16xi1>, vector<16xi32>
      %select_n3A_2980 = arith.select %gt3A_2977, %select_n3A_2933, %select_n3A_2975 : vector<16xi1>, vector<16xf32>
      %select_n3A_2981 = arith.select %gt3A_2977, %select_n3A_2934, %select_n3A_2976 : vector<16xi1>, vector<16xi32>
      %gt3A_2982 = arith.cmpf ogt, %select_n3A_2980, %select_n3A_2938 : vector<16xf32>
      %select_n3A_2983 = arith.select %gt3A_2982, %select_n3A_2980, %select_n3A_2938 : vector<16xi1>, vector<16xf32>
      %select_n3A_2984 = arith.select %gt3A_2982, %select_n3A_2981, %select_n3A_2939 : vector<16xi1>, vector<16xi32>
      %select_n3A_2985 = arith.select %gt3A_2982, %select_n3A_2938, %select_n3A_2980 : vector<16xi1>, vector<16xf32>
      %select_n3A_2986 = arith.select %gt3A_2982, %select_n3A_2939, %select_n3A_2981 : vector<16xi1>, vector<16xi32>
      %gt3A_2987 = arith.cmpf ogt, %select_n3A_2985, %select_n3A_2943 : vector<16xf32>
      %select_n3A_2988 = arith.select %gt3A_2987, %select_n3A_2985, %select_n3A_2943 : vector<16xi1>, vector<16xf32>
      %select_n3A_2989 = arith.select %gt3A_2987, %select_n3A_2986, %select_n3A_2944 : vector<16xi1>, vector<16xi32>
      %select_n3A_2990 = arith.select %gt3A_2987, %select_n3A_2943, %select_n3A_2985 : vector<16xi1>, vector<16xf32>
      %select_n3A_2991 = arith.select %gt3A_2987, %select_n3A_2944, %select_n3A_2986 : vector<16xi1>, vector<16xi32>
      %gt3A_2992 = arith.cmpf ogt, %select_n3A_2990, %select_n3A_2948 : vector<16xf32>
      %select_n3A_2993 = arith.select %gt3A_2992, %select_n3A_2990, %select_n3A_2948 : vector<16xi1>, vector<16xf32>
      %select_n3A_2994 = arith.select %gt3A_2992, %select_n3A_2991, %select_n3A_2949 : vector<16xi1>, vector<16xi32>
      %select_n3A_2995 = arith.select %gt3A_2992, %select_n3A_2948, %select_n3A_2990 : vector<16xi1>, vector<16xf32>
      %select_n3A_2996 = arith.select %gt3A_2992, %select_n3A_2949, %select_n3A_2991 : vector<16xi1>, vector<16xi32>
      %gt3A_2997 = arith.cmpf ogt, %select_n3A_2995, %select_n3A_2953 : vector<16xf32>
      %select_n3A_2998 = arith.select %gt3A_2997, %select_n3A_2995, %select_n3A_2953 : vector<16xi1>, vector<16xf32>
      %select_n3A_2999 = arith.select %gt3A_2997, %select_n3A_2996, %select_n3A_2954 : vector<16xi1>, vector<16xi32>
      %add3A_3000 = arith.addf %select_n3A_2963, %select_n3A_2968 : vector<16xf32>
      %add3A_3001 = arith.addf %add3A_3000, %select_n3A_2973 : vector<16xf32>
      %add3A_3002 = arith.addf %add3A_3001, %select_n3A_2978 : vector<16xf32>
      %add3A_3003 = arith.addf %add3A_3002, %select_n3A_2983 : vector<16xf32>
      %add3A_3004 = arith.addf %add3A_3003, %select_n3A_2988 : vector<16xf32>
      %add3A_3005 = arith.addf %add3A_3004, %select_n3A_2993 : vector<16xf32>
      %add3A_3006 = arith.addf %add3A_3005, %select_n3A_2998 : vector<16xf32>
      %add3A_3007 = arith.constant 9.99999997E-7 : f32
      %add3A_3008 = vector.broadcast %add3A_3007 : f32 to vector<16xf32>
      %add3A_3009 = arith.addf %add3A_3006, %add3A_3008 : vector<16xf32>
      %div3A_3010 = arith.constant 1.000000e+00 : f32
      %div3A_3011 = vector.broadcast %div3A_3010 : f32 to vector<16xf32>
      %div3A_3012 = arith.divf %div3A_3011, %add3A_3009 : vector<16xf32>
      %mul3A_3013 = arith.constant 16 : i32
      %mul3A_3014 = arith.muli %scan3A_55, %mul3A_3013 : i32
      %add3A_3015 = vector.broadcast %mul3A_3014 : i32 to vector<16xi32>
      %add3A_3016 = arith.addi %iota3A, %add3A_3015 : vector<16xi32>
      %mul3A_3017 = arith.mulf %select_n3A_2963, %div3A_3012 : vector<16xf32>
      tpu.vector_store_idx %arg6[%add3A_3016, %select_n3A_2964], %mul3A_3017 : memref<320x64xf32, #tpu.memory_space<vmem>>[vector<16xi32>, vector<16xi32>], vector<16xf32>,
      %broadcast_in_dim3A_3018 = arith.constant 0 : i32
      %broadcast_in_dim3A_3019 = vector.broadcast %broadcast_in_dim3A_3018 : i32 to vector<16xi32>
      tpu.vector_store_idx %arg7[%add3A_3016, %broadcast_in_dim3A_3019], %select_n3A_2964 : memref<320x8xi32, #tpu.memory_space<vmem>>[vector<16xi32>, vector<16xi32>], vector<16xi32>,
      %mul3A_3020 = arith.mulf %select_n3A_2968, %div3A_3012 : vector<16xf32>
      tpu.vector_store_idx %arg6[%add3A_3016, %select_n3A_2969], %mul3A_3020 : memref<320x64xf32, #tpu.memory_space<vmem>>[vector<16xi32>, vector<16xi32>], vector<16xf32>,
      %broadcast_in_dim3A_3021 = arith.constant 1 : i32
      %broadcast_in_dim3A_3022 = vector.broadcast %broadcast_in_dim3A_3021 : i32 to vector<16xi32>
      tpu.vector_store_idx %arg7[%add3A_3016, %broadcast_in_dim3A_3022], %select_n3A_2969 : memref<320x8xi32, #tpu.memory_space<vmem>>[vector<16xi32>, vector<16xi32>], vector<16xi32>,
      %mul3A_3023 = arith.mulf %select_n3A_2973, %div3A_3012 : vector<16xf32>
      tpu.vector_store_idx %arg6[%add3A_3016, %select_n3A_2974], %mul3A_3023 : memref<320x64xf32, #tpu.memory_space<vmem>>[vector<16xi32>, vector<16xi32>], vector<16xf32>,
      %broadcast_in_dim3A_3024 = arith.constant 2 : i32
      %broadcast_in_dim3A_3025 = vector.broadcast %broadcast_in_dim3A_3024 : i32 to vector<16xi32>
      tpu.vector_store_idx %arg7[%add3A_3016, %broadcast_in_dim3A_3025], %select_n3A_2974 : memref<320x8xi32, #tpu.memory_space<vmem>>[vector<16xi32>, vector<16xi32>], vector<16xi32>,
      %mul3A_3026 = arith.mulf %select_n3A_2978, %div3A_3012 : vector<16xf32>
      tpu.vector_store_idx %arg6[%add3A_3016, %select_n3A_2979], %mul3A_3026 : memref<320x64xf32, #tpu.memory_space<vmem>>[vector<16xi32>, vector<16xi32>], vector<16xf32>,
      %broadcast_in_dim3A_3027 = arith.constant 3 : i32
      %broadcast_in_dim3A_3028 = vector.broadcast %broadcast_in_dim3A_3027 : i32 to vector<16xi32>
      tpu.vector_store_idx %arg7[%add3A_3016, %broadcast_in_dim3A_3028], %select_n3A_2979 : memref<320x8xi32, #tpu.memory_space<vmem>>[vector<16xi32>, vector<16xi32>], vector<16xi32>,
      %mul3A_3029 = arith.mulf %select_n3A_2983, %div3A_3012 : vector<16xf32>
      tpu.vector_store_idx %arg6[%add3A_3016, %select_n3A_2984], %mul3A_3029 : memref<320x64xf32, #tpu.memory_space<vmem>>[vector<16xi32>, vector<16xi32>], vector<16xf32>,
      %broadcast_in_dim3A_3030 = arith.constant 4 : i32
      %broadcast_in_dim3A_3031 = vector.broadcast %broadcast_in_dim3A_3030 : i32 to vector<16xi32>
      tpu.vector_store_idx %arg7[%add3A_3016, %broadcast_in_dim3A_3031], %select_n3A_2984 : memref<320x8xi32, #tpu.memory_space<vmem>>[vector<16xi32>, vector<16xi32>], vector<16xi32>,
      %mul3A_3032 = arith.mulf %select_n3A_2988, %div3A_3012 : vector<16xf32>
      tpu.vector_store_idx %arg6[%add3A_3016, %select_n3A_2989], %mul3A_3032 : memref<320x64xf32, #tpu.memory_space<vmem>>[vector<16xi32>, vector<16xi32>], vector<16xf32>,
      %broadcast_in_dim3A_3033 = arith.constant 5 : i32
      %broadcast_in_dim3A_3034 = vector.broadcast %broadcast_in_dim3A_3033 : i32 to vector<16xi32>
      tpu.vector_store_idx %arg7[%add3A_3016, %broadcast_in_dim3A_3034], %select_n3A_2989 : memref<320x8xi32, #tpu.memory_space<vmem>>[vector<16xi32>, vector<16xi32>], vector<16xi32>,
      %mul3A_3035 = arith.mulf %select_n3A_2993, %div3A_3012 : vector<16xf32>
      tpu.vector_store_idx %arg6[%add3A_3016, %select_n3A_2994], %mul3A_3035 : memref<320x64xf32, #tpu.memory_space<vmem>>[vector<16xi32>, vector<16xi32>], vector<16xf32>,
      %broadcast_in_dim3A_3036 = arith.constant 6 : i32
      %broadcast_in_dim3A_3037 = vector.broadcast %broadcast_in_dim3A_3036 : i32 to vector<16xi32>
      tpu.vector_store_idx %arg7[%add3A_3016, %broadcast_in_dim3A_3037], %select_n3A_2994 : memref<320x8xi32, #tpu.memory_space<vmem>>[vector<16xi32>, vector<16xi32>], vector<16xi32>,
      %mul3A_3038 = arith.mulf %select_n3A_2998, %div3A_3012 : vector<16xf32>
      tpu.vector_store_idx %arg6[%add3A_3016, %select_n3A_2999], %mul3A_3038 : memref<320x64xf32, #tpu.memory_space<vmem>>[vector<16xi32>, vector<16xi32>], vector<16xf32>,
      %broadcast_in_dim3A_3039 = arith.constant 7 : i32
      %broadcast_in_dim3A_3040 = vector.broadcast %broadcast_in_dim3A_3039 : i32 to vector<16xi32>
      tpu.vector_store_idx %arg7[%add3A_3016, %broadcast_in_dim3A_3040], %select_n3A_2999 : memref<320x8xi32, #tpu.memory_space<vmem>>[vector<16xi32>, vector<16xi32>], vector<16xi32>,
    }
    %scan3A_48 = arith.constant 20 : i32
    %lt3A = arith.constant 31 : i32
    %lt3A_49 = arith.cmpi slt, %add3A, %lt3A : i32
    %convert_element_type3A = arith.extui %lt3A_49 : i1 to i32
    %cond3A = arith.constant 0 : i32
    %cond3A_50 = arith.cmpi ne, %convert_element_type3A, %cond3A : i32
    scf.if %cond3A_50 {
      %mul3A_55 = arith.constant 320 : i32
      %mul3A_56 = arith.muli %add3A, %mul3A_55 : i32
      "tpu.region"() ({
        %run_scoped3A = tpu.sem_alloc : memref<!tpu.dma_semaphore, #tpu.memory_space<semaphore_mem>>
        %dma_start3A_59 = arith.constant 0 : i32
        %dma_start3A_60 = tpu.memref_slice %arg3[%mul3A_56, %dma_start3A_59] : memref<10000x64xf32, #tpu.memory_space<hbm>> -> memref<320x64xf32, #tpu.memory_space<hbm>>
        %dma_start3A_61 = arith.constant 0 : i32
        %dma_start3A_62 = tpu.memref_slice %arg3[%mul3A_56, %dma_start3A_61] : memref<10000x64xf32, #tpu.memory_space<hbm>> -> memref<320x64xf32, #tpu.memory_space<hbm>>
        tpu.enqueue_dma source(%arg6 : memref<320x64xf32, #tpu.memory_space<vmem>>) target(%dma_start3A_62 : memref<320x64xf32, #tpu.memory_space<hbm>>) target_semaphore(%run_scoped3A : memref<!tpu.dma_semaphore, #tpu.memory_space<semaphore_mem>>)
        %dma_wait3A_63 = arith.constant 0 : i32
        %dma_wait3A_64 = tpu.memref_slice %arg3[%mul3A_56, %dma_wait3A_63] : memref<10000x64xf32, #tpu.memory_space<hbm>> -> memref<320x64xf32, #tpu.memory_space<hbm>>
        %dma_wait3A_65 = arith.constant 0 : i32
        %dma_wait3A_66 = tpu.memref_slice %arg3[%mul3A_56, %dma_wait3A_65] : memref<10000x64xf32, #tpu.memory_space<hbm>> -> memref<320x64xf32, #tpu.memory_space<hbm>>
        tpu.wait_dma2 semaphore(%run_scoped3A : memref<!tpu.dma_semaphore, #tpu.memory_space<semaphore_mem>>) src(%arg6 : memref<320x64xf32, #tpu.memory_space<vmem>>) dst(%dma_wait3A_66 : memref<320x64xf32, #tpu.memory_space<hbm>>)
        tpu.yield
      }) : () -> ()
      %mul3A_57 = arith.constant 320 : i32
      %mul3A_58 = arith.muli %add3A, %mul3A_57 : i32
      "tpu.region"() ({
        %run_scoped3A = tpu.sem_alloc : memref<!tpu.dma_semaphore, #tpu.memory_space<semaphore_mem>>
        %dma_start3A_59 = arith.constant 0 : i32
        %dma_start3A_60 = tpu.memref_slice %arg4[%mul3A_58, %dma_start3A_59] : memref<10000x8xi32, #tpu.memory_space<hbm>> -> memref<320x8xi32, #tpu.memory_space<hbm>>
        %dma_start3A_61 = arith.constant 0 : i32
        %dma_start3A_62 = tpu.memref_slice %arg4[%mul3A_58, %dma_start3A_61] : memref<10000x8xi32, #tpu.memory_space<hbm>> -> memref<320x8xi32, #tpu.memory_space<hbm>>
        tpu.enqueue_dma source(%arg7 : memref<320x8xi32, #tpu.memory_space<vmem>>) target(%dma_start3A_62 : memref<320x8xi32, #tpu.memory_space<hbm>>) target_semaphore(%run_scoped3A : memref<!tpu.dma_semaphore, #tpu.memory_space<semaphore_mem>>)
        %dma_wait3A_63 = arith.constant 0 : i32
        %dma_wait3A_64 = tpu.memref_slice %arg4[%mul3A_58, %dma_wait3A_63] : memref<10000x8xi32, #tpu.memory_space<hbm>> -> memref<320x8xi32, #tpu.memory_space<hbm>>
        %dma_wait3A_65 = arith.constant 0 : i32
        %dma_wait3A_66 = tpu.memref_slice %arg4[%mul3A_58, %dma_wait3A_65] : memref<10000x8xi32, #tpu.memory_space<hbm>> -> memref<320x8xi32, #tpu.memory_space<hbm>>
        tpu.wait_dma2 semaphore(%run_scoped3A : memref<!tpu.dma_semaphore, #tpu.memory_space<semaphore_mem>>) src(%arg7 : memref<320x8xi32, #tpu.memory_space<vmem>>) dst(%dma_wait3A_66 : memref<320x8xi32, #tpu.memory_space<hbm>>)
        tpu.yield
      }) : () -> ()
    } else {
    }
    %eq3A = arith.constant 31 : i32
    %eq3A_51 = arith.cmpi eq, %add3A, %eq3A : i32
    %convert_element_type3A_52 = arith.extui %eq3A_51 : i1 to i32
    %cond3A_53 = arith.constant 0 : i32
    %cond3A_54 = arith.cmpi ne, %convert_element_type3A_52, %cond3A_53 : i32
    scf.if %cond3A_54 {
      "tpu.region"() ({
        %run_scoped3A = tpu.sem_alloc : memref<!tpu.dma_semaphore, #tpu.memory_space<semaphore_mem>>
        %dma_start3A_55 = arith.constant 0 : i32
        %dma_start3A_56 = arith.constant 0 : i32
        %dma_start3A_57 = tpu.memref_slice %arg6[%dma_start3A_55, %dma_start3A_56] : memref<320x64xf32, #tpu.memory_space<vmem>> -> memref<80x64xf32, #tpu.memory_space<vmem>>
        %dma_start3A_58 = arith.constant 9920 : i32
        %dma_start3A_59 = arith.constant 0 : i32
        %dma_start3A_60 = tpu.memref_slice %arg3[%dma_start3A_58, %dma_start3A_59] : memref<10000x64xf32, #tpu.memory_space<hbm>> -> memref<80x64xf32, #tpu.memory_space<hbm>>
        %dma_start3A_61 = arith.constant 9920 : i32
        %dma_start3A_62 = arith.constant 0 : i32
        %dma_start3A_63 = tpu.memref_slice %arg3[%dma_start3A_61, %dma_start3A_62] : memref<10000x64xf32, #tpu.memory_space<hbm>> -> memref<80x64xf32, #tpu.memory_space<hbm>>
        %dma_start3A_64 = arith.constant 0 : i32
        %dma_start3A_65 = arith.constant 0 : i32
        %dma_start3A_66 = tpu.memref_slice %arg6[%dma_start3A_64, %dma_start3A_65] : memref<320x64xf32, #tpu.memory_space<vmem>> -> memref<80x64xf32, #tpu.memory_space<vmem>>
        tpu.enqueue_dma source(%dma_start3A_66 : memref<80x64xf32, #tpu.memory_space<vmem>>) target(%dma_start3A_63 : memref<80x64xf32, #tpu.memory_space<hbm>>) target_semaphore(%run_scoped3A : memref<!tpu.dma_semaphore, #tpu.memory_space<semaphore_mem>>)
        %dma_wait3A_67 = arith.constant 0 : i32
        %dma_wait3A_68 = arith.constant 0 : i32
        %dma_wait3A_69 = tpu.memref_slice %arg6[%dma_wait3A_67, %dma_wait3A_68] : memref<320x64xf32, #tpu.memory_space<vmem>> -> memref<80x64xf32, #tpu.memory_space<vmem>>
        %dma_wait3A_70 = arith.constant 9920 : i32
        %dma_wait3A_71 = arith.constant 0 : i32
        %dma_wait3A_72 = tpu.memref_slice %arg3[%dma_wait3A_70, %dma_wait3A_71] : memref<10000x64xf32, #tpu.memory_space<hbm>> -> memref<80x64xf32, #tpu.memory_space<hbm>>
        %dma_wait3A_73 = arith.constant 9920 : i32
        %dma_wait3A_74 = arith.constant 0 : i32
        %dma_wait3A_75 = tpu.memref_slice %arg3[%dma_wait3A_73, %dma_wait3A_74] : memref<10000x64xf32, #tpu.memory_space<hbm>> -> memref<80x64xf32, #tpu.memory_space<hbm>>
        %dma_wait3A_76 = arith.constant 0 : i32
        %dma_wait3A_77 = arith.constant 0 : i32
        %dma_wait3A_78 = tpu.memref_slice %arg6[%dma_wait3A_76, %dma_wait3A_77] : memref<320x64xf32, #tpu.memory_space<vmem>> -> memref<80x64xf32, #tpu.memory_space<vmem>>
        tpu.wait_dma2 semaphore(%run_scoped3A : memref<!tpu.dma_semaphore, #tpu.memory_space<semaphore_mem>>) src(%dma_wait3A_78 : memref<80x64xf32, #tpu.memory_space<vmem>>) dst(%dma_wait3A_75 : memref<80x64xf32, #tpu.memory_space<hbm>>)
        tpu.yield
      }) : () -> ()
      "tpu.region"() ({
        %run_scoped3A = tpu.sem_alloc : memref<!tpu.dma_semaphore, #tpu.memory_space<semaphore_mem>>
        %dma_start3A_55 = arith.constant 0 : i32
        %dma_start3A_56 = arith.constant 0 : i32
        %dma_start3A_57 = tpu.memref_slice %arg7[%dma_start3A_55, %dma_start3A_56] : memref<320x8xi32, #tpu.memory_space<vmem>> -> memref<80x8xi32, #tpu.memory_space<vmem>>
        %dma_start3A_58 = arith.constant 9920 : i32
        %dma_start3A_59 = arith.constant 0 : i32
        %dma_start3A_60 = tpu.memref_slice %arg4[%dma_start3A_58, %dma_start3A_59] : memref<10000x8xi32, #tpu.memory_space<hbm>> -> memref<80x8xi32, #tpu.memory_space<hbm>>
        %dma_start3A_61 = arith.constant 9920 : i32
        %dma_start3A_62 = arith.constant 0 : i32
        %dma_start3A_63 = tpu.memref_slice %arg4[%dma_start3A_61, %dma_start3A_62] : memref<10000x8xi32, #tpu.memory_space<hbm>> -> memref<80x8xi32, #tpu.memory_space<hbm>>
        %dma_start3A_64 = arith.constant 0 : i32
        %dma_start3A_65 = arith.constant 0 : i32
        %dma_start3A_66 = tpu.memref_slice %arg7[%dma_start3A_64, %dma_start3A_65] : memref<320x8xi32, #tpu.memory_space<vmem>> -> memref<80x8xi32, #tpu.memory_space<vmem>>
        tpu.enqueue_dma source(%dma_start3A_66 : memref<80x8xi32, #tpu.memory_space<vmem>>) target(%dma_start3A_63 : memref<80x8xi32, #tpu.memory_space<hbm>>) target_semaphore(%run_scoped3A : memref<!tpu.dma_semaphore, #tpu.memory_space<semaphore_mem>>)
        %dma_wait3A_67 = arith.constant 0 : i32
        %dma_wait3A_68 = arith.constant 0 : i32
        %dma_wait3A_69 = tpu.memref_slice %arg7[%dma_wait3A_67, %dma_wait3A_68] : memref<320x8xi32, #tpu.memory_space<vmem>> -> memref<80x8xi32, #tpu.memory_space<vmem>>
        %dma_wait3A_70 = arith.constant 9920 : i32
        %dma_wait3A_71 = arith.constant 0 : i32
        %dma_wait3A_72 = tpu.memref_slice %arg4[%dma_wait3A_70, %dma_wait3A_71] : memref<10000x8xi32, #tpu.memory_space<hbm>> -> memref<80x8xi32, #tpu.memory_space<hbm>>
        %dma_wait3A_73 = arith.constant 9920 : i32
        %dma_wait3A_74 = arith.constant 0 : i32
        %dma_wait3A_75 = tpu.memref_slice %arg4[%dma_wait3A_73, %dma_wait3A_74] : memref<10000x8xi32, #tpu.memory_space<hbm>> -> memref<80x8xi32, #tpu.memory_space<hbm>>
        %dma_wait3A_76 = arith.constant 0 : i32
        %dma_wait3A_77 = arith.constant 0 : i32
        %dma_wait3A_78 = tpu.memref_slice %arg7[%dma_wait3A_76, %dma_wait3A_77] : memref<320x8xi32, #tpu.memory_space<vmem>> -> memref<80x8xi32, #tpu.memory_space<vmem>>
        tpu.wait_dma2 semaphore(%run_scoped3A : memref<!tpu.dma_semaphore, #tpu.memory_space<semaphore_mem>>) src(%dma_wait3A_78 : memref<80x8xi32, #tpu.memory_space<vmem>>) dst(%dma_wait3A_75 : memref<80x8xi32, #tpu.memory_space<hbm>>)
        tpu.yield
      }) : () -> ()
    } else {
    }
    return
  }
}

module attributes {stable_mosaic.version = 14 : i64} {
  func.func @_scores_block(%arg0: i32, %arg1: memref<10240x128xf32, #tpu.memory_space<vmem>>, %arg2: memref<64x128xf32, #tpu.memory_space<vmem>>, %arg3: memref<64x1xf32, #tpu.memory_space<vmem>>, %arg4: memref<1x1xf32, #tpu.memory_space<vmem>>, %arg5: memref<32x64x320xf32, #tpu.memory_space<vmem>>) attributes {dimension_semantics = [#tpu.dimension_semantics<arbitrary>], iteration_bounds = array<i64: 1>, scalar_prefetch = 0 : i64, scratch_operands = 0 : i64, tpu.core_type = #tpu.core_type<tc>, window_params = [{transform_indices = @transform_0, window_bounds = array<i64: 10240, 128>}, {pipeline_mode = #tpu.pipeline_mode<synchronous>, transform_indices = @transform_1, window_bounds = array<i64: 64, 128>}, {pipeline_mode = #tpu.pipeline_mode<synchronous>, transform_indices = @transform_2, window_bounds = array<i64: 64, 1>}, {pipeline_mode = #tpu.pipeline_mode<synchronous>, transform_indices = @transform_3, window_bounds = array<i64: 1, 1>}, {transform_indices = @transform_4, window_bounds = array<i64: 32, 64, 320>}]} {
    %get3A = arith.constant 0 : index
    %get3A_0 = arith.constant 0 : index
    %get3A_1 = vector.load %arg4[%get3A, %get3A_0] : memref<1x1xf32, #tpu.memory_space<vmem>>, vector<1x1xf32>
    %get3A_2 = vector.extract %get3A_1[0, 0] : f32 from vector<1x1xf32>
    %get3A_3 = arith.constant 0 : index
    %get3A_4 = arith.constant 0 : index
    %get3A_5 = vector.load %arg2[%get3A_3, %get3A_4] : memref<64x128xf32, #tpu.memory_space<vmem>>, vector<64x128xf32>
    %get3A_6 = arith.constant 0 : index
    %get3A_7 = arith.constant 0 : index
    %get3A_8 = vector.load %arg1[%get3A_6, %get3A_7] : memref<10240x128xf32, #tpu.memory_space<vmem>>, vector<10240x128xf32>
    %dot_general3A = arith.constant dense<0.000000e+00> : vector<64x10240xf32>
    %dot_general3A_9 = tpu.matmul %get3A_5, %get3A_8, %dot_general3A {dimension_numbers = #tpu.dot_dimension_numbers<[1], [1], [0], [0], [0, 0, 1, 0], [], []>, transpose_lhs_hint = false} : vector<64x128xf32>, vector<10240x128xf32>, vector<64x10240xf32> -> vector<64x10240xf32>
    %get3A_10 = arith.constant 0 : index
    %get3A_11 = arith.constant 0 : index
    %get3A_12 = vector.load %arg3[%get3A_10, %get3A_11] : memref<64x1xf32, #tpu.memory_space<vmem>>, vector<64x1xf32>
    %add3A = vector.broadcast %get3A_12 : vector<64x1xf32> to vector<64x10240xf32>
    %add3A_13 = arith.addf %dot_general3A_9, %add3A : vector<64x10240xf32>
    %mul3A = vector.broadcast %get3A_2 : f32 to vector<64x10240xf32>
    %mul3A_14 = arith.mulf %mul3A, %add3A_13 : vector<64x10240xf32>
    %logistic3A = arith.negf %mul3A_14 : vector<64x10240xf32>
    %logistic3A_15 = math.exp %logistic3A : vector<64x10240xf32>
    %logistic3A_16 = arith.constant 1.000000e+00 : f32
    %logistic3A_17 = vector.broadcast %logistic3A_16 : f32 to vector<64x10240xf32>
    %logistic3A_18 = arith.addf %logistic3A_17, %logistic3A_15 : vector<64x10240xf32>
    %logistic3A_19 = arith.divf %logistic3A_17, %logistic3A_18 : vector<64x10240xf32>
    %slice3A = vector.extract_strided_slice %logistic3A_19 {offsets = [0, 0], sizes = [64, 320], strides = [1, 1]} : vector<64x10240xf32> to vector<64x320xf32>
    %swap3A = arith.constant 0 : index
    %swap3A_20 = arith.constant 0 : index
    %swap3A_21 = arith.constant 0 : index
    %swap3A_22 = vector.load %arg5[%swap3A, %swap3A_20, %swap3A_21] : memref<32x64x320xf32, #tpu.memory_space<vmem>>, vector<1x64x320xf32>
    %swap3A_23 = vector.shape_cast %swap3A_22 : vector<1x64x320xf32> to vector<64x320xf32>
    %swap3A_24 = vector.shape_cast %slice3A : vector<64x320xf32> to vector<1x64x320xf32>
    tpu.vector_store %arg5[%swap3A, %swap3A_20, %swap3A_21], %swap3A_24 {strides = array<i32>} : memref<32x64x320xf32, #tpu.memory_space<vmem>>, vector<1x64x320xf32>,
    %slice3A_25 = vector.extract_strided_slice %logistic3A_19 {offsets = [0, 320], sizes = [64, 320], strides = [1, 1]} : vector<64x10240xf32> to vector<64x320xf32>
    %swap3A_26 = arith.constant 1 : index
    %swap3A_27 = arith.constant 0 : index
    %swap3A_28 = arith.constant 0 : index
    %swap3A_29 = vector.load %arg5[%swap3A_26, %swap3A_27, %swap3A_28] : memref<32x64x320xf32, #tpu.memory_space<vmem>>, vector<1x64x320xf32>
    %swap3A_30 = vector.shape_cast %swap3A_29 : vector<1x64x320xf32> to vector<64x320xf32>
    %swap3A_31 = vector.shape_cast %slice3A_25 : vector<64x320xf32> to vector<1x64x320xf32>
    tpu.vector_store %arg5[%swap3A_26, %swap3A_27, %swap3A_28], %swap3A_31 {strides = array<i32>} : memref<32x64x320xf32, #tpu.memory_space<vmem>>, vector<1x64x320xf32>,
    %slice3A_32 = vector.extract_strided_slice %logistic3A_19 {offsets = [0, 640], sizes = [64, 320], strides = [1, 1]} : vector<64x10240xf32> to vector<64x320xf32>
    %swap3A_33 = arith.constant 2 : index
    %swap3A_34 = arith.constant 0 : index
    %swap3A_35 = arith.constant 0 : index
    %swap3A_36 = vector.load %arg5[%swap3A_33, %swap3A_34, %swap3A_35] : memref<32x64x320xf32, #tpu.memory_space<vmem>>, vector<1x64x320xf32>
    %swap3A_37 = vector.shape_cast %swap3A_36 : vector<1x64x320xf32> to vector<64x320xf32>
    %swap3A_38 = vector.shape_cast %slice3A_32 : vector<64x320xf32> to vector<1x64x320xf32>
    tpu.vector_store %arg5[%swap3A_33, %swap3A_34, %swap3A_35], %swap3A_38 {strides = array<i32>} : memref<32x64x320xf32, #tpu.memory_space<vmem>>, vector<1x64x320xf32>,
    %slice3A_39 = vector.extract_strided_slice %logistic3A_19 {offsets = [0, 960], sizes = [64, 320], strides = [1, 1]} : vector<64x10240xf32> to vector<64x320xf32>
    %swap3A_40 = arith.constant 3 : index
    %swap3A_41 = arith.constant 0 : index
    %swap3A_42 = arith.constant 0 : index
    %swap3A_43 = vector.load %arg5[%swap3A_40, %swap3A_41, %swap3A_42] : memref<32x64x320xf32, #tpu.memory_space<vmem>>, vector<1x64x320xf32>
    %swap3A_44 = vector.shape_cast %swap3A_43 : vector<1x64x320xf32> to vector<64x320xf32>
    %swap3A_45 = vector.shape_cast %slice3A_39 : vector<64x320xf32> to vector<1x64x320xf32>
    tpu.vector_store %arg5[%swap3A_40, %swap3A_41, %swap3A_42], %swap3A_45 {strides = array<i32>} : memref<32x64x320xf32, #tpu.memory_space<vmem>>, vector<1x64x320xf32>,
    %slice3A_46 = vector.extract_strided_slice %logistic3A_19 {offsets = [0, 1280], sizes = [64, 320], strides = [1, 1]} : vector<64x10240xf32> to vector<64x320xf32>
    %swap3A_47 = arith.constant 4 : index
    %swap3A_48 = arith.constant 0 : index
    %swap3A_49 = arith.constant 0 : index
    %swap3A_50 = vector.load %arg5[%swap3A_47, %swap3A_48, %swap3A_49] : memref<32x64x320xf32, #tpu.memory_space<vmem>>, vector<1x64x320xf32>
    %swap3A_51 = vector.shape_cast %swap3A_50 : vector<1x64x320xf32> to vector<64x320xf32>
    %swap3A_52 = vector.shape_cast %slice3A_46 : vector<64x320xf32> to vector<1x64x320xf32>
    tpu.vector_store %arg5[%swap3A_47, %swap3A_48, %swap3A_49], %swap3A_52 {strides = array<i32>} : memref<32x64x320xf32, #tpu.memory_space<vmem>>, vector<1x64x320xf32>,
    %slice3A_53 = vector.extract_strided_slice %logistic3A_19 {offsets = [0, 1600], sizes = [64, 320], strides = [1, 1]} : vector<64x10240xf32> to vector<64x320xf32>
    %swap3A_54 = arith.constant 5 : index
    %swap3A_55 = arith.constant 0 : index
    %swap3A_56 = arith.constant 0 : index
    %swap3A_57 = vector.load %arg5[%swap3A_54, %swap3A_55, %swap3A_56] : memref<32x64x320xf32, #tpu.memory_space<vmem>>, vector<1x64x320xf32>
    %swap3A_58 = vector.shape_cast %swap3A_57 : vector<1x64x320xf32> to vector<64x320xf32>
    %swap3A_59 = vector.shape_cast %slice3A_53 : vector<64x320xf32> to vector<1x64x320xf32>
    tpu.vector_store %arg5[%swap3A_54, %swap3A_55, %swap3A_56], %swap3A_59 {strides = array<i32>} : memref<32x64x320xf32, #tpu.memory_space<vmem>>, vector<1x64x320xf32>,
    %slice3A_60 = vector.extract_strided_slice %logistic3A_19 {offsets = [0, 1920], sizes = [64, 320], strides = [1, 1]} : vector<64x10240xf32> to vector<64x320xf32>
    %swap3A_61 = arith.constant 6 : index
    %swap3A_62 = arith.constant 0 : index
    %swap3A_63 = arith.constant 0 : index
    %swap3A_64 = vector.load %arg5[%swap3A_61, %swap3A_62, %swap3A_63] : memref<32x64x320xf32, #tpu.memory_space<vmem>>, vector<1x64x320xf32>
    %swap3A_65 = vector.shape_cast %swap3A_64 : vector<1x64x320xf32> to vector<64x320xf32>
    %swap3A_66 = vector.shape_cast %slice3A_60 : vector<64x320xf32> to vector<1x64x320xf32>
    tpu.vector_store %arg5[%swap3A_61, %swap3A_62, %swap3A_63], %swap3A_66 {strides = array<i32>} : memref<32x64x320xf32, #tpu.memory_space<vmem>>, vector<1x64x320xf32>,
    %slice3A_67 = vector.extract_strided_slice %logistic3A_19 {offsets = [0, 2240], sizes = [64, 320], strides = [1, 1]} : vector<64x10240xf32> to vector<64x320xf32>
    %swap3A_68 = arith.constant 7 : index
    %swap3A_69 = arith.constant 0 : index
    %swap3A_70 = arith.constant 0 : index
    %swap3A_71 = vector.load %arg5[%swap3A_68, %swap3A_69, %swap3A_70] : memref<32x64x320xf32, #tpu.memory_space<vmem>>, vector<1x64x320xf32>
    %swap3A_72 = vector.shape_cast %swap3A_71 : vector<1x64x320xf32> to vector<64x320xf32>
    %swap3A_73 = vector.shape_cast %slice3A_67 : vector<64x320xf32> to vector<1x64x320xf32>
    tpu.vector_store %arg5[%swap3A_68, %swap3A_69, %swap3A_70], %swap3A_73 {strides = array<i32>} : memref<32x64x320xf32, #tpu.memory_space<vmem>>, vector<1x64x320xf32>,
    %slice3A_74 = vector.extract_strided_slice %logistic3A_19 {offsets = [0, 2560], sizes = [64, 320], strides = [1, 1]} : vector<64x10240xf32> to vector<64x320xf32>
    %swap3A_75 = arith.constant 8 : index
    %swap3A_76 = arith.constant 0 : index
    %swap3A_77 = arith.constant 0 : index
    %swap3A_78 = vector.load %arg5[%swap3A_75, %swap3A_76, %swap3A_77] : memref<32x64x320xf32, #tpu.memory_space<vmem>>, vector<1x64x320xf32>
    %swap3A_79 = vector.shape_cast %swap3A_78 : vector<1x64x320xf32> to vector<64x320xf32>
    %swap3A_80 = vector.shape_cast %slice3A_74 : vector<64x320xf32> to vector<1x64x320xf32>
    tpu.vector_store %arg5[%swap3A_75, %swap3A_76, %swap3A_77], %swap3A_80 {strides = array<i32>} : memref<32x64x320xf32, #tpu.memory_space<vmem>>, vector<1x64x320xf32>,
    %slice3A_81 = vector.extract_strided_slice %logistic3A_19 {offsets = [0, 2880], sizes = [64, 320], strides = [1, 1]} : vector<64x10240xf32> to vector<64x320xf32>
    %swap3A_82 = arith.constant 9 : index
    %swap3A_83 = arith.constant 0 : index
    %swap3A_84 = arith.constant 0 : index
    %swap3A_85 = vector.load %arg5[%swap3A_82, %swap3A_83, %swap3A_84] : memref<32x64x320xf32, #tpu.memory_space<vmem>>, vector<1x64x320xf32>
    %swap3A_86 = vector.shape_cast %swap3A_85 : vector<1x64x320xf32> to vector<64x320xf32>
    %swap3A_87 = vector.shape_cast %slice3A_81 : vector<64x320xf32> to vector<1x64x320xf32>
    tpu.vector_store %arg5[%swap3A_82, %swap3A_83, %swap3A_84], %swap3A_87 {strides = array<i32>} : memref<32x64x320xf32, #tpu.memory_space<vmem>>, vector<1x64x320xf32>,
    %slice3A_88 = vector.extract_strided_slice %logistic3A_19 {offsets = [0, 3200], sizes = [64, 320], strides = [1, 1]} : vector<64x10240xf32> to vector<64x320xf32>
    %swap3A_89 = arith.constant 10 : index
    %swap3A_90 = arith.constant 0 : index
    %swap3A_91 = arith.constant 0 : index
    %swap3A_92 = vector.load %arg5[%swap3A_89, %swap3A_90, %swap3A_91] : memref<32x64x320xf32, #tpu.memory_space<vmem>>, vector<1x64x320xf32>
    %swap3A_93 = vector.shape_cast %swap3A_92 : vector<1x64x320xf32> to vector<64x320xf32>
    %swap3A_94 = vector.shape_cast %slice3A_88 : vector<64x320xf32> to vector<1x64x320xf32>
    tpu.vector_store %arg5[%swap3A_89, %swap3A_90, %swap3A_91], %swap3A_94 {strides = array<i32>} : memref<32x64x320xf32, #tpu.memory_space<vmem>>, vector<1x64x320xf32>,
    %slice3A_95 = vector.extract_strided_slice %logistic3A_19 {offsets = [0, 3520], sizes = [64, 320], strides = [1, 1]} : vector<64x10240xf32> to vector<64x320xf32>
    %swap3A_96 = arith.constant 11 : index
    %swap3A_97 = arith.constant 0 : index
    %swap3A_98 = arith.constant 0 : index
    %swap3A_99 = vector.load %arg5[%swap3A_96, %swap3A_97, %swap3A_98] : memref<32x64x320xf32, #tpu.memory_space<vmem>>, vector<1x64x320xf32>
    %swap3A_100 = vector.shape_cast %swap3A_99 : vector<1x64x320xf32> to vector<64x320xf32>
    %swap3A_101 = vector.shape_cast %slice3A_95 : vector<64x320xf32> to vector<1x64x320xf32>
    tpu.vector_store %arg5[%swap3A_96, %swap3A_97, %swap3A_98], %swap3A_101 {strides = array<i32>} : memref<32x64x320xf32, #tpu.memory_space<vmem>>, vector<1x64x320xf32>,
    %slice3A_102 = vector.extract_strided_slice %logistic3A_19 {offsets = [0, 3840], sizes = [64, 320], strides = [1, 1]} : vector<64x10240xf32> to vector<64x320xf32>
    %swap3A_103 = arith.constant 12 : index
    %swap3A_104 = arith.constant 0 : index
    %swap3A_105 = arith.constant 0 : index
    %swap3A_106 = vector.load %arg5[%swap3A_103, %swap3A_104, %swap3A_105] : memref<32x64x320xf32, #tpu.memory_space<vmem>>, vector<1x64x320xf32>
    %swap3A_107 = vector.shape_cast %swap3A_106 : vector<1x64x320xf32> to vector<64x320xf32>
    %swap3A_108 = vector.shape_cast %slice3A_102 : vector<64x320xf32> to vector<1x64x320xf32>
    tpu.vector_store %arg5[%swap3A_103, %swap3A_104, %swap3A_105], %swap3A_108 {strides = array<i32>} : memref<32x64x320xf32, #tpu.memory_space<vmem>>, vector<1x64x320xf32>,
    %slice3A_109 = vector.extract_strided_slice %logistic3A_19 {offsets = [0, 4160], sizes = [64, 320], strides = [1, 1]} : vector<64x10240xf32> to vector<64x320xf32>
    %swap3A_110 = arith.constant 13 : index
    %swap3A_111 = arith.constant 0 : index
    %swap3A_112 = arith.constant 0 : index
    %swap3A_113 = vector.load %arg5[%swap3A_110, %swap3A_111, %swap3A_112] : memref<32x64x320xf32, #tpu.memory_space<vmem>>, vector<1x64x320xf32>
    %swap3A_114 = vector.shape_cast %swap3A_113 : vector<1x64x320xf32> to vector<64x320xf32>
    %swap3A_115 = vector.shape_cast %slice3A_109 : vector<64x320xf32> to vector<1x64x320xf32>
    tpu.vector_store %arg5[%swap3A_110, %swap3A_111, %swap3A_112], %swap3A_115 {strides = array<i32>} : memref<32x64x320xf32, #tpu.memory_space<vmem>>, vector<1x64x320xf32>,
    %slice3A_116 = vector.extract_strided_slice %logistic3A_19 {offsets = [0, 4480], sizes = [64, 320], strides = [1, 1]} : vector<64x10240xf32> to vector<64x320xf32>
    %swap3A_117 = arith.constant 14 : index
    %swap3A_118 = arith.constant 0 : index
    %swap3A_119 = arith.constant 0 : index
    %swap3A_120 = vector.load %arg5[%swap3A_117, %swap3A_118, %swap3A_119] : memref<32x64x320xf32, #tpu.memory_space<vmem>>, vector<1x64x320xf32>
    %swap3A_121 = vector.shape_cast %swap3A_120 : vector<1x64x320xf32> to vector<64x320xf32>
    %swap3A_122 = vector.shape_cast %slice3A_116 : vector<64x320xf32> to vector<1x64x320xf32>
    tpu.vector_store %arg5[%swap3A_117, %swap3A_118, %swap3A_119], %swap3A_122 {strides = array<i32>} : memref<32x64x320xf32, #tpu.memory_space<vmem>>, vector<1x64x320xf32>,
    %slice3A_123 = vector.extract_strided_slice %logistic3A_19 {offsets = [0, 4800], sizes = [64, 320], strides = [1, 1]} : vector<64x10240xf32> to vector<64x320xf32>
    %swap3A_124 = arith.constant 15 : index
    %swap3A_125 = arith.constant 0 : index
    %swap3A_126 = arith.constant 0 : index
    %swap3A_127 = vector.load %arg5[%swap3A_124, %swap3A_125, %swap3A_126] : memref<32x64x320xf32, #tpu.memory_space<vmem>>, vector<1x64x320xf32>
    %swap3A_128 = vector.shape_cast %swap3A_127 : vector<1x64x320xf32> to vector<64x320xf32>
    %swap3A_129 = vector.shape_cast %slice3A_123 : vector<64x320xf32> to vector<1x64x320xf32>
    tpu.vector_store %arg5[%swap3A_124, %swap3A_125, %swap3A_126], %swap3A_129 {strides = array<i32>} : memref<32x64x320xf32, #tpu.memory_space<vmem>>, vector<1x64x320xf32>,
    %slice3A_130 = vector.extract_strided_slice %logistic3A_19 {offsets = [0, 5120], sizes = [64, 320], strides = [1, 1]} : vector<64x10240xf32> to vector<64x320xf32>
    %swap3A_131 = arith.constant 16 : index
    %swap3A_132 = arith.constant 0 : index
    %swap3A_133 = arith.constant 0 : index
    %swap3A_134 = vector.load %arg5[%swap3A_131, %swap3A_132, %swap3A_133] : memref<32x64x320xf32, #tpu.memory_space<vmem>>, vector<1x64x320xf32>
    %swap3A_135 = vector.shape_cast %swap3A_134 : vector<1x64x320xf32> to vector<64x320xf32>
    %swap3A_136 = vector.shape_cast %slice3A_130 : vector<64x320xf32> to vector<1x64x320xf32>
    tpu.vector_store %arg5[%swap3A_131, %swap3A_132, %swap3A_133], %swap3A_136 {strides = array<i32>} : memref<32x64x320xf32, #tpu.memory_space<vmem>>, vector<1x64x320xf32>,
    %slice3A_137 = vector.extract_strided_slice %logistic3A_19 {offsets = [0, 5440], sizes = [64, 320], strides = [1, 1]} : vector<64x10240xf32> to vector<64x320xf32>
    %swap3A_138 = arith.constant 17 : index
    %swap3A_139 = arith.constant 0 : index
    %swap3A_140 = arith.constant 0 : index
    %swap3A_141 = vector.load %arg5[%swap3A_138, %swap3A_139, %swap3A_140] : memref<32x64x320xf32, #tpu.memory_space<vmem>>, vector<1x64x320xf32>
    %swap3A_142 = vector.shape_cast %swap3A_141 : vector<1x64x320xf32> to vector<64x320xf32>
    %swap3A_143 = vector.shape_cast %slice3A_137 : vector<64x320xf32> to vector<1x64x320xf32>
    tpu.vector_store %arg5[%swap3A_138, %swap3A_139, %swap3A_140], %swap3A_143 {strides = array<i32>} : memref<32x64x320xf32, #tpu.memory_space<vmem>>, vector<1x64x320xf32>,
    %slice3A_144 = vector.extract_strided_slice %logistic3A_19 {offsets = [0, 5760], sizes = [64, 320], strides = [1, 1]} : vector<64x10240xf32> to vector<64x320xf32>
    %swap3A_145 = arith.constant 18 : index
    %swap3A_146 = arith.constant 0 : index
    %swap3A_147 = arith.constant 0 : index
    %swap3A_148 = vector.load %arg5[%swap3A_145, %swap3A_146, %swap3A_147] : memref<32x64x320xf32, #tpu.memory_space<vmem>>, vector<1x64x320xf32>
    %swap3A_149 = vector.shape_cast %swap3A_148 : vector<1x64x320xf32> to vector<64x320xf32>
    %swap3A_150 = vector.shape_cast %slice3A_144 : vector<64x320xf32> to vector<1x64x320xf32>
    tpu.vector_store %arg5[%swap3A_145, %swap3A_146, %swap3A_147], %swap3A_150 {strides = array<i32>} : memref<32x64x320xf32, #tpu.memory_space<vmem>>, vector<1x64x320xf32>,
    %slice3A_151 = vector.extract_strided_slice %logistic3A_19 {offsets = [0, 6080], sizes = [64, 320], strides = [1, 1]} : vector<64x10240xf32> to vector<64x320xf32>
    %swap3A_152 = arith.constant 19 : index
    %swap3A_153 = arith.constant 0 : index
    %swap3A_154 = arith.constant 0 : index
    %swap3A_155 = vector.load %arg5[%swap3A_152, %swap3A_153, %swap3A_154] : memref<32x64x320xf32, #tpu.memory_space<vmem>>, vector<1x64x320xf32>
    %swap3A_156 = vector.shape_cast %swap3A_155 : vector<1x64x320xf32> to vector<64x320xf32>
    %swap3A_157 = vector.shape_cast %slice3A_151 : vector<64x320xf32> to vector<1x64x320xf32>
    tpu.vector_store %arg5[%swap3A_152, %swap3A_153, %swap3A_154], %swap3A_157 {strides = array<i32>} : memref<32x64x320xf32, #tpu.memory_space<vmem>>, vector<1x64x320xf32>,
    %slice3A_158 = vector.extract_strided_slice %logistic3A_19 {offsets = [0, 6400], sizes = [64, 320], strides = [1, 1]} : vector<64x10240xf32> to vector<64x320xf32>
    %swap3A_159 = arith.constant 20 : index
    %swap3A_160 = arith.constant 0 : index
    %swap3A_161 = arith.constant 0 : index
    %swap3A_162 = vector.load %arg5[%swap3A_159, %swap3A_160, %swap3A_161] : memref<32x64x320xf32, #tpu.memory_space<vmem>>, vector<1x64x320xf32>
    %swap3A_163 = vector.shape_cast %swap3A_162 : vector<1x64x320xf32> to vector<64x320xf32>
    %swap3A_164 = vector.shape_cast %slice3A_158 : vector<64x320xf32> to vector<1x64x320xf32>
    tpu.vector_store %arg5[%swap3A_159, %swap3A_160, %swap3A_161], %swap3A_164 {strides = array<i32>} : memref<32x64x320xf32, #tpu.memory_space<vmem>>, vector<1x64x320xf32>,
    %slice3A_165 = vector.extract_strided_slice %logistic3A_19 {offsets = [0, 6720], sizes = [64, 320], strides = [1, 1]} : vector<64x10240xf32> to vector<64x320xf32>
    %swap3A_166 = arith.constant 21 : index
    %swap3A_167 = arith.constant 0 : index
    %swap3A_168 = arith.constant 0 : index
    %swap3A_169 = vector.load %arg5[%swap3A_166, %swap3A_167, %swap3A_168] : memref<32x64x320xf32, #tpu.memory_space<vmem>>, vector<1x64x320xf32>
    %swap3A_170 = vector.shape_cast %swap3A_169 : vector<1x64x320xf32> to vector<64x320xf32>
    %swap3A_171 = vector.shape_cast %slice3A_165 : vector<64x320xf32> to vector<1x64x320xf32>
    tpu.vector_store %arg5[%swap3A_166, %swap3A_167, %swap3A_168], %swap3A_171 {strides = array<i32>} : memref<32x64x320xf32, #tpu.memory_space<vmem>>, vector<1x64x320xf32>,
    %slice3A_172 = vector.extract_strided_slice %logistic3A_19 {offsets = [0, 7040], sizes = [64, 320], strides = [1, 1]} : vector<64x10240xf32> to vector<64x320xf32>
    %swap3A_173 = arith.constant 22 : index
    %swap3A_174 = arith.constant 0 : index
    %swap3A_175 = arith.constant 0 : index
    %swap3A_176 = vector.load %arg5[%swap3A_173, %swap3A_174, %swap3A_175] : memref<32x64x320xf32, #tpu.memory_space<vmem>>, vector<1x64x320xf32>
    %swap3A_177 = vector.shape_cast %swap3A_176 : vector<1x64x320xf32> to vector<64x320xf32>
    %swap3A_178 = vector.shape_cast %slice3A_172 : vector<64x320xf32> to vector<1x64x320xf32>
    tpu.vector_store %arg5[%swap3A_173, %swap3A_174, %swap3A_175], %swap3A_178 {strides = array<i32>} : memref<32x64x320xf32, #tpu.memory_space<vmem>>, vector<1x64x320xf32>,
    %slice3A_179 = vector.extract_strided_slice %logistic3A_19 {offsets = [0, 7360], sizes = [64, 320], strides = [1, 1]} : vector<64x10240xf32> to vector<64x320xf32>
    %swap3A_180 = arith.constant 23 : index
    %swap3A_181 = arith.constant 0 : index
    %swap3A_182 = arith.constant 0 : index
    %swap3A_183 = vector.load %arg5[%swap3A_180, %swap3A_181, %swap3A_182] : memref<32x64x320xf32, #tpu.memory_space<vmem>>, vector<1x64x320xf32>
    %swap3A_184 = vector.shape_cast %swap3A_183 : vector<1x64x320xf32> to vector<64x320xf32>
    %swap3A_185 = vector.shape_cast %slice3A_179 : vector<64x320xf32> to vector<1x64x320xf32>
    tpu.vector_store %arg5[%swap3A_180, %swap3A_181, %swap3A_182], %swap3A_185 {strides = array<i32>} : memref<32x64x320xf32, #tpu.memory_space<vmem>>, vector<1x64x320xf32>,
    %slice3A_186 = vector.extract_strided_slice %logistic3A_19 {offsets = [0, 7680], sizes = [64, 320], strides = [1, 1]} : vector<64x10240xf32> to vector<64x320xf32>
    %swap3A_187 = arith.constant 24 : index
    %swap3A_188 = arith.constant 0 : index
    %swap3A_189 = arith.constant 0 : index
    %swap3A_190 = vector.load %arg5[%swap3A_187, %swap3A_188, %swap3A_189] : memref<32x64x320xf32, #tpu.memory_space<vmem>>, vector<1x64x320xf32>
    %swap3A_191 = vector.shape_cast %swap3A_190 : vector<1x64x320xf32> to vector<64x320xf32>
    %swap3A_192 = vector.shape_cast %slice3A_186 : vector<64x320xf32> to vector<1x64x320xf32>
    tpu.vector_store %arg5[%swap3A_187, %swap3A_188, %swap3A_189], %swap3A_192 {strides = array<i32>} : memref<32x64x320xf32, #tpu.memory_space<vmem>>, vector<1x64x320xf32>,
    %slice3A_193 = vector.extract_strided_slice %logistic3A_19 {offsets = [0, 8000], sizes = [64, 320], strides = [1, 1]} : vector<64x10240xf32> to vector<64x320xf32>
    %swap3A_194 = arith.constant 25 : index
    %swap3A_195 = arith.constant 0 : index
    %swap3A_196 = arith.constant 0 : index
    %swap3A_197 = vector.load %arg5[%swap3A_194, %swap3A_195, %swap3A_196] : memref<32x64x320xf32, #tpu.memory_space<vmem>>, vector<1x64x320xf32>
    %swap3A_198 = vector.shape_cast %swap3A_197 : vector<1x64x320xf32> to vector<64x320xf32>
    %swap3A_199 = vector.shape_cast %slice3A_193 : vector<64x320xf32> to vector<1x64x320xf32>
    tpu.vector_store %arg5[%swap3A_194, %swap3A_195, %swap3A_196], %swap3A_199 {strides = array<i32>} : memref<32x64x320xf32, #tpu.memory_space<vmem>>, vector<1x64x320xf32>,
    %slice3A_200 = vector.extract_strided_slice %logistic3A_19 {offsets = [0, 8320], sizes = [64, 320], strides = [1, 1]} : vector<64x10240xf32> to vector<64x320xf32>
    %swap3A_201 = arith.constant 26 : index
    %swap3A_202 = arith.constant 0 : index
    %swap3A_203 = arith.constant 0 : index
    %swap3A_204 = vector.load %arg5[%swap3A_201, %swap3A_202, %swap3A_203] : memref<32x64x320xf32, #tpu.memory_space<vmem>>, vector<1x64x320xf32>
    %swap3A_205 = vector.shape_cast %swap3A_204 : vector<1x64x320xf32> to vector<64x320xf32>
    %swap3A_206 = vector.shape_cast %slice3A_200 : vector<64x320xf32> to vector<1x64x320xf32>
    tpu.vector_store %arg5[%swap3A_201, %swap3A_202, %swap3A_203], %swap3A_206 {strides = array<i32>} : memref<32x64x320xf32, #tpu.memory_space<vmem>>, vector<1x64x320xf32>,
    %slice3A_207 = vector.extract_strided_slice %logistic3A_19 {offsets = [0, 8640], sizes = [64, 320], strides = [1, 1]} : vector<64x10240xf32> to vector<64x320xf32>
    %swap3A_208 = arith.constant 27 : index
    %swap3A_209 = arith.constant 0 : index
    %swap3A_210 = arith.constant 0 : index
    %swap3A_211 = vector.load %arg5[%swap3A_208, %swap3A_209, %swap3A_210] : memref<32x64x320xf32, #tpu.memory_space<vmem>>, vector<1x64x320xf32>
    %swap3A_212 = vector.shape_cast %swap3A_211 : vector<1x64x320xf32> to vector<64x320xf32>
    %swap3A_213 = vector.shape_cast %slice3A_207 : vector<64x320xf32> to vector<1x64x320xf32>
    tpu.vector_store %arg5[%swap3A_208, %swap3A_209, %swap3A_210], %swap3A_213 {strides = array<i32>} : memref<32x64x320xf32, #tpu.memory_space<vmem>>, vector<1x64x320xf32>,
    %slice3A_214 = vector.extract_strided_slice %logistic3A_19 {offsets = [0, 8960], sizes = [64, 320], strides = [1, 1]} : vector<64x10240xf32> to vector<64x320xf32>
    %swap3A_215 = arith.constant 28 : index
    %swap3A_216 = arith.constant 0 : index
    %swap3A_217 = arith.constant 0 : index
    %swap3A_218 = vector.load %arg5[%swap3A_215, %swap3A_216, %swap3A_217] : memref<32x64x320xf32, #tpu.memory_space<vmem>>, vector<1x64x320xf32>
    %swap3A_219 = vector.shape_cast %swap3A_218 : vector<1x64x320xf32> to vector<64x320xf32>
    %swap3A_220 = vector.shape_cast %slice3A_214 : vector<64x320xf32> to vector<1x64x320xf32>
    tpu.vector_store %arg5[%swap3A_215, %swap3A_216, %swap3A_217], %swap3A_220 {strides = array<i32>} : memref<32x64x320xf32, #tpu.memory_space<vmem>>, vector<1x64x320xf32>,
    %slice3A_221 = vector.extract_strided_slice %logistic3A_19 {offsets = [0, 9280], sizes = [64, 320], strides = [1, 1]} : vector<64x10240xf32> to vector<64x320xf32>
    %swap3A_222 = arith.constant 29 : index
    %swap3A_223 = arith.constant 0 : index
    %swap3A_224 = arith.constant 0 : index
    %swap3A_225 = vector.load %arg5[%swap3A_222, %swap3A_223, %swap3A_224] : memref<32x64x320xf32, #tpu.memory_space<vmem>>, vector<1x64x320xf32>
    %swap3A_226 = vector.shape_cast %swap3A_225 : vector<1x64x320xf32> to vector<64x320xf32>
    %swap3A_227 = vector.shape_cast %slice3A_221 : vector<64x320xf32> to vector<1x64x320xf32>
    tpu.vector_store %arg5[%swap3A_222, %swap3A_223, %swap3A_224], %swap3A_227 {strides = array<i32>} : memref<32x64x320xf32, #tpu.memory_space<vmem>>, vector<1x64x320xf32>,
    %slice3A_228 = vector.extract_strided_slice %logistic3A_19 {offsets = [0, 9600], sizes = [64, 320], strides = [1, 1]} : vector<64x10240xf32> to vector<64x320xf32>
    %swap3A_229 = arith.constant 30 : index
    %swap3A_230 = arith.constant 0 : index
    %swap3A_231 = arith.constant 0 : index
    %swap3A_232 = vector.load %arg5[%swap3A_229, %swap3A_230, %swap3A_231] : memref<32x64x320xf32, #tpu.memory_space<vmem>>, vector<1x64x320xf32>
    %swap3A_233 = vector.shape_cast %swap3A_232 : vector<1x64x320xf32> to vector<64x320xf32>
    %swap3A_234 = vector.shape_cast %slice3A_228 : vector<64x320xf32> to vector<1x64x320xf32>
    tpu.vector_store %arg5[%swap3A_229, %swap3A_230, %swap3A_231], %swap3A_234 {strides = array<i32>} : memref<32x64x320xf32, #tpu.memory_space<vmem>>, vector<1x64x320xf32>,
    %slice3A_235 = vector.extract_strided_slice %logistic3A_19 {offsets = [0, 9920], sizes = [64, 320], strides = [1, 1]} : vector<64x10240xf32> to vector<64x320xf32>
    %swap3A_236 = arith.constant 31 : index
    %swap3A_237 = arith.constant 0 : index
    %swap3A_238 = arith.constant 0 : index
    %swap3A_239 = vector.load %arg5[%swap3A_236, %swap3A_237, %swap3A_238] : memref<32x64x320xf32, #tpu.memory_space<vmem>>, vector<1x64x320xf32>
    %swap3A_240 = vector.shape_cast %swap3A_239 : vector<1x64x320xf32> to vector<64x320xf32>
    %swap3A_241 = vector.shape_cast %slice3A_235 : vector<64x320xf32> to vector<1x64x320xf32>
    tpu.vector_store %arg5[%swap3A_236, %swap3A_237, %swap3A_238], %swap3A_241 {strides = array<i32>} : memref<32x64x320xf32, #tpu.memory_space<vmem>>, vector<1x64x320xf32>,
    return
  }
  func.func @transform_0(%arg0: i32) -> (i32, i32) {
    %c0_i32 = arith.constant 0 : i32
    %c0_i32_0 = arith.constant 0 : i32
    return %arg0, %c0_i32 : i32, i32
  }
  func.func @transform_1(%arg0: i32) -> (i32, i32) {
    %c0_i32 = arith.constant 0 : i32
    %c0_i32_0 = arith.constant 0 : i32
    %c0_i32_1 = arith.constant 0 : i32
    return %c0_i32, %c0_i32_0 : i32, i32
  }
  func.func @transform_2(%arg0: i32) -> (i32, i32) {
    %c0_i32 = arith.constant 0 : i32
    %c0_i32_0 = arith.constant 0 : i32
    %c0_i32_1 = arith.constant 0 : i32
    return %c0_i32, %c0_i32_0 : i32, i32
  }
  func.func @transform_3(%arg0: i32) -> (i32, i32) {
    %c0_i32 = arith.constant 0 : i32
    %c0_i32_0 = arith.constant 0 : i32
    %c0_i32_1 = arith.constant 0 : i32
    return %c0_i32, %c0_i32_0 : i32, i32
  }
  func.func @transform_4(%arg0: i32) -> (i32, i32, i32) {
    %c0_i32 = arith.constant 0 : i32
    %c0_i32_0 = arith.constant 0 : i32
    %c0_i32_1 = arith.constant 0 : i32
    return %arg0, %c0_i32, %c0_i32_0 : i32, i32, i32
  }
}

</mosaic_0001>

<sc_bundles>
// kernel: kernel.4.cloned.1.call-start
scs
__scs_entry_jumppad:
0x0: {  	(pc) =	sbr.rel $0x88, $3  }
0x1: {  	(tag) =	ssettag $0x0;
	lr =	simm.s32 $0x1  }
0x2: {  	[smem:$0x3F9D] =	sst lr;
	_ =	strace $0xD0000000  }
0x3: {  	_ = 	snop  }
0x4: {  	_ = 	snop  }
0x5: {  	_ = 	snop  }
0x6: {  	_ = 	snop  }
0x7: {  	_ = 	snop  }
__scs_overlays_trampoline_lowered:
0x8: {  	[smem:$0x3FAC] =	sst s0  }
0x9: {  	[smem:$0x3FAD] =	sst s1  }
0xa: {  	[smem:$0x3FAE] =	sst s2  }
0xb: {  	[smem:$0x3FAF] =	sst s3  }
0xc: {  	[smem:$0x3FB0] =	sst s4  }
0xd: {  	[smem:$0x3FB1] =	sst s5  }
0xe: {  	[smem:$0x3FB2] =	sst s6  }
0xf: {  	[smem:$0x3FB3] =	sst s7  }
0x10: {  	[smem:$0x3FB4] =	sst s8  }
0x11: {  	[smem:$0x3FB5] =	sst s9;
	s0 =	simm.s32 @!p0 $0x0  }
0x12: {  	s1 =	sld [smem:$0x3F9B];
	s0 =	simm.s32 @p0 $0x1  }
0x13: {  	[smem:$0x3FB6] =	sst s0;
	s0 =	simm.s32 @!p1 $0x0  }
0x14: {  	s2 =	sld [smem:$0x3F9A];
	s0 =	simm.s32 @p1 $0x1  }
0x15: {  	[smem:$0x3FB7] =	sst s0;
	s0 =	simm.s32 @!p2 $0x0  }
0x16: {  	s3 =	sld [smem:$0x3FDB];
	s0 =	simm.s32 @p2 $0x1  }
0x17: {  	s4 =	simm.s32 $0x1BF5;
	[smem:$0x3FB9] =	sst s0  }
0x18: {  	s0 =	sld [smem:$0x3F9C];
	_ =	swait.ge [sflag:s4], $0x0  }
0x19: {  	s7 =	sld [smem:$0x3F9D]  }
0x1a: {  	s8 =	sadd.s32 $0xFFFFE003, lr  }
0x1b: {  	s9 =	sadd.s32 $0xFFFFFEF7, lr;
	s5 =	simm.s32 $0xFFFFFFFF;
	p2 =	slt.u32 s8, $0xFFFFF086  }
0x1c: {  	p1 =	slt.u32 s9, $0xF7A;
	s5 =	simm.s32 @!p2 $0x0  }
0x1d: {  	s5 =	simm.s32 @p1 $0x1;
	p0 =	seq.s32 s7, s2  }
0x1e: {  	s7 =	smul.u32 @!p0 $0xF7A, s2;
	p2 =	seq.s32 @!p0 s5, $0x0  }
0x1f: {  	s9 =	smul.u32 $0xF7A, s1;
	s8 =	simm.s32 @!p0 $0x1BF5;
	p2 =	por !p2, p0  }
0x20: {  	[sflag:s8] =	ssyncset.s32 @!p0 $0xFFFFF086;
	s6 =	sadd.s32 @!p0 s3, s7;
	s7 =	simm.s32 @!p0 $0x108  }
0x21: {  	s3 =	sadd.s32 s3, s9;
	s6 =	sadd.s32 @!p0 $0x88, s6;
	s7 =	simm.s32 @p2 $0x1082  }
0x22: {  	[simem:s7], [sflag:s8] =	dma.local @!p0 [hbm:s6], $0xF7A  }
0x23: {  	s9 =	sor.u32 $0xD0000000, s2;
	s6 =	simm.s32 $0x108;
	_ =	swait.ge @!p0 [sflag:s8], $0x0  }
0x24: {  	s3 =	sadd.s32 $0x88, s3;
	s6 =	simm.s32 @!p1 $0x1082;
	[sflag:s4] =	ssyncset.s32 $0xFFFFF086  }
0x25: {  	[simem:s6], [sflag:s4] =	dma.local [hbm:s3], $0xF7A  }
0x26: {  	[smem:$0x3F9D] =	sst s1;
	(tag) =	ssettag s2;
	_ =	strace s9  }
0x27: {  	s1 =	sld [smem:$0x3FAD]  }
0x28: {  	s2 =	sld [smem:$0x3FAE]  }
0x29: {  	s4 =	sld [smem:$0x3FB0]  }
0x2a: {  	p0 =	seq.s32 s5, $0x0;
	s5 =	sld [smem:$0x3FB1]  }
0x2b: {  	s6 =	sld [smem:$0x3FB2]  }
0x2c: {  	s7 =	sld [smem:$0x3FB3]  }
0x2d: {  	s3 =	simm.s32 $0x108;
	s8 =	sld [smem:$0x3FB4]  }
0x2e: {  	s3 =	simm.s32 @!p0 $0x1082;
	s9 =	sld [smem:$0x3FB5]  }
0x2f: {  	lr =	sadd.s32 s0, s3;
	s0 =	sld [smem:$0x3FAC]  }
0x30: {  	s3 =	sld [smem:$0x3FAF]  }
0x31: {  	[smem:$0x3FB8] =	sst s10  }
0x32: {  	s10 =	sld [smem:$0x3FB6];
	_ =	sdelay $0x3  }
0x33: {  	p0 =	seq.s32 s10, $0x1;
	s10 =	sld [smem:$0x3FB8];
	_ =	sdelay $0x3  }
0x34: {  	[smem:$0x3FB8] =	sst s10  }
0x35: {  	s10 =	sld [smem:$0x3FB7];
	_ =	sdelay $0x3  }
0x36: {  	p1 =	seq.s32 s10, $0x1;
	s10 =	sld [smem:$0x3FB8];
	_ =	sdelay $0x3  }
0x37: {  	[smem:$0x3FB8] =	sst s10  }
0x38: {  	s10 =	sld [smem:$0x3FB9]  }
0x39: {  	_ = 	snop;
	(pc) =	sbr.ind lr, $3  }
0x3a: {  	_ = 	snop  }
0x3b: {  	_ = 	snop  }
0x3c: {  	p2 =	seq.s32 s10, $0x1;
	s10 =	sld [smem:$0x3FB8]  }
0x3d: {  	_ =	shalt  }
0x3e: {  	_ =	shalt  }
0x3f: {  	_ =	shalt  }
0x40: {  	_ =	shalt  }
0x41: {  	_ =	shalt  }
0x42: {  	_ =	shalt  }
0x43: {  	_ =	shalt  }
0x44: {  	_ =	shalt  }
0x45: {  	_ =	shalt  }
0x46: {  	_ =	shalt  }
0x47: {  	_ =	shalt  }
0x48: {  	_ =	shalt  }
0x49: {  	_ =	shalt  }
0x4a: {  	_ =	shalt  }
0x4b: {  	_ =	shalt  }
0x4c: {  	_ =	shalt  }
0x4d: {  	_ =	shalt  }
0x4e: {  	_ =	shalt  }
0x4f: {  	_ =	shalt  }
0x50: {  	_ =	shalt  }
0x51: {  	_ =	shalt  }
0x52: {  	_ =	shalt  }
0x53: {  	_ =	shalt  }
0x54: {  	_ =	shalt  }
0x55: {  	_ =	shalt  }
0x56: {  	_ =	shalt  }
0x57: {  	_ =	shalt  }
0x58: {  	_ =	shalt  }
0x59: {  	_ =	shalt  }
0x5a: {  	_ =	shalt  }
0x5b: {  	_ =	shalt  }
0x5c: {  	_ =	shalt  }
0x5d: {  	_ =	shalt  }
0x5e: {  	_ =	shalt  }
0x5f: {  	_ =	shalt  }
0x60: {  	_ =	shalt  }
0x61: {  	_ =	shalt  }
0x62: {  	_ =	shalt  }
0x63: {  	_ =	shalt  }
0x64: {  	_ =	shalt  }
0x65: {  	_ =	shalt  }
0x66: {  	_ =	shalt  }
0x67: {  	_ =	shalt  }
0x68: {  	_ =	shalt  }
0x69: {  	_ =	shalt  }
0x6a: {  	_ =	shalt  }
0x6b: {  	_ =	shalt  }
0x6c: {  	_ =	shalt  }
0x6d: {  	_ =	shalt  }
0x6e: {  	_ =	shalt  }
0x6f: {  	_ =	shalt  }
0x70: {  	_ =	shalt  }
0x71: {  	_ =	shalt  }
0x72: {  	_ =	shalt  }
0x73: {  	_ =	shalt  }
0x74: {  	_ =	shalt  }
0x75: {  	_ =	shalt  }
0x76: {  	_ =	shalt  }
0x77: {  	_ =	shalt  }
0x78: {  	_ =	shalt  }
0x79: {  	_ =	shalt  }
0x7a: {  	_ =	shalt  }
0x7b: {  	_ =	shalt  }
0x7c: {  	_ =	shalt  }
0x7d: {  	_ =	shalt  }
0x7e: {  	_ =	shalt  }
0x7f: {  	_ =	shalt  }
0x80: {  	_ =	shalt  }
0x81: {  	_ =	shalt  }
0x82: {  	_ =	shalt  }
0x83: {  	_ =	shalt  }
0x84: {  	_ =	shalt  }
0x85: {  	_ =	shalt  }
0x86: {  	_ =	shalt  }
0x87: {  	_ =	shalt  }
.Lfunc_end0:
.L_simem_size_0:
called_computation_lowered:
.L_overlay_start_0:
0x88: {  	s2 =	sld [smem:$0x3FD9]  }
0x89: {  	s3 =	sld [smem:$0x3FFE];
	_ =	sdelay $0x1  }
0x8a: {  	s1 =	srdreg.scid  }
0x8b: {  	s0 =	sand.u32 $0x1, s1  }
0x8c: {  	s16 =	sshll.u32 s0, $0xA;
	s2 =	sadd.s32 s3, s2  }
0x8d: {  	s2 =	sadd.s32 s2, s16  }
0x8e: {  	[smem:$0x3FC4] =	sst s2  }
0x8f: {  	_ = 	snop  }
0x90: {  	(tm) =	ssettm $0x1  }
0x91: {  	s17 =	sld [smem:$0x3FFB];
	_ =	sdelay $0x3  }
0x92: {  	_ =	strace s17  }
0x93: {  	s2 =	sld [smem:$0x3FFC];
	_ =	sdelay $0x3  }
0x94: {  	_ =	strace s2  }
0x95: {  	s2 =	sld [smem:$0x3FFD];
	_ =	sdelay $0x3  }
0x96: {  	_ =	strace s2  }
0x97: {  	_ =	strace $0x8FFFFFFF  }
0x98: {  	s18 =	sld [smem:$0x3FDB];
	_ =	sdelay $0x1  }
0x99: {  	s19 =	simm.s32 $_scs_section_size  }
0x9a: {  	s4 =	simm.s32 $_size__tile_overlayer_lowered;
	s5 =	simm.s32 $_tile_overlayer_lowered  }
0x9b: {  	s22 =	simm.s32 $0x1BFF;
	s21 =	sshll.u32 s5, $0x1;
	s2 =	sadd.s32 s19, s18  }
0x9c: {  	s6 =	simm.s32 $0x0;
	s20 =	sshll.u32 s4, $0x1;
	s4 =	sadd.s32 s21, s2  }
0x9d: {  	[timem:s6], [sflag:s22] =	dma.local [hbm:s4], s20  }
0x9e: {  	_ =	swait.ge [sflag:s22], s20  }
0x9f: {  	s3 =	ssub.s32 $0x0, s20;
	[sflag:s22] =	ssyncset.done $0x0  }
0xa0: {  	[sflag:s22] =	ssyncadd.s32 s3;
	_ =	sdelay $0x1  }
0xa1: {  	s23 =	simm.s32 $0x1B8B  }
0xa2: {  	_ =	swait.ge [sflag:s23], $0x1  }
0xa3: {  	[sflag:s23] =	ssyncset.done $0x0  }
0xa4: {  	s25 =	simm.s32 $0x1B8E;
	s24 =	sld [smem:$0x3FFE];
	[sflag:s23] =	ssyncadd.s32 $0xFFFFFFFF  }
0xa5: {  	s26 =	simm.s32 $execute0_lowered;
	[smem:$0x3FD2] =	sst s25  }
0xa6: {  	s4 =	sshll.u32 s26, $0x1;
	_ =	strace $0x80000046;
	[dreg:$0x1] =	wrdreg $0xFFFFFFFF  }
0xa7: {  	s28 =	simm.s32 $_size_execute0_lowered;
	s2 =	sadd.s32 s2, s4;
	[dreg:$0x0] =	wrdreg $0x0  }
0xa8: {  	s4 =	sshll.u32 s28, $0x1;
	[dreg:$0x2] =	wrdreg s2  }
0xa9: {  	[dreg:$0x3] =	wrdreg s4  }
0xaa: {  	[dreg:$0x4] =	wrdreg $0xC0  }
0xab: {  	_ =	task [dreg:s6], $0x5FFFF  }
0xac: {  	[dreg:$0x1] =	wrdreg $0xFFFFFFFF  }
0xad: {  	[dreg:$0x0] =	wrdreg $0x60  }
0xae: {  	[dreg:$0x2] =	wrdreg s24  }
0xaf: {  	[dreg:$0x3] =	wrdreg $0x9  }
0xb0: {  	_ =	task.clear_ibuf [dreg:s6], $0x4FFFF;
	_ =	strace $0x90000046  }
0xb1: {  	s29 =	simm.s32 $0x9;
	_ =	strace $0x80000048  }
0xb2: {  	_ =	swait.ge [sflag:s29], $0x1  }
0xb3: {  	[sflag:s29] =	ssyncadd.s32 $0xFFFFFFFF  }
0xb4: {  	_ =	strace $0x90000048  }
0xb5: {  	_ =	sfence  }
0xb6: {  	s30 =	sld [smem:$0x0];
	_ =	sdelay $0x2  }
0xb7: {  	s31 =	sshll.u32 s1, $0xD;
	s1 =	sshrl.u32 s1, $0x2  }
0xb8: {  	s3 =	sand.u32 $0x4000, s31;
	s1 =	sadd.s32 s1, s30  }
0xb9: {  	s0 =	sor.u32 s3, s0;
	s1 =	sshll.u32 s1, $0x11  }
0xba: {  	s0 =	sor.u32 s1, s0  }
0xbb: {  	s0 =	sadd.s32 $0x8F2B, s0  }
0xbc: {  	[sflag:s0] =	ssyncadd.remote.s32 $0x1  }
0xbd: {  	_ =	sfence.sel $0xFFFF  }
0xbe: {  	[dreg:$0x0] =	wrdreg $0xFFFFFFFF;
	(pc) =	sbr.abs _section_cstart, $3  }
0xbf: {  	[dreg:$0x1] =	wrdreg $0xFFFFFFFF  }
0xc0: {  	_ =	task.clear_ibuf [dreg:s6], $0x2FFFF;
	_ =	strace $0x9FFFFFFF  }
0xc1: {  	(tm) =	ssettm $0x7FFFFFFF  }
tec
execute0_lowered:
.L_overlay_start_1:
0x0: {  	(tag) =	ssettag $0x1  }
0x1: {  	s1 =	srdreg.scid  }
0x2: {  	s0 =	stileid.u32;
	s7 =	rddreg [dreg:$0x0];
	s2 =	simm.s32 $0x0  }
0x3: {  	s9 =	simm.s32 $0x1;
	s3 =	sand.u32 $0x1, s1;
	s31 =	sshll.u32 s0, $0x1  }
0x4: {  	s10 =	simm.s32 $0x6000;
	s1 =	rddreg [dreg:$0x1];
	s12 =	sor.u32 s3, s31  }
0x5: {  	s11 =	simm.s32 $0x10000;
	[smem:$0x7FF] =	sst s2;
	s4 =	smul.u32 $0xC00, s12  }
0x6: {  	_ =	strace $0x80000047;
	s3 =	ssub.s32 $0x2, s3;
	s5 =	smul.u32 $0x1400, s12  }
0x7: {  	s6 =	sshrl.u32 s3, $0x1;
	p0 =	seq.s32 s12, $0x1F;
	s12 =	simm.s32 $0x0  }
0x8: {  	s8 =	ssub.s32 s3, s6;
	s6 =	sadd.s32 $0x3FC00, s7;
	s4 =	sadd.s32 s4, s7  }
0x9: {  	v2 =	vlaneseq.u32;
	s5 =	sadd.s32 s5, s7;
	s7 =	sadd.s32 $0x66E00, s7;
	s8 =	smax.u32 s8, $0x1  }
0xa: {  	v0 =	vimm.f32 $0.0e+00;
	v1 =	vimm.s32 $0x0;
	v2 =	vmul.u32 $0x80, v2;
	s3 =	sadd.s32 $0x1000, s4;
	s4 =	sadd.s32 $0x19000, s5;
	s5 =	sadd.s32 $0x40200, s5  }
.LBB2_1:
0xb: {  	[tilespmem:s2], [sflag:$0x1] =	stream.linear.gather [hbm4b:s3+s2], $0x6000, $0x38;
	[tilespmem:$0x1A000] =	vst v63  }
0xc: {  	s13 =	simm.s32 $0x0;
	s14 =	simm.s32 $0x800  }
.LBB2_2:
0xd: {  	p1 =	sne.s32 s14, $0x27800;
	[tilespmem:s13+$0x61B0] =	vst v0  }
0xe: {  	[tilespmem:s13+$0x6000] =	vst v0  }
0xf: {  	[tilespmem:s13+$0x6010] =	vst v0  }
0x10: {  	[tilespmem:s13+$0x6020] =	vst v0  }
0x11: {  	[tilespmem:s13+$0x6030] =	vst v0  }
0x12: {  	[tilespmem:s13+$0x6080] =	vst v0  }
0x13: {  	[tilespmem:s13+$0x6090] =	vst v0  }
0x14: {  	[tilespmem:s13+$0x60A0] =	vst v0  }
0x15: {  	[tilespmem:s13+$0x60B0] =	vst v0  }
0x16: {  	[tilespmem:s13+$0x6100] =	vst v0  }
0x17: {  	[tilespmem:s13+$0x6110] =	vst v0  }
.Ltmp0:
0x18: {  	[tilespmem:s13+$0x6120] =	vst v0;
	(pc) =	sbr.rel @p1 .LBB2_2-.Ltmp0, $4  }
0x19: {  	[tilespmem:s13+$0x6130] =	vst v0  }
0x1a: {  	[tilespmem:s13+$0x6180] =	vst v0  }
0x1b: {  	[tilespmem:s13+$0x6190] =	vst v0  }
0x1c: {  	[tilespmem:s13+$0x61A0] =	vst v0;
	s13 =	sshra.s32 s14, $0x2;
	s14 =	sadd.s32 $0x800, s14  }
0x1d: {  	[tilespmem:s13+$0x61B0] =	vst v0  }
0x1e: {  	[tilespmem:s13+$0x6000] =	vst v0  }
0x1f: {  	[tilespmem:s13+$0x6010] =	vst v0  }
0x20: {  	[tilespmem:s13+$0x6020] =	vst v0  }
0x21: {  	[tilespmem:s13+$0x6030] =	vst v0  }
0x22: {  	[tilespmem:s13+$0x6080] =	vst v0  }
0x23: {  	[tilespmem:s13+$0x6090] =	vst v0  }
0x24: {  	[tilespmem:s13+$0x60A0] =	vst v0  }
0x25: {  	[tilespmem:s13+$0x60B0] =	vst v0  }
0x26: {  	[tilespmem:s13+$0x6100] =	vst v0  }
0x27: {  	[tilespmem:s13+$0x6110] =	vst v0  }
0x28: {  	[tilespmem:s13+$0x6120] =	vst v0  }
0x29: {  	[tilespmem:s13+$0x6130] =	vst v0  }
0x2a: {  	[tilespmem:s13+$0x6180] =	vst v0  }
0x2b: {  	[tilespmem:s13+$0x6190] =	vst v0  }
0x2c: {  	[tilespmem:s13+$0x61A0] =	vst v0  }
0x2d: {  	_ =	swait.ge [sflag:s9], $0x6000  }
0x2e: {  	[sflag:s9] =	ssyncset.done $0x0  }
0x2f: {  	s13 =	simm.s32 $0x0;
	s14 =	simm.s32 $0x0;
	[sflag:s9] =	ssyncadd.s32 $0xFFFFA000  }
.LBB2_4:
0x30: {  	s15 =	sand.u32 $0x70, s13;
	s16 =	sand.u32 $0xC00, s14  }
0x31: {  	s15 =	sor.u32 s15, s16  }
0x32: {  	v3 =	vld [tilespmem:s15+$0x0];
	_ =	sdelay $0x1  }
0x33: {  	v4 =	vld [tilespmem:s15+$0x80];
	_ =	sdelay $0x1  }
0x34: {  	v5 =	vld [tilespmem:s15+$0x100]  }
0x35: {  	vm0 =	vgt.f32 v3, $-1.000000000e+00  }
0x36: {  	v3 =	vnsel vm0, $0xBF800000, v3  }
0x37: {  	v7 =	vld [tilespmem:s15+$0x180];
	vm0 =	vgt.f32 v4, v3  }
0x38: {  	vm1 =	vmneg vm0;
	v6 =	vsel vm0, v3, v4;
	v3 =	vsel vm0, v4, v3  }
0x39: {  	v33 =	vsel vm0, $0x1, v1;
	vm6 =	vgt.f32 v6, $-1.000000000e+00;
	vm7 =	vgt.f32 v5, v3  }
0x3a: {  	v6 =	vnsel vm6, $0xBF800000, v6;
	vm0 =	vmand vm6, vm1;
	v9 =	vsel vm7, v5, v3  }
0x3b: {  	v35 =	vld [tilespmem:s15+$0x200];
	v3 =	vsel vm7, v3, v5;
	v34 =	vsel vm7, $0x2, v33;
	v4 =	vnsel vm7, $0x2, v33  }
0x3c: {  	v8 =	vsel vm0, $0x1, v1;
	vm8 =	vgt.f32 v3, v6;
	vm10 =	vgt.f32 v7, v9  }
0x3d: {  	v10 =	vsel vm8, v3, v6;
	v11 =	vsel vm8, v4, v8;
	v3 =	vsel vm8, v6, v3  }
0x3e: {  	v4 =	vsel vm8, v8, v4;
	v36 =	vsel vm10, v9, v7;
	v7 =	vsel vm10, v7, v9  }
0x3f: {  	v43 =	vld [tilespmem:s15+$0x280];
	v37 =	vsel vm10, $0x3, v34;
	v5 =	vnsel vm10, $0x3, v34;
	vm9 =	vgt.f32 v3, $-1.000000000e+00  }
0x40: {  	vm11 =	vgt.f32 v36, v10;
	vm13 =	vgt.f32 v35, v7;
	v3 =	vnsel vm9, $0xBF800000, v3  }
0x41: {  	v4 =	vnsel vm9, $0x0, v4;
	v12 =	vsel vm11, v36, v10;
	v8 =	vsel vm11, v10, v36  }
0x42: {  	v38 =	vsel vm11, v5, v11;
	v5 =	vsel vm11, v11, v5;
	v13 =	vsel vm13, v7, v35  }
0x43: {  	v41 =	vsel vm13, v35, v7;
	v14 =	vsel vm13, $0x4, v37;
	v9 =	vnsel vm13, $0x4, v37  }
0x44: {  	vm12 =	vgt.f32 v8, v3;
	vm14 =	vgt.f32 v13, v12;
	vm5 =	vgt.f32 v43, v41  }
0x45: {  	v50 =	vld [tilespmem:s15+$0x300];
	v39 =	vsel vm12, v8, v3;
	v3 =	vsel vm12, v3, v8;
	v40 =	vsel vm12, v5, v4  }
0x46: {  	v4 =	vsel vm12, v4, v5;
	v42 =	vsel vm14, v12, v13;
	v12 =	vsel vm14, v13, v12  }
0x47: {  	v44 =	vsel vm14, v9, v38;
	v9 =	vsel vm14, v38, v9;
	v47 =	vsel vm5, v41, v43  }
0x48: {  	v5 =	vsel vm5, v43, v41;
	v48 =	vsel vm5, $0x5, v14;
	v14 =	vnsel vm5, $0x5, v14  }
0x49: {  	vm2 =	vgt.f32 v3, $-1.000000000e+00;
	vm15 =	vgt.f32 v42, v39;
	vm7 =	vgt.f32 v47, v12  }
0x4a: {  	vm11 =	vgt.f32 v50, v5;
	v3 =	vnsel vm2, $0xBF800000, v3;
	v4 =	vnsel vm2, $0x0, v4  }
0x4b: {  	v15 =	vsel vm15, v39, v42;
	v6 =	vsel vm15, v42, v39;
	v10 =	vsel vm15, v9, v40  }
0x4c: {  	v8 =	vsel vm15, v40, v9;
	v49 =	vsel vm7, v12, v47;
	v16 =	vsel vm7, v14, v44  }
0x4d: {  	v13 =	vsel vm7, v44, v14;
	v17 =	vsel vm11, v5, v50;
	v5 =	vsel vm11, v50, v5  }
0x4e: {  	v58 =	vsel vm11, $0x6, v48;
	v7 =	vnsel vm11, $0x6, v48;
	vm4 =	vgt.f32 v15, v3  }
0x4f: {  	vm8 =	vgt.f32 v49, v6;
	v45 =	vsel vm4, v15, v3;
	v46 =	vsel vm4, v8, v4  }
0x50: {  	v3 =	vsel vm4, v3, v15;
	v4 =	vsel vm4, v4, v8;
	v8 =	vsel vm7, v47, v12  }
0x51: {  	v60 =	vld [tilespmem:s15+$0x380];
	v51 =	vsel vm8, v6, v49;
	v6 =	vsel vm8, v49, v6;
	v52 =	vsel vm8, v13, v10  }
0x52: {  	v10 =	vsel vm8, v10, v13;
	vm6 =	vgt.f32 v3, $-1.000000000e+00;
	vm9 =	vgt.f32 v51, v45  }
0x53: {  	vm13 =	vgt.f32 v17, v8;
	v3 =	vnsel vm6, $0xBF800000, v3;
	v4 =	vnsel vm6, $0x0, v4  }
0x54: {  	v53 =	vsel vm9, v51, v45;
	v9 =	vsel vm9, v45, v51;
	v54 =	vsel vm9, v10, v46  }
0x55: {  	v10 =	vsel vm9, v46, v10;
	v57 =	vsel vm13, v8, v17;
	v8 =	vsel vm13, v17, v8  }
0x56: {  	v59 =	vsel vm13, v7, v16;
	v7 =	vsel vm13, v16, v7;
	vm6 =	vgt.f32 v60, v5  }
0x57: {  	v32 =	vld [tilespmem:s15+$0xC00];
	vm10 =	vgt.f32 v9, v3;
	vm14 =	vgt.f32 v57, v6;
	v19 =	vsel vm6, v5, v60  }
0x58: {  	v5 =	vsel vm6, v60, v5;
	v28 =	vsel vm6, $0x7, v58;
	v12 =	vnsel vm6, $0x7, v58  }
0x59: {  	v55 =	vsel vm10, v9, v3;
	v3 =	vsel vm10, v3, v9;
	v56 =	vsel vm10, v10, v4  }
0x5a: {  	v4 =	vsel vm10, v4, v10;
	v18 =	vsel vm14, v6, v57;
	v6 =	vsel vm14, v57, v6  }
0x5b: {  	v16 =	vsel vm14, v7, v52;
	v7 =	vsel vm14, v52, v7;
	vm8 =	vgt.f32 v19, v8  }
0x5c: {  	vm14 =	vgt.f32 v32, v5;
	vm12 =	vgt.f32 v3, $-1.000000000e+00;
	vm15 =	vgt.f32 v18, v53  }
0x5d: {  	v27 =	vsel vm8, v8, v19;
	v8 =	vsel vm8, v19, v8;
	v29 =	vsel vm8, v12, v59  }
0x5e: {  	v12 =	vsel vm8, v59, v12;
	v38 =	vsel vm14, v5, v32;
	v5 =	vsel vm14, v32, v5  }
0x5f: {  	v41 =	vsel vm14, $0x8, v28;
	v10 =	vnsel vm14, $0x8, v28;
	v3 =	vnsel vm12, $0xBF800000, v3  }
0x60: {  	v44 =	vld [tilespmem:s15+$0xC80];
	v4 =	vnsel vm12, $0x0, v4;
	v61 =	vsel vm15, v53, v18;
	v13 =	vsel vm15, v18, v53  }
0x61: {  	v62 =	vsel vm15, v7, v54;
	v7 =	vsel vm15, v54, v7;
	vm9 =	vgt.f32 v27, v6  }
0x62: {  	vm3 =	vgt.f32 v38, v8;
	vm4 =	vgt.f32 v61, v55;
	v20 =	vsel vm9, v6, v27  }
0x63: {  	v6 =	vsel vm9, v27, v6;
	v30 =	vsel vm9, v12, v16;
	v12 =	vsel vm9, v16, v12  }
0x64: {  	v40 =	vsel vm3, v8, v38;
	v8 =	vsel vm3, v38, v8;
	v42 =	vsel vm3, v10, v29  }
0x65: {  	v10 =	vsel vm3, v29, v10;
	vm9 =	vgt.f32 v44, v5;
	v63 =	vsel vm4, v61, v55  }
0x66: {  	v11 =	vsel vm4, v55, v61;
	v24 =	vsel vm4, v7, v56;
	v7 =	vsel vm4, v56, v7  }
0x67: {  	vm10 =	vgt.f32 v20, v13;
	vm4 =	vgt.f32 v40, v6;
	v51 =	vsel vm9, v5, v44  }
0x68: {  	v5 =	vsel vm9, v44, v5;
	v53 =	vsel vm9, $0x9, v41;
	v54 =	vnsel vm9, $0x9, v41  }
0x69: {  	vm5 =	vgt.f32 v11, v3;
	v31 =	vsel vm10, v13, v20;
	v13 =	vsel vm10, v20, v13  }
0x6a: {  	v33 =	vsel vm10, v12, v62;
	v12 =	vsel vm10, v62, v12;
	v22 =	vsel vm4, v6, v40  }
0x6b: {  	v6 =	vsel vm4, v40, v6;
	v19 =	vsel vm4, v10, v30;
	v25 =	vsel vm5, v11, v3  }
0x6c: {  	v59 =	vld [tilespmem:s15+$0xD00];
	v3 =	vsel vm5, v3, v11;
	v26 =	vsel vm5, v7, v4;
	v4 =	vsel vm5, v4, v7  }
0x6d: {  	vm11 =	vgt.f32 v31, v63;
	vm5 =	vgt.f32 v22, v13;
	v7 =	vsel vm4, v30, v10  }
0x6e: {  	vm7 =	vgt.f32 v3, $-1.000000000e+00;
	v34 =	vsel vm11, v31, v63;
	v14 =	vsel vm11, v63, v31  }
0x6f: {  	v35 =	vsel vm11, v12, v24;
	v12 =	vsel vm11, v24, v12;
	v43 =	vsel vm5, v13, v22  }
0x70: {  	v13 =	vsel vm5, v22, v13;
	v45 =	vsel vm5, v7, v33;
	v7 =	vsel vm5, v33, v7  }
0x71: {  	vm11 =	vgt.f32 v51, v8;
	vm5 =	vgt.f32 v59, v5;
	v3 =	vnsel vm7, $0xBF800000, v3  }
0x72: {  	v4 =	vnsel vm7, $0x0, v4;
	vm12 =	vgt.f32 v14, v25;
	vm6 =	vgt.f32 v43, v34  }
0x73: {  	v52 =	vsel vm11, v8, v51;
	v8 =	vsel vm11, v51, v8;
	v56 =	vsel vm11, v54, v42  }
0x74: {  	v27 =	vsel vm5, v5, v59;
	v5 =	vsel vm5, v59, v5;
	v29 =	vsel vm5, $0xA, v53  }
0x75: {  	v10 =	vnsel vm5, $0xA, v53;
	v36 =	vsel vm12, v14, v25;
	v21 =	vsel vm12, v12, v26  }
0x76: {  	v9 =	vsel vm12, v25, v14;
	v11 =	vsel vm12, v26, v12;
	v23 =	vsel vm6, v34, v43  }
0x77: {  	v46 =	vsel vm6, v7, v35;
	v7 =	vsel vm6, v35, v7;
	vm12 =	vgt.f32 v52, v6  }
0x78: {  	vm13 =	vgt.f32 v9, v3;
	vm7 =	vgt.f32 v23, v36;
	v55 =	vsel vm12, v6, v52  }
0x79: {  	v6 =	vsel vm12, v52, v6;
	v37 =	vsel vm13, v9, v3;
	v3 =	vsel vm13, v3, v9  }
0x7a: {  	v39 =	vsel vm13, v11, v4;
	v4 =	vsel vm13, v4, v11;
	v11 =	vsel vm6, v43, v34  }
0x7b: {  	v47 =	vsel vm7, v36, v23;
	v15 =	vsel vm7, v23, v36;
	v48 =	vsel vm7, v7, v21  }
0x7c: {  	v7 =	vsel vm7, v21, v7;
	v9 =	vsel vm11, v42, v54;
	vm13 =	vgt.f32 v55, v13  }
0x7d: {  	vm7 =	vgt.f32 v27, v8;
	vm15 =	vgt.f32 v3, $-1.000000000e+00;
	vm8 =	vgt.f32 v47, v37  }
0x7e: {  	v57 =	vsel vm12, v9, v19;
	v58 =	vsel vm13, v13, v55;
	v9 =	vsel vm12, v19, v9  }
0x7f: {  	v13 =	vsel vm13, v55, v13;
	v28 =	vsel vm7, v8, v27;
	v8 =	vsel vm7, v27, v8  }
0x80: {  	v30 =	vsel vm7, v10, v56;
	v10 =	vsel vm7, v56, v10;
	v3 =	vnsel vm15, $0xBF800000, v3  }
0x81: {  	v4 =	vnsel vm15, $0x0, v4;
	v49 =	vsel vm8, v47, v37;
	v50 =	vsel vm8, v7, v39  }
0x82: {  	v12 =	vsel vm8, v37, v47;
	v7 =	vsel vm8, v39, v7;
	vm14 =	vgt.f32 v58, v11  }
0x83: {  	v60 =	vsel vm13, v9, v45;
	v9 =	vsel vm13, v45, v9;
	vm8 =	vgt.f32 v28, v6  }
0x84: {  	vm10 =	vgt.f32 v12, v3;
	v61 =	vsel vm14, v11, v58;
	v11 =	vsel vm14, v58, v11  }
0x85: {  	v62 =	vsel vm14, v9, v46;
	v9 =	vsel vm14, v46, v9;
	v31 =	vsel vm8, v6, v28  }
0x86: {  	v34 =	vld [tilespmem:s15+$0xD80];
	v6 =	vsel vm8, v28, v6;
	v32 =	vsel vm8, v10, v57;
	v3 =	vsel vm10, v12, v3  }
0x87: {  	v4 =	vsel vm10, v7, v4;
	vm15 =	vgt.f32 v61, v15;
	vm9 =	vgt.f32 v31, v13  }
0x88: {  	v7 =	vsel vm8, v57, v10;
	v63 =	vsel vm15, v61, v15;
	v15 =	vsel vm15, v15, v61  }
0x89: {  	v24 =	vsel vm15, v9, v48;
	v9 =	vsel vm15, v48, v9;
	v33 =	vsel vm9, v13, v31  }
0x8a: {  	v13 =	vsel vm9, v31, v13;
	v35 =	vsel vm9, v7, v60;
	v7 =	vsel vm9, v60, v7  }
0x8b: {  	v47 =	vld [tilespmem:s15+$0xE00];
	vm13 =	vgt.f32 v34, v5;
	vm4 =	vgt.f32 v15, v49;
	vm10 =	vgt.f32 v33, v11  }
0x8c: {  	v40 =	vsel vm13, v5, v34;
	v5 =	vsel vm13, v34, v5;
	v43 =	vsel vm13, $0xB, v29  }
0x8d: {  	v14 =	vnsel vm13, $0xB, v29;
	v25 =	vsel vm4, v15, v49;
	v15 =	vsel vm4, v49, v15  }
0x8e: {  	v26 =	vsel vm4, v9, v50;
	v9 =	vsel vm4, v50, v9;
	v36 =	vsel vm10, v33, v11  }
0x8f: {  	v10 =	vsel vm10, v11, v33;
	v37 =	vsel vm10, v7, v62;
	v7 =	vsel vm10, v62, v7  }
0x90: {  	vm15 =	vgt.f32 v40, v8;
	vm9 =	vgt.f32 v47, v5;
	vm6 =	vgt.f32 v15, v3  }
0x91: {  	vm11 =	vgt.f32 v10, v63;
	v42 =	vsel vm15, v8, v40;
	v8 =	vsel vm15, v40, v8  }
0x92: {  	v45 =	vsel vm15, v14, v30;
	v14 =	vsel vm15, v30, v14;
	v54 =	vsel vm9, v5, v47  }
0x93: {  	v5 =	vsel vm9, v47, v5;
	v56 =	vsel vm9, $0xC, v43;
	v3 =	vsel vm6, v15, v3  }
0x94: {  	v4 =	vsel vm6, v9, v4;
	v38 =	vsel vm11, v10, v63;
	v39 =	vsel vm11, v7, v24  }
0x95: {  	v10 =	vsel vm11, v63, v10;
	v7 =	vsel vm11, v24, v7;
	vm4 =	vgt.f32 v42, v6  }
0x96: {  	vm11 =	vgt.f32 v54, v8;
	vm12 =	vgt.f32 v10, v25;
	v44 =	vsel vm4, v6, v42  }
0x97: {  	v6 =	vsel vm4, v42, v6;
	v15 =	vsel vm4, v14, v32;
	v9 =	vsel vm4, v32, v14  }
0x98: {  	v61 =	vld [tilespmem:s15+$0xE80];
	v55 =	vsel vm11, v8, v54;
	v8 =	vsel vm11, v54, v8;
	v18 =	vsel vm12, v10, v25  }
0x99: {  	v10 =	vsel vm12, v25, v10;
	v41 =	vsel vm12, v7, v26;
	v7 =	vsel vm12, v26, v7  }
0x9a: {  	vm5 =	vgt.f32 v44, v13;
	vm12 =	vgt.f32 v55, v6;
	vm14 =	vgt.f32 v10, v3  }
0x9b: {  	v46 =	vsel vm5, v13, v44;
	v13 =	vsel vm5, v44, v13;
	v48 =	vsel vm5, v9, v35  }
0x9c: {  	v9 =	vsel vm5, v35, v9;
	v57 =	vsel vm12, v6, v55;
	v6 =	vsel vm12, v55, v6  }
0x9d: {  	vm5 =	vgt.f32 v61, v5;
	v3 =	vsel vm14, v10, v3;
	v4 =	vsel vm14, v7, v4  }
0x9e: {  	vm6 =	vgt.f32 v46, v36;
	v7 =	vnsel vm9, $0xC, v43;
	vm13 =	vgt.f32 v57, v13  }
0x9f: {  	v27 =	vsel vm5, v5, v61;
	v5 =	vsel vm5, v61, v5;
	v29 =	vsel vm5, $0xD, v56  }
0xa0: {  	v49 =	vsel vm6, v36, v46;
	v10 =	vsel vm6, v46, v36;
	v50 =	vsel vm6, v9, v37  }
0xa1: {  	v9 =	vsel vm6, v37, v9;
	v58 =	vsel vm11, v7, v45;
	v7 =	vsel vm11, v45, v7  }
0xa2: {  	v34 =	vld [tilespmem:s15+$0xF00];
	v60 =	vsel vm13, v13, v57;
	v13 =	vsel vm13, v57, v13;
	vm7 =	vgt.f32 v49, v38  }
0xa3: {  	v59 =	vsel vm12, v7, v15;
	v7 =	vsel vm12, v15, v7;
	vm14 =	vgt.f32 v60, v10  }
0xa4: {  	v51 =	vsel vm7, v38, v49;
	v12 =	vsel vm7, v49, v38;
	v52 =	vsel vm7, v9, v39  }
0xa5: {  	v9 =	vsel vm7, v39, v9;
	v15 =	vsel vm13, v7, v48;
	v7 =	vsel vm13, v48, v7  }
0xa6: {  	v62 =	vsel vm14, v10, v60;
	v10 =	vsel vm14, v60, v10;
	vm7 =	vgt.f32 v27, v8  }
0xa7: {  	vm13 =	vgt.f32 v34, v5;
	vm8 =	vgt.f32 v51, v18;
	v63 =	vsel vm14, v7, v50  }
0xa8: {  	vm15 =	vgt.f32 v62, v12;
	v7 =	vsel vm14, v50, v7;
	v28 =	vsel vm7, v8, v27  }
0xa9: {  	v8 =	vsel vm7, v27, v8;
	v44 =	vsel vm13, $0xE, v29;
	v53 =	vsel vm8, v51, v18  }
0xaa: {  	v23 =	vsel vm8, v9, v41;
	v11 =	vsel vm8, v18, v51;
	v9 =	vsel vm8, v41, v9  }
0xab: {  	v24 =	vsel vm15, v62, v12;
	v12 =	vsel vm15, v12, v62;
	v25 =	vsel vm15, v7, v52  }
0xac: {  	v7 =	vsel vm15, v52, v7;
	vm8 =	vgt.f32 v28, v6;
	v41 =	vsel vm13, v5, v34  }
0xad: {  	v5 =	vsel vm13, v34, v5;
	vm10 =	vgt.f32 v11, v3;
	vm4 =	vgt.f32 v12, v53  }
0xae: {  	v31 =	vsel vm8, v6, v28;
	v6 =	vsel vm8, v28, v6;
	vm15 =	vgt.f32 v41, v8  }
0xaf: {  	v3 =	vsel vm10, v11, v3;
	v4 =	vsel vm10, v9, v4;
	v26 =	vsel vm4, v12, v53  }
0xb0: {  	v12 =	vsel vm4, v53, v12;
	v21 =	vsel vm4, v7, v23;
	v7 =	vsel vm4, v23, v7  }
0xb1: {  	v11 =	vnsel vm5, $0xD, v56;
	vm9 =	vgt.f32 v31, v13;
	v43 =	vsel vm15, v8, v41  }
0xb2: {  	v8 =	vsel vm15, v41, v8;
	vm6 =	vgt.f32 v12, v3;
	v30 =	vsel vm7, v11, v58  }
0xb3: {  	v11 =	vsel vm7, v58, v11;
	v33 =	vsel vm9, v13, v31;
	v13 =	vsel vm9, v31, v13  }
0xb4: {  	v48 =	vld [tilespmem:s15+$0xF80];
	vm4 =	vgt.f32 v43, v6;
	v3 =	vsel vm6, v12, v3;
	v4 =	vsel vm6, v7, v4  }
0xb5: {  	v32 =	vsel vm8, v11, v59;
	v9 =	vsel vm8, v59, v11;
	vm10 =	vgt.f32 v33, v10  }
0xb6: {  	v12 =	vnsel vm13, $0xE, v29;
	v45 =	vsel vm4, v6, v43;
	v6 =	vsel vm4, v43, v6  }
0xb7: {  	v35 =	vsel vm9, v9, v15;
	v9 =	vsel vm9, v15, v9;
	v36 =	vsel vm10, v33, v10  }
0xb8: {  	v10 =	vsel vm10, v10, v33;
	v46 =	vsel vm15, v12, v30;
	vm5 =	vgt.f32 v45, v13  }
0xb9: {  	v12 =	vsel vm15, v30, v12;
	vm9 =	vgt.f32 v48, v5;
	v37 =	vsel vm10, v9, v63  }
0xba: {  	v62 =	vld [tilespmem:s15+$0x1800];
	v9 =	vsel vm10, v63, v9;
	vm11 =	vgt.f32 v10, v24;
	v47 =	vsel vm5, v13, v45  }
0xbb: {  	v14 =	vsel vm4, v12, v32;
	v7 =	vsel vm4, v32, v12;
	v13 =	vsel vm5, v45, v13  }
0xbc: {  	v55 =	vsel vm9, v5, v48;
	v5 =	vsel vm9, v48, v5;
	v57 =	vsel vm9, $0xF, v44  }
0xbd: {  	v38 =	vsel vm11, v10, v24;
	v39 =	vsel vm11, v9, v25;
	v10 =	vsel vm11, v24, v10  }
0xbe: {  	v9 =	vsel vm11, v25, v9;
	vm6 =	vgt.f32 v47, v36;
	v49 =	vsel vm5, v7, v35  }
0xbf: {  	v7 =	vsel vm5, v35, v7;
	vm11 =	vgt.f32 v55, v8;
	vm5 =	vgt.f32 v62, v5  }
0xc0: {  	vm12 =	vgt.f32 v10, v26;
	v50 =	vsel vm6, v36, v47;
	v51 =	vsel vm6, v7, v37  }
0xc1: {  	v7 =	vsel vm6, v37, v7;
	v56 =	vsel vm11, v8, v55;
	v8 =	vsel vm11, v55, v8  }
0xc2: {  	v28 =	vsel vm5, v5, v62;
	v5 =	vsel vm5, v62, v5;
	v30 =	vsel vm5, $0x10, v57  }
0xc3: {  	v40 =	vsel vm12, v10, v26;
	v10 =	vsel vm12, v26, v10;
	v42 =	vsel vm12, v9, v21  }
0xc4: {  	v9 =	vsel vm12, v21, v9;
	vm7 =	vgt.f32 v50, v38;
	vm12 =	vgt.f32 v56, v6  }
0xc5: {  	vm14 =	vgt.f32 v10, v3;
	v52 =	vsel vm7, v38, v50;
	v19 =	vsel vm7, v50, v38  }
0xc6: {  	v53 =	vsel vm7, v7, v39;
	v7 =	vsel vm7, v39, v7;
	v58 =	vsel vm12, v6, v56  }
0xc7: {  	v6 =	vsel vm12, v56, v6;
	vm7 =	vgt.f32 v28, v8;
	v3 =	vsel vm14, v10, v3  }
0xc8: {  	v4 =	vsel vm14, v9, v4;
	v10 =	vsel vm6, v47, v36;
	vm8 =	vgt.f32 v52, v40  }
0xc9: {  	v9 =	vnsel vm9, $0xF, v44;
	vm13 =	vgt.f32 v58, v13;
	v29 =	vsel vm7, v8, v28  }
0xca: {  	v8 =	vsel vm7, v28, v8;
	v54 =	vsel vm8, v52, v40;
	v23 =	vsel vm8, v7, v42  }
0xcb: {  	v11 =	vsel vm8, v40, v52;
	v7 =	vsel vm8, v42, v7;
	v59 =	vsel vm11, v9, v46  }
0xcc: {  	v9 =	vsel vm11, v46, v9;
	v61 =	vsel vm13, v13, v58;
	v12 =	vsel vm13, v58, v13  }
0xcd: {  	v35 =	vld [tilespmem:s15+$0x1880];
	vm8 =	vgt.f32 v29, v6;
	vm10 =	vgt.f32 v11, v3;
	v60 =	vsel vm12, v9, v14  }
0xce: {  	v9 =	vsel vm12, v14, v9;
	vm14 =	vgt.f32 v61, v10;
	v32 =	vsel vm8, v6, v29  }
0xcf: {  	v6 =	vsel vm8, v29, v6;
	v3 =	vsel vm10, v11, v3;
	v4 =	vsel vm10, v7, v4  }
0xd0: {  	v14 =	vsel vm13, v9, v49;
	v9 =	vsel vm13, v49, v9;
	v63 =	vsel vm14, v10, v61  }
0xd1: {  	v10 =	vsel vm14, v61, v10;
	v11 =	vnsel vm5, $0x10, v57;
	vm9 =	vgt.f32 v32, v12  }
0xd2: {  	vm13 =	vgt.f32 v35, v5;
	v24 =	vsel vm14, v9, v51;
	vm15 =	vgt.f32 v63, v19  }
0xd3: {  	v9 =	vsel vm14, v51, v9;
	v31 =	vsel vm7, v11, v59;
	v11 =	vsel vm7, v59, v11  }
0xd4: {  	v34 =	vsel vm9, v12, v32;
	v12 =	vsel vm9, v32, v12;
	v41 =	vsel vm13, v5, v35  }
0xd5: {  	v5 =	vsel vm13, v35, v5;
	v44 =	vsel vm13, $0x11, v30;
	v13 =	vnsel vm13, $0x11, v30  }
0xd6: {  	v48 =	vld [tilespmem:s15+$0x1900];
	v25 =	vsel vm15, v63, v19;
	v18 =	vsel vm15, v19, v63;
	v26 =	vsel vm15, v9, v53  }
0xd7: {  	v9 =	vsel vm15, v53, v9;
	v33 =	vsel vm8, v11, v60;
	v7 =	vsel vm8, v60, v11  }
0xd8: {  	vm10 =	vgt.f32 v34, v10;
	vm15 =	vgt.f32 v41, v8;
	vm4 =	vgt.f32 v18, v54  }
0xd9: {  	v36 =	vsel vm9, v7, v14;
	v7 =	vsel vm9, v14, v7;
	v37 =	vsel vm10, v34, v10  }
0xda: {  	v10 =	vsel vm10, v10, v34;
	v43 =	vsel vm15, v8, v41;
	v8 =	vsel vm15, v41, v8  }
0xdb: {  	v46 =	vsel vm15, v13, v31;
	v13 =	vsel vm15, v31, v13;
	vm9 =	vgt.f32 v48, v5  }
0xdc: {  	v27 =	vsel vm4, v18, v54;
	v18 =	vsel vm4, v54, v18;
	v21 =	vsel vm4, v9, v23  }
0xdd: {  	v9 =	vsel vm4, v23, v9;
	v38 =	vsel vm10, v7, v24;
	v7 =	vsel vm10, v24, v7  }
0xde: {  	vm11 =	vgt.f32 v10, v25;
	vm4 =	vgt.f32 v43, v6;
	v55 =	vsel vm9, v5, v48  }
0xdf: {  	v5 =	vsel vm9, v48, v5;
	v57 =	vsel vm9, $0x12, v44;
	vm6 =	vgt.f32 v18, v3  }
0xe0: {  	v39 =	vsel vm11, v10, v25;
	v40 =	vsel vm11, v7, v26;
	v10 =	vsel vm11, v25, v10  }
0xe1: {  	v7 =	vsel vm11, v26, v7;
	v45 =	vsel vm4, v6, v43;
	v6 =	vsel vm4, v43, v6  }
0xe2: {  	vm11 =	vgt.f32 v55, v8;
	v3 =	vsel vm6, v18, v3;
	v4 =	vsel vm6, v9, v4  }
0xe3: {  	v62 =	vld [tilespmem:s15+$0x1980];
	vm12 =	vgt.f32 v10, v27;
	vm5 =	vgt.f32 v45, v12;
	v18 =	vsel vm4, v13, v33  }
0xe4: {  	v9 =	vsel vm4, v33, v13;
	v56 =	vsel vm11, v8, v55;
	v8 =	vsel vm11, v55, v8  }
0xe5: {  	v15 =	vsel vm12, v10, v27;
	v10 =	vsel vm12, v27, v10;
	v42 =	vsel vm12, v7, v21  }
0xe6: {  	v7 =	vsel vm12, v21, v7;
	v47 =	vsel vm5, v12, v45;
	v12 =	vsel vm5, v45, v12  }
0xe7: {  	v49 =	vsel vm5, v9, v36;
	v9 =	vsel vm5, v36, v9;
	vm12 =	vgt.f32 v56, v6  }
0xe8: {  	vm5 =	vgt.f32 v62, v5;
	vm14 =	vgt.f32 v10, v3;
	vm6 =	vgt.f32 v47, v37  }
0xe9: {  	v58 =	vsel vm12, v6, v56;
	v6 =	vsel vm12, v56, v6;
	v28 =	vsel vm5, v5, v62  }
0xea: {  	v5 =	vsel vm5, v62, v5;
	v30 =	vsel vm5, $0x13, v57;
	v3 =	vsel vm14, v10, v3  }
0xeb: {  	v4 =	vsel vm14, v7, v4;
	v50 =	vsel vm6, v37, v47;
	v10 =	vsel vm6, v47, v37  }
0xec: {  	v51 =	vsel vm6, v9, v38;
	v9 =	vsel vm6, v38, v9;
	v7 =	vnsel vm9, $0x12, v44  }
0xed: {  	vm13 =	vgt.f32 v58, v12;
	vm7 =	vgt.f32 v50, v39;
	v59 =	vsel vm11, v7, v46  }
0xee: {  	v7 =	vsel vm11, v46, v7;
	v61 =	vsel vm13, v12, v58;
	v12 =	vsel vm13, v58, v12  }
0xef: {  	v35 =	vld [tilespmem:s15+$0x1A00];
	v52 =	vsel vm7, v39, v50;
	v17 =	vsel vm7, v50, v39;
	v53 =	vsel vm7, v9, v40  }
0xf0: {  	v9 =	vsel vm7, v40, v9;
	v60 =	vsel vm12, v7, v18;
	v7 =	vsel vm12, v18, v7  }
0xf1: {  	vm14 =	vgt.f32 v61, v10;
	vm7 =	vgt.f32 v28, v8;
	vm8 =	vgt.f32 v52, v15  }
0xf2: {  	v18 =	vsel vm13, v7, v49;
	v7 =	vsel vm13, v49, v7;
	v63 =	vsel vm14, v10, v61  }
0xf3: {  	v10 =	vsel vm14, v61, v10;
	v29 =	vsel vm7, v8, v28;
	v8 =	vsel vm7, v28, v8  }
0xf4: {  	vm13 =	vgt.f32 v35, v5;
	v54 =	vsel vm8, v52, v15;
	v23 =	vsel vm8, v9, v42  }
0xf5: {  	v11 =	vsel vm8, v15, v52;
	v9 =	vsel vm8, v42, v9;
	v24 =	vsel vm14, v7, v51  }
0xf6: {  	vm15 =	vgt.f32 v63, v17;
	v7 =	vsel vm14, v51, v7;
	vm8 =	vgt.f32 v29, v6  }
0xf7: {  	v41 =	vsel vm13, v5, v35;
	v5 =	vsel vm13, v35, v5;
	v44 =	vsel vm13, $0x14, v30  }
0xf8: {  	v13 =	vnsel vm13, $0x14, v30;
	vm10 =	vgt.f32 v11, v3;
	v25 =	vsel vm15, v63, v17  }
0xf9: {  	v16 =	vsel vm15, v17, v63;
	v26 =	vsel vm15, v7, v53;
	v7 =	vsel vm15, v53, v7  }
0xfa: {  	v32 =	vsel vm8, v6, v29;
	v6 =	vsel vm8, v29, v6;
	vm15 =	vgt.f32 v41, v8  }
0xfb: {  	v3 =	vsel vm10, v11, v3;
	v4 =	vsel vm10, v9, v4;
	vm4 =	vgt.f32 v16, v54  }
0xfc: {  	v11 =	vnsel vm5, $0x13, v57;
	vm9 =	vgt.f32 v32, v12;
	v43 =	vsel vm15, v8, v41  }
0xfd: {  	v8 =	vsel vm15, v41, v8;
	v27 =	vsel vm4, v16, v54;
	v16 =	vsel vm4, v54, v16  }
0xfe: {  	v21 =	vsel vm4, v7, v23;
	v7 =	vsel vm4, v23, v7;
	v31 =	vsel vm7, v11, v59  }
0xff: {  	v11 =	vsel vm7, v59, v11;
	v34 =	vsel vm9, v12, v32;
	v12 =	vsel vm9, v32, v12  }
0x100: {  	vm4 =	vgt.f32 v43, v6;
	vm6 =	vgt.f32 v16, v3;
	v33 =	vsel vm8, v11, v60  }
0x101: {  	v48 =	vld [tilespmem:s15+$0x1A80];
	v9 =	vsel vm8, v60, v11;
	vm10 =	vgt.f32 v34, v10;
	v45 =	vsel vm4, v6, v43  }
0x102: {  	v46 =	vsel vm15, v13, v31;
	v13 =	vsel vm15, v31, v13;
	v6 =	vsel vm4, v43, v6  }
0x103: {  	v3 =	vsel vm6, v16, v3;
	v4 =	vsel vm6, v7, v4;
	v36 =	vsel vm9, v9, v18  }
0x104: {  	v9 =	vsel vm9, v18, v9;
	v37 =	vsel vm10, v34, v10;
	v10 =	vsel vm10, v10, v34  }
0x105: {  	vm5 =	vgt.f32 v45, v12;
	v16 =	vsel vm4, v13, v33;
	v7 =	vsel vm4, v33, v13  }
0x106: {  	v62 =	vld [tilespmem:s15+$0x1B00];
	vm9 =	vgt.f32 v48, v5;
	v38 =	vsel vm10, v9, v24;
	v9 =	vsel vm10, v24, v9  }
0x107: {  	vm11 =	vgt.f32 v10, v25;
	v47 =	vsel vm5, v12, v45;
	v12 =	vsel vm5, v45, v12  }
0x108: {  	v49 =	vsel vm5, v7, v36;
	v7 =	vsel vm5, v36, v7;
	v55 =	vsel vm9, v5, v48  }
0x109: {  	v5 =	vsel vm9, v48, v5;
	v57 =	vsel vm9, $0x15, v44;
	v39 =	vsel vm11, v10, v25  }
0x10a: {  	v40 =	vsel vm11, v9, v26;
	v10 =	vsel vm11, v25, v10;
	v9 =	vsel vm11, v26, v9  }
0x10b: {  	vm6 =	vgt.f32 v47, v37;
	vm11 =	vgt.f32 v55, v8;
	vm5 =	vgt.f32 v62, v5  }
0x10c: {  	vm12 =	vgt.f32 v10, v27;
	v50 =	vsel vm6, v37, v47;
	v51 =	vsel vm6, v7, v38  }
0x10d: {  	v7 =	vsel vm6, v38, v7;
	v56 =	vsel vm11, v8, v55;
	v8 =	vsel vm11, v55, v8  }
0x10e: {  	v28 =	vsel vm5, v5, v62;
	v5 =	vsel vm5, v62, v5;
	v30 =	vsel vm5, $0x16, v57  }
0x10f: {  	v14 =	vsel vm12, v10, v27;
	v10 =	vsel vm12, v27, v10;
	v42 =	vsel vm12, v9, v21  }
0x110: {  	v9 =	vsel vm12, v21, v9;
	vm7 =	vgt.f32 v50, v39;
	vm12 =	vgt.f32 v56, v6  }
0x111: {  	vm14 =	vgt.f32 v10, v3;
	v52 =	vsel vm7, v39, v50;
	v19 =	vsel vm7, v50, v39  }
0x112: {  	v53 =	vsel vm7, v7, v40;
	v7 =	vsel vm7, v40, v7;
	v58 =	vsel vm12, v6, v56  }
0x113: {  	v6 =	vsel vm12, v56, v6;
	vm7 =	vgt.f32 v28, v8;
	v3 =	vsel vm14, v10, v3  }
0x114: {  	v4 =	vsel vm14, v9, v4;
	v10 =	vsel vm6, v47, v37;
	vm8 =	vgt.f32 v52, v14  }
0x115: {  	v9 =	vnsel vm9, $0x15, v44;
	vm13 =	vgt.f32 v58, v12;
	v29 =	vsel vm7, v8, v28  }
0x116: {  	v8 =	vsel vm7, v28, v8;
	v54 =	vsel vm8, v52, v14;
	v23 =	vsel vm8, v7, v42  }
0x117: {  	v11 =	vsel vm8, v14, v52;
	v7 =	vsel vm8, v42, v7;
	v59 =	vsel vm11, v9, v46  }
0x118: {  	v9 =	vsel vm11, v46, v9;
	v61 =	vsel vm13, v12, v58;
	v12 =	vsel vm13, v58, v12  }
0x119: {  	v35 =	vld [tilespmem:s15+$0x1B80];
	vm8 =	vgt.f32 v29, v6;
	vm10 =	vgt.f32 v11, v3;
	v60 =	vsel vm12, v9, v16  }
0x11a: {  	v9 =	vsel vm12, v16, v9;
	vm14 =	vgt.f32 v61, v10;
	v32 =	vsel vm8, v6, v29  }
0x11b: {  	v6 =	vsel vm8, v29, v6;
	v3 =	vsel vm10, v11, v3;
	v4 =	vsel vm10, v7, v4  }
0x11c: {  	v16 =	vsel vm13, v9, v49;
	v9 =	vsel vm13, v49, v9;
	v63 =	vsel vm14, v10, v61  }
0x11d: {  	v10 =	vsel vm14, v61, v10;
	v11 =	vnsel vm5, $0x16, v57;
	vm9 =	vgt.f32 v32, v12  }
0x11e: {  	vm13 =	vgt.f32 v35, v5;
	v24 =	vsel vm14, v9, v51;
	vm15 =	vgt.f32 v63, v19  }
0x11f: {  	v9 =	vsel vm14, v51, v9;
	v31 =	vsel vm7, v11, v59;
	v11 =	vsel vm7, v59, v11  }
0x120: {  	v34 =	vsel vm9, v12, v32;
	v12 =	vsel vm9, v32, v12;
	v41 =	vsel vm13, v5, v35  }
0x121: {  	v5 =	vsel vm13, v35, v5;
	v44 =	vsel vm13, $0x17, v30;
	v13 =	vnsel vm13, $0x17, v30  }
0x122: {  	v48 =	vld [tilespmem:s15+$0x2400];
	v25 =	vsel vm15, v63, v19;
	v15 =	vsel vm15, v19, v63;
	v26 =	vsel vm15, v9, v53  }
0x123: {  	v9 =	vsel vm15, v53, v9;
	v33 =	vsel vm8, v11, v60;
	v7 =	vsel vm8, v60, v11  }
0x124: {  	vm10 =	vgt.f32 v34, v10;
	vm15 =	vgt.f32 v41, v8;
	vm4 =	vgt.f32 v15, v54  }
0x125: {  	v36 =	vsel vm9, v7, v16;
	v7 =	vsel vm9, v16, v7;
	v37 =	vsel vm10, v34, v10  }
0x126: {  	v10 =	vsel vm10, v10, v34;
	v43 =	vsel vm15, v8, v41;
	v8 =	vsel vm15, v41, v8  }
0x127: {  	v46 =	vsel vm15, v13, v31;
	v13 =	vsel vm15, v31, v13;
	vm9 =	vgt.f32 v48, v5  }
0x128: {  	v27 =	vsel vm4, v15, v54;
	v15 =	vsel vm4, v54, v15;
	v21 =	vsel vm4, v9, v23  }
0x129: {  	v9 =	vsel vm4, v23, v9;
	v38 =	vsel vm10, v7, v24;
	v7 =	vsel vm10, v24, v7  }
0x12a: {  	vm11 =	vgt.f32 v10, v25;
	vm4 =	vgt.f32 v43, v6;
	v55 =	vsel vm9, v5, v48  }
0x12b: {  	v5 =	vsel vm9, v48, v5;
	v57 =	vsel vm9, $0x18, v44;
	vm6 =	vgt.f32 v15, v3  }
0x12c: {  	v39 =	vsel vm11, v10, v25;
	v40 =	vsel vm11, v7, v26;
	v10 =	vsel vm11, v25, v10  }
0x12d: {  	v7 =	vsel vm11, v26, v7;
	v45 =	vsel vm4, v6, v43;
	v6 =	vsel vm4, v43, v6  }
0x12e: {  	vm11 =	vgt.f32 v55, v8;
	v3 =	vsel vm6, v15, v3;
	v4 =	vsel vm6, v9, v4  }
0x12f: {  	v62 =	vld [tilespmem:s15+$0x2480];
	vm12 =	vgt.f32 v10, v27;
	vm5 =	vgt.f32 v45, v12;
	v15 =	vsel vm4, v13, v33  }
0x130: {  	v9 =	vsel vm4, v33, v13;
	v56 =	vsel vm11, v8, v55;
	v8 =	vsel vm11, v55, v8  }
0x131: {  	v18 =	vsel vm12, v10, v27;
	v10 =	vsel vm12, v27, v10;
	v42 =	vsel vm12, v7, v21  }
0x132: {  	v7 =	vsel vm12, v21, v7;
	v47 =	vsel vm5, v12, v45;
	v12 =	vsel vm5, v45, v12  }
0x133: {  	v49 =	vsel vm5, v9, v36;
	v9 =	vsel vm5, v36, v9;
	vm12 =	vgt.f32 v56, v6  }
0x134: {  	vm5 =	vgt.f32 v62, v5;
	vm14 =	vgt.f32 v10, v3;
	vm6 =	vgt.f32 v47, v37  }
0x135: {  	v58 =	vsel vm12, v6, v56;
	v6 =	vsel vm12, v56, v6;
	v28 =	vsel vm5, v5, v62  }
0x136: {  	v5 =	vsel vm5, v62, v5;
	v30 =	vsel vm5, $0x19, v57;
	v3 =	vsel vm14, v10, v3  }
0x137: {  	v4 =	vsel vm14, v7, v4;
	v50 =	vsel vm6, v37, v47;
	v10 =	vsel vm6, v47, v37  }
0x138: {  	v51 =	vsel vm6, v9, v38;
	v9 =	vsel vm6, v38, v9;
	v7 =	vnsel vm9, $0x18, v44  }
0x139: {  	vm13 =	vgt.f32 v58, v12;
	vm7 =	vgt.f32 v50, v39;
	v59 =	vsel vm11, v7, v46  }
0x13a: {  	v7 =	vsel vm11, v46, v7;
	v61 =	vsel vm13, v12, v58;
	v12 =	vsel vm13, v58, v12  }
0x13b: {  	v35 =	vld [tilespmem:s15+$0x2500];
	v52 =	vsel vm7, v39, v50;
	v17 =	vsel vm7, v50, v39;
	v53 =	vsel vm7, v9, v40  }
0x13c: {  	v9 =	vsel vm7, v40, v9;
	v60 =	vsel vm12, v7, v15;
	v7 =	vsel vm12, v15, v7  }
0x13d: {  	vm14 =	vgt.f32 v61, v10;
	vm7 =	vgt.f32 v28, v8;
	vm8 =	vgt.f32 v52, v18  }
0x13e: {  	v15 =	vsel vm13, v7, v49;
	v7 =	vsel vm13, v49, v7;
	v63 =	vsel vm14, v10, v61  }
0x13f: {  	v10 =	vsel vm14, v61, v10;
	v29 =	vsel vm7, v8, v28;
	v8 =	vsel vm7, v28, v8  }
0x140: {  	vm13 =	vgt.f32 v35, v5;
	v54 =	vsel vm8, v52, v18;
	v23 =	vsel vm8, v9, v42  }
0x141: {  	v11 =	vsel vm8, v18, v52;
	v9 =	vsel vm8, v42, v9;
	v24 =	vsel vm14, v7, v51  }
0x142: {  	vm15 =	vgt.f32 v63, v17;
	v7 =	vsel vm14, v51, v7;
	vm8 =	vgt.f32 v29, v6  }
0x143: {  	v41 =	vsel vm13, v5, v35;
	v5 =	vsel vm13, v35, v5;
	v44 =	vsel vm13, $0x1A, v30  }
0x144: {  	v13 =	vnsel vm13, $0x1A, v30;
	vm10 =	vgt.f32 v11, v3;
	v25 =	vsel vm15, v63, v17  }
0x145: {  	v14 =	vsel vm15, v17, v63;
	v26 =	vsel vm15, v7, v53;
	v7 =	vsel vm15, v53, v7  }
0x146: {  	v32 =	vsel vm8, v6, v29;
	v6 =	vsel vm8, v29, v6;
	vm15 =	vgt.f32 v41, v8  }
0x147: {  	v3 =	vsel vm10, v11, v3;
	v4 =	vsel vm10, v9, v4;
	vm4 =	vgt.f32 v14, v54  }
0x148: {  	v11 =	vnsel vm5, $0x19, v57;
	vm9 =	vgt.f32 v32, v12;
	v43 =	vsel vm15, v8, v41  }
0x149: {  	v8 =	vsel vm15, v41, v8;
	v27 =	vsel vm4, v14, v54;
	v14 =	vsel vm4, v54, v14  }
0x14a: {  	v21 =	vsel vm4, v7, v23;
	v7 =	vsel vm4, v23, v7;
	v31 =	vsel vm7, v11, v59  }
0x14b: {  	v11 =	vsel vm7, v59, v11;
	v34 =	vsel vm9, v12, v32;
	v12 =	vsel vm9, v32, v12  }
0x14c: {  	vm4 =	vgt.f32 v43, v6;
	vm6 =	vgt.f32 v14, v3;
	v33 =	vsel vm8, v11, v60  }
0x14d: {  	v48 =	vld [tilespmem:s15+$0x2580];
	v9 =	vsel vm8, v60, v11;
	vm10 =	vgt.f32 v34, v10;
	v45 =	vsel vm4, v6, v43  }
0x14e: {  	v46 =	vsel vm15, v13, v31;
	v13 =	vsel vm15, v31, v13;
	v6 =	vsel vm4, v43, v6  }
0x14f: {  	v3 =	vsel vm6, v14, v3;
	v4 =	vsel vm6, v7, v4;
	v36 =	vsel vm9, v9, v15  }
0x150: {  	v9 =	vsel vm9, v15, v9;
	v37 =	vsel vm10, v34, v10;
	v10 =	vsel vm10, v10, v34  }
0x151: {  	vm5 =	vgt.f32 v45, v12;
	v14 =	vsel vm4, v13, v33;
	v7 =	vsel vm4, v33, v13  }
0x152: {  	v62 =	vld [tilespmem:s15+$0x2600];
	vm9 =	vgt.f32 v48, v5;
	v38 =	vsel vm10, v9, v24;
	v9 =	vsel vm10, v24, v9  }
0x153: {  	vm11 =	vgt.f32 v10, v25;
	v47 =	vsel vm5, v12, v45;
	v12 =	vsel vm5, v45, v12  }
0x154: {  	v49 =	vsel vm5, v7, v36;
	v7 =	vsel vm5, v36, v7;
	v55 =	vsel vm9, v5, v48  }
0x155: {  	v5 =	vsel vm9, v48, v5;
	v57 =	vsel vm9, $0x1B, v44;
	v39 =	vsel vm11, v10, v25  }
0x156: {  	v40 =	vsel vm11, v9, v26;
	v10 =	vsel vm11, v25, v10;
	v9 =	vsel vm11, v26, v9  }
0x157: {  	vm6 =	vgt.f32 v47, v37;
	vm11 =	vgt.f32 v55, v8;
	vm5 =	vgt.f32 v62, v5  }
0x158: {  	vm12 =	vgt.f32 v10, v27;
	v50 =	vsel vm6, v37, v47;
	v51 =	vsel vm6, v7, v38  }
0x159: {  	v7 =	vsel vm6, v38, v7;
	v56 =	vsel vm11, v8, v55;
	v8 =	vsel vm11, v55, v8  }
0x15a: {  	v28 =	vsel vm5, v5, v62;
	v5 =	vsel vm5, v62, v5;
	v30 =	vsel vm5, $0x1C, v57  }
0x15b: {  	v16 =	vsel vm12, v10, v27;
	v10 =	vsel vm12, v27, v10;
	v42 =	vsel vm12, v9, v21  }
0x15c: {  	v9 =	vsel vm12, v21, v9;
	vm7 =	vgt.f32 v50, v39;
	vm12 =	vgt.f32 v56, v6  }
0x15d: {  	vm14 =	vgt.f32 v10, v3;
	v52 =	vsel vm7, v39, v50;
	v19 =	vsel vm7, v50, v39  }
0x15e: {  	v53 =	vsel vm7, v7, v40;
	v7 =	vsel vm7, v40, v7;
	v58 =	vsel vm12, v6, v56  }
0x15f: {  	v6 =	vsel vm12, v56, v6;
	vm7 =	vgt.f32 v28, v8;
	v3 =	vsel vm14, v10, v3  }
0x160: {  	v4 =	vsel vm14, v9, v4;
	v10 =	vsel vm6, v47, v37;
	vm8 =	vgt.f32 v52, v16  }
0x161: {  	v9 =	vnsel vm9, $0x1B, v44;
	vm13 =	vgt.f32 v58, v12;
	v29 =	vsel vm7, v8, v28  }
0x162: {  	v8 =	vsel vm7, v28, v8;
	v54 =	vsel vm8, v52, v16;
	v23 =	vsel vm8, v7, v42  }
0x163: {  	v11 =	vsel vm8, v16, v52;
	v7 =	vsel vm8, v42, v7;
	v59 =	vsel vm11, v9, v46  }
0x164: {  	v9 =	vsel vm11, v46, v9;
	v61 =	vsel vm13, v12, v58;
	v12 =	vsel vm13, v58, v12  }
0x165: {  	v35 =	vld [tilespmem:s15+$0x2680];
	vm8 =	vgt.f32 v29, v6;
	vm10 =	vgt.f32 v11, v3;
	v60 =	vsel vm12, v9, v14  }
0x166: {  	v9 =	vsel vm12, v14, v9;
	vm14 =	vgt.f32 v61, v10;
	v32 =	vsel vm8, v6, v29  }
0x167: {  	v6 =	vsel vm8, v29, v6;
	v3 =	vsel vm10, v11, v3;
	v4 =	vsel vm10, v7, v4  }
0x168: {  	v14 =	vsel vm13, v9, v49;
	v9 =	vsel vm13, v49, v9;
	v63 =	vsel vm14, v10, v61  }
0x169: {  	v10 =	vsel vm14, v61, v10;
	v11 =	vnsel vm5, $0x1C, v57;
	vm9 =	vgt.f32 v32, v12  }
0x16a: {  	vm13 =	vgt.f32 v35, v5;
	v24 =	vsel vm14, v9, v51;
	vm15 =	vgt.f32 v63, v19  }
0x16b: {  	v9 =	vsel vm14, v51, v9;
	v31 =	vsel vm7, v11, v59;
	v11 =	vsel vm7, v59, v11  }
0x16c: {  	v34 =	vsel vm9, v12, v32;
	v12 =	vsel vm9, v32, v12;
	v41 =	vsel vm13, v5, v35  }
0x16d: {  	v5 =	vsel vm13, v35, v5;
	v44 =	vsel vm13, $0x1D, v30;
	v13 =	vnsel vm13, $0x1D, v30  }
0x16e: {  	v48 =	vld [tilespmem:s15+$0x2700];
	v25 =	vsel vm15, v63, v19;
	v18 =	vsel vm15, v19, v63;
	v26 =	vsel vm15, v9, v53  }
0x16f: {  	v9 =	vsel vm15, v53, v9;
	v33 =	vsel vm8, v11, v60;
	v7 =	vsel vm8, v60, v11  }
0x170: {  	vm10 =	vgt.f32 v34, v10;
	vm15 =	vgt.f32 v41, v8;
	vm4 =	vgt.f32 v18, v54  }
0x171: {  	v36 =	vsel vm9, v7, v14;
	v7 =	vsel vm9, v14, v7;
	v37 =	vsel vm10, v34, v10  }
0x172: {  	v10 =	vsel vm10, v10, v34;
	v43 =	vsel vm15, v8, v41;
	v8 =	vsel vm15, v41, v8  }
0x173: {  	v46 =	vsel vm15, v13, v31;
	v13 =	vsel vm15, v31, v13;
	vm9 =	vgt.f32 v48, v5  }
0x174: {  	v27 =	vsel vm4, v18, v54;
	v18 =	vsel vm4, v54, v18;
	v21 =	vsel vm4, v9, v23  }
0x175: {  	v9 =	vsel vm4, v23, v9;
	v38 =	vsel vm10, v7, v24;
	v7 =	vsel vm10, v24, v7  }
0x176: {  	vm11 =	vgt.f32 v10, v25;
	vm4 =	vgt.f32 v43, v6;
	v55 =	vsel vm9, v5, v48  }
0x177: {  	v5 =	vsel vm9, v48, v5;
	v57 =	vsel vm9, $0x1E, v44;
	vm6 =	vgt.f32 v18, v3  }
0x178: {  	v39 =	vsel vm11, v10, v25;
	v40 =	vsel vm11, v7, v26;
	v10 =	vsel vm11, v25, v10  }
0x179: {  	v7 =	vsel vm11, v26, v7;
	v45 =	vsel vm4, v6, v43;
	v6 =	vsel vm4, v43, v6  }
0x17a: {  	vm11 =	vgt.f32 v55, v8;
	v3 =	vsel vm6, v18, v3;
	v4 =	vsel vm6, v9, v4  }
0x17b: {  	v62 =	vld [tilespmem:s15+$0x2780];
	vm12 =	vgt.f32 v10, v27;
	vm5 =	vgt.f32 v45, v12;
	v18 =	vsel vm4, v13, v33  }
0x17c: {  	v9 =	vsel vm4, v33, v13;
	v56 =	vsel vm11, v8, v55;
	v8 =	vsel vm11, v55, v8  }
0x17d: {  	v15 =	vsel vm12, v10, v27;
	v10 =	vsel vm12, v27, v10;
	v42 =	vsel vm12, v7, v21  }
0x17e: {  	v7 =	vsel vm12, v21, v7;
	v47 =	vsel vm5, v12, v45;
	v12 =	vsel vm5, v45, v12  }
0x17f: {  	v49 =	vsel vm5, v9, v36;
	v9 =	vsel vm5, v36, v9;
	vm12 =	vgt.f32 v56, v6  }
0x180: {  	vm5 =	vgt.f32 v62, v5;
	vm14 =	vgt.f32 v10, v3;
	vm6 =	vgt.f32 v47, v37  }
0x181: {  	v58 =	vsel vm12, v6, v56;
	v6 =	vsel vm12, v56, v6;
	v28 =	vsel vm5, v5, v62  }
0x182: {  	v5 =	vsel vm5, v62, v5;
	v30 =	vsel vm5, $0x1F, v57;
	v3 =	vsel vm14, v10, v3  }
0x183: {  	v4 =	vsel vm14, v7, v4;
	v50 =	vsel vm6, v37, v47;
	v10 =	vsel vm6, v47, v37  }
0x184: {  	v51 =	vsel vm6, v9, v38;
	v9 =	vsel vm6, v38, v9;
	v7 =	vnsel vm9, $0x1E, v44  }
0x185: {  	vm13 =	vgt.f32 v58, v12;
	vm7 =	vgt.f32 v50, v39;
	v59 =	vsel vm11, v7, v46  }
0x186: {  	v7 =	vsel vm11, v46, v7;
	v61 =	vsel vm13, v12, v58;
	v12 =	vsel vm13, v58, v12  }
0x187: {  	v35 =	vld [tilespmem:s15+$0x3000];
	v52 =	vsel vm7, v39, v50;
	v17 =	vsel vm7, v50, v39;
	v53 =	vsel vm7, v9, v40  }
0x188: {  	v9 =	vsel vm7, v40, v9;
	v60 =	vsel vm12, v7, v18;
	v7 =	vsel vm12, v18, v7  }
0x189: {  	vm14 =	vgt.f32 v61, v10;
	vm7 =	vgt.f32 v28, v8;
	vm8 =	vgt.f32 v52, v15  }
0x18a: {  	v18 =	vsel vm13, v7, v49;
	v7 =	vsel vm13, v49, v7;
	v63 =	vsel vm14, v10, v61  }
0x18b: {  	v10 =	vsel vm14, v61, v10;
	v29 =	vsel vm7, v8, v28;
	v8 =	vsel vm7, v28, v8  }
0x18c: {  	vm13 =	vgt.f32 v35, v5;
	v54 =	vsel vm8, v52, v15;
	v23 =	vsel vm8, v9, v42  }
0x18d: {  	v11 =	vsel vm8, v15, v52;
	v9 =	vsel vm8, v42, v9;
	v24 =	vsel vm14, v7, v51  }
0x18e: {  	vm15 =	vgt.f32 v63, v17;
	v7 =	vsel vm14, v51, v7;
	vm8 =	vgt.f32 v29, v6  }
0x18f: {  	v41 =	vsel vm13, v5, v35;
	v5 =	vsel vm13, v35, v5;
	v44 =	vsel vm13, $0x20, v30  }
0x190: {  	v13 =	vnsel vm13, $0x20, v30;
	vm10 =	vgt.f32 v11, v3;
	v25 =	vsel vm15, v63, v17  }
0x191: {  	v16 =	vsel vm15, v17, v63;
	v26 =	vsel vm15, v7, v53;
	v7 =	vsel vm15, v53, v7  }
0x192: {  	v32 =	vsel vm8, v6, v29;
	v6 =	vsel vm8, v29, v6;
	vm15 =	vgt.f32 v41, v8  }
0x193: {  	v3 =	vsel vm10, v11, v3;
	v4 =	vsel vm10, v9, v4;
	vm4 =	vgt.f32 v16, v54  }
0x194: {  	v11 =	vnsel vm5, $0x1F, v57;
	vm9 =	vgt.f32 v32, v12;
	v43 =	vsel vm15, v8, v41  }
0x195: {  	v8 =	vsel vm15, v41, v8;
	v27 =	vsel vm4, v16, v54;
	v16 =	vsel vm4, v54, v16  }
0x196: {  	v21 =	vsel vm4, v7, v23;
	v7 =	vsel vm4, v23, v7;
	v31 =	vsel vm7, v11, v59  }
0x197: {  	v11 =	vsel vm7, v59, v11;
	v34 =	vsel vm9, v12, v32;
	v12 =	vsel vm9, v32, v12  }
0x198: {  	vm4 =	vgt.f32 v43, v6;
	vm6 =	vgt.f32 v16, v3;
	v33 =	vsel vm8, v11, v60  }
0x199: {  	v48 =	vld [tilespmem:s15+$0x3080];
	v9 =	vsel vm8, v60, v11;
	vm10 =	vgt.f32 v34, v10;
	v45 =	vsel vm4, v6, v43  }
0x19a: {  	v46 =	vsel vm15, v13, v31;
	v13 =	vsel vm15, v31, v13;
	v6 =	vsel vm4, v43, v6  }
0x19b: {  	v3 =	vsel vm6, v16, v3;
	v4 =	vsel vm6, v7, v4;
	v36 =	vsel vm9, v9, v18  }
0x19c: {  	v9 =	vsel vm9, v18, v9;
	v37 =	vsel vm10, v34, v10;
	v10 =	vsel vm10, v10, v34  }
0x19d: {  	vm5 =	vgt.f32 v45, v12;
	v16 =	vsel vm4, v13, v33;
	v7 =	vsel vm4, v33, v13  }
0x19e: {  	v62 =	vld [tilespmem:s15+$0x3100];
	vm9 =	vgt.f32 v48, v5;
	v38 =	vsel vm10, v9, v24;
	v9 =	vsel vm10, v24, v9  }
0x19f: {  	vm11 =	vgt.f32 v10, v25;
	v47 =	vsel vm5, v12, v45;
	v12 =	vsel vm5, v45, v12  }
0x1a0: {  	v49 =	vsel vm5, v7, v36;
	v7 =	vsel vm5, v36, v7;
	v55 =	vsel vm9, v5, v48  }
0x1a1: {  	v5 =	vsel vm9, v48, v5;
	v57 =	vsel vm9, $0x21, v44;
	v39 =	vsel vm11, v10, v25  }
0x1a2: {  	v40 =	vsel vm11, v9, v26;
	v10 =	vsel vm11, v25, v10;
	v9 =	vsel vm11, v26, v9  }
0x1a3: {  	vm6 =	vgt.f32 v47, v37;
	vm11 =	vgt.f32 v55, v8;
	vm5 =	vgt.f32 v62, v5  }
0x1a4: {  	vm12 =	vgt.f32 v10, v27;
	v50 =	vsel vm6, v37, v47;
	v51 =	vsel vm6, v7, v38  }
0x1a5: {  	v7 =	vsel vm6, v38, v7;
	v56 =	vsel vm11, v8, v55;
	v8 =	vsel vm11, v55, v8  }
0x1a6: {  	v28 =	vsel vm5, v5, v62;
	v5 =	vsel vm5, v62, v5;
	v30 =	vsel vm5, $0x22, v57  }
0x1a7: {  	v14 =	vsel vm12, v10, v27;
	v10 =	vsel vm12, v27, v10;
	v42 =	vsel vm12, v9, v21  }
0x1a8: {  	v9 =	vsel vm12, v21, v9;
	vm7 =	vgt.f32 v50, v39;
	vm12 =	vgt.f32 v56, v6  }
0x1a9: {  	vm14 =	vgt.f32 v10, v3;
	v52 =	vsel vm7, v39, v50;
	v19 =	vsel vm7, v50, v39  }
0x1aa: {  	v53 =	vsel vm7, v7, v40;
	v7 =	vsel vm7, v40, v7;
	v58 =	vsel vm12, v6, v56  }
0x1ab: {  	v6 =	vsel vm12, v56, v6;
	vm7 =	vgt.f32 v28, v8;
	v3 =	vsel vm14, v10, v3  }
0x1ac: {  	v4 =	vsel vm14, v9, v4;
	v10 =	vsel vm6, v47, v37;
	vm8 =	vgt.f32 v52, v14  }
0x1ad: {  	v9 =	vnsel vm9, $0x21, v44;
	vm13 =	vgt.f32 v58, v12;
	v29 =	vsel vm7, v8, v28  }
0x1ae: {  	v8 =	vsel vm7, v28, v8;
	v54 =	vsel vm8, v52, v14;
	v23 =	vsel vm8, v7, v42  }
0x1af: {  	v11 =	vsel vm8, v14, v52;
	v7 =	vsel vm8, v42, v7;
	v59 =	vsel vm11, v9, v46  }
0x1b0: {  	v9 =	vsel vm11, v46, v9;
	v61 =	vsel vm13, v12, v58;
	v12 =	vsel vm13, v58, v12  }
0x1b1: {  	v35 =	vld [tilespmem:s15+$0x3180];
	vm8 =	vgt.f32 v29, v6;
	vm10 =	vgt.f32 v11, v3;
	v60 =	vsel vm12, v9, v16  }
0x1b2: {  	v9 =	vsel vm12, v16, v9;
	vm14 =	vgt.f32 v61, v10;
	v32 =	vsel vm8, v6, v29  }
0x1b3: {  	v6 =	vsel vm8, v29, v6;
	v3 =	vsel vm10, v11, v3;
	v4 =	vsel vm10, v7, v4  }
0x1b4: {  	v16 =	vsel vm13, v9, v49;
	v9 =	vsel vm13, v49, v9;
	v63 =	vsel vm14, v10, v61  }
0x1b5: {  	v10 =	vsel vm14, v61, v10;
	v11 =	vnsel vm5, $0x22, v57;
	vm9 =	vgt.f32 v32, v12  }
0x1b6: {  	vm13 =	vgt.f32 v35, v5;
	v24 =	vsel vm14, v9, v51;
	vm15 =	vgt.f32 v63, v19  }
0x1b7: {  	v9 =	vsel vm14, v51, v9;
	v31 =	vsel vm7, v11, v59;
	v11 =	vsel vm7, v59, v11  }
0x1b8: {  	v34 =	vsel vm9, v12, v32;
	v12 =	vsel vm9, v32, v12;
	v41 =	vsel vm13, v5, v35  }
0x1b9: {  	v5 =	vsel vm13, v35, v5;
	v44 =	vsel vm13, $0x23, v30;
	v13 =	vnsel vm13, $0x23, v30  }
0x1ba: {  	v48 =	vld [tilespmem:s15+$0x3200];
	v25 =	vsel vm15, v63, v19;
	v15 =	vsel vm15, v19, v63;
	v26 =	vsel vm15, v9, v53  }
0x1bb: {  	v9 =	vsel vm15, v53, v9;
	v33 =	vsel vm8, v11, v60;
	v7 =	vsel vm8, v60, v11  }
0x1bc: {  	vm10 =	vgt.f32 v34, v10;
	vm15 =	vgt.f32 v41, v8;
	vm4 =	vgt.f32 v15, v54  }
0x1bd: {  	v36 =	vsel vm9, v7, v16;
	v7 =	vsel vm9, v16, v7;
	v37 =	vsel vm10, v34, v10  }
0x1be: {  	v10 =	vsel vm10, v10, v34;
	v43 =	vsel vm15, v8, v41;
	v8 =	vsel vm15, v41, v8  }
0x1bf: {  	v46 =	vsel vm15, v13, v31;
	v13 =	vsel vm15, v31, v13;
	vm9 =	vgt.f32 v48, v5  }
0x1c0: {  	v27 =	vsel vm4, v15, v54;
	v15 =	vsel vm4, v54, v15;
	v21 =	vsel vm4, v9, v23  }
0x1c1: {  	v9 =	vsel vm4, v23, v9;
	v38 =	vsel vm10, v7, v24;
	v7 =	vsel vm10, v24, v7  }
0x1c2: {  	vm11 =	vgt.f32 v10, v25;
	vm4 =	vgt.f32 v43, v6;
	v55 =	vsel vm9, v5, v48  }
0x1c3: {  	v5 =	vsel vm9, v48, v5;
	v57 =	vsel vm9, $0x24, v44;
	vm6 =	vgt.f32 v15, v3  }
0x1c4: {  	v39 =	vsel vm11, v10, v25;
	v40 =	vsel vm11, v7, v26;
	v10 =	vsel vm11, v25, v10  }
0x1c5: {  	v7 =	vsel vm11, v26, v7;
	v45 =	vsel vm4, v6, v43;
	v6 =	vsel vm4, v43, v6  }
0x1c6: {  	vm11 =	vgt.f32 v55, v8;
	v3 =	vsel vm6, v15, v3;
	v4 =	vsel vm6, v9, v4  }
0x1c7: {  	v62 =	vld [tilespmem:s15+$0x3280];
	vm12 =	vgt.f32 v10, v27;
	vm5 =	vgt.f32 v45, v12;
	v15 =	vsel vm4, v13, v33  }
0x1c8: {  	v9 =	vsel vm4, v33, v13;
	v56 =	vsel vm11, v8, v55;
	v8 =	vsel vm11, v55, v8  }
0x1c9: {  	v18 =	vsel vm12, v10, v27;
	v10 =	vsel vm12, v27, v10;
	v42 =	vsel vm12, v7, v21  }
0x1ca: {  	v7 =	vsel vm12, v21, v7;
	v47 =	vsel vm5, v12, v45;
	v12 =	vsel vm5, v45, v12  }
0x1cb: {  	v49 =	vsel vm5, v9, v36;
	v9 =	vsel vm5, v36, v9;
	vm12 =	vgt.f32 v56, v6  }
0x1cc: {  	vm5 =	vgt.f32 v62, v5;
	vm14 =	vgt.f32 v10, v3;
	vm6 =	vgt.f32 v47, v37  }
0x1cd: {  	v58 =	vsel vm12, v6, v56;
	v6 =	vsel vm12, v56, v6;
	v28 =	vsel vm5, v5, v62  }
0x1ce: {  	v5 =	vsel vm5, v62, v5;
	v30 =	vsel vm5, $0x25, v57;
	v3 =	vsel vm14, v10, v3  }
0x1cf: {  	v4 =	vsel vm14, v7, v4;
	v50 =	vsel vm6, v37, v47;
	v10 =	vsel vm6, v47, v37  }
0x1d0: {  	v51 =	vsel vm6, v9, v38;
	v9 =	vsel vm6, v38, v9;
	v7 =	vnsel vm9, $0x24, v44  }
0x1d1: {  	vm13 =	vgt.f32 v58, v12;
	vm7 =	vgt.f32 v50, v39;
	v59 =	vsel vm11, v7, v46  }
0x1d2: {  	v7 =	vsel vm11, v46, v7;
	v61 =	vsel vm13, v12, v58;
	v12 =	vsel vm13, v58, v12  }
0x1d3: {  	v35 =	vld [tilespmem:s15+$0x3300];
	v52 =	vsel vm7, v39, v50;
	v17 =	vsel vm7, v50, v39;
	v53 =	vsel vm7, v9, v40  }
0x1d4: {  	v9 =	vsel vm7, v40, v9;
	v60 =	vsel vm12, v7, v15;
	v7 =	vsel vm12, v15, v7  }
0x1d5: {  	vm14 =	vgt.f32 v61, v10;
	vm7 =	vgt.f32 v28, v8;
	vm8 =	vgt.f32 v52, v18  }
0x1d6: {  	v15 =	vsel vm13, v7, v49;
	v7 =	vsel vm13, v49, v7;
	v63 =	vsel vm14, v10, v61  }
0x1d7: {  	v10 =	vsel vm14, v61, v10;
	v29 =	vsel vm7, v8, v28;
	v8 =	vsel vm7, v28, v8  }
0x1d8: {  	vm13 =	vgt.f32 v35, v5;
	v54 =	vsel vm8, v52, v18;
	v23 =	vsel vm8, v9, v42  }
0x1d9: {  	v11 =	vsel vm8, v18, v52;
	v9 =	vsel vm8, v42, v9;
	v24 =	vsel vm14, v7, v51  }
0x1da: {  	vm15 =	vgt.f32 v63, v17;
	v7 =	vsel vm14, v51, v7;
	vm8 =	vgt.f32 v29, v6  }
0x1db: {  	v41 =	vsel vm13, v5, v35;
	v5 =	vsel vm13, v35, v5;
	v44 =	vsel vm13, $0x26, v30  }
0x1dc: {  	v13 =	vnsel vm13, $0x26, v30;
	vm10 =	vgt.f32 v11, v3;
	v25 =	vsel vm15, v63, v17  }
0x1dd: {  	v14 =	vsel vm15, v17, v63;
	v26 =	vsel vm15, v7, v53;
	v7 =	vsel vm15, v53, v7  }
0x1de: {  	v32 =	vsel vm8, v6, v29;
	v6 =	vsel vm8, v29, v6;
	vm15 =	vgt.f32 v41, v8  }
0x1df: {  	v3 =	vsel vm10, v11, v3;
	v4 =	vsel vm10, v9, v4;
	vm4 =	vgt.f32 v14, v54  }
0x1e0: {  	v11 =	vnsel vm5, $0x25, v57;
	vm9 =	vgt.f32 v32, v12;
	v43 =	vsel vm15, v8, v41  }
0x1e1: {  	v8 =	vsel vm15, v41, v8;
	v27 =	vsel vm4, v14, v54;
	v14 =	vsel vm4, v54, v14  }
0x1e2: {  	v21 =	vsel vm4, v7, v23;
	v7 =	vsel vm4, v23, v7;
	v31 =	vsel vm7, v11, v59  }
0x1e3: {  	v11 =	vsel vm7, v59, v11;
	v34 =	vsel vm9, v12, v32;
	v12 =	vsel vm9, v32, v12  }
0x1e4: {  	vm4 =	vgt.f32 v43, v6;
	vm6 =	vgt.f32 v14, v3;
	v33 =	vsel vm8, v11, v60  }
0x1e5: {  	v48 =	vld [tilespmem:s15+$0x3380];
	v9 =	vsel vm8, v60, v11;
	vm10 =	vgt.f32 v34, v10;
	v45 =	vsel vm4, v6, v43  }
0x1e6: {  	v46 =	vsel vm15, v13, v31;
	v13 =	vsel vm15, v31, v13;
	v6 =	vsel vm4, v43, v6  }
0x1e7: {  	v3 =	vsel vm6, v14, v3;
	v4 =	vsel vm6, v7, v4;
	v36 =	vsel vm9, v9, v15  }
0x1e8: {  	v9 =	vsel vm9, v15, v9;
	v37 =	vsel vm10, v34, v10;
	v10 =	vsel vm10, v10, v34  }
0x1e9: {  	vm5 =	vgt.f32 v45, v12;
	v14 =	vsel vm4, v13, v33;
	v7 =	vsel vm4, v33, v13  }
0x1ea: {  	v62 =	vld [tilespmem:s15+$0x3C00];
	vm9 =	vgt.f32 v48, v5;
	v38 =	vsel vm10, v9, v24;
	v9 =	vsel vm10, v24, v9  }
0x1eb: {  	vm11 =	vgt.f32 v10, v25;
	v47 =	vsel vm5, v12, v45;
	v12 =	vsel vm5, v45, v12  }
0x1ec: {  	v49 =	vsel vm5, v7, v36;
	v7 =	vsel vm5, v36, v7;
	v55 =	vsel vm9, v5, v48  }
0x1ed: {  	v5 =	vsel vm9, v48, v5;
	v57 =	vsel vm9, $0x27, v44;
	v39 =	vsel vm11, v10, v25  }
0x1ee: {  	v40 =	vsel vm11, v9, v26;
	v10 =	vsel vm11, v25, v10;
	v9 =	vsel vm11, v26, v9  }
0x1ef: {  	vm6 =	vgt.f32 v47, v37;
	vm11 =	vgt.f32 v55, v8;
	vm5 =	vgt.f32 v62, v5  }
0x1f0: {  	vm12 =	vgt.f32 v10, v27;
	v50 =	vsel vm6, v37, v47;
	v51 =	vsel vm6, v7, v38  }
0x1f1: {  	v7 =	vsel vm6, v38, v7;
	v56 =	vsel vm11, v8, v55;
	v8 =	vsel vm11, v55, v8  }
0x1f2: {  	v28 =	vsel vm5, v5, v62;
	v5 =	vsel vm5, v62, v5;
	v30 =	vsel vm5, $0x28, v57  }
0x1f3: {  	v16 =	vsel vm12, v10, v27;
	v10 =	vsel vm12, v27, v10;
	v42 =	vsel vm12, v9, v21  }
0x1f4: {  	v9 =	vsel vm12, v21, v9;
	vm7 =	vgt.f32 v50, v39;
	vm12 =	vgt.f32 v56, v6  }
0x1f5: {  	vm14 =	vgt.f32 v10, v3;
	v52 =	vsel vm7, v39, v50;
	v19 =	vsel vm7, v50, v39  }
0x1f6: {  	v53 =	vsel vm7, v7, v40;
	v7 =	vsel vm7, v40, v7;
	v58 =	vsel vm12, v6, v56  }
0x1f7: {  	v6 =	vsel vm12, v56, v6;
	vm7 =	vgt.f32 v28, v8;
	v3 =	vsel vm14, v10, v3  }
0x1f8: {  	v4 =	vsel vm14, v9, v4;
	v10 =	vsel vm6, v47, v37;
	vm8 =	vgt.f32 v52, v16  }
0x1f9: {  	v9 =	vnsel vm9, $0x27, v44;
	vm13 =	vgt.f32 v58, v12;
	v29 =	vsel vm7, v8, v28  }
0x1fa: {  	v8 =	vsel vm7, v28, v8;
	v54 =	vsel vm8, v52, v16;
	v23 =	vsel vm8, v7, v42  }
0x1fb: {  	v11 =	vsel vm8, v16, v52;
	v7 =	vsel vm8, v42, v7;
	v59 =	vsel vm11, v9, v46  }
0x1fc: {  	v9 =	vsel vm11, v46, v9;
	v61 =	vsel vm13, v12, v58;
	v12 =	vsel vm13, v58, v12  }
0x1fd: {  	v35 =	vld [tilespmem:s15+$0x3C80];
	vm8 =	vgt.f32 v29, v6;
	vm10 =	vgt.f32 v11, v3;
	v60 =	vsel vm12, v9, v14  }
0x1fe: {  	v9 =	vsel vm12, v14, v9;
	vm14 =	vgt.f32 v61, v10;
	v32 =	vsel vm8, v6, v29  }
0x1ff: {  	v6 =	vsel vm8, v29, v6;
	v3 =	vsel vm10, v11, v3;
	v4 =	vsel vm10, v7, v4  }
0x200: {  	v14 =	vsel vm13, v9, v49;
	v9 =	vsel vm13, v49, v9;
	v63 =	vsel vm14, v10, v61  }
0x201: {  	v10 =	vsel vm14, v61, v10;
	v11 =	vnsel vm5, $0x28, v57;
	vm9 =	vgt.f32 v32, v12  }
0x202: {  	vm13 =	vgt.f32 v35, v5;
	v24 =	vsel vm14, v9, v51;
	vm15 =	vgt.f32 v63, v19  }
0x203: {  	v9 =	vsel vm14, v51, v9;
	v31 =	vsel vm7, v11, v59;
	v11 =	vsel vm7, v59, v11  }
0x204: {  	v34 =	vsel vm9, v12, v32;
	v12 =	vsel vm9, v32, v12;
	v41 =	vsel vm13, v5, v35  }
0x205: {  	v5 =	vsel vm13, v35, v5;
	v44 =	vsel vm13, $0x29, v30;
	v13 =	vnsel vm13, $0x29, v30  }
0x206: {  	v48 =	vld [tilespmem:s15+$0x3D00];
	v25 =	vsel vm15, v63, v19;
	v18 =	vsel vm15, v19, v63;
	v26 =	vsel vm15, v9, v53  }
0x207: {  	v9 =	vsel vm15, v53, v9;
	v33 =	vsel vm8, v11, v60;
	v7 =	vsel vm8, v60, v11  }
0x208: {  	vm10 =	vgt.f32 v34, v10;
	vm15 =	vgt.f32 v41, v8;
	vm4 =	vgt.f32 v18, v54  }
0x209: {  	v36 =	vsel vm9, v7, v14;
	v7 =	vsel vm9, v14, v7;
	v37 =	vsel vm10, v34, v10  }
0x20a: {  	v10 =	vsel vm10, v10, v34;
	v43 =	vsel vm15, v8, v41;
	v8 =	vsel vm15, v41, v8  }
0x20b: {  	v46 =	vsel vm15, v13, v31;
	v13 =	vsel vm15, v31, v13;
	vm9 =	vgt.f32 v48, v5  }
0x20c: {  	v27 =	vsel vm4, v18, v54;
	v18 =	vsel vm4, v54, v18;
	v21 =	vsel vm4, v9, v23  }
0x20d: {  	v9 =	vsel vm4, v23, v9;
	v38 =	vsel vm10, v7, v24;
	v7 =	vsel vm10, v24, v7  }
0x20e: {  	vm11 =	vgt.f32 v10, v25;
	vm4 =	vgt.f32 v43, v6;
	v55 =	vsel vm9, v5, v48  }
0x20f: {  	v5 =	vsel vm9, v48, v5;
	v57 =	vsel vm9, $0x2A, v44;
	vm6 =	vgt.f32 v18, v3  }
0x210: {  	v39 =	vsel vm11, v10, v25;
	v40 =	vsel vm11, v7, v26;
	v10 =	vsel vm11, v25, v10  }
0x211: {  	v7 =	vsel vm11, v26, v7;
	v45 =	vsel vm4, v6, v43;
	v6 =	vsel vm4, v43, v6  }
0x212: {  	vm11 =	vgt.f32 v55, v8;
	v3 =	vsel vm6, v18, v3;
	v4 =	vsel vm6, v9, v4  }
0x213: {  	v62 =	vld [tilespmem:s15+$0x3D80];
	vm12 =	vgt.f32 v10, v27;
	vm5 =	vgt.f32 v45, v12;
	v18 =	vsel vm4, v13, v33  }
0x214: {  	v9 =	vsel vm4, v33, v13;
	v56 =	vsel vm11, v8, v55;
	v8 =	vsel vm11, v55, v8  }
0x215: {  	v15 =	vsel vm12, v10, v27;
	v10 =	vsel vm12, v27, v10;
	v42 =	vsel vm12, v7, v21  }
0x216: {  	v7 =	vsel vm12, v21, v7;
	v47 =	vsel vm5, v12, v45;
	v12 =	vsel vm5, v45, v12  }
0x217: {  	v49 =	vsel vm5, v9, v36;
	v9 =	vsel vm5, v36, v9;
	vm12 =	vgt.f32 v56, v6  }
0x218: {  	vm5 =	vgt.f32 v62, v5;
	vm14 =	vgt.f32 v10, v3;
	vm6 =	vgt.f32 v47, v37  }
0x219: {  	v58 =	vsel vm12, v6, v56;
	v6 =	vsel vm12, v56, v6;
	v28 =	vsel vm5, v5, v62  }
0x21a: {  	v5 =	vsel vm5, v62, v5;
	v30 =	vsel vm5, $0x2B, v57;
	v3 =	vsel vm14, v10, v3  }
0x21b: {  	v4 =	vsel vm14, v7, v4;
	v50 =	vsel vm6, v37, v47;
	v10 =	vsel vm6, v47, v37  }
0x21c: {  	v51 =	vsel vm6, v9, v38;
	v9 =	vsel vm6, v38, v9;
	v7 =	vnsel vm9, $0x2A, v44  }
0x21d: {  	vm13 =	vgt.f32 v58, v12;
	vm7 =	vgt.f32 v50, v39;
	v59 =	vsel vm11, v7, v46  }
0x21e: {  	v7 =	vsel vm11, v46, v7;
	v61 =	vsel vm13, v12, v58;
	v12 =	vsel vm13, v58, v12  }
0x21f: {  	v35 =	vld [tilespmem:s15+$0x3E00];
	v52 =	vsel vm7, v39, v50;
	v17 =	vsel vm7, v50, v39;
	v53 =	vsel vm7, v9, v40  }
0x220: {  	v9 =	vsel vm7, v40, v9;
	v60 =	vsel vm12, v7, v18;
	v7 =	vsel vm12, v18, v7  }
0x221: {  	vm14 =	vgt.f32 v61, v10;
	vm7 =	vgt.f32 v28, v8;
	vm8 =	vgt.f32 v52, v15  }
0x222: {  	v18 =	vsel vm13, v7, v49;
	v7 =	vsel vm13, v49, v7;
	v63 =	vsel vm14, v10, v61  }
0x223: {  	v10 =	vsel vm14, v61, v10;
	v29 =	vsel vm7, v8, v28;
	v8 =	vsel vm7, v28, v8  }
0x224: {  	vm13 =	vgt.f32 v35, v5;
	v54 =	vsel vm8, v52, v15;
	v23 =	vsel vm8, v9, v42  }
0x225: {  	v11 =	vsel vm8, v15, v52;
	v9 =	vsel vm8, v42, v9;
	v24 =	vsel vm14, v7, v51  }
0x226: {  	vm15 =	vgt.f32 v63, v17;
	v7 =	vsel vm14, v51, v7;
	vm8 =	vgt.f32 v29, v6  }
0x227: {  	v41 =	vsel vm13, v5, v35;
	v5 =	vsel vm13, v35, v5;
	v44 =	vsel vm13, $0x2C, v30  }
0x228: {  	v13 =	vnsel vm13, $0x2C, v30;
	vm10 =	vgt.f32 v11, v3;
	v25 =	vsel vm15, v63, v17  }
0x229: {  	v16 =	vsel vm15, v17, v63;
	v26 =	vsel vm15, v7, v53;
	v7 =	vsel vm15, v53, v7  }
0x22a: {  	v32 =	vsel vm8, v6, v29;
	v6 =	vsel vm8, v29, v6;
	vm15 =	vgt.f32 v41, v8  }
0x22b: {  	v3 =	vsel vm10, v11, v3;
	v4 =	vsel vm10, v9, v4;
	vm4 =	vgt.f32 v16, v54  }
0x22c: {  	v11 =	vnsel vm5, $0x2B, v57;
	vm9 =	vgt.f32 v32, v12;
	v43 =	vsel vm15, v8, v41  }
0x22d: {  	v8 =	vsel vm15, v41, v8;
	v27 =	vsel vm4, v16, v54;
	v16 =	vsel vm4, v54, v16  }
0x22e: {  	v21 =	vsel vm4, v7, v23;
	v7 =	vsel vm4, v23, v7;
	v31 =	vsel vm7, v11, v59  }
0x22f: {  	v11 =	vsel vm7, v59, v11;
	v34 =	vsel vm9, v12, v32;
	v12 =	vsel vm9, v32, v12  }
0x230: {  	vm4 =	vgt.f32 v43, v6;
	vm6 =	vgt.f32 v16, v3;
	v33 =	vsel vm8, v11, v60  }
0x231: {  	v48 =	vld [tilespmem:s15+$0x3E80];
	v9 =	vsel vm8, v60, v11;
	vm10 =	vgt.f32 v34, v10;
	v45 =	vsel vm4, v6, v43  }
0x232: {  	v46 =	vsel vm15, v13, v31;
	v13 =	vsel vm15, v31, v13;
	v6 =	vsel vm4, v43, v6  }
0x233: {  	v3 =	vsel vm6, v16, v3;
	v4 =	vsel vm6, v7, v4;
	v36 =	vsel vm9, v9, v18  }
0x234: {  	v9 =	vsel vm9, v18, v9;
	v37 =	vsel vm10, v34, v10;
	v10 =	vsel vm10, v10, v34  }
0x235: {  	vm5 =	vgt.f32 v45, v12;
	v16 =	vsel vm4, v13, v33;
	v7 =	vsel vm4, v33, v13  }
0x236: {  	v62 =	vld [tilespmem:s15+$0x3F00];
	vm9 =	vgt.f32 v48, v5;
	v38 =	vsel vm10, v9, v24;
	v9 =	vsel vm10, v24, v9  }
0x237: {  	vm11 =	vgt.f32 v10, v25;
	v47 =	vsel vm5, v12, v45;
	v12 =	vsel vm5, v45, v12  }
0x238: {  	v49 =	vsel vm5, v7, v36;
	v7 =	vsel vm5, v36, v7;
	v55 =	vsel vm9, v5, v48  }
0x239: {  	v5 =	vsel vm9, v48, v5;
	v57 =	vsel vm9, $0x2D, v44;
	v39 =	vsel vm11, v10, v25  }
0x23a: {  	v40 =	vsel vm11, v9, v26;
	v10 =	vsel vm11, v25, v10;
	v9 =	vsel vm11, v26, v9  }
0x23b: {  	vm6 =	vgt.f32 v47, v37;
	vm11 =	vgt.f32 v55, v8;
	vm5 =	vgt.f32 v62, v5  }
0x23c: {  	vm12 =	vgt.f32 v10, v27;
	v50 =	vsel vm6, v37, v47;
	v51 =	vsel vm6, v7, v38  }
0x23d: {  	v7 =	vsel vm6, v38, v7;
	v56 =	vsel vm11, v8, v55;
	v8 =	vsel vm11, v55, v8  }
0x23e: {  	v28 =	vsel vm5, v5, v62;
	v5 =	vsel vm5, v62, v5;
	v30 =	vsel vm5, $0x2E, v57  }
0x23f: {  	v14 =	vsel vm12, v10, v27;
	v10 =	vsel vm12, v27, v10;
	v42 =	vsel vm12, v9, v21  }
0x240: {  	v9 =	vsel vm12, v21, v9;
	vm7 =	vgt.f32 v50, v39;
	vm12 =	vgt.f32 v56, v6  }
0x241: {  	vm14 =	vgt.f32 v10, v3;
	v52 =	vsel vm7, v39, v50;
	v19 =	vsel vm7, v50, v39  }
0x242: {  	v53 =	vsel vm7, v7, v40;
	v7 =	vsel vm7, v40, v7;
	v58 =	vsel vm12, v6, v56  }
0x243: {  	v6 =	vsel vm12, v56, v6;
	vm7 =	vgt.f32 v28, v8;
	v3 =	vsel vm14, v10, v3  }
0x244: {  	v4 =	vsel vm14, v9, v4;
	v10 =	vsel vm6, v47, v37;
	vm8 =	vgt.f32 v52, v14  }
0x245: {  	v9 =	vnsel vm9, $0x2D, v44;
	vm13 =	vgt.f32 v58, v12;
	v29 =	vsel vm7, v8, v28  }
0x246: {  	v8 =	vsel vm7, v28, v8;
	v54 =	vsel vm8, v52, v14;
	v23 =	vsel vm8, v7, v42  }
0x247: {  	v11 =	vsel vm8, v14, v52;
	v7 =	vsel vm8, v42, v7;
	v59 =	vsel vm11, v9, v46  }
0x248: {  	v9 =	vsel vm11, v46, v9;
	v61 =	vsel vm13, v12, v58;
	v12 =	vsel vm13, v58, v12  }
0x249: {  	v35 =	vld [tilespmem:s15+$0x3F80];
	vm8 =	vgt.f32 v29, v6;
	vm10 =	vgt.f32 v11, v3;
	v60 =	vsel vm12, v9, v16  }
0x24a: {  	v9 =	vsel vm12, v16, v9;
	vm14 =	vgt.f32 v61, v10;
	v32 =	vsel vm8, v6, v29  }
0x24b: {  	v6 =	vsel vm8, v29, v6;
	v3 =	vsel vm10, v11, v3;
	v4 =	vsel vm10, v7, v4  }
0x24c: {  	v16 =	vsel vm13, v9, v49;
	v9 =	vsel vm13, v49, v9;
	v63 =	vsel vm14, v10, v61  }
0x24d: {  	v10 =	vsel vm14, v61, v10;
	v11 =	vnsel vm5, $0x2E, v57;
	vm9 =	vgt.f32 v32, v12  }
0x24e: {  	vm13 =	vgt.f32 v35, v5;
	v24 =	vsel vm14, v9, v51;
	vm15 =	vgt.f32 v63, v19  }
0x24f: {  	v9 =	vsel vm14, v51, v9;
	v31 =	vsel vm7, v11, v59;
	v11 =	vsel vm7, v59, v11  }
0x250: {  	v34 =	vsel vm9, v12, v32;
	v12 =	vsel vm9, v32, v12;
	v41 =	vsel vm13, v5, v35  }
0x251: {  	v5 =	vsel vm13, v35, v5;
	v44 =	vsel vm13, $0x2F, v30;
	v13 =	vnsel vm13, $0x2F, v30  }
0x252: {  	v48 =	vld [tilespmem:s15+$0x4800];
	v25 =	vsel vm15, v63, v19;
	v15 =	vsel vm15, v19, v63;
	v26 =	vsel vm15, v9, v53  }
0x253: {  	v9 =	vsel vm15, v53, v9;
	v33 =	vsel vm8, v11, v60;
	v7 =	vsel vm8, v60, v11  }
0x254: {  	vm10 =	vgt.f32 v34, v10;
	vm15 =	vgt.f32 v41, v8;
	vm4 =	vgt.f32 v15, v54  }
0x255: {  	v36 =	vsel vm9, v7, v16;
	v7 =	vsel vm9, v16, v7;
	v37 =	vsel vm10, v34, v10  }
0x256: {  	v10 =	vsel vm10, v10, v34;
	v43 =	vsel vm15, v8, v41;
	v8 =	vsel vm15, v41, v8  }
0x257: {  	v46 =	vsel vm15, v13, v31;
	v13 =	vsel vm15, v31, v13;
	vm9 =	vgt.f32 v48, v5  }
0x258: {  	v27 =	vsel vm4, v15, v54;
	v15 =	vsel vm4, v54, v15;
	v21 =	vsel vm4, v9, v23  }
0x259: {  	v9 =	vsel vm4, v23, v9;
	v38 =	vsel vm10, v7, v24;
	v7 =	vsel vm10, v24, v7  }
0x25a: {  	vm11 =	vgt.f32 v10, v25;
	vm4 =	vgt.f32 v43, v6;
	v55 =	vsel vm9, v5, v48  }
0x25b: {  	v5 =	vsel vm9, v48, v5;
	v57 =	vsel vm9, $0x30, v44;
	vm6 =	vgt.f32 v15, v3  }
0x25c: {  	v39 =	vsel vm11, v10, v25;
	v40 =	vsel vm11, v7, v26;
	v10 =	vsel vm11, v25, v10  }
0x25d: {  	v7 =	vsel vm11, v26, v7;
	v45 =	vsel vm4, v6, v43;
	v6 =	vsel vm4, v43, v6  }
0x25e: {  	vm11 =	vgt.f32 v55, v8;
	v3 =	vsel vm6, v15, v3;
	v4 =	vsel vm6, v9, v4  }
0x25f: {  	v62 =	vld [tilespmem:s15+$0x4880];
	vm12 =	vgt.f32 v10, v27;
	vm5 =	vgt.f32 v45, v12;
	v15 =	vsel vm4, v13, v33  }
0x260: {  	v9 =	vsel vm4, v33, v13;
	v56 =	vsel vm11, v8, v55;
	v8 =	vsel vm11, v55, v8  }
0x261: {  	v18 =	vsel vm12, v10, v27;
	v10 =	vsel vm12, v27, v10;
	v42 =	vsel vm12, v7, v21  }
0x262: {  	v7 =	vsel vm12, v21, v7;
	v47 =	vsel vm5, v12, v45;
	v12 =	vsel vm5, v45, v12  }
0x263: {  	v49 =	vsel vm5, v9, v36;
	v9 =	vsel vm5, v36, v9;
	vm12 =	vgt.f32 v56, v6  }
0x264: {  	vm5 =	vgt.f32 v62, v5;
	vm14 =	vgt.f32 v10, v3;
	vm6 =	vgt.f32 v47, v37  }
0x265: {  	v58 =	vsel vm12, v6, v56;
	v6 =	vsel vm12, v56, v6;
	v28 =	vsel vm5, v5, v62  }
0x266: {  	v5 =	vsel vm5, v62, v5;
	v30 =	vsel vm5, $0x31, v57;
	v3 =	vsel vm14, v10, v3  }
0x267: {  	v4 =	vsel vm14, v7, v4;
	v50 =	vsel vm6, v37, v47;
	v10 =	vsel vm6, v47, v37  }
0x268: {  	v51 =	vsel vm6, v9, v38;
	v9 =	vsel vm6, v38, v9;
	v7 =	vnsel vm9, $0x30, v44  }
0x269: {  	vm13 =	vgt.f32 v58, v12;
	vm7 =	vgt.f32 v50, v39;
	v59 =	vsel vm11, v7, v46  }
0x26a: {  	v7 =	vsel vm11, v46, v7;
	v61 =	vsel vm13, v12, v58;
	v12 =	vsel vm13, v58, v12  }
0x26b: {  	v35 =	vld [tilespmem:s15+$0x4900];
	v52 =	vsel vm7, v39, v50;
	v17 =	vsel vm7, v50, v39;
	v53 =	vsel vm7, v9, v40  }
0x26c: {  	v9 =	vsel vm7, v40, v9;
	v60 =	vsel vm12, v7, v15;
	v7 =	vsel vm12, v15, v7  }
0x26d: {  	vm14 =	vgt.f32 v61, v10;
	vm7 =	vgt.f32 v28, v8;
	vm8 =	vgt.f32 v52, v18  }
0x26e: {  	v15 =	vsel vm13, v7, v49;
	v7 =	vsel vm13, v49, v7;
	v63 =	vsel vm14, v10, v61  }
0x26f: {  	v10 =	vsel vm14, v61, v10;
	v29 =	vsel vm7, v8, v28;
	v8 =	vsel vm7, v28, v8  }
0x270: {  	vm13 =	vgt.f32 v35, v5;
	v54 =	vsel vm8, v52, v18;
	v23 =	vsel vm8, v9, v42  }
0x271: {  	v11 =	vsel vm8, v18, v52;
	v9 =	vsel vm8, v42, v9;
	v24 =	vsel vm14, v7, v51  }
0x272: {  	vm15 =	vgt.f32 v63, v17;
	v7 =	vsel vm14, v51, v7;
	vm8 =	vgt.f32 v29, v6  }
0x273: {  	v41 =	vsel vm13, v5, v35;
	v5 =	vsel vm13, v35, v5;
	v44 =	vsel vm13, $0x32, v30  }
0x274: {  	v13 =	vnsel vm13, $0x32, v30;
	vm10 =	vgt.f32 v11, v3;
	v25 =	vsel vm15, v63, v17  }
0x275: {  	v14 =	vsel vm15, v17, v63;
	v26 =	vsel vm15, v7, v53;
	v7 =	vsel vm15, v53, v7  }
0x276: {  	v32 =	vsel vm8, v6, v29;
	v6 =	vsel vm8, v29, v6;
	vm15 =	vgt.f32 v41, v8  }
0x277: {  	v3 =	vsel vm10, v11, v3;
	v4 =	vsel vm10, v9, v4;
	vm4 =	vgt.f32 v14, v54  }
0x278: {  	v11 =	vnsel vm5, $0x31, v57;
	vm9 =	vgt.f32 v32, v12;
	v43 =	vsel vm15, v8, v41  }
0x279: {  	v8 =	vsel vm15, v41, v8;
	v27 =	vsel vm4, v14, v54;
	v14 =	vsel vm4, v54, v14  }
0x27a: {  	v21 =	vsel vm4, v7, v23;
	v7 =	vsel vm4, v23, v7;
	v31 =	vsel vm7, v11, v59  }
0x27b: {  	v11 =	vsel vm7, v59, v11;
	v34 =	vsel vm9, v12, v32;
	v12 =	vsel vm9, v32, v12  }
0x27c: {  	vm4 =	vgt.f32 v43, v6;
	vm6 =	vgt.f32 v14, v3;
	v33 =	vsel vm8, v11, v60  }
0x27d: {  	v48 =	vld [tilespmem:s15+$0x4980];
	v9 =	vsel vm8, v60, v11;
	vm10 =	vgt.f32 v34, v10;
	v45 =	vsel vm4, v6, v43  }
0x27e: {  	v46 =	vsel vm15, v13, v31;
	v13 =	vsel vm15, v31, v13;
	v6 =	vsel vm4, v43, v6  }
0x27f: {  	v3 =	vsel vm6, v14, v3;
	v4 =	vsel vm6, v7, v4;
	v36 =	vsel vm9, v9, v15  }
0x280: {  	v9 =	vsel vm9, v15, v9;
	v37 =	vsel vm10, v34, v10;
	v10 =	vsel vm10, v10, v34  }
0x281: {  	vm5 =	vgt.f32 v45, v12;
	v14 =	vsel vm4, v13, v33;
	v7 =	vsel vm4, v33, v13  }
0x282: {  	v62 =	vld [tilespmem:s15+$0x4A00];
	vm9 =	vgt.f32 v48, v5;
	v38 =	vsel vm10, v9, v24;
	v9 =	vsel vm10, v24, v9  }
0x283: {  	vm11 =	vgt.f32 v10, v25;
	v47 =	vsel vm5, v12, v45;
	v12 =	vsel vm5, v45, v12  }
0x284: {  	v49 =	vsel vm5, v7, v36;
	v7 =	vsel vm5, v36, v7;
	v55 =	vsel vm9, v5, v48  }
0x285: {  	v5 =	vsel vm9, v48, v5;
	v57 =	vsel vm9, $0x33, v44;
	v39 =	vsel vm11, v10, v25  }
0x286: {  	v40 =	vsel vm11, v9, v26;
	v10 =	vsel vm11, v25, v10;
	v9 =	vsel vm11, v26, v9  }
0x287: {  	vm6 =	vgt.f32 v47, v37;
	vm11 =	vgt.f32 v55, v8;
	vm5 =	vgt.f32 v62, v5  }
0x288: {  	vm12 =	vgt.f32 v10, v27;
	v50 =	vsel vm6, v37, v47;
	v51 =	vsel vm6, v7, v38  }
0x289: {  	v7 =	vsel vm6, v38, v7;
	v56 =	vsel vm11, v8, v55;
	v8 =	vsel vm11, v55, v8  }
0x28a: {  	v28 =	vsel vm5, v5, v62;
	v5 =	vsel vm5, v62, v5;
	v30 =	vsel vm5, $0x34, v57  }
0x28b: {  	v16 =	vsel vm12, v10, v27;
	v10 =	vsel vm12, v27, v10;
	v42 =	vsel vm12, v9, v21  }
0x28c: {  	v9 =	vsel vm12, v21, v9;
	vm7 =	vgt.f32 v50, v39;
	vm12 =	vgt.f32 v56, v6  }
0x28d: {  	vm14 =	vgt.f32 v10, v3;
	v52 =	vsel vm7, v39, v50;
	v19 =	vsel vm7, v50, v39  }
0x28e: {  	v53 =	vsel vm7, v7, v40;
	v7 =	vsel vm7, v40, v7;
	v58 =	vsel vm12, v6, v56  }
0x28f: {  	v6 =	vsel vm12, v56, v6;
	vm7 =	vgt.f32 v28, v8;
	v3 =	vsel vm14, v10, v3  }
0x290: {  	v4 =	vsel vm14, v9, v4;
	v10 =	vsel vm6, v47, v37;
	vm8 =	vgt.f32 v52, v16  }
0x291: {  	v9 =	vnsel vm9, $0x33, v44;
	vm13 =	vgt.f32 v58, v12;
	v29 =	vsel vm7, v8, v28  }
0x292: {  	v8 =	vsel vm7, v28, v8;
	v54 =	vsel vm8, v52, v16;
	v23 =	vsel vm8, v7, v42  }
0x293: {  	v11 =	vsel vm8, v16, v52;
	v7 =	vsel vm8, v42, v7;
	v59 =	vsel vm11, v9, v46  }
0x294: {  	v9 =	vsel vm11, v46, v9;
	v61 =	vsel vm13, v12, v58;
	v12 =	vsel vm13, v58, v12  }
0x295: {  	v35 =	vld [tilespmem:s15+$0x4A80];
	vm8 =	vgt.f32 v29, v6;
	vm10 =	vgt.f32 v11, v3;
	v60 =	vsel vm12, v9, v14  }
0x296: {  	v9 =	vsel vm12, v14, v9;
	vm14 =	vgt.f32 v61, v10;
	v32 =	vsel vm8, v6, v29  }
0x297: {  	v6 =	vsel vm8, v29, v6;
	v3 =	vsel vm10, v11, v3;
	v4 =	vsel vm10, v7, v4  }
0x298: {  	v14 =	vsel vm13, v9, v49;
	v9 =	vsel vm13, v49, v9;
	v63 =	vsel vm14, v10, v61  }
0x299: {  	v10 =	vsel vm14, v61, v10;
	v11 =	vnsel vm5, $0x34, v57;
	vm9 =	vgt.f32 v32, v12  }
0x29a: {  	vm13 =	vgt.f32 v35, v5;
	v24 =	vsel vm14, v9, v51;
	vm15 =	vgt.f32 v63, v19  }
0x29b: {  	v9 =	vsel vm14, v51, v9;
	v31 =	vsel vm7, v11, v59;
	v11 =	vsel vm7, v59, v11  }
0x29c: {  	v34 =	vsel vm9, v12, v32;
	v12 =	vsel vm9, v32, v12;
	v41 =	vsel vm13, v5, v35  }
0x29d: {  	v5 =	vsel vm13, v35, v5;
	v44 =	vsel vm13, $0x35, v30;
	v13 =	vnsel vm13, $0x35, v30  }
0x29e: {  	v48 =	vld [tilespmem:s15+$0x4B00];
	v25 =	vsel vm15, v63, v19;
	v18 =	vsel vm15, v19, v63;
	v26 =	vsel vm15, v9, v53  }
0x29f: {  	v9 =	vsel vm15, v53, v9;
	v33 =	vsel vm8, v11, v60;
	v7 =	vsel vm8, v60, v11  }
0x2a0: {  	vm10 =	vgt.f32 v34, v10;
	vm15 =	vgt.f32 v41, v8;
	vm4 =	vgt.f32 v18, v54  }
0x2a1: {  	v36 =	vsel vm9, v7, v14;
	v7 =	vsel vm9, v14, v7;
	v37 =	vsel vm10, v34, v10  }
0x2a2: {  	v10 =	vsel vm10, v10, v34;
	v43 =	vsel vm15, v8, v41;
	v8 =	vsel vm15, v41, v8  }
0x2a3: {  	v46 =	vsel vm15, v13, v31;
	v13 =	vsel vm15, v31, v13;
	vm9 =	vgt.f32 v48, v5  }
0x2a4: {  	v27 =	vsel vm4, v18, v54;
	v18 =	vsel vm4, v54, v18;
	v21 =	vsel vm4, v9, v23  }
0x2a5: {  	v9 =	vsel vm4, v23, v9;
	v38 =	vsel vm10, v7, v24;
	v7 =	vsel vm10, v24, v7  }
0x2a6: {  	vm11 =	vgt.f32 v10, v25;
	vm4 =	vgt.f32 v43, v6;
	v55 =	vsel vm9, v5, v48  }
0x2a7: {  	v5 =	vsel vm9, v48, v5;
	v57 =	vsel vm9, $0x36, v44;
	vm6 =	vgt.f32 v18, v3  }
0x2a8: {  	v39 =	vsel vm11, v10, v25;
	v40 =	vsel vm11, v7, v26;
	v10 =	vsel vm11, v25, v10  }
0x2a9: {  	v7 =	vsel vm11, v26, v7;
	v45 =	vsel vm4, v6, v43;
	v6 =	vsel vm4, v43, v6  }
0x2aa: {  	vm11 =	vgt.f32 v55, v8;
	v3 =	vsel vm6, v18, v3;
	v4 =	vsel vm6, v9, v4  }
0x2ab: {  	v62 =	vld [tilespmem:s15+$0x4B80];
	vm12 =	vgt.f32 v10, v27;
	vm5 =	vgt.f32 v45, v12;
	v18 =	vsel vm4, v13, v33  }
0x2ac: {  	v9 =	vsel vm4, v33, v13;
	v56 =	vsel vm11, v8, v55;
	v8 =	vsel vm11, v55, v8  }
0x2ad: {  	v15 =	vsel vm12, v10, v27;
	v10 =	vsel vm12, v27, v10;
	v42 =	vsel vm12, v7, v21  }
0x2ae: {  	v7 =	vsel vm12, v21, v7;
	v47 =	vsel vm5, v12, v45;
	v12 =	vsel vm5, v45, v12  }
0x2af: {  	v49 =	vsel vm5, v9, v36;
	v9 =	vsel vm5, v36, v9;
	vm12 =	vgt.f32 v56, v6  }
0x2b0: {  	vm5 =	vgt.f32 v62, v5;
	vm14 =	vgt.f32 v10, v3;
	vm6 =	vgt.f32 v47, v37  }
0x2b1: {  	v58 =	vsel vm12, v6, v56;
	v6 =	vsel vm12, v56, v6;
	v28 =	vsel vm5, v5, v62  }
0x2b2: {  	v5 =	vsel vm5, v62, v5;
	v30 =	vsel vm5, $0x37, v57;
	v3 =	vsel vm14, v10, v3  }
0x2b3: {  	v4 =	vsel vm14, v7, v4;
	v50 =	vsel vm6, v37, v47;
	v10 =	vsel vm6, v47, v37  }
0x2b4: {  	v51 =	vsel vm6, v9, v38;
	v9 =	vsel vm6, v38, v9;
	v7 =	vnsel vm9, $0x36, v44  }
0x2b5: {  	vm13 =	vgt.f32 v58, v12;
	vm7 =	vgt.f32 v50, v39;
	v59 =	vsel vm11, v7, v46  }
0x2b6: {  	v7 =	vsel vm11, v46, v7;
	v61 =	vsel vm13, v12, v58;
	v12 =	vsel vm13, v58, v12  }
0x2b7: {  	v35 =	vld [tilespmem:s15+$0x5400];
	v52 =	vsel vm7, v39, v50;
	v17 =	vsel vm7, v50, v39;
	v53 =	vsel vm7, v9, v40  }
0x2b8: {  	v9 =	vsel vm7, v40, v9;
	v60 =	vsel vm12, v7, v18;
	v7 =	vsel vm12, v18, v7  }
0x2b9: {  	vm14 =	vgt.f32 v61, v10;
	vm7 =	vgt.f32 v28, v8;
	vm8 =	vgt.f32 v52, v15  }
0x2ba: {  	v18 =	vsel vm13, v7, v49;
	v7 =	vsel vm13, v49, v7;
	v63 =	vsel vm14, v10, v61  }
0x2bb: {  	v10 =	vsel vm14, v61, v10;
	v29 =	vsel vm7, v8, v28;
	v8 =	vsel vm7, v28, v8  }
0x2bc: {  	vm13 =	vgt.f32 v35, v5;
	v54 =	vsel vm8, v52, v15;
	v23 =	vsel vm8, v9, v42  }
0x2bd: {  	v11 =	vsel vm8, v15, v52;
	v9 =	vsel vm8, v42, v9;
	v24 =	vsel vm14, v7, v51  }
0x2be: {  	vm15 =	vgt.f32 v63, v17;
	v7 =	vsel vm14, v51, v7;
	vm8 =	vgt.f32 v29, v6  }
0x2bf: {  	v41 =	vsel vm13, v5, v35;
	v5 =	vsel vm13, v35, v5;
	v44 =	vsel vm13, $0x38, v30  }
0x2c0: {  	v13 =	vnsel vm13, $0x38, v30;
	vm10 =	vgt.f32 v11, v3;
	v25 =	vsel vm15, v63, v17  }
0x2c1: {  	v16 =	vsel vm15, v17, v63;
	v26 =	vsel vm15, v7, v53;
	v7 =	vsel vm15, v53, v7  }
0x2c2: {  	v32 =	vsel vm8, v6, v29;
	v6 =	vsel vm8, v29, v6;
	vm15 =	vgt.f32 v41, v8  }
0x2c3: {  	v3 =	vsel vm10, v11, v3;
	v4 =	vsel vm10, v9, v4;
	vm4 =	vgt.f32 v16, v54  }
0x2c4: {  	v11 =	vnsel vm5, $0x37, v57;
	vm9 =	vgt.f32 v32, v12;
	v43 =	vsel vm15, v8, v41  }
0x2c5: {  	v8 =	vsel vm15, v41, v8;
	v27 =	vsel vm4, v16, v54;
	v16 =	vsel vm4, v54, v16  }
0x2c6: {  	v21 =	vsel vm4, v7, v23;
	v7 =	vsel vm4, v23, v7;
	v31 =	vsel vm7, v11, v59  }
0x2c7: {  	v11 =	vsel vm7, v59, v11;
	v34 =	vsel vm9, v12, v32;
	v12 =	vsel vm9, v32, v12  }
0x2c8: {  	vm4 =	vgt.f32 v43, v6;
	vm6 =	vgt.f32 v16, v3;
	v33 =	vsel vm8, v11, v60  }
0x2c9: {  	v48 =	vld [tilespmem:s15+$0x5480];
	v9 =	vsel vm8, v60, v11;
	vm10 =	vgt.f32 v34, v10;
	v45 =	vsel vm4, v6, v43  }
0x2ca: {  	v46 =	vsel vm15, v13, v31;
	v13 =	vsel vm15, v31, v13;
	v6 =	vsel vm4, v43, v6  }
0x2cb: {  	v3 =	vsel vm6, v16, v3;
	v4 =	vsel vm6, v7, v4;
	v36 =	vsel vm9, v9, v18  }
0x2cc: {  	v9 =	vsel vm9, v18, v9;
	v37 =	vsel vm10, v34, v10;
	v10 =	vsel vm10, v10, v34  }
0x2cd: {  	vm5 =	vgt.f32 v45, v12;
	v16 =	vsel vm4, v13, v33;
	v7 =	vsel vm4, v33, v13  }
0x2ce: {  	v62 =	vld [tilespmem:s15+$0x5500];
	vm9 =	vgt.f32 v48, v5;
	v38 =	vsel vm10, v9, v24;
	v9 =	vsel vm10, v24, v9  }
0x2cf: {  	vm11 =	vgt.f32 v10, v25;
	v47 =	vsel vm5, v12, v45;
	v12 =	vsel vm5, v45, v12  }
0x2d0: {  	v49 =	vsel vm5, v7, v36;
	v7 =	vsel vm5, v36, v7;
	v55 =	vsel vm9, v5, v48  }
0x2d1: {  	v5 =	vsel vm9, v48, v5;
	v57 =	vsel vm9, $0x39, v44;
	v39 =	vsel vm11, v10, v25  }
0x2d2: {  	v40 =	vsel vm11, v9, v26;
	v10 =	vsel vm11, v25, v10;
	v9 =	vsel vm11, v26, v9  }
0x2d3: {  	vm6 =	vgt.f32 v47, v37;
	vm11 =	vgt.f32 v55, v8;
	vm5 =	vgt.f32 v62, v5  }
0x2d4: {  	vm12 =	vgt.f32 v10, v27;
	v50 =	vsel vm6, v37, v47;
	v51 =	vsel vm6, v7, v38  }
0x2d5: {  	v7 =	vsel vm6, v38, v7;
	v56 =	vsel vm11, v8, v55;
	v8 =	vsel vm11, v55, v8  }
0x2d6: {  	v28 =	vsel vm5, v5, v62;
	v5 =	vsel vm5, v62, v5;
	v30 =	vsel vm5, $0x3A, v57  }
0x2d7: {  	v14 =	vsel vm12, v10, v27;
	v10 =	vsel vm12, v27, v10;
	v42 =	vsel vm12, v9, v21  }
0x2d8: {  	v9 =	vsel vm12, v21, v9;
	vm7 =	vgt.f32 v50, v39;
	vm12 =	vgt.f32 v56, v6  }
0x2d9: {  	vm14 =	vgt.f32 v10, v3;
	v52 =	vsel vm7, v39, v50;
	v19 =	vsel vm7, v50, v39  }
0x2da: {  	v53 =	vsel vm7, v7, v40;
	v7 =	vsel vm7, v40, v7;
	v58 =	vsel vm12, v6, v56  }
0x2db: {  	v6 =	vsel vm12, v56, v6;
	vm7 =	vgt.f32 v28, v8;
	v3 =	vsel vm14, v10, v3  }
0x2dc: {  	v4 =	vsel vm14, v9, v4;
	v10 =	vsel vm6, v47, v37;
	vm8 =	vgt.f32 v52, v14  }
0x2dd: {  	v9 =	vnsel vm9, $0x39, v44;
	vm13 =	vgt.f32 v58, v12;
	v29 =	vsel vm7, v8, v28  }
0x2de: {  	v8 =	vsel vm7, v28, v8;
	v54 =	vsel vm8, v52, v14;
	v23 =	vsel vm8, v7, v42  }
0x2df: {  	v11 =	vsel vm8, v14, v52;
	v7 =	vsel vm8, v42, v7;
	v59 =	vsel vm11, v9, v46  }
0x2e0: {  	v9 =	vsel vm11, v46, v9;
	v61 =	vsel vm13, v12, v58;
	v12 =	vsel vm13, v58, v12  }
0x2e1: {  	v35 =	vld [tilespmem:s15+$0x5580];
	vm8 =	vgt.f32 v29, v6;
	vm10 =	vgt.f32 v11, v3;
	v60 =	vsel vm12, v9, v16  }
0x2e2: {  	v9 =	vsel vm12, v16, v9;
	vm14 =	vgt.f32 v61, v10;
	v32 =	vsel vm8, v6, v29  }
0x2e3: {  	v6 =	vsel vm8, v29, v6;
	v3 =	vsel vm10, v11, v3;
	v4 =	vsel vm10, v7, v4  }
0x2e4: {  	v16 =	vsel vm13, v9, v49;
	v9 =	vsel vm13, v49, v9;
	v63 =	vsel vm14, v10, v61  }
0x2e5: {  	v10 =	vsel vm14, v61, v10;
	v11 =	vnsel vm5, $0x3A, v57;
	vm9 =	vgt.f32 v32, v12  }
0x2e6: {  	vm13 =	vgt.f32 v35, v5;
	v61 =	vimm.s32 $0x0;
	v24 =	vsel vm14, v9, v51  }
0x2e7: {  	vm15 =	vgt.f32 v63, v19;
	v9 =	vsel vm14, v51, v9;
	v31 =	vsel vm7, v11, v59  }
0x2e8: {  	v11 =	vsel vm7, v59, v11;
	v34 =	vsel vm9, v12, v32;
	v12 =	vsel vm9, v32, v12  }
0x2e9: {  	v41 =	vsel vm13, v5, v35;
	v5 =	vsel vm13, v35, v5;
	v44 =	vsel vm13, $0x3B, v30  }
0x2ea: {  	v13 =	vnsel vm13, $0x3B, v30;
	v30 =	vimm.s32 $0x0;
	v25 =	vsel vm15, v63, v19  }
0x2eb: {  	v15 =	vsel vm15, v19, v63;
	v26 =	vsel vm15, v9, v53;
	v9 =	vsel vm15, v53, v9  }
0x2ec: {  	v33 =	vsel vm8, v11, v60;
	v7 =	vsel vm8, v60, v11;
	vm10 =	vgt.f32 v34, v10  }
0x2ed: {  	vm15 =	vgt.f32 v41, v8;
	vm4 =	vgt.f32 v15, v54;
	v36 =	vsel vm9, v7, v16  }
0x2ee: {  	v7 =	vsel vm9, v16, v7;
	v37 =	vsel vm10, v34, v10;
	v10 =	vsel vm10, v10, v34  }
0x2ef: {  	v43 =	vsel vm15, v8, v41;
	v8 =	vsel vm15, v41, v8;
	v46 =	vsel vm15, v13, v31  }
0x2f0: {  	v13 =	vsel vm15, v31, v13;
	v31 =	vimm.s32 $0x0;
	v41 =	vimm.s32 $0x0  }
0x2f1: {  	v49 =	vld [tilespmem:s15+$0x5600];
	v27 =	vsel vm4, v15, v54;
	v15 =	vsel vm4, v54, v15;
	v21 =	vsel vm4, v9, v23  }
0x2f2: {  	v9 =	vsel vm4, v23, v9;
	v38 =	vsel vm10, v7, v24;
	v7 =	vsel vm10, v24, v7  }
0x2f3: {  	vm11 =	vgt.f32 v10, v25;
	vm4 =	vgt.f32 v43, v6;
	v24 =	vimm.s32 $0x0  }
0x2f4: {  	vm6 =	vgt.f32 v15, v3;
	v39 =	vsel vm11, v10, v25;
	v40 =	vsel vm11, v7, v26  }
0x2f5: {  	v10 =	vsel vm11, v25, v10;
	v7 =	vsel vm11, v26, v7;
	v45 =	vsel vm4, v6, v43  }
0x2f6: {  	v6 =	vsel vm4, v43, v6;
	vm10 =	vgt.f32 v49, v5;
	v3 =	vsel vm6, v15, v3  }
0x2f7: {  	v4 =	vsel vm6, v9, v4;
	vm12 =	vgt.f32 v10, v27;
	vm5 =	vgt.f32 v45, v12  }
0x2f8: {  	v15 =	vsel vm4, v13, v33;
	v9 =	vsel vm4, v33, v13;
	v53 =	vsel vm10, v5, v49  }
0x2f9: {  	v5 =	vsel vm10, v49, v5;
	v20 =	vsel vm10, $0x3C, v44;
	v33 =	vimm.s32 $0x0  }
0x2fa: {  	v18 =	vsel vm12, v10, v27;
	v10 =	vsel vm12, v27, v10;
	v42 =	vsel vm12, v7, v21  }
0x2fb: {  	v7 =	vsel vm12, v21, v7;
	v47 =	vsel vm5, v12, v45;
	v12 =	vsel vm5, v45, v12  }
0x2fc: {  	v54 =	vld [tilespmem:s15+$0x5680];
	v13 =	vsel vm5, v9, v36;
	v9 =	vsel vm5, v36, v9;
	vm11 =	vgt.f32 v53, v8  }
0x2fd: {  	v27 =	vimm.s32 $0x0;
	v36 =	vimm.s32 $0x0;
	vm14 =	vgt.f32 v10, v3  }
0x2fe: {  	vm6 =	vgt.f32 v47, v37;
	v55 =	vsel vm11, v8, v53;
	v8 =	vsel vm11, v53, v8  }
0x2ff: {  	v3 =	vsel vm14, v10, v3;
	v4 =	vsel vm14, v7, v4;
	v48 =	vsel vm6, v37, v47  }
0x300: {  	v10 =	vsel vm6, v47, v37;
	v50 =	vsel vm6, v9, v38;
	v9 =	vsel vm6, v38, v9  }
0x301: {  	v26 =	vld [tilespmem:s15+$0x5700];
	v7 =	vnsel vm10, $0x3C, v44;
	vm12 =	vgt.f32 v55, v6;
	vm14 =	vgt.f32 v54, v5  }
0x302: {  	v38 =	vimm.s32 $0x0;
	vm7 =	vgt.f32 v48, v39;
	v56 =	vsel vm12, v55, v6  }
0x303: {  	v6 =	vsel vm12, v6, v55;
	v58 =	vsel vm14, v5, v54;
	v24 =	vsel vm14, $0xFFFFFFFF, v24  }
0x304: {  	v5 =	vsel vm14, v54, v5;
	v54 =	vimm.s32 $0x0;
	v51 =	vsel vm7, v39, v48  }
0x305: {  	v14 =	vsel vm7, v48, v39;
	v17 =	vsel vm7, v9, v40;
	v9 =	vsel vm7, v40, v9  }
0x306: {  	vm13 =	vgt.f32 v6, v12;
	vm4 =	vgt.f32 v58, v8;
	vm1 =	vgt.f32 v26, v5  }
0x307: {  	vm8 =	vgt.f32 v51, v18;
	v57 =	vsel vm13, v6, v12;
	v6 =	vsel vm13, v12, v6  }
0x308: {  	[tilespmem:$0x1FF40] =	vst v24;
	v60 =	vsel vm4, v8, v58;
	v24 =	vsel vm4, $0xFFFFFFFF, v61;
	v8 =	vsel vm4, v58, v8  }
0x309: {  	v35 =	vsel vm1, v5, v26;
	v19 =	vsel vm1, $0xFFFFFFFF, v36;
	v5 =	vsel vm1, v26, v5  }
0x30a: {  	v52 =	vsel vm8, v51, v18;
	v11 =	vsel vm8, v18, v51;
	v18 =	vsel vm8, v9, v42  }
0x30b: {  	v9 =	vsel vm8, v42, v9;
	vm15 =	vgt.f32 v6, v10;
	vm6 =	vgt.f32 v60, v56  }
0x30c: {  	vm9 =	vgt.f32 v11, v3;
	v59 =	vsel vm15, v10, v6;
	v6 =	vsel vm15, v6, v10  }
0x30d: {  	v39 =	vld [tilespmem:s15+$0x5780];
	v62 =	vsel vm6, v56, v60;
	v27 =	vsel vm6, $0xFFFFFFFF, v27;
	v10 =	vsel vm6, v60, v56  }
0x30e: {  	v3 =	vsel vm9, v11, v3;
	v4 =	vsel vm9, v9, v4;
	v11 =	vsel vm11, v7, v46  }
0x30f: {  	v7 =	vsel vm11, v46, v7;
	vm9 =	vgt.f32 v59, v14;
	vm7 =	vgt.f32 v62, v57  }
0x310: {  	v21 =	vsel vm12, v7, v15;
	v7 =	vsel vm12, v15, v7;
	v25 =	vsel vm9, v14, v59  }
0x311: {  	[tilespmem:$0x1FF70] =	vst v27;
	v27 =	vsel vm7, $0xFFFFFFFF, v30;
	v32 =	vsel vm7, v57, v62;
	v15 =	vsel vm7, v62, v57  }
0x312: {  	vm7 =	vgt.f32 v39, v5;
	v30 =	vmov s13;
	v12 =	vsel vm13, v7, v13  }
0x313: {  	v7 =	vsel vm13, v13, v7;
	vm11 =	vgt.f32 v25, v52;
	v13 =	vsel vm9, v59, v14  }
0x314: {  	vm10 =	vgt.f32 v32, v6;
	v44 =	vsel vm7, v5, v39;
	v5 =	vsel vm7, v39, v5  }
0x315: {  	[tilespmem:$0x1FF50] =	vst v24;
	v24 =	vsel vm15, v7, v50;
	v7 =	vsel vm15, v50, v7;
	v63 =	vsel vm11, v52, v25  }
0x316: {  	v22 =	vsel vm11, v25, v52;
	v9 =	vsel vm10, $0xFFFFFFFF, v33;
	v34 =	vsel vm10, v6, v32  }
0x317: {  	vm15 =	vgt.f32 v35, v8;
	v6 =	vsel vm10, v32, v6;
	v50 =	vimm.s32 $0x0  }
0x318: {  	v52 =	vimm.s32 $0x0;
	vm8 =	vgt.f32 v63, v3;
	vm12 =	vgt.f32 v34, v13  }
0x319: {  	[tilespmem:$0x1FFA0] =	vst v19;
	v19 =	vsel vm15, $0xFFFFFFFF, v38;
	v23 =	vsel vm15, v8, v35;
	v8 =	vsel vm15, v35, v8  }
0x31a: {  	v53 =	vsel vm9, v7, v17;
	v7 =	vsel vm9, v17, v7;
	v25 =	vsel vm8, $0xFFFFFFFF, v31  }
0x31b: {  	[tilespmem:$0x1FF90] =	vst v9;
	v3 =	vsel vm8, v63, v3;
	v37 =	vsel vm12, v13, v34;
	v9 =	vsel vm12, v34, v13  }
0x31c: {  	vm6 =	vgt.f32 v23, v10;
	vm15 =	vgt.f32 v44, v8;
	v55 =	vsel vm11, v7, v18  }
0x31d: {  	vm5 =	vgt.f32 v37, v22;
	v42 =	vsel vm6, v10, v23;
	v10 =	vsel vm6, v23, v10  }
0x31e: {  	v46 =	vsel vm15, v44, v8;
	v8 =	vsel vm15, v8, v44;
	v40 =	vsel vm5, v22, v37  }
0x31f: {  	v16 =	vsel vm5, v37, v22;
	vm4 =	vgt.f32 v42, v15;
	v47 =	vadd.f32 v46, v5  }
0x320: {  	vm13 =	vgt.f32 v8, v10;
	vm10 =	vgt.f32 v40, v3;
	v43 =	vsel vm4, v15, v42  }
0x321: {  	v15 =	vsel vm4, v42, v15;
	v14 =	vsel vm13, v8, v10;
	vm3 =	vgt.f32 v43, v6  }
0x322: {  	v8 =	vsel vm13, v10, v8;
	v45 =	vsel vm3, v43, v6;
	v6 =	vsel vm3, v6, v43  }
0x323: {  	v22 =	vsel vm10, $0xFFFFFFFF, v41;
	v3 =	vsel vm10, v40, v3;
	vm2 =	vgt.f32 v6, v9  }
0x324: {  	v13 =	vadd.f32 v14, v47;
	vm14 =	vgt.f32 v8, v15;
	v48 =	vsel vm2, v6, v9  }
0x325: {  	v6 =	vsel vm2, v9, v6;
	v9 =	vsel vm14, v8, v15;
	v8 =	vsel vm14, v15, v8  }
0x326: {  	v13 =	vadd.f32 v9, v13;
	vm1 =	vgt.f32 v6, v16;
	vm10 =	vgt.f32 v8, v45  }
0x327: {  	v57 =	vld [tilespmem:$0x1FF50];
	[tilespmem:$0x1FF60] =	vst v25;
	v49 =	vsel vm1, v6, v16;
	v23 =	vsel vm10, v8, v45;
	v8 =	vsel vm10, v45, v8  }
0x328: {  	v58 =	vld [tilespmem:$0x1FF60];
	v6 =	vsel vm1, v16, v6;
	v13 =	vadd.f32 v23, v13;
	vm8 =	vgt.f32 v8, v48  }
0x329: {  	v56 =	vld [tilespmem:$0x1FF40];
	[tilespmem:$0x1FF80] =	vst v27;
	vm0 =	vgt.f32 v6, v3;
	v16 =	vsel vm8, v8, v48;
	v8 =	vsel vm8, v48, v8  }
0x32a: {  	v61 =	vld [tilespmem:$0x1FF80];
	v10 =	vsel vm0, $0xFFFFFFFF, v50;
	v3 =	vsel vm0, v6, v3;
	vm0 =	vgt.f32 v8, v49  }
0x32b: {  	v60 =	vld [tilespmem:$0x1FF70];
	v7 =	vsel vm11, v18, v7;
	[tilespmem:$0x1FFD0] =	vst v10;
	v51 =	vadd.f32 v16, v13;
	v10 =	vsel vm0, $0xFFFFFFFF, v52  }
0x32c: {  	v62 =	vld [tilespmem:$0x1FF90];
	vm11 =	vnez.u8 v57;
	[tilespmem:$0x1FFE0] =	vst v10;
	v10 =	vsel vm0, v8, v49;
	v8 =	vsel vm0, v49, v8  }
0x32d: {  	[tilespmem:$0x1FFB0] =	vst v22;
	vm9 =	vnez.u8 v58;
	v6 =	vadd.f32 v10, v51;
	vm0 =	vgt.f32 v8, v3  }
0x32e: {  	v26 =	vld [tilespmem:$0x1FFB0];
	v15 =	vsel vm0, $0xFFFFFFFF, v54;
	v3 =	vsel vm0, v8, v3;
	vm0 =	vnez.u8 v56  }
0x32f: {  	v4 =	vsel vm9, v7, v4;
	vm9 =	vnez.u8 v61;
	v8 =	vnsel vm0, $0x3D, v20  }
0x330: {  	[tilespmem:$0x1FFC0] =	vst v19;
	v25 =	vld [tilespmem:$0x1FFA0];
	v6 =	vadd.f32 v3, v6;
	v59 =	vsel vm0, $0x3D, v20;
	vm0 =	vnez.u8 v60  }
0x331: {  	v27 =	vld [tilespmem:$0x1FFC0];
	v17 =	vsel vm11, v11, v8;
	v8 =	vsel vm11, v8, v11;
	vm11 =	vnez.u8 v62  }
0x332: {  	v41 =	vld [tilespmem:$0x1FFD0];
	v18 =	vsel vm0, v21, v17;
	v6 =	vadd.f32 $9.999999970e-07, v6;
	v17 =	vsel vm0, v17, v21  }
0x333: {  	v11 =	vsel vm9, v12, v18;
	v12 =	vsel vm9, v18, v12;
	vm9 =	vnez.u8 v26  }
0x334: {  	v18 =	vsel vm11, v24, v11;
	v11 =	vsel vm11, v11, v24;
	(erf) = vrcp.f32 v6  }
0x335: {  	v63 =	vsel vm12, v53, v18;
	v13 =	vsel vm12, v18, v53;
	vm12 =	vnez.u8 v25  }
0x336: {  	vm11 =	vnez.u8 v27;
	v24 =	vsel vm5, v55, v63;
	v20 =	vnsel vm12, $0x3E, v59  }
0x337: {  	v6 =	vsel vm5, v63, v55;
	v7 =	vsel vm12, $0x3E, v59;
	vm12 =	vnez.u8 v41  }
0x338: {  	[tilespmem:$0x1FFF0] =	vst v15;
	v4 =	vsel vm9, v24, v4;
	v15 =	vsel vm11, v8, v20;
	v8 =	vsel vm11, v20, v8  }
0x339: {  	v20 =	vshll.u32 v30, $0x7;
	v32 =	vsel vm7, $0x3F, v7;
	v7 =	vnsel vm7, $0x3F, v7  }
0x33a: {  	v28 =	vsel vm6, v17, v15;
	v15 =	vsel vm6, v15, v17;
	v20 =	vor.u32 v2, v20  }
0x33b: {  	v36 =	vsel vm15, v7, v8;
	v7 =	vsel vm15, v8, v7;
	v29 =	vsel vm4, v12, v28  }
0x33c: {  	v12 =	vsel vm4, v28, v12;
	v34 =	vor.u32 v20, v32;
	v38 =	vor.u32 v20, v36  }
0x33d: {  	v39 =	vsel vm13, v7, v15;
	v40 =	vor.u32 $0x1, v20;
	v42 =	vsel vm13, v15, v7  }
0x33e: {  	v31 =	vsel vm3, v29, v11;
	v11 =	vsel vm3, v11, v29;
	v43 =	vor.u32 v20, v39;
	v37 =	vpop (erf)  }
0x33f: {  	v44 =	vsel vm14, v42, v12;
	v33 =	vsel vm2, v13, v11;
	v5 =	vmul.f32 v37, v5  }
0x340: {  	v11 =	vsel vm2, v11, v13;
	v47 =	vor.u32 v20, v44;
	v35 =	vsel vm1, v33, v6  }
0x341: {  	v54 =	vld [tilespmem:$0x1FFE0];
	v6 =	vsel vm1, v6, v33;
	v45 =	vmul.f32 v37, v46;
	v46 =	vor.u32 $0x2, v20;
	[tilespmem:v34+s10+$0x0] =	vst.idx.msk $0xffff, v5  }
0x342: {  	v4 =	vsel vm12, v6, v4;
	v6 =	vsel vm14, v12, v42;
	[tilespmem:v20+s11+$0x0] =	vst.idx.msk $0xffff, v32  }
0x343: {  	v58 =	vld [tilespmem:$0x1FFF0];
	v49 =	vor.u32 $0x3, v20;
	v48 =	vsel vm10, v6, v31;
	v14 =	vmul.f32 v37, v14;
	[tilespmem:v38+s10+$0x0] =	vst.idx.msk $0xffff, v45  }
0x344: {  	v6 =	vsel vm10, v31, v6;
	v50 =	vor.u32 v20, v48;
	[tilespmem:v40+s11+$0x0] =	vst.idx.msk $0xffff, v36  }
0x345: {  	v52 =	vor.u32 $0x4, v20;
	v9 =	vmul.f32 v37, v9;
	v51 =	vsel vm8, v6, v11;
	[tilespmem:v43+s10+$0x0] =	vst.idx.msk $0xffff, v14  }
0x346: {  	vm14 =	vnez.u8 v54;
	v6 =	vsel vm8, v11, v6;
	v53 =	vor.u32 v20, v51;
	[tilespmem:v46+s11+$0x0] =	vst.idx.msk $0xffff, v39  }
0x347: {  	v56 =	vor.u32 $0x5, v20;
	v55 =	vmul.f32 v37, v23;
	v19 =	vsel vm14, v6, v35;
	[tilespmem:v47+s10+$0x0] =	vst.idx.msk $0xffff, v9  }
0x348: {  	vm15 =	vnez.u8 v58;
	v6 =	vsel vm14, v35, v6;
	v57 =	vor.u32 v20, v19;
	[tilespmem:v49+s11+$0x0] =	vst.idx.msk $0xffff, v44  }
0x349: {  	v60 =	vor.u32 $0x6, v20;
	v59 =	vmul.f32 v37, v16;
	v4 =	vsel vm15, v6, v4;
	[tilespmem:v50+s10+$0x0] =	vst.idx.msk $0xffff, v55  }
0x34a: {  	v61 =	vor.u32 v20, v4;
	[tilespmem:v52+s11+$0x0] =	vst.idx.msk $0xffff, v48  }
0x34b: {  	p1 =	sne.s32 s14, $0x980;
	v63 =	vor.u32 $0x7, v20;
	v62 =	vmul.f32 v37, v10;
	[tilespmem:v53+s10+$0x0] =	vst.idx.msk $0xffff, v59  }
.Ltmp1:
0x34c: {  	[tilespmem:v56+s11+$0x0] =	vst.idx.msk $0xffff, v51;
	(pc) =	sbr.rel @p1 .LBB2_4-.Ltmp1, $4  }
0x34d: {  	v3 =	vmul.f32 v37, v3;
	[tilespmem:v57+s10+$0x0] =	vst.idx.msk $0xffff, v62  }
0x34e: {  	[tilespmem:v60+s11+$0x0] =	vst.idx.msk $0xffff, v19  }
0x34f: {  	[tilespmem:v61+s10+$0x0] =	vst.idx.msk $0xffff, v3  }
0x350: {  	s14 =	sadd.s32 $0x80, s14;
	s13 =	sadd.s32 $0x10, s13;
	[tilespmem:v63+s11+$0x0] =	vst.idx.msk $0xffff, v4  }
0x351: {  	s13 =	simm.s32 @p0 $0x0;
	s14 =	simm.s32 @p0 $0x6000  }
0x352: {  	[hbm4b:s6+s13] =	stream.linear.scatter @p0 [tilespmem:s14], [sflag:$0x2], $0x2800, $0x38;
	[tilespmem:$0x1A000] =	vst v63  }
0x353: {  	s14 =	simm.s32 @p0 $0x2  }
0x354: {  	_ =	swait.ge @p0 [sflag:s14], $0x2800  }
0x355: {  	[sflag:s14] =	ssyncset.done @p0 $0x0  }
0x356: {  	s15 =	simm.s32 @p0 $0x10000;
	[sflag:s14] =	ssyncadd.s32 @p0 $0xFFFFD800  }
0x357: {  	[hbm4b:s7+s13] =	stream.linear.scatter @p0 [tilespmem:s15], [sflag:$0x2], $0x2800, $0x38;
	[tilespmem:$0x1A000] =	vst v63  }
0x358: {  	_ =	swait.ge @p0 [sflag:s14], $0x2800  }
0x359: {  	[sflag:s14] =	ssyncset.done @p0 $0x0  }
0x35a: {  	s13 =	simm.s32 @!p0 $0x0;
	[sflag:s14] =	ssyncadd.s32 @p0 $0xFFFFD800;
	s14 =	simm.s32 @!p0 $0x6000  }
0x35b: {  	[hbm4b:s4+s13] =	stream.linear.scatter @!p0 [tilespmem:s14], [sflag:$0x2], $0xA000, $0x38;
	[tilespmem:$0x1A000] =	vst v63  }
0x35c: {  	s14 =	simm.s32 @!p0 $0x2  }
0x35d: {  	s12 =	sadd.s32 $0x1, s12;
	_ =	swait.ge @!p0 [sflag:s14], $0xA000  }
0x35e: {  	p1 =	sne.s32 s12, s8;
	[sflag:s14] =	ssyncset.done @!p0 $0x0  }
.Ltmp2:
0x35f: {  	s15 =	simm.s32 @!p0 $0x10000;
	[sflag:s14] =	ssyncadd.s32 @!p0 $0xFFFF6000;
	(pc) =	sbr.rel @p1 .LBB2_1-.Ltmp2, $4  }
0x360: {  	[hbm4b:s5+s13] =	stream.linear.scatter @!p0 [tilespmem:s15], [sflag:$0x2], $0xA000, $0x38;
	[tilespmem:$0x1A000] =	vst v63  }
0x361: {  	_ =	swait.ge @!p0 [sflag:s14], $0xA000  }
0x362: {  	[sflag:s14] =	ssyncset.done @!p0 $0x0  }
0x363: {  	[sflag:s14] =	ssyncadd.s32 @!p0 $0xFFFF6000  }
0x364: {  	_ =	sfence.sel $0x180000  }
0x365: {  	[bflag:$0x0] =	sbarrier.arrive $0xFFFF  }
0x366: {  	p0 =	sne.s32 s0, $0x0;
	_ =	strace $0x90000047  }
0x367: {  	s0 =	sadd.s32 @!p0 $0x100000, s1;
	[bflag:$0x2] =	sbarrier.arrive $0xFFFF  }
0x368: {  	[sflag:s0] =	ssyncadd.tile.s32 @!p0 $0x1;
	_ =	shalt  }
.Lfunc_end2:
_tile_overlayer_lowered:
.L_overlay_start_2:
0x369: {  	(tag) =	ssettag $0x2  }
0x36a: {  	s0 =	rddreg [dreg:$0x0];
	s2 =	stileid.u32  }
0x36b: {  	s1 =	rddreg [dreg:$0x1];
	p0 =	sne.s32 s2, $0x0  }
0x36c: {  	s3 =	rddreg [dreg:$0x2];
	[bflag:$0x3] =	sbarrier.arrive $0xFFFF;
	s2 =	simm.s32 @!p0 $0x1C02  }
0x36d: {  	[timem:s3], [sflag:s2] =	dma.local @!p0 [hbm:s0], s1  }
0x36e: {  	s0 =	simm.s32 @!p0 $0x2  }
0x36f: {  	_ =	swait.ge @!p0 [sflag:s0], s1  }
0x370: {  	s1 =	ssub.s32 @!p0 $0x0, s1;
	[sflag:s0] =	ssyncset.done @!p0 $0x0  }
0x371: {  	[sflag:s0] =	ssyncadd.s32 @!p0 s1  }
0x372: {  	[bflag:$0x3] =	sbarrier.arrive $0xFFFF  }
0x373: {  	_ =	shalt  }

</sc_bundles>
